<compile_context>
chip_gen: v7x
topology: tpu7x:2x2x1
jax: 0.10.2.dev20260603
libtpu: 0.0.44.dev20260713+nightly
codegen_flags: <defaults>
</compile_context>

<pallas_src>
import functools

import jax
import jax.numpy as jnp
from jax import lax
from jax.experimental import pallas as pl
from jax.experimental.pallas import tpu as pltpu
from jax.experimental.pallas import tpu_sc as plsc

_N = 10000
_NP = 10112
_E = 320000
_EP = 327680
_D = 128
_H = 64
_DE = 16
_NC = 2
_NS = 16
_K = 128
_NW = _NC * _NS
_CH = _EP // (_NW * _K)
_CH0 = 80
_CH1 = 2 * _CH - _CH0
_CHMAX = max(_CH0, _CH1)
_IDXROWS = _NW * _CH + _CHMAX
_RPS = _NP // _NS


def _sc_mesh():
    return plsc.VectorSubcoreMesh(core_axis_name="c", subcore_axis_name="s")


_SC_PARAMS = pltpu.CompilerParams(use_tc_tiling_on_sc=False)


def _fill_const(ref, rows, width, value):
    v = jnp.full((16,), value, jnp.float32)

    def row(r, carry):
        def col(q, carry2):
            ref[r, pl.ds(q * 16, 16)] = v
            return carry2
        return lax.fori_loop(0, width // 16, col, carry)

    lax.fori_loop(0, rows, row, None)


def _zero_shared_slice(zsrc, shared, base, rows):
    full, rem = rows // _K, rows % _K
    for i in range(full):
        pltpu.sync_copy(zsrc, shared.at[pl.ds(base + i * _K, _K)])
    if rem:
        pltpu.sync_copy(zsrc.at[pl.ds(0, rem)], shared.at[pl.ds(base + full * _K, rem)])


def _build_sc_agg(with_deg):
    out_agg = jax.ShapeDtypeStruct((_NC, _NP, _H), jnp.float32)
    out_deg = jax.ShapeDtypeStruct((_NC, _NP, 16), jnp.float32)
    out_type = (out_agg, out_deg) if with_deg else out_agg
    scratch = [
        pltpu.VMEM((_CHMAX, _K), jnp.int32),
        pltpu.VMEM((_CHMAX, _K), jnp.int32),
        pltpu.VMEM((_K, _H), jnp.float32),
        pltpu.VMEM((_K, _H), jnp.float32),
        pltpu.VMEM((_K, _H), jnp.float32),
        pltpu.VMEM_SHARED((_NP, _H), jnp.float32),
        pltpu.SemaphoreType.DMA,
        pltpu.SemaphoreType.DMA,
    ]
    if with_deg:
        scratch += [
            pltpu.VMEM((_K, 16), jnp.float32),
            pltpu.VMEM((_K, 16), jnp.float32),
            pltpu.VMEM_SHARED((_NP, 16), jnp.float32),
        ]

    @functools.partial(
        pl.kernel,
        out_type=out_type,
        mesh=_sc_mesh(),
        compiler_params=_SC_PARAMS,
        scratch_types=scratch,
    )
    def agg_kernel(h_hbm, src_hbm, dst_hbm, *rest):
        if with_deg:
            (out_hbm, deg_hbm, src_v, dst_v, buf0, buf1, zer_v, agg_sh,
             sem0, sem1, ones_v, zer16_v, deg_sh) = rest
        else:
            (out_hbm, src_v, dst_v, buf0, buf1, zer_v, agg_sh,
             sem0, sem1) = rest
        c = lax.axis_index("c")
        s = lax.axis_index("s")
        rb = jnp.where(c == 0, s * _CH0, _NS * _CH0 + s * _CH1)
        nch = jnp.where(c == 0, _CH0, _CH1)
        trips = jnp.where(c == 0, _CH0 // 2, _CH1 // 2)
        _fill_const(zer_v, _K, _H, 0.0)
        base = s * _RPS
        _zero_shared_slice(zer_v, agg_sh, base, _RPS)
        if with_deg:
            _fill_const(ones_v, _K, 16, 1.0)
            _fill_const(zer16_v, _K, 16, 0.0)
            _zero_shared_slice(zer16_v, deg_sh, base, _RPS)
        plsc.subcore_barrier()

        pltpu.sync_copy(src_hbm.at[pl.ds(rb, _CHMAX)], src_v)
        pltpu.sync_copy(dst_hbm.at[pl.ds(rb, _CHMAX)], dst_v)

        def gstart(j, buf, sem):
            return pltpu.async_copy(h_hbm.at[src_v.at[j]], buf, sem)

        def gwait(buf, sem):
            pltpu.make_async_copy(h_hbm.at[src_v.at[0]], buf, sem).wait()

        def put(j, buf):
            pltpu.sync_copy(buf, agg_sh.at[dst_v.at[j]], add=True)
            if with_deg:
                pltpu.sync_copy(ones_v, deg_sh.at[dst_v.at[j]], add=True)

        gstart(0, buf0, sem0)

        def pair(p, carry):
            j0 = 2 * p
            gstart(j0 + 1, buf1, sem1)
            gwait(buf0, sem0)
            put(j0, buf0)
            jn = jnp.minimum(j0 + 2, nch - 1)
            gstart(jn, buf0, sem0)
            gwait(buf1, sem1)
            put(j0 + 1, buf1)
            return carry

        lax.fori_loop(0, trips, pair, None)
        gwait(buf0, sem0)

        plsc.subcore_barrier()
        pltpu.sync_copy(agg_sh.at[pl.ds(base, _RPS)], out_hbm.at[c, pl.ds(base, _RPS)])
        if with_deg:
            pltpu.sync_copy(deg_sh.at[pl.ds(base, _RPS)], deg_hbm.at[c, pl.ds(base, _RPS)])

    return agg_kernel


_CHP = 1280 // _NW
_HIR = 1250


def _build_sc_edge_gather():
    @functools.partial(
        pl.kernel,
        out_type=jax.ShapeDtypeStruct((_EP // 2, 2 * _H), jnp.float32),
        mesh=_sc_mesh(),
        compiler_params=_SC_PARAMS,
        scratch_types=(
            [pltpu.VMEM((_CHP, _K), jnp.int32) for _ in range(4)]
            + [pltpu.VMEM((_K, _H), jnp.float32) for _ in range(8)]
            + [pltpu.VMEM((_K, 2 * _H), jnp.float32)]
            + [pltpu.SemaphoreType.DMA for _ in range(8)]
        ),
    )
    def gather_kernel(a_hbm, b_hbm, src_hbm, dst_hbm, s_hbm,
                      sl_v, dl_v, sh_v, dh_v,
                      al0, al1, bl0, bl1, ah0, ah1, bh0, bh1, sbuf,
                      *sems):
        c = lax.axis_index("c")
        s = lax.axis_index("s")
        wid = c * _NS + s
        rbp = wid * _CHP
        pltpu.sync_copy(src_hbm.at[pl.ds(rbp, _CHP)], sl_v)
        pltpu.sync_copy(dst_hbm.at[pl.ds(rbp, _CHP)], dl_v)
        pltpu.sync_copy(src_hbm.at[pl.ds(_HIR + rbp, _CHP)], sh_v)
        pltpu.sync_copy(dst_hbm.at[pl.ds(_HIR + rbp, _CHP)], dh_v)

        def gstart(j, bufs, sems4):
            pltpu.async_copy(a_hbm.at[sl_v.at[j]], bufs[0], sems4[0])
            pltpu.async_copy(b_hbm.at[dl_v.at[j]], bufs[1], sems4[1])
            pltpu.async_copy(a_hbm.at[sh_v.at[j]], bufs[2], sems4[2])
            pltpu.async_copy(b_hbm.at[dh_v.at[j]], bufs[3], sems4[3])

        def gwait(bufs, sems4):
            for q in range(4):
                pltpu.make_async_copy(a_hbm.at[sl_v.at[0]], bufs[q], sems4[q]).wait()

        def addput(j, bufs):
            al, bl, ah, bh = bufs

            def addrow(r, carry):
                for q in range(_H // 16):
                    col = pl.ds(q * 16, 16)
                    sbuf[r, pl.ds(q * 16, 16)] = al[r, col] + bl[r, col]
                    sbuf[r, pl.ds(_H + q * 16, 16)] = ah[r, col] + bh[r, col]
                return carry
            lax.fori_loop(0, _K, addrow, None)
            pltpu.sync_copy(sbuf, s_hbm.at[pl.ds((rbp + j) * _K, _K)])

        bufs0 = (al0, bl0, ah0, bh0)
        bufs1 = (al1, bl1, ah1, bh1)
        sems0 = sems[:4]
        sems1 = sems[4:]
        gstart(0, bufs0, sems0)

        def pair(p, carry):
            j0 = 2 * p
            gstart(j0 + 1, bufs1, sems1)
            gwait(bufs0, sems0)
            addput(j0, bufs0)
            jn = jnp.minimum(j0 + 2, _CHP - 1)
            gstart(jn, bufs0, sems0)
            gwait(bufs1, sems1)
            addput(j0 + 1, bufs1)
            return carry

        lax.fori_loop(0, _CHP // 2, pair, None)
        gwait(bufs0, sems0)

    return gather_kernel


def _tc_in_body(x_ref, w_ref, b_ref, o_ref):
    o_ref[...] = (jnp.dot(x_ref[...], w_ref[...],
                          preferred_element_type=jnp.float32) + b_ref[...])


def _build_tc_in():
    return pl.pallas_call(
        _tc_in_body,
        out_shape=jax.ShapeDtypeStruct((_NP, _H), jnp.float32),
    )


def _tc_layer_body(aggp_ref, degp_ref, h_ref, wl_ref, bl_ref, wr_ref,
                   g_ref, be_ref, o_ref):
    agg = aggp_ref[0] + aggp_ref[1]
    d = degp_ref[0] + degp_ref[1]
    deg = jnp.maximum(d[:, 0:1], 1.0)
    aggm = agg / deg
    h = h_ref[...]
    t = (jnp.dot(aggm, wl_ref[...], preferred_element_type=jnp.float32)
         + bl_ref[...]
         + jnp.dot(h, wr_ref[...], preferred_element_type=jnp.float32))
    mu = jnp.mean(t, axis=-1, keepdims=True)
    var = jnp.mean((t - mu) ** 2, axis=-1, keepdims=True)
    hn = (t - mu) * lax.rsqrt(var + 1e-5) * g_ref[...] + be_ref[...]
    o_ref[...] = jnp.maximum(hn, 0.0)


def _build_tc_layer():
    return pl.pallas_call(
        _tc_layer_body,
        out_shape=jax.ShapeDtypeStruct((_NP, _H), jnp.float32),
    )


def _tc_ab_body(h_ref, wu_ref, wv_ref, a_ref, b_ref):
    h = h_ref[...]
    a_ref[...] = jnp.dot(h, wu_ref[...], preferred_element_type=jnp.float32)
    b_ref[...] = jnp.dot(h, wv_ref[...], preferred_element_type=jnp.float32)


def _build_tc_ab():
    return pl.pallas_call(
        _tc_ab_body,
        out_shape=(jax.ShapeDtypeStruct((_NP, _H), jnp.float32),
                   jax.ShapeDtypeStruct((_NP, _H), jnp.float32)),
    )


_EB2 = 6400


def _tc_edge_body(s_ref, eal_ref, eah_ref, w1_ref, b1_ref, w2_ref, b2_ref,
                  w3_ref, b3_ref, o_ref):
    sp = s_ref[...]
    w1 = w1_ref[...]
    b1 = b1_ref[...]
    z1e = jnp.maximum(
        sp[:, :_H] + jnp.dot(eal_ref[...], w1, preferred_element_type=jnp.float32)
        + b1, 0.0)
    z1o = jnp.maximum(
        sp[:, _H:] + jnp.dot(eah_ref[...], w1, preferred_element_type=jnp.float32)
        + b1, 0.0)
    w2 = w2_ref[...]
    b2 = b2_ref[...]
    w3 = w3_ref[...]
    b3 = b3_ref[...]
    z2e = jnp.maximum(jnp.dot(z1e, w2, preferred_element_type=jnp.float32) + b2, 0.0)
    z2o = jnp.maximum(jnp.dot(z1o, w2, preferred_element_type=jnp.float32) + b2, 0.0)
    le = jnp.sum(z2e * w3, axis=1) + b3[0, 0]
    lo = jnp.sum(z2o * w3, axis=1) + b3[0, 0]
    o_ref[...] = jnp.stack([le, lo], axis=0)


def _build_tc_edge():
    return pl.pallas_call(
        _tc_edge_body,
        grid=(_E // 2 // _EB2,),
        in_specs=[
            pl.BlockSpec((_EB2, 2 * _H), lambda i: (i, 0)),
            pl.BlockSpec((_EB2, _DE), lambda i: (i, 0)),
            pl.BlockSpec((_EB2, _DE), lambda i: (i + _E // 2 // _EB2, 0)),
            pl.BlockSpec((_DE, _H), lambda i: (0, 0)),
            pl.BlockSpec((1, _H), lambda i: (0, 0)),
            pl.BlockSpec((_H, 32), lambda i: (0, 0)),
            pl.BlockSpec((1, 32), lambda i: (0, 0)),
            pl.BlockSpec((1, 32), lambda i: (0, 0)),
            pl.BlockSpec((1, 1), lambda i: (0, 0)),
        ],
        out_specs=pl.BlockSpec((2, _EB2), lambda i: (0, i)),
        out_shape=jax.ShapeDtypeStruct((2, _E // 2), jnp.float32),
    )


_SC_AGG_DEG = _build_sc_agg(True)
_SC_AGG = _build_sc_agg(False)
_SC_EDGE_GATHER = _build_sc_edge_gather()
_TC_IN = _build_tc_in()
_TC_LAYER = _build_tc_layer()
_TC_AB = _build_tc_ab()
_TC_EDGE = _build_tc_edge()


def kernel(x, edge_index, edge_attr, Win_w, Win_b, Wl, bl, Wr, gam, bet,
           E1w, E1b, E2w, E2b, E3w, E3b):
    src = edge_index[0]
    dst = edge_index[1]
    pe = _EP - _E
    tail = _CHMAX * _K
    spread = _N + (jnp.arange(pe, dtype=jnp.int32) % (_NP - _N))
    ztail = jnp.zeros((tail,), jnp.int32)
    src_g = jnp.concatenate([src, spread, ztail]).reshape(_IDXROWS, _K)
    dst_g = jnp.concatenate([dst, spread, ztail]).reshape(_IDXROWS, _K)
    dst_s = jnp.concatenate([dst, spread, ztail]).reshape(_IDXROWS, _K)
    x_pad = jnp.concatenate([x, jnp.zeros((_NP - _N, _D), jnp.float32)])

    h = _TC_IN(x_pad, Win_w, Win_b.reshape(1, _H))
    for i in range(4):
        if i == 0:
            aggp, degp = _SC_AGG_DEG(h, src_g, dst_s)
        else:
            aggp = _SC_AGG(h, src_g, dst_s)
        h = _TC_LAYER(aggp, degp, h, Wl[i], bl[i].reshape(1, _H), Wr[i],
                      gam[i].reshape(1, _H), bet[i].reshape(1, _H))
    a, b = _TC_AB(h, E1w[:_H], E1w[_H:2 * _H])
    s_pairs = _SC_EDGE_GATHER(a, b, src_g, dst_g)
    out = _TC_EDGE(s_pairs, edge_attr, edge_attr, E1w[2 * _H:],
                   E1b.reshape(1, _H), E2w, E2b.reshape(1, 32),
                   E3w.reshape(1, 32), E3b.reshape(1, 1))
    return out.reshape(_E)

# --- scband reference (transcript-rebuilt; emitter-appended) ---
"""Pipeline reference for scband-edge-gnn-49409303773978 (READ-ONLY COPY).

The authoritative reference and input builder live on the scoring server;
editing this copy changes nothing except your own understanding.
"""

import jax, jax.numpy as jnp
import numpy as np

N = 10000
E = 320000
D = 128
DE = 16
H = 64
L = 4
EIN = 2 * H + DE  # 144

def setup_inputs(seed: int = 0) -> dict:
    key = jax.random.key(seed)
    ks = jax.random.split(key, 20)
    s = 0.05
    inp = {}
    inp['x'] = jax.random.normal(ks[0], (N, D), jnp.float32)
    inp['edge_index'] = jax.random.randint(ks[1], (2, E), 0, N, dtype=jnp.int32)
    inp['edge_attr'] = jax.random.normal(ks[2], (E, DE), jnp.float32)
    # input linear
    inp['Win_w'] = jax.random.normal(ks[3], (D, H), jnp.float32) * s
    inp['Win_b'] = jnp.zeros((H,), jnp.float32)
    # SAGE layers (stacked): lin_l (neighbor, with bias), lin_r (root, no bias)
    inp['Wl'] = jax.random.normal(ks[4], (L, H, H), jnp.float32) * s
    inp['bl'] = jnp.zeros((L, H), jnp.float32)
    inp['Wr'] = jax.random.normal(ks[5], (L, H, H), jnp.float32) * s
    # layernorms
    inp['gam'] = jnp.ones((L, H), jnp.float32)
    inp['bet'] = jnp.zeros((L, H), jnp.float32)
    # edge MLP: Linear(EIN,H) ReLU Linear(H,H//2) ReLU Linear(H//2,1)
    inp['E1w'] = jax.random.normal(ks[6], (EIN, H), jnp.float32) * s
    inp['E1b'] = jnp.zeros((H,), jnp.float32)
    inp['E2w'] = jax.random.normal(ks[7], (H, H // 2), jnp.float32) * s
    inp['E2b'] = jnp.zeros((H // 2,), jnp.float32)
    inp['E3w'] = jax.random.normal(ks[8], (H // 2, 1), jnp.float32) * s
    inp['E3b'] = jnp.zeros((1,), jnp.float32)
    return inp

def _layernorm(h, g, b):
    mu = jnp.mean(h, axis=-1, keepdims=True)
    var = jnp.mean((h - mu) ** 2, axis=-1, keepdims=True)
    return (h - mu) / jnp.sqrt(var + 1e-5) * g + b

def reference(x, edge_index, edge_attr, Win_w, Win_b, Wl, bl, Wr, gam, bet, E1w, E1b, E2w, E2b, E3w, E3b):
    src = edge_index[0]
    dst = edge_index[1]
    h = x @ Win_w + Win_b
    deg = jnp.zeros((N,), jnp.float32).at[dst].add(1.0)
    deg = jnp.maximum(deg, 1.0)
    for i in range(L):
        # SAGEConv with mean aggregation: lin_l(mean_{j->i} h_j) + lin_r(h_i)
        agg = jnp.zeros((N, H), h.dtype).at[dst].add(h[src]) / deg[:, None]
        h = agg @ Wl[i] + bl[i] + h @ Wr[i]
        h = _layernorm(h, gam[i], bet[i])
        h = jax.nn.relu(h)
        # dropout is identity in eval mode
    hu = h[src]
    hv = h[dst]
    edge_input = jnp.concatenate([hu, hv, edge_attr], axis=1)
    z = jax.nn.relu(edge_input @ E1w + E1b)
    z = jax.nn.relu(z @ E2w + E2b)
    logits = (z @ E3w + E3b)[:, 0]
    return logits

if __name__ == "__main__":
    import jax
    _d = setup_inputs()
    print(jax.jit(kernel)(*tuple(_d.values())))

</pallas_src>

<mosaic_0001>
#map = affine_map<(d0, d1) -> (0, 0)>
#map1 = affine_map<(d0, d1) -> (0, 0, 0)>
module attributes {stable_mosaic.version = 14 : i64} {
  func.func @agg_kernel(%arg0: i32, %arg1: i32, %arg2: memref<10112x64xf32, #tpu.memory_space<hbm>>, %arg3: memref<2640x128xi32, #tpu.memory_space<hbm>>, %arg4: memref<2640x128xi32, #tpu.memory_space<hbm>>, %arg5: memref<2x10112x64xf32, #tpu.memory_space<hbm>>, %arg6: memref<80x128xi32, #tpu.memory_space<vmem>>, %arg7: memref<80x128xi32, #tpu.memory_space<vmem>>, %arg8: memref<128x64xf32, #tpu.memory_space<vmem>>, %arg9: memref<128x64xf32, #tpu.memory_space<vmem>>, %arg10: memref<128x64xf32, #tpu.memory_space<vmem>>, %arg11: memref<10112x64xf32, #tpu.memory_space<vmem_shared>>, %arg12: memref<!tpu.dma_semaphore, #tpu.memory_space<semaphore_mem>>, %arg13: memref<!tpu.dma_semaphore, #tpu.memory_space<semaphore_mem>>) attributes {dimension_semantics = [#tpu.dimension_semantics<core_parallel>, #tpu.dimension_semantics<subcore_parallel>], iteration_bounds = array<i64: 2, 16>, scalar_prefetch = 0 : i64, scratch_operands = 8 : i64, tpu.core_type = #tpu.core_type<sc_vector_subcore>, window_params = [{transform_indices = #map}, {transform_indices = #map}, {transform_indices = #map}, {transform_indices = #map1}]} {
    %eq3A = arith.constant 0 : i32
    %eq3A_0 = arith.cmpi eq, %arg0, %eq3A : i32
    %mul3A = arith.constant 80 : i32
    %mul3A_1 = arith.muli %arg1, %mul3A : i32
    %mul3A_2 = arith.constant 80 : i32
    %mul3A_3 = arith.muli %arg1, %mul3A_2 : i32
    %add3A = arith.constant 1280 : i32
    %add3A_4 = arith.addi %add3A, %mul3A_3 : i32
    %select_n3A = arith.select %eq3A_0, %mul3A_1, %add3A_4 : i32
    %eq3A_5 = arith.constant 0 : i32
    %eq3A_6 = arith.cmpi eq, %arg0, %eq3A_5 : i32
    %jit3A = arith.constant 80 : i32
    %jit3A_7 = arith.constant 80 : i32
    %select_n3A_8 = arith.select %eq3A_6, %jit3A, %jit3A_7 : i32
    %eq3A_9 = arith.constant 0 : i32
    %eq3A_10 = arith.cmpi eq, %arg0, %eq3A_9 : i32
    %jit3A_11 = arith.constant 40 : i32
    %jit3A_12 = arith.constant 40 : i32
    %select_n3A_13 = arith.select %eq3A_10, %jit3A_11, %jit3A_12 : i32
    %broadcast_in_dim3A = arith.constant 0.000000e+00 : f32
    %broadcast_in_dim3A_14 = vector.broadcast %broadcast_in_dim3A : f32 to vector<16xf32>
    %scan3A = arith.constant 0 : i32
    %scan3A_15 = arith.constant 128 : i32
    %scan3A_16 = arith.addi %scan3A, %scan3A_15 : i32
    %scan3A_17 = arith.constant 1 : i32
    scf.for %scan3A_52 = %scan3A to %scan3A_16 step %scan3A_17  : i32 {
      %scan3A_53 = arith.constant 0 : i32
      %scan3A_54 = arith.constant 4 : i32
      %scan3A_55 = arith.addi %scan3A_53, %scan3A_54 : i32
      %scan3A_56 = arith.constant 1 : i32
      scf.for %scan3A_58 = %scan3A_53 to %scan3A_55 step %scan3A_56  : i32 {
        %mul3A_59 = arith.constant 16 : i32
        %mul3A_60 = arith.muli %scan3A_58, %mul3A_59 : i32
        %swap3A = arith.index_cast %scan3A_52 : i32 to index
        %swap3A_61 = arith.index_cast %mul3A_60 : i32 to index
        %swap3A_62 = tpu.vector_load %arg10[%swap3A, %swap3A_61] {strides = array<i32>} : memref<128x64xf32, #tpu.memory_space<vmem>>, vector<1x16xf32>,
        %swap3A_63 = vector.shape_cast %swap3A_62 : vector<1x16xf32> to vector<16xf32>
        %swap3A_64 = vector.shape_cast %broadcast_in_dim3A_14 : vector<16xf32> to vector<1x16xf32>
        tpu.vector_store %arg10[%swap3A, %swap3A_61], %swap3A_64 {strides = array<i32>} : memref<128x64xf32, #tpu.memory_space<vmem>>, vector<1x16xf32>,
      }
      %scan3A_57 = arith.constant 4 : i32
    }
    %scan3A_18 = arith.constant 128 : i32
    %mul3A_19 = arith.constant 632 : i32
    %mul3A_20 = arith.muli %arg1, %mul3A_19 : i32
    %add3A_21 = arith.constant 0 : i32
    %add3A_22 = arith.addi %mul3A_20, %add3A_21 : i32
    "tpu.region"() ({
      %run_scoped3A = tpu.sem_alloc : memref<!tpu.dma_semaphore, #tpu.memory_space<semaphore_mem>>
      %dma_start3A_52 = arith.constant 0 : i32
      %dma_start3A_53 = tpu.memref_slice %arg11[%add3A_22, %dma_start3A_52] : memref<10112x64xf32, #tpu.memory_space<vmem_shared>> -> memref<128x64xf32, #tpu.memory_space<vmem_shared>>
      %dma_start3A_54 = arith.constant 0 : i32
      %dma_start3A_55 = tpu.memref_slice %arg11[%add3A_22, %dma_start3A_54] : memref<10112x64xf32, #tpu.memory_space<vmem_shared>> -> memref<128x64xf32, #tpu.memory_space<vmem_shared>>
      tpu.enqueue_dma source(%arg10 : memref<128x64xf32, #tpu.memory_space<vmem>>) target(%dma_start3A_55 : memref<128x64xf32, #tpu.memory_space<vmem_shared>>) target_semaphore(%run_scoped3A : memref<!tpu.dma_semaphore, #tpu.memory_space<semaphore_mem>>)
      %dma_wait3A_56 = arith.constant 0 : i32
      %dma_wait3A_57 = tpu.memref_slice %arg11[%add3A_22, %dma_wait3A_56] : memref<10112x64xf32, #tpu.memory_space<vmem_shared>> -> memref<128x64xf32, #tpu.memory_space<vmem_shared>>
      %dma_wait3A_58 = arith.constant 0 : i32
      %dma_wait3A_59 = tpu.memref_slice %arg11[%add3A_22, %dma_wait3A_58] : memref<10112x64xf32, #tpu.memory_space<vmem_shared>> -> memref<128x64xf32, #tpu.memory_space<vmem_shared>>
      tpu.wait_dma2 semaphore(%run_scoped3A : memref<!tpu.dma_semaphore, #tpu.memory_space<semaphore_mem>>) src(%arg10 : memref<128x64xf32, #tpu.memory_space<vmem>>) dst(%dma_wait3A_59 : memref<128x64xf32, #tpu.memory_space<vmem_shared>>)
      tpu.yield
    }) : () -> ()
    %add3A_23 = arith.constant 128 : i32
    %add3A_24 = arith.addi %mul3A_20, %add3A_23 : i32
    "tpu.region"() ({
      %run_scoped3A = tpu.sem_alloc : memref<!tpu.dma_semaphore, #tpu.memory_space<semaphore_mem>>
      %dma_start3A_52 = arith.constant 0 : i32
      %dma_start3A_53 = tpu.memref_slice %arg11[%add3A_24, %dma_start3A_52] : memref<10112x64xf32, #tpu.memory_space<vmem_shared>> -> memref<128x64xf32, #tpu.memory_space<vmem_shared>>
      %dma_start3A_54 = arith.constant 0 : i32
      %dma_start3A_55 = tpu.memref_slice %arg11[%add3A_24, %dma_start3A_54] : memref<10112x64xf32, #tpu.memory_space<vmem_shared>> -> memref<128x64xf32, #tpu.memory_space<vmem_shared>>
      tpu.enqueue_dma source(%arg10 : memref<128x64xf32, #tpu.memory_space<vmem>>) target(%dma_start3A_55 : memref<128x64xf32, #tpu.memory_space<vmem_shared>>) target_semaphore(%run_scoped3A : memref<!tpu.dma_semaphore, #tpu.memory_space<semaphore_mem>>)
      %dma_wait3A_56 = arith.constant 0 : i32
      %dma_wait3A_57 = tpu.memref_slice %arg11[%add3A_24, %dma_wait3A_56] : memref<10112x64xf32, #tpu.memory_space<vmem_shared>> -> memref<128x64xf32, #tpu.memory_space<vmem_shared>>
      %dma_wait3A_58 = arith.constant 0 : i32
      %dma_wait3A_59 = tpu.memref_slice %arg11[%add3A_24, %dma_wait3A_58] : memref<10112x64xf32, #tpu.memory_space<vmem_shared>> -> memref<128x64xf32, #tpu.memory_space<vmem_shared>>
      tpu.wait_dma2 semaphore(%run_scoped3A : memref<!tpu.dma_semaphore, #tpu.memory_space<semaphore_mem>>) src(%arg10 : memref<128x64xf32, #tpu.memory_space<vmem>>) dst(%dma_wait3A_59 : memref<128x64xf32, #tpu.memory_space<vmem_shared>>)
      tpu.yield
    }) : () -> ()
    %add3A_25 = arith.constant 256 : i32
    %add3A_26 = arith.addi %mul3A_20, %add3A_25 : i32
    "tpu.region"() ({
      %run_scoped3A = tpu.sem_alloc : memref<!tpu.dma_semaphore, #tpu.memory_space<semaphore_mem>>
      %dma_start3A_52 = arith.constant 0 : i32
      %dma_start3A_53 = tpu.memref_slice %arg11[%add3A_26, %dma_start3A_52] : memref<10112x64xf32, #tpu.memory_space<vmem_shared>> -> memref<128x64xf32, #tpu.memory_space<vmem_shared>>
      %dma_start3A_54 = arith.constant 0 : i32
      %dma_start3A_55 = tpu.memref_slice %arg11[%add3A_26, %dma_start3A_54] : memref<10112x64xf32, #tpu.memory_space<vmem_shared>> -> memref<128x64xf32, #tpu.memory_space<vmem_shared>>
      tpu.enqueue_dma source(%arg10 : memref<128x64xf32, #tpu.memory_space<vmem>>) target(%dma_start3A_55 : memref<128x64xf32, #tpu.memory_space<vmem_shared>>) target_semaphore(%run_scoped3A : memref<!tpu.dma_semaphore, #tpu.memory_space<semaphore_mem>>)
      %dma_wait3A_56 = arith.constant 0 : i32
      %dma_wait3A_57 = tpu.memref_slice %arg11[%add3A_26, %dma_wait3A_56] : memref<10112x64xf32, #tpu.memory_space<vmem_shared>> -> memref<128x64xf32, #tpu.memory_space<vmem_shared>>
      %dma_wait3A_58 = arith.constant 0 : i32
      %dma_wait3A_59 = tpu.memref_slice %arg11[%add3A_26, %dma_wait3A_58] : memref<10112x64xf32, #tpu.memory_space<vmem_shared>> -> memref<128x64xf32, #tpu.memory_space<vmem_shared>>
      tpu.wait_dma2 semaphore(%run_scoped3A : memref<!tpu.dma_semaphore, #tpu.memory_space<semaphore_mem>>) src(%arg10 : memref<128x64xf32, #tpu.memory_space<vmem>>) dst(%dma_wait3A_59 : memref<128x64xf32, #tpu.memory_space<vmem_shared>>)
      tpu.yield
    }) : () -> ()
    %add3A_27 = arith.constant 384 : i32
    %add3A_28 = arith.addi %mul3A_20, %add3A_27 : i32
    "tpu.region"() ({
      %run_scoped3A = tpu.sem_alloc : memref<!tpu.dma_semaphore, #tpu.memory_space<semaphore_mem>>
      %dma_start3A_52 = arith.constant 0 : i32
      %dma_start3A_53 = tpu.memref_slice %arg11[%add3A_28, %dma_start3A_52] : memref<10112x64xf32, #tpu.memory_space<vmem_shared>> -> memref<128x64xf32, #tpu.memory_space<vmem_shared>>
      %dma_start3A_54 = arith.constant 0 : i32
      %dma_start3A_55 = tpu.memref_slice %arg11[%add3A_28, %dma_start3A_54] : memref<10112x64xf32, #tpu.memory_space<vmem_shared>> -> memref<128x64xf32, #tpu.memory_space<vmem_shared>>
      tpu.enqueue_dma source(%arg10 : memref<128x64xf32, #tpu.memory_space<vmem>>) target(%dma_start3A_55 : memref<128x64xf32, #tpu.memory_space<vmem_shared>>) target_semaphore(%run_scoped3A : memref<!tpu.dma_semaphore, #tpu.memory_space<semaphore_mem>>)
      %dma_wait3A_56 = arith.constant 0 : i32
      %dma_wait3A_57 = tpu.memref_slice %arg11[%add3A_28, %dma_wait3A_56] : memref<10112x64xf32, #tpu.memory_space<vmem_shared>> -> memref<128x64xf32, #tpu.memory_space<vmem_shared>>
      %dma_wait3A_58 = arith.constant 0 : i32
      %dma_wait3A_59 = tpu.memref_slice %arg11[%add3A_28, %dma_wait3A_58] : memref<10112x64xf32, #tpu.memory_space<vmem_shared>> -> memref<128x64xf32, #tpu.memory_space<vmem_shared>>
      tpu.wait_dma2 semaphore(%run_scoped3A : memref<!tpu.dma_semaphore, #tpu.memory_space<semaphore_mem>>) src(%arg10 : memref<128x64xf32, #tpu.memory_space<vmem>>) dst(%dma_wait3A_59 : memref<128x64xf32, #tpu.memory_space<vmem_shared>>)
      tpu.yield
    }) : () -> ()
    %add3A_29 = arith.constant 512 : i32
    %add3A_30 = arith.addi %mul3A_20, %add3A_29 : i32
    "tpu.region"() ({
      %run_scoped3A = tpu.sem_alloc : memref<!tpu.dma_semaphore, #tpu.memory_space<semaphore_mem>>
      %dma_start3A_52 = arith.constant 0 : i32
      %dma_start3A_53 = arith.constant 0 : i32
      %dma_start3A_54 = tpu.memref_slice %arg10[%dma_start3A_52, %dma_start3A_53] : memref<128x64xf32, #tpu.memory_space<vmem>> -> memref<120x64xf32, #tpu.memory_space<vmem>>
      %dma_start3A_55 = arith.constant 0 : i32
      %dma_start3A_56 = tpu.memref_slice %arg11[%add3A_30, %dma_start3A_55] : memref<10112x64xf32, #tpu.memory_space<vmem_shared>> -> memref<120x64xf32, #tpu.memory_space<vmem_shared>>
      %dma_start3A_57 = arith.constant 0 : i32
      %dma_start3A_58 = tpu.memref_slice %arg11[%add3A_30, %dma_start3A_57] : memref<10112x64xf32, #tpu.memory_space<vmem_shared>> -> memref<120x64xf32, #tpu.memory_space<vmem_shared>>
      %dma_start3A_59 = arith.constant 0 : i32
      %dma_start3A_60 = arith.constant 0 : i32
      %dma_start3A_61 = tpu.memref_slice %arg10[%dma_start3A_59, %dma_start3A_60] : memref<128x64xf32, #tpu.memory_space<vmem>> -> memref<120x64xf32, #tpu.memory_space<vmem>>
      tpu.enqueue_dma source(%dma_start3A_61 : memref<120x64xf32, #tpu.memory_space<vmem>>) target(%dma_start3A_58 : memref<120x64xf32, #tpu.memory_space<vmem_shared>>) target_semaphore(%run_scoped3A : memref<!tpu.dma_semaphore, #tpu.memory_space<semaphore_mem>>)
      %dma_wait3A_62 = arith.constant 0 : i32
      %dma_wait3A_63 = arith.constant 0 : i32
      %dma_wait3A_64 = tpu.memref_slice %arg10[%dma_wait3A_62, %dma_wait3A_63] : memref<128x64xf32, #tpu.memory_space<vmem>> -> memref<120x64xf32, #tpu.memory_space<vmem>>
      %dma_wait3A_65 = arith.constant 0 : i32
      %dma_wait3A_66 = tpu.memref_slice %arg11[%add3A_30, %dma_wait3A_65] : memref<10112x64xf32, #tpu.memory_space<vmem_shared>> -> memref<120x64xf32, #tpu.memory_space<vmem_shared>>
      %dma_wait3A_67 = arith.constant 0 : i32
      %dma_wait3A_68 = tpu.memref_slice %arg11[%add3A_30, %dma_wait3A_67] : memref<10112x64xf32, #tpu.memory_space<vmem_shared>> -> memref<120x64xf32, #tpu.memory_space<vmem_shared>>
      %dma_wait3A_69 = arith.constant 0 : i32
      %dma_wait3A_70 = arith.constant 0 : i32
      %dma_wait3A_71 = tpu.memref_slice %arg10[%dma_wait3A_69, %dma_wait3A_70] : memref<128x64xf32, #tpu.memory_space<vmem>> -> memref<120x64xf32, #tpu.memory_space<vmem>>
      tpu.wait_dma2 semaphore(%run_scoped3A : memref<!tpu.dma_semaphore, #tpu.memory_space<semaphore_mem>>) src(%dma_wait3A_71 : memref<120x64xf32, #tpu.memory_space<vmem>>) dst(%dma_wait3A_68 : memref<120x64xf32, #tpu.memory_space<vmem_shared>>)
      tpu.yield
    }) : () -> ()
    %barrier3A = arith.constant 0 : index
    tpu.barrier barrier_id(%barrier3A)
    "tpu.region"() ({
      %run_scoped3A = tpu.sem_alloc : memref<!tpu.dma_semaphore, #tpu.memory_space<semaphore_mem>>
      %dma_start3A_52 = arith.constant 0 : i32
      %dma_start3A_53 = tpu.memref_slice %arg3[%select_n3A, %dma_start3A_52] : memref<2640x128xi32, #tpu.memory_space<hbm>> -> memref<80x128xi32, #tpu.memory_space<hbm>>
      %dma_start3A_54 = arith.constant 0 : i32
      %dma_start3A_55 = tpu.memref_slice %arg3[%select_n3A, %dma_start3A_54] : memref<2640x128xi32, #tpu.memory_space<hbm>> -> memref<80x128xi32, #tpu.memory_space<hbm>>
      tpu.enqueue_dma source(%dma_start3A_55 : memref<80x128xi32, #tpu.memory_space<hbm>>) target(%arg6 : memref<80x128xi32, #tpu.memory_space<vmem>>) target_semaphore(%run_scoped3A : memref<!tpu.dma_semaphore, #tpu.memory_space<semaphore_mem>>)
      %dma_wait3A_56 = arith.constant 0 : i32
      %dma_wait3A_57 = tpu.memref_slice %arg3[%select_n3A, %dma_wait3A_56] : memref<2640x128xi32, #tpu.memory_space<hbm>> -> memref<80x128xi32, #tpu.memory_space<hbm>>
      %dma_wait3A_58 = arith.constant 0 : i32
      %dma_wait3A_59 = tpu.memref_slice %arg3[%select_n3A, %dma_wait3A_58] : memref<2640x128xi32, #tpu.memory_space<hbm>> -> memref<80x128xi32, #tpu.memory_space<hbm>>
      tpu.wait_dma2 semaphore(%run_scoped3A : memref<!tpu.dma_semaphore, #tpu.memory_space<semaphore_mem>>) src(%dma_wait3A_59 : memref<80x128xi32, #tpu.memory_space<hbm>>) dst(%arg6 : memref<80x128xi32, #tpu.memory_space<vmem>>)
      tpu.yield
    }) : () -> ()
    "tpu.region"() ({
      %run_scoped3A = tpu.sem_alloc : memref<!tpu.dma_semaphore, #tpu.memory_space<semaphore_mem>>
      %dma_start3A_52 = arith.constant 0 : i32
      %dma_start3A_53 = tpu.memref_slice %arg4[%select_n3A, %dma_start3A_52] : memref<2640x128xi32, #tpu.memory_space<hbm>> -> memref<80x128xi32, #tpu.memory_space<hbm>>
      %dma_start3A_54 = arith.constant 0 : i32
      %dma_start3A_55 = tpu.memref_slice %arg4[%select_n3A, %dma_start3A_54] : memref<2640x128xi32, #tpu.memory_space<hbm>> -> memref<80x128xi32, #tpu.memory_space<hbm>>
      tpu.enqueue_dma source(%dma_start3A_55 : memref<80x128xi32, #tpu.memory_space<hbm>>) target(%arg7 : memref<80x128xi32, #tpu.memory_space<vmem>>) target_semaphore(%run_scoped3A : memref<!tpu.dma_semaphore, #tpu.memory_space<semaphore_mem>>)
      %dma_wait3A_56 = arith.constant 0 : i32
      %dma_wait3A_57 = tpu.memref_slice %arg4[%select_n3A, %dma_wait3A_56] : memref<2640x128xi32, #tpu.memory_space<hbm>> -> memref<80x128xi32, #tpu.memory_space<hbm>>
      %dma_wait3A_58 = arith.constant 0 : i32
      %dma_wait3A_59 = tpu.memref_slice %arg4[%select_n3A, %dma_wait3A_58] : memref<2640x128xi32, #tpu.memory_space<hbm>> -> memref<80x128xi32, #tpu.memory_space<hbm>>
      tpu.wait_dma2 semaphore(%run_scoped3A : memref<!tpu.dma_semaphore, #tpu.memory_space<semaphore_mem>>) src(%dma_wait3A_59 : memref<80x128xi32, #tpu.memory_space<hbm>>) dst(%arg7 : memref<80x128xi32, #tpu.memory_space<vmem>>)
      tpu.yield
    }) : () -> ()
    %dma_start3A = arith.constant 0 : i32
    %dma_start3A_31 = arith.constant 0 : i32
    %dma_start3A_32 = tpu.memref_slice %arg6[%dma_start3A, %dma_start3A_31] : memref<80x128xi32, #tpu.memory_space<vmem>> -> memref<1x128xi32, #tpu.memory_space<vmem>>
    %dma_start3A_33 = tpu.memref_squeeze %dma_start3A_32 : memref<1x128xi32, #tpu.memory_space<vmem>> -> memref<128xi32, #tpu.memory_space<vmem>>
    %dma_start3A_34 = arith.constant 0 : i32
    %dma_start3A_35 = arith.constant 0 : i32
    %dma_start3A_36 = tpu.memref_slice %arg2[%dma_start3A_34, %dma_start3A_35] : memref<10112x64xf32, #tpu.memory_space<hbm>> -> memref<10112x64xf32, #tpu.memory_space<hbm>>
    tpu.enqueue_indirect_dma source(%dma_start3A_36 : memref<10112x64xf32, #tpu.memory_space<hbm>>) target(%arg8 : memref<128x64xf32, #tpu.memory_space<vmem>>) offsets(%dma_start3A_33 : memref<128xi32, #tpu.memory_space<vmem>>) semaphore(%arg12 : memref<!tpu.dma_semaphore, #tpu.memory_space<semaphore_mem>>)
    %while3A = arith.constant 0 : i32
    %while3A_37 = arith.subi %select_n3A_13, %while3A : i32
    %while3A_38 = arith.addi %while3A, %while3A_37 : i32
    %while3A_39 = arith.constant 1 : i32
    %while3A_40 = arith.divsi %while3A_37, %while3A_39 : i32
    %while3A_41 = arith.muli %while3A_40, %while3A_39 : i32
    %while3A_42 = arith.addi %while3A, %while3A_41 : i32
    %while3A_43 = arith.constant 1 : i32
    scf.for %while3A_52 = %while3A to %while3A_42 step %while3A_43  : i32 {
      %mul3A_53 = arith.constant 2 : i32
      %mul3A_54 = arith.muli %mul3A_53, %while3A_52 : i32
      %add3A_55 = arith.constant 1 : i32
      %add3A_56 = arith.addi %mul3A_54, %add3A_55 : i32
      %dma_start3A_57 = arith.constant 0 : i32
      %dma_start3A_58 = tpu.memref_slice %arg6[%add3A_56, %dma_start3A_57] : memref<80x128xi32, #tpu.memory_space<vmem>> -> memref<1x128xi32, #tpu.memory_space<vmem>>
      %dma_start3A_59 = tpu.memref_squeeze %dma_start3A_58 : memref<1x128xi32, #tpu.memory_space<vmem>> -> memref<128xi32, #tpu.memory_space<vmem>>
      %dma_start3A_60 = arith.constant 0 : i32
      %dma_start3A_61 = arith.constant 0 : i32
      %dma_start3A_62 = tpu.memref_slice %arg2[%dma_start3A_60, %dma_start3A_61] : memref<10112x64xf32, #tpu.memory_space<hbm>> -> memref<10112x64xf32, #tpu.memory_space<hbm>>
      tpu.enqueue_indirect_dma source(%dma_start3A_62 : memref<10112x64xf32, #tpu.memory_space<hbm>>) target(%arg9 : memref<128x64xf32, #tpu.memory_space<vmem>>) offsets(%dma_start3A_59 : memref<128xi32, #tpu.memory_space<vmem>>) semaphore(%arg13 : memref<!tpu.dma_semaphore, #tpu.memory_space<semaphore_mem>>)
      %dma_wait3A_63 = arith.constant 0 : i32
      %dma_wait3A_64 = arith.constant 0 : i32
      %dma_wait3A_65 = tpu.memref_slice %arg6[%dma_wait3A_63, %dma_wait3A_64] : memref<80x128xi32, #tpu.memory_space<vmem>> -> memref<1x128xi32, #tpu.memory_space<vmem>>
      %dma_wait3A_66 = tpu.memref_squeeze %dma_wait3A_65 : memref<1x128xi32, #tpu.memory_space<vmem>> -> memref<128xi32, #tpu.memory_space<vmem>>
      %dma_wait3A_67 = arith.constant 0 : i32
      %dma_wait3A_68 = arith.constant 0 : i32
      %dma_wait3A_69 = tpu.memref_slice %arg2[%dma_wait3A_67, %dma_wait3A_68] : memref<10112x64xf32, #tpu.memory_space<hbm>> -> memref<10112x64xf32, #tpu.memory_space<hbm>>
      tpu.wait_indirect_dma semaphore(%arg12 : memref<!tpu.dma_semaphore, #tpu.memory_space<semaphore_mem>>) src(%dma_wait3A_69 : memref<10112x64xf32, #tpu.memory_space<hbm>>) dst(%arg8 : memref<128x64xf32, #tpu.memory_space<vmem>>)
      "tpu.region"() ({
        %run_scoped3A = tpu.sem_alloc : memref<!tpu.dma_semaphore, #tpu.memory_space<semaphore_mem>>
        %dma_start3A_88 = arith.constant 0 : i32
        %dma_start3A_89 = tpu.memref_slice %arg7[%mul3A_54, %dma_start3A_88] : memref<80x128xi32, #tpu.memory_space<vmem>> -> memref<1x128xi32, #tpu.memory_space<vmem>>
        %dma_start3A_90 = tpu.memref_squeeze %dma_start3A_89 : memref<1x128xi32, #tpu.memory_space<vmem>> -> memref<128xi32, #tpu.memory_space<vmem>>
        %dma_start3A_91 = arith.constant 0 : i32
        %dma_start3A_92 = arith.constant 0 : i32
        %dma_start3A_93 = tpu.memref_slice %arg11[%dma_start3A_91, %dma_start3A_92] : memref<10112x64xf32, #tpu.memory_space<vmem_shared>> -> memref<10112x64xf32, #tpu.memory_space<vmem_shared>>
        tpu.enqueue_indirect_dma source(%arg8 : memref<128x64xf32, #tpu.memory_space<vmem>>) target(%dma_start3A_93 : memref<10112x64xf32, #tpu.memory_space<vmem_shared>>) offsets(%dma_start3A_90 : memref<128xi32, #tpu.memory_space<vmem>>) semaphore(%run_scoped3A : memref<!tpu.dma_semaphore, #tpu.memory_space<semaphore_mem>>) {add = true}
        %dma_wait3A_94 = arith.constant 0 : i32
        %dma_wait3A_95 = tpu.memref_slice %arg7[%mul3A_54, %dma_wait3A_94] : memref<80x128xi32, #tpu.memory_space<vmem>> -> memref<1x128xi32, #tpu.memory_space<vmem>>
        %dma_wait3A_96 = tpu.memref_squeeze %dma_wait3A_95 : memref<1x128xi32, #tpu.memory_space<vmem>> -> memref<128xi32, #tpu.memory_space<vmem>>
        %dma_wait3A_97 = arith.constant 0 : i32
        %dma_wait3A_98 = arith.constant 0 : i32
        %dma_wait3A_99 = tpu.memref_slice %arg11[%dma_wait3A_97, %dma_wait3A_98] : memref<10112x64xf32, #tpu.memory_space<vmem_shared>> -> memref<10112x64xf32, #tpu.memory_space<vmem_shared>>
        tpu.wait_indirect_dma semaphore(%run_scoped3A : memref<!tpu.dma_semaphore, #tpu.memory_space<semaphore_mem>>) src(%arg8 : memref<128x64xf32, #tpu.memory_space<vmem>>) dst(%dma_wait3A_99 : memref<10112x64xf32, #tpu.memory_space<vmem_shared>>)
        tpu.yield
      }) : () -> ()
      %add3A_70 = arith.constant 2 : i32
      %add3A_71 = arith.addi %mul3A_54, %add3A_70 : i32
      %sub3A = arith.constant 1 : i32
      %sub3A_72 = arith.subi %select_n3A_8, %sub3A : i32
      %min3A = arith.minsi %add3A_71, %sub3A_72 : i32
      %dma_start3A_73 = arith.constant 0 : i32
      %dma_start3A_74 = tpu.memref_slice %arg6[%min3A, %dma_start3A_73] : memref<80x128xi32, #tpu.memory_space<vmem>> -> memref<1x128xi32, #tpu.memory_space<vmem>>
      %dma_start3A_75 = tpu.memref_squeeze %dma_start3A_74 : memref<1x128xi32, #tpu.memory_space<vmem>> -> memref<128xi32, #tpu.memory_space<vmem>>
      %dma_start3A_76 = arith.constant 0 : i32
      %dma_start3A_77 = arith.constant 0 : i32
      %dma_start3A_78 = tpu.memref_slice %arg2[%dma_start3A_76, %dma_start3A_77] : memref<10112x64xf32, #tpu.memory_space<hbm>> -> memref<10112x64xf32, #tpu.memory_space<hbm>>
      tpu.enqueue_indirect_dma source(%dma_start3A_78 : memref<10112x64xf32, #tpu.memory_space<hbm>>) target(%arg8 : memref<128x64xf32, #tpu.memory_space<vmem>>) offsets(%dma_start3A_75 : memref<128xi32, #tpu.memory_space<vmem>>) semaphore(%arg12 : memref<!tpu.dma_semaphore, #tpu.memory_space<semaphore_mem>>)
      %dma_wait3A_79 = arith.constant 0 : i32
      %dma_wait3A_80 = arith.constant 0 : i32
      %dma_wait3A_81 = tpu.memref_slice %arg6[%dma_wait3A_79, %dma_wait3A_80] : memref<80x128xi32, #tpu.memory_space<vmem>> -> memref<1x128xi32, #tpu.memory_space<vmem>>
      %dma_wait3A_82 = tpu.memref_squeeze %dma_wait3A_81 : memref<1x128xi32, #tpu.memory_space<vmem>> -> memref<128xi32, #tpu.memory_space<vmem>>
      %dma_wait3A_83 = arith.constant 0 : i32
      %dma_wait3A_84 = arith.constant 0 : i32
      %dma_wait3A_85 = tpu.memref_slice %arg2[%dma_wait3A_83, %dma_wait3A_84] : memref<10112x64xf32, #tpu.memory_space<hbm>> -> memref<10112x64xf32, #tpu.memory_space<hbm>>
      tpu.wait_indirect_dma semaphore(%arg13 : memref<!tpu.dma_semaphore, #tpu.memory_space<semaphore_mem>>) src(%dma_wait3A_85 : memref<10112x64xf32, #tpu.memory_space<hbm>>) dst(%arg9 : memref<128x64xf32, #tpu.memory_space<vmem>>)
      %add3A_86 = arith.constant 1 : i32
      %add3A_87 = arith.addi %mul3A_54, %add3A_86 : i32
      "tpu.region"() ({
        %run_scoped3A = tpu.sem_alloc : memref<!tpu.dma_semaphore, #tpu.memory_space<semaphore_mem>>
        %dma_start3A_88 = arith.constant 0 : i32
        %dma_start3A_89 = tpu.memref_slice %arg7[%add3A_87, %dma_start3A_88] : memref<80x128xi32, #tpu.memory_space<vmem>> -> memref<1x128xi32, #tpu.memory_space<vmem>>
        %dma_start3A_90 = tpu.memref_squeeze %dma_start3A_89 : memref<1x128xi32, #tpu.memory_space<vmem>> -> memref<128xi32, #tpu.memory_space<vmem>>
        %dma_start3A_91 = arith.constant 0 : i32
        %dma_start3A_92 = arith.constant 0 : i32
        %dma_start3A_93 = tpu.memref_slice %arg11[%dma_start3A_91, %dma_start3A_92] : memref<10112x64xf32, #tpu.memory_space<vmem_shared>> -> memref<10112x64xf32, #tpu.memory_space<vmem_shared>>
        tpu.enqueue_indirect_dma source(%arg9 : memref<128x64xf32, #tpu.memory_space<vmem>>) target(%dma_start3A_93 : memref<10112x64xf32, #tpu.memory_space<vmem_shared>>) offsets(%dma_start3A_90 : memref<128xi32, #tpu.memory_space<vmem>>) semaphore(%run_scoped3A : memref<!tpu.dma_semaphore, #tpu.memory_space<semaphore_mem>>) {add = true}
        %dma_wait3A_94 = arith.constant 0 : i32
        %dma_wait3A_95 = tpu.memref_slice %arg7[%add3A_87, %dma_wait3A_94] : memref<80x128xi32, #tpu.memory_space<vmem>> -> memref<1x128xi32, #tpu.memory_space<vmem>>
        %dma_wait3A_96 = tpu.memref_squeeze %dma_wait3A_95 : memref<1x128xi32, #tpu.memory_space<vmem>> -> memref<128xi32, #tpu.memory_space<vmem>>
        %dma_wait3A_97 = arith.constant 0 : i32
        %dma_wait3A_98 = arith.constant 0 : i32
        %dma_wait3A_99 = tpu.memref_slice %arg11[%dma_wait3A_97, %dma_wait3A_98] : memref<10112x64xf32, #tpu.memory_space<vmem_shared>> -> memref<10112x64xf32, #tpu.memory_space<vmem_shared>>
        tpu.wait_indirect_dma semaphore(%run_scoped3A : memref<!tpu.dma_semaphore, #tpu.memory_space<semaphore_mem>>) src(%arg9 : memref<128x64xf32, #tpu.memory_space<vmem>>) dst(%dma_wait3A_99 : memref<10112x64xf32, #tpu.memory_space<vmem_shared>>)
        tpu.yield
      }) : () -> ()
    }
    %while3A_44 = arith.constant 1 : i32
    scf.for %while3A_52 = %while3A_42 to %while3A_38 step %while3A_44  : i32 {
      %mul3A_53 = arith.constant 2 : i32
      %mul3A_54 = arith.muli %mul3A_53, %while3A_52 : i32
      %add3A_55 = arith.constant 1 : i32
      %add3A_56 = arith.addi %mul3A_54, %add3A_55 : i32
      %dma_start3A_57 = arith.constant 0 : i32
      %dma_start3A_58 = tpu.memref_slice %arg6[%add3A_56, %dma_start3A_57] : memref<80x128xi32, #tpu.memory_space<vmem>> -> memref<1x128xi32, #tpu.memory_space<vmem>>
      %dma_start3A_59 = tpu.memref_squeeze %dma_start3A_58 : memref<1x128xi32, #tpu.memory_space<vmem>> -> memref<128xi32, #tpu.memory_space<vmem>>
      %dma_start3A_60 = arith.constant 0 : i32
      %dma_start3A_61 = arith.constant 0 : i32
      %dma_start3A_62 = tpu.memref_slice %arg2[%dma_start3A_60, %dma_start3A_61] : memref<10112x64xf32, #tpu.memory_space<hbm>> -> memref<10112x64xf32, #tpu.memory_space<hbm>>
      tpu.enqueue_indirect_dma source(%dma_start3A_62 : memref<10112x64xf32, #tpu.memory_space<hbm>>) target(%arg9 : memref<128x64xf32, #tpu.memory_space<vmem>>) offsets(%dma_start3A_59 : memref<128xi32, #tpu.memory_space<vmem>>) semaphore(%arg13 : memref<!tpu.dma_semaphore, #tpu.memory_space<semaphore_mem>>)
      %dma_wait3A_63 = arith.constant 0 : i32
      %dma_wait3A_64 = arith.constant 0 : i32
      %dma_wait3A_65 = tpu.memref_slice %arg6[%dma_wait3A_63, %dma_wait3A_64] : memref<80x128xi32, #tpu.memory_space<vmem>> -> memref<1x128xi32, #tpu.memory_space<vmem>>
      %dma_wait3A_66 = tpu.memref_squeeze %dma_wait3A_65 : memref<1x128xi32, #tpu.memory_space<vmem>> -> memref<128xi32, #tpu.memory_space<vmem>>
      %dma_wait3A_67 = arith.constant 0 : i32
      %dma_wait3A_68 = arith.constant 0 : i32
      %dma_wait3A_69 = tpu.memref_slice %arg2[%dma_wait3A_67, %dma_wait3A_68] : memref<10112x64xf32, #tpu.memory_space<hbm>> -> memref<10112x64xf32, #tpu.memory_space<hbm>>
      tpu.wait_indirect_dma semaphore(%arg12 : memref<!tpu.dma_semaphore, #tpu.memory_space<semaphore_mem>>) src(%dma_wait3A_69 : memref<10112x64xf32, #tpu.memory_space<hbm>>) dst(%arg8 : memref<128x64xf32, #tpu.memory_space<vmem>>)
      "tpu.region"() ({
        %run_scoped3A = tpu.sem_alloc : memref<!tpu.dma_semaphore, #tpu.memory_space<semaphore_mem>>
        %dma_start3A_88 = arith.constant 0 : i32
        %dma_start3A_89 = tpu.memref_slice %arg7[%mul3A_54, %dma_start3A_88] : memref<80x128xi32, #tpu.memory_space<vmem>> -> memref<1x128xi32, #tpu.memory_space<vmem>>
        %dma_start3A_90 = tpu.memref_squeeze %dma_start3A_89 : memref<1x128xi32, #tpu.memory_space<vmem>> -> memref<128xi32, #tpu.memory_space<vmem>>
        %dma_start3A_91 = arith.constant 0 : i32
        %dma_start3A_92 = arith.constant 0 : i32
        %dma_start3A_93 = tpu.memref_slice %arg11[%dma_start3A_91, %dma_start3A_92] : memref<10112x64xf32, #tpu.memory_space<vmem_shared>> -> memref<10112x64xf32, #tpu.memory_space<vmem_shared>>
        tpu.enqueue_indirect_dma source(%arg8 : memref<128x64xf32, #tpu.memory_space<vmem>>) target(%dma_start3A_93 : memref<10112x64xf32, #tpu.memory_space<vmem_shared>>) offsets(%dma_start3A_90 : memref<128xi32, #tpu.memory_space<vmem>>) semaphore(%run_scoped3A : memref<!tpu.dma_semaphore, #tpu.memory_space<semaphore_mem>>) {add = true}
        %dma_wait3A_94 = arith.constant 0 : i32
        %dma_wait3A_95 = tpu.memref_slice %arg7[%mul3A_54, %dma_wait3A_94] : memref<80x128xi32, #tpu.memory_space<vmem>> -> memref<1x128xi32, #tpu.memory_space<vmem>>
        %dma_wait3A_96 = tpu.memref_squeeze %dma_wait3A_95 : memref<1x128xi32, #tpu.memory_space<vmem>> -> memref<128xi32, #tpu.memory_space<vmem>>
        %dma_wait3A_97 = arith.constant 0 : i32
        %dma_wait3A_98 = arith.constant 0 : i32
        %dma_wait3A_99 = tpu.memref_slice %arg11[%dma_wait3A_97, %dma_wait3A_98] : memref<10112x64xf32, #tpu.memory_space<vmem_shared>> -> memref<10112x64xf32, #tpu.memory_space<vmem_shared>>
        tpu.wait_indirect_dma semaphore(%run_scoped3A : memref<!tpu.dma_semaphore, #tpu.memory_space<semaphore_mem>>) src(%arg8 : memref<128x64xf32, #tpu.memory_space<vmem>>) dst(%dma_wait3A_99 : memref<10112x64xf32, #tpu.memory_space<vmem_shared>>)
        tpu.yield
      }) : () -> ()
      %add3A_70 = arith.constant 2 : i32
      %add3A_71 = arith.addi %mul3A_54, %add3A_70 : i32
      %sub3A = arith.constant 1 : i32
      %sub3A_72 = arith.subi %select_n3A_8, %sub3A : i32
      %min3A = arith.minsi %add3A_71, %sub3A_72 : i32
      %dma_start3A_73 = arith.constant 0 : i32
      %dma_start3A_74 = tpu.memref_slice %arg6[%min3A, %dma_start3A_73] : memref<80x128xi32, #tpu.memory_space<vmem>> -> memref<1x128xi32, #tpu.memory_space<vmem>>
      %dma_start3A_75 = tpu.memref_squeeze %dma_start3A_74 : memref<1x128xi32, #tpu.memory_space<vmem>> -> memref<128xi32, #tpu.memory_space<vmem>>
      %dma_start3A_76 = arith.constant 0 : i32
      %dma_start3A_77 = arith.constant 0 : i32
      %dma_start3A_78 = tpu.memref_slice %arg2[%dma_start3A_76, %dma_start3A_77] : memref<10112x64xf32, #tpu.memory_space<hbm>> -> memref<10112x64xf32, #tpu.memory_space<hbm>>
      tpu.enqueue_indirect_dma source(%dma_start3A_78 : memref<10112x64xf32, #tpu.memory_space<hbm>>) target(%arg8 : memref<128x64xf32, #tpu.memory_space<vmem>>) offsets(%dma_start3A_75 : memref<128xi32, #tpu.memory_space<vmem>>) semaphore(%arg12 : memref<!tpu.dma_semaphore, #tpu.memory_space<semaphore_mem>>)
      %dma_wait3A_79 = arith.constant 0 : i32
      %dma_wait3A_80 = arith.constant 0 : i32
      %dma_wait3A_81 = tpu.memref_slice %arg6[%dma_wait3A_79, %dma_wait3A_80] : memref<80x128xi32, #tpu.memory_space<vmem>> -> memref<1x128xi32, #tpu.memory_space<vmem>>
      %dma_wait3A_82 = tpu.memref_squeeze %dma_wait3A_81 : memref<1x128xi32, #tpu.memory_space<vmem>> -> memref<128xi32, #tpu.memory_space<vmem>>
      %dma_wait3A_83 = arith.constant 0 : i32
      %dma_wait3A_84 = arith.constant 0 : i32
      %dma_wait3A_85 = tpu.memref_slice %arg2[%dma_wait3A_83, %dma_wait3A_84] : memref<10112x64xf32, #tpu.memory_space<hbm>> -> memref<10112x64xf32, #tpu.memory_space<hbm>>
      tpu.wait_indirect_dma semaphore(%arg13 : memref<!tpu.dma_semaphore, #tpu.memory_space<semaphore_mem>>) src(%dma_wait3A_85 : memref<10112x64xf32, #tpu.memory_space<hbm>>) dst(%arg9 : memref<128x64xf32, #tpu.memory_space<vmem>>)
      %add3A_86 = arith.constant 1 : i32
      %add3A_87 = arith.addi %mul3A_54, %add3A_86 : i32
      "tpu.region"() ({
        %run_scoped3A = tpu.sem_alloc : memref<!tpu.dma_semaphore, #tpu.memory_space<semaphore_mem>>
        %dma_start3A_88 = arith.constant 0 : i32
        %dma_start3A_89 = tpu.memref_slice %arg7[%add3A_87, %dma_start3A_88] : memref<80x128xi32, #tpu.memory_space<vmem>> -> memref<1x128xi32, #tpu.memory_space<vmem>>
        %dma_start3A_90 = tpu.memref_squeeze %dma_start3A_89 : memref<1x128xi32, #tpu.memory_space<vmem>> -> memref<128xi32, #tpu.memory_space<vmem>>
        %dma_start3A_91 = arith.constant 0 : i32
        %dma_start3A_92 = arith.constant 0 : i32
        %dma_start3A_93 = tpu.memref_slice %arg11[%dma_start3A_91, %dma_start3A_92] : memref<10112x64xf32, #tpu.memory_space<vmem_shared>> -> memref<10112x64xf32, #tpu.memory_space<vmem_shared>>
        tpu.enqueue_indirect_dma source(%arg9 : memref<128x64xf32, #tpu.memory_space<vmem>>) target(%dma_start3A_93 : memref<10112x64xf32, #tpu.memory_space<vmem_shared>>) offsets(%dma_start3A_90 : memref<128xi32, #tpu.memory_space<vmem>>) semaphore(%run_scoped3A : memref<!tpu.dma_semaphore, #tpu.memory_space<semaphore_mem>>) {add = true}
        %dma_wait3A_94 = arith.constant 0 : i32
        %dma_wait3A_95 = tpu.memref_slice %arg7[%add3A_87, %dma_wait3A_94] : memref<80x128xi32, #tpu.memory_space<vmem>> -> memref<1x128xi32, #tpu.memory_space<vmem>>
        %dma_wait3A_96 = tpu.memref_squeeze %dma_wait3A_95 : memref<1x128xi32, #tpu.memory_space<vmem>> -> memref<128xi32, #tpu.memory_space<vmem>>
        %dma_wait3A_97 = arith.constant 0 : i32
        %dma_wait3A_98 = arith.constant 0 : i32
        %dma_wait3A_99 = tpu.memref_slice %arg11[%dma_wait3A_97, %dma_wait3A_98] : memref<10112x64xf32, #tpu.memory_space<vmem_shared>> -> memref<10112x64xf32, #tpu.memory_space<vmem_shared>>
        tpu.wait_indirect_dma semaphore(%run_scoped3A : memref<!tpu.dma_semaphore, #tpu.memory_space<semaphore_mem>>) src(%arg9 : memref<128x64xf32, #tpu.memory_space<vmem>>) dst(%dma_wait3A_99 : memref<10112x64xf32, #tpu.memory_space<vmem_shared>>)
        tpu.yield
      }) : () -> ()
    }
    %dma_wait3A = arith.constant 0 : i32
    %dma_wait3A_45 = arith.constant 0 : i32
    %dma_wait3A_46 = tpu.memref_slice %arg6[%dma_wait3A, %dma_wait3A_45] : memref<80x128xi32, #tpu.memory_space<vmem>> -> memref<1x128xi32, #tpu.memory_space<vmem>>
    %dma_wait3A_47 = tpu.memref_squeeze %dma_wait3A_46 : memref<1x128xi32, #tpu.memory_space<vmem>> -> memref<128xi32, #tpu.memory_space<vmem>>
    %dma_wait3A_48 = arith.constant 0 : i32
    %dma_wait3A_49 = arith.constant 0 : i32
    %dma_wait3A_50 = tpu.memref_slice %arg2[%dma_wait3A_48, %dma_wait3A_49] : memref<10112x64xf32, #tpu.memory_space<hbm>> -> memref<10112x64xf32, #tpu.memory_space<hbm>>
    tpu.wait_indirect_dma semaphore(%arg12 : memref<!tpu.dma_semaphore, #tpu.memory_space<semaphore_mem>>) src(%dma_wait3A_50 : memref<10112x64xf32, #tpu.memory_space<hbm>>) dst(%arg8 : memref<128x64xf32, #tpu.memory_space<vmem>>)
    %barrier3A_51 = arith.constant 0 : index
    tpu.barrier barrier_id(%barrier3A_51)
    "tpu.region"() ({
      %run_scoped3A = tpu.sem_alloc : memref<!tpu.dma_semaphore, #tpu.memory_space<semaphore_mem>>
      %dma_start3A_52 = arith.constant 0 : i32
      %dma_start3A_53 = tpu.memref_slice %arg5[%arg0, %mul3A_20, %dma_start3A_52] : memref<2x10112x64xf32, #tpu.memory_space<hbm>> -> memref<1x632x64xf32, #tpu.memory_space<hbm>>
      %dma_start3A_54 = tpu.memref_squeeze %dma_start3A_53 : memref<1x632x64xf32, #tpu.memory_space<hbm>> -> memref<632x64xf32, #tpu.memory_space<hbm>>
      %dma_start3A_55 = arith.constant 0 : i32
      %dma_start3A_56 = tpu.memref_slice %arg11[%mul3A_20, %dma_start3A_55] : memref<10112x64xf32, #tpu.memory_space<vmem_shared>> -> memref<632x64xf32, #tpu.memory_space<vmem_shared>>
      tpu.enqueue_dma source(%dma_start3A_56 : memref<632x64xf32, #tpu.memory_space<vmem_shared>>) target(%dma_start3A_54 : memref<632x64xf32, #tpu.memory_space<hbm>>) target_semaphore(%run_scoped3A : memref<!tpu.dma_semaphore, #tpu.memory_space<semaphore_mem>>)
      %dma_wait3A_57 = arith.constant 0 : i32
      %dma_wait3A_58 = tpu.memref_slice %arg5[%arg0, %mul3A_20, %dma_wait3A_57] : memref<2x10112x64xf32, #tpu.memory_space<hbm>> -> memref<1x632x64xf32, #tpu.memory_space<hbm>>
      %dma_wait3A_59 = tpu.memref_squeeze %dma_wait3A_58 : memref<1x632x64xf32, #tpu.memory_space<hbm>> -> memref<632x64xf32, #tpu.memory_space<hbm>>
      %dma_wait3A_60 = arith.constant 0 : i32
      %dma_wait3A_61 = tpu.memref_slice %arg11[%mul3A_20, %dma_wait3A_60] : memref<10112x64xf32, #tpu.memory_space<vmem_shared>> -> memref<632x64xf32, #tpu.memory_space<vmem_shared>>
      tpu.wait_dma2 semaphore(%run_scoped3A : memref<!tpu.dma_semaphore, #tpu.memory_space<semaphore_mem>>) src(%dma_wait3A_61 : memref<632x64xf32, #tpu.memory_space<vmem_shared>>) dst(%dma_wait3A_59 : memref<632x64xf32, #tpu.memory_space<hbm>>)
      tpu.yield
    }) : () -> ()
    return
  }
}

#map = affine_map<(d0, d1) -> (0, 0)>
#map1 = affine_map<(d0, d1) -> (0, 0, 0)>
module attributes {stable_mosaic.version = 14 : i64} {
  func.func @agg_kernel(%arg0: i32, %arg1: i32, %arg2: memref<10112x64xf32, #tpu.memory_space<hbm>>, %arg3: memref<2640x128xi32, #tpu.memory_space<hbm>>, %arg4: memref<2640x128xi32, #tpu.memory_space<hbm>>, %arg5: memref<2x10112x64xf32, #tpu.memory_space<hbm>>, %arg6: memref<2x10112x16xf32, #tpu.memory_space<hbm>>, %arg7: memref<80x128xi32, #tpu.memory_space<vmem>>, %arg8: memref<80x128xi32, #tpu.memory_space<vmem>>, %arg9: memref<128x64xf32, #tpu.memory_space<vmem>>, %arg10: memref<128x64xf32, #tpu.memory_space<vmem>>, %arg11: memref<128x64xf32, #tpu.memory_space<vmem>>, %arg12: memref<10112x64xf32, #tpu.memory_space<vmem_shared>>, %arg13: memref<!tpu.dma_semaphore, #tpu.memory_space<semaphore_mem>>, %arg14: memref<!tpu.dma_semaphore, #tpu.memory_space<semaphore_mem>>, %arg15: memref<128x16xf32, #tpu.memory_space<vmem>>, %arg16: memref<128x16xf32, #tpu.memory_space<vmem>>, %arg17: memref<10112x16xf32, #tpu.memory_space<vmem_shared>>) attributes {dimension_semantics = [#tpu.dimension_semantics<core_parallel>, #tpu.dimension_semantics<subcore_parallel>], iteration_bounds = array<i64: 2, 16>, scalar_prefetch = 0 : i64, scratch_operands = 11 : i64, tpu.core_type = #tpu.core_type<sc_vector_subcore>, window_params = [{transform_indices = #map}, {transform_indices = #map}, {transform_indices = #map}, {transform_indices = #map1}, {transform_indices = #map1}]} {
    %eq3A = arith.constant 0 : i32
    %eq3A_0 = arith.cmpi eq, %arg0, %eq3A : i32
    %mul3A = arith.constant 80 : i32
    %mul3A_1 = arith.muli %arg1, %mul3A : i32
    %mul3A_2 = arith.constant 80 : i32
    %mul3A_3 = arith.muli %arg1, %mul3A_2 : i32
    %add3A = arith.constant 1280 : i32
    %add3A_4 = arith.addi %add3A, %mul3A_3 : i32
    %select_n3A = arith.select %eq3A_0, %mul3A_1, %add3A_4 : i32
    %eq3A_5 = arith.constant 0 : i32
    %eq3A_6 = arith.cmpi eq, %arg0, %eq3A_5 : i32
    %jit3A = arith.constant 80 : i32
    %jit3A_7 = arith.constant 80 : i32
    %select_n3A_8 = arith.select %eq3A_6, %jit3A, %jit3A_7 : i32
    %eq3A_9 = arith.constant 0 : i32
    %eq3A_10 = arith.cmpi eq, %arg0, %eq3A_9 : i32
    %jit3A_11 = arith.constant 40 : i32
    %jit3A_12 = arith.constant 40 : i32
    %select_n3A_13 = arith.select %eq3A_10, %jit3A_11, %jit3A_12 : i32
    %broadcast_in_dim3A = arith.constant 0.000000e+00 : f32
    %broadcast_in_dim3A_14 = vector.broadcast %broadcast_in_dim3A : f32 to vector<16xf32>
    %scan3A = arith.constant 0 : i32
    %scan3A_15 = arith.constant 128 : i32
    %scan3A_16 = arith.addi %scan3A, %scan3A_15 : i32
    %scan3A_17 = arith.constant 1 : i32
    scf.for %scan3A_76 = %scan3A to %scan3A_16 step %scan3A_17  : i32 {
      %scan3A_77 = arith.constant 0 : i32
      %scan3A_78 = arith.constant 4 : i32
      %scan3A_79 = arith.addi %scan3A_77, %scan3A_78 : i32
      %scan3A_80 = arith.constant 1 : i32
      scf.for %scan3A_82 = %scan3A_77 to %scan3A_79 step %scan3A_80  : i32 {
        %mul3A_83 = arith.constant 16 : i32
        %mul3A_84 = arith.muli %scan3A_82, %mul3A_83 : i32
        %swap3A = arith.index_cast %scan3A_76 : i32 to index
        %swap3A_85 = arith.index_cast %mul3A_84 : i32 to index
        %swap3A_86 = tpu.vector_load %arg11[%swap3A, %swap3A_85] {strides = array<i32>} : memref<128x64xf32, #tpu.memory_space<vmem>>, vector<1x16xf32>,
        %swap3A_87 = vector.shape_cast %swap3A_86 : vector<1x16xf32> to vector<16xf32>
        %swap3A_88 = vector.shape_cast %broadcast_in_dim3A_14 : vector<16xf32> to vector<1x16xf32>
        tpu.vector_store %arg11[%swap3A, %swap3A_85], %swap3A_88 {strides = array<i32>} : memref<128x64xf32, #tpu.memory_space<vmem>>, vector<1x16xf32>,
      }
      %scan3A_81 = arith.constant 4 : i32
    }
    %scan3A_18 = arith.constant 128 : i32
    %mul3A_19 = arith.constant 632 : i32
    %mul3A_20 = arith.muli %arg1, %mul3A_19 : i32
    %add3A_21 = arith.constant 0 : i32
    %add3A_22 = arith.addi %mul3A_20, %add3A_21 : i32
    "tpu.region"() ({
      %run_scoped3A = tpu.sem_alloc : memref<!tpu.dma_semaphore, #tpu.memory_space<semaphore_mem>>
      %dma_start3A_76 = arith.constant 0 : i32
      %dma_start3A_77 = tpu.memref_slice %arg12[%add3A_22, %dma_start3A_76] : memref<10112x64xf32, #tpu.memory_space<vmem_shared>> -> memref<128x64xf32, #tpu.memory_space<vmem_shared>>
      %dma_start3A_78 = arith.constant 0 : i32
      %dma_start3A_79 = tpu.memref_slice %arg12[%add3A_22, %dma_start3A_78] : memref<10112x64xf32, #tpu.memory_space<vmem_shared>> -> memref<128x64xf32, #tpu.memory_space<vmem_shared>>
      tpu.enqueue_dma source(%arg11 : memref<128x64xf32, #tpu.memory_space<vmem>>) target(%dma_start3A_79 : memref<128x64xf32, #tpu.memory_space<vmem_shared>>) target_semaphore(%run_scoped3A : memref<!tpu.dma_semaphore, #tpu.memory_space<semaphore_mem>>)
      %dma_wait3A_80 = arith.constant 0 : i32
      %dma_wait3A_81 = tpu.memref_slice %arg12[%add3A_22, %dma_wait3A_80] : memref<10112x64xf32, #tpu.memory_space<vmem_shared>> -> memref<128x64xf32, #tpu.memory_space<vmem_shared>>
      %dma_wait3A_82 = arith.constant 0 : i32
      %dma_wait3A_83 = tpu.memref_slice %arg12[%add3A_22, %dma_wait3A_82] : memref<10112x64xf32, #tpu.memory_space<vmem_shared>> -> memref<128x64xf32, #tpu.memory_space<vmem_shared>>
      tpu.wait_dma2 semaphore(%run_scoped3A : memref<!tpu.dma_semaphore, #tpu.memory_space<semaphore_mem>>) src(%arg11 : memref<128x64xf32, #tpu.memory_space<vmem>>) dst(%dma_wait3A_83 : memref<128x64xf32, #tpu.memory_space<vmem_shared>>)
      tpu.yield
    }) : () -> ()
    %add3A_23 = arith.constant 128 : i32
    %add3A_24 = arith.addi %mul3A_20, %add3A_23 : i32
    "tpu.region"() ({
      %run_scoped3A = tpu.sem_alloc : memref<!tpu.dma_semaphore, #tpu.memory_space<semaphore_mem>>
      %dma_start3A_76 = arith.constant 0 : i32
      %dma_start3A_77 = tpu.memref_slice %arg12[%add3A_24, %dma_start3A_76] : memref<10112x64xf32, #tpu.memory_space<vmem_shared>> -> memref<128x64xf32, #tpu.memory_space<vmem_shared>>
      %dma_start3A_78 = arith.constant 0 : i32
      %dma_start3A_79 = tpu.memref_slice %arg12[%add3A_24, %dma_start3A_78] : memref<10112x64xf32, #tpu.memory_space<vmem_shared>> -> memref<128x64xf32, #tpu.memory_space<vmem_shared>>
      tpu.enqueue_dma source(%arg11 : memref<128x64xf32, #tpu.memory_space<vmem>>) target(%dma_start3A_79 : memref<128x64xf32, #tpu.memory_space<vmem_shared>>) target_semaphore(%run_scoped3A : memref<!tpu.dma_semaphore, #tpu.memory_space<semaphore_mem>>)
      %dma_wait3A_80 = arith.constant 0 : i32
      %dma_wait3A_81 = tpu.memref_slice %arg12[%add3A_24, %dma_wait3A_80] : memref<10112x64xf32, #tpu.memory_space<vmem_shared>> -> memref<128x64xf32, #tpu.memory_space<vmem_shared>>
      %dma_wait3A_82 = arith.constant 0 : i32
      %dma_wait3A_83 = tpu.memref_slice %arg12[%add3A_24, %dma_wait3A_82] : memref<10112x64xf32, #tpu.memory_space<vmem_shared>> -> memref<128x64xf32, #tpu.memory_space<vmem_shared>>
      tpu.wait_dma2 semaphore(%run_scoped3A : memref<!tpu.dma_semaphore, #tpu.memory_space<semaphore_mem>>) src(%arg11 : memref<128x64xf32, #tpu.memory_space<vmem>>) dst(%dma_wait3A_83 : memref<128x64xf32, #tpu.memory_space<vmem_shared>>)
      tpu.yield
    }) : () -> ()
    %add3A_25 = arith.constant 256 : i32
    %add3A_26 = arith.addi %mul3A_20, %add3A_25 : i32
    "tpu.region"() ({
      %run_scoped3A = tpu.sem_alloc : memref<!tpu.dma_semaphore, #tpu.memory_space<semaphore_mem>>
      %dma_start3A_76 = arith.constant 0 : i32
      %dma_start3A_77 = tpu.memref_slice %arg12[%add3A_26, %dma_start3A_76] : memref<10112x64xf32, #tpu.memory_space<vmem_shared>> -> memref<128x64xf32, #tpu.memory_space<vmem_shared>>
      %dma_start3A_78 = arith.constant 0 : i32
      %dma_start3A_79 = tpu.memref_slice %arg12[%add3A_26, %dma_start3A_78] : memref<10112x64xf32, #tpu.memory_space<vmem_shared>> -> memref<128x64xf32, #tpu.memory_space<vmem_shared>>
      tpu.enqueue_dma source(%arg11 : memref<128x64xf32, #tpu.memory_space<vmem>>) target(%dma_start3A_79 : memref<128x64xf32, #tpu.memory_space<vmem_shared>>) target_semaphore(%run_scoped3A : memref<!tpu.dma_semaphore, #tpu.memory_space<semaphore_mem>>)
      %dma_wait3A_80 = arith.constant 0 : i32
      %dma_wait3A_81 = tpu.memref_slice %arg12[%add3A_26, %dma_wait3A_80] : memref<10112x64xf32, #tpu.memory_space<vmem_shared>> -> memref<128x64xf32, #tpu.memory_space<vmem_shared>>
      %dma_wait3A_82 = arith.constant 0 : i32
      %dma_wait3A_83 = tpu.memref_slice %arg12[%add3A_26, %dma_wait3A_82] : memref<10112x64xf32, #tpu.memory_space<vmem_shared>> -> memref<128x64xf32, #tpu.memory_space<vmem_shared>>
      tpu.wait_dma2 semaphore(%run_scoped3A : memref<!tpu.dma_semaphore, #tpu.memory_space<semaphore_mem>>) src(%arg11 : memref<128x64xf32, #tpu.memory_space<vmem>>) dst(%dma_wait3A_83 : memref<128x64xf32, #tpu.memory_space<vmem_shared>>)
      tpu.yield
    }) : () -> ()
    %add3A_27 = arith.constant 384 : i32
    %add3A_28 = arith.addi %mul3A_20, %add3A_27 : i32
    "tpu.region"() ({
      %run_scoped3A = tpu.sem_alloc : memref<!tpu.dma_semaphore, #tpu.memory_space<semaphore_mem>>
      %dma_start3A_76 = arith.constant 0 : i32
      %dma_start3A_77 = tpu.memref_slice %arg12[%add3A_28, %dma_start3A_76] : memref<10112x64xf32, #tpu.memory_space<vmem_shared>> -> memref<128x64xf32, #tpu.memory_space<vmem_shared>>
      %dma_start3A_78 = arith.constant 0 : i32
      %dma_start3A_79 = tpu.memref_slice %arg12[%add3A_28, %dma_start3A_78] : memref<10112x64xf32, #tpu.memory_space<vmem_shared>> -> memref<128x64xf32, #tpu.memory_space<vmem_shared>>
      tpu.enqueue_dma source(%arg11 : memref<128x64xf32, #tpu.memory_space<vmem>>) target(%dma_start3A_79 : memref<128x64xf32, #tpu.memory_space<vmem_shared>>) target_semaphore(%run_scoped3A : memref<!tpu.dma_semaphore, #tpu.memory_space<semaphore_mem>>)
      %dma_wait3A_80 = arith.constant 0 : i32
      %dma_wait3A_81 = tpu.memref_slice %arg12[%add3A_28, %dma_wait3A_80] : memref<10112x64xf32, #tpu.memory_space<vmem_shared>> -> memref<128x64xf32, #tpu.memory_space<vmem_shared>>
      %dma_wait3A_82 = arith.constant 0 : i32
      %dma_wait3A_83 = tpu.memref_slice %arg12[%add3A_28, %dma_wait3A_82] : memref<10112x64xf32, #tpu.memory_space<vmem_shared>> -> memref<128x64xf32, #tpu.memory_space<vmem_shared>>
      tpu.wait_dma2 semaphore(%run_scoped3A : memref<!tpu.dma_semaphore, #tpu.memory_space<semaphore_mem>>) src(%arg11 : memref<128x64xf32, #tpu.memory_space<vmem>>) dst(%dma_wait3A_83 : memref<128x64xf32, #tpu.memory_space<vmem_shared>>)
      tpu.yield
    }) : () -> ()
    %add3A_29 = arith.constant 512 : i32
    %add3A_30 = arith.addi %mul3A_20, %add3A_29 : i32
    "tpu.region"() ({
      %run_scoped3A = tpu.sem_alloc : memref<!tpu.dma_semaphore, #tpu.memory_space<semaphore_mem>>
      %dma_start3A_76 = arith.constant 0 : i32
      %dma_start3A_77 = arith.constant 0 : i32
      %dma_start3A_78 = tpu.memref_slice %arg11[%dma_start3A_76, %dma_start3A_77] : memref<128x64xf32, #tpu.memory_space<vmem>> -> memref<120x64xf32, #tpu.memory_space<vmem>>
      %dma_start3A_79 = arith.constant 0 : i32
      %dma_start3A_80 = tpu.memref_slice %arg12[%add3A_30, %dma_start3A_79] : memref<10112x64xf32, #tpu.memory_space<vmem_shared>> -> memref<120x64xf32, #tpu.memory_space<vmem_shared>>
      %dma_start3A_81 = arith.constant 0 : i32
      %dma_start3A_82 = tpu.memref_slice %arg12[%add3A_30, %dma_start3A_81] : memref<10112x64xf32, #tpu.memory_space<vmem_shared>> -> memref<120x64xf32, #tpu.memory_space<vmem_shared>>
      %dma_start3A_83 = arith.constant 0 : i32
      %dma_start3A_84 = arith.constant 0 : i32
      %dma_start3A_85 = tpu.memref_slice %arg11[%dma_start3A_83, %dma_start3A_84] : memref<128x64xf32, #tpu.memory_space<vmem>> -> memref<120x64xf32, #tpu.memory_space<vmem>>
      tpu.enqueue_dma source(%dma_start3A_85 : memref<120x64xf32, #tpu.memory_space<vmem>>) target(%dma_start3A_82 : memref<120x64xf32, #tpu.memory_space<vmem_shared>>) target_semaphore(%run_scoped3A : memref<!tpu.dma_semaphore, #tpu.memory_space<semaphore_mem>>)
      %dma_wait3A_86 = arith.constant 0 : i32
      %dma_wait3A_87 = arith.constant 0 : i32
      %dma_wait3A_88 = tpu.memref_slice %arg11[%dma_wait3A_86, %dma_wait3A_87] : memref<128x64xf32, #tpu.memory_space<vmem>> -> memref<120x64xf32, #tpu.memory_space<vmem>>
      %dma_wait3A_89 = arith.constant 0 : i32
      %dma_wait3A_90 = tpu.memref_slice %arg12[%add3A_30, %dma_wait3A_89] : memref<10112x64xf32, #tpu.memory_space<vmem_shared>> -> memref<120x64xf32, #tpu.memory_space<vmem_shared>>
      %dma_wait3A_91 = arith.constant 0 : i32
      %dma_wait3A_92 = tpu.memref_slice %arg12[%add3A_30, %dma_wait3A_91] : memref<10112x64xf32, #tpu.memory_space<vmem_shared>> -> memref<120x64xf32, #tpu.memory_space<vmem_shared>>
      %dma_wait3A_93 = arith.constant 0 : i32
      %dma_wait3A_94 = arith.constant 0 : i32
      %dma_wait3A_95 = tpu.memref_slice %arg11[%dma_wait3A_93, %dma_wait3A_94] : memref<128x64xf32, #tpu.memory_space<vmem>> -> memref<120x64xf32, #tpu.memory_space<vmem>>
      tpu.wait_dma2 semaphore(%run_scoped3A : memref<!tpu.dma_semaphore, #tpu.memory_space<semaphore_mem>>) src(%dma_wait3A_95 : memref<120x64xf32, #tpu.memory_space<vmem>>) dst(%dma_wait3A_92 : memref<120x64xf32, #tpu.memory_space<vmem_shared>>)
      tpu.yield
    }) : () -> ()
    %broadcast_in_dim3A_31 = arith.constant 1.000000e+00 : f32
    %broadcast_in_dim3A_32 = vector.broadcast %broadcast_in_dim3A_31 : f32 to vector<16xf32>
    %scan3A_33 = arith.constant 0 : i32
    %scan3A_34 = arith.constant 128 : i32
    %scan3A_35 = arith.addi %scan3A_33, %scan3A_34 : i32
    %scan3A_36 = arith.constant 1 : i32
    scf.for %scan3A_76 = %scan3A_33 to %scan3A_35 step %scan3A_36  : i32 {
      %scan3A_77 = arith.constant 0 : i32
      %mul3A_78 = arith.constant 16 : i32
      %mul3A_79 = arith.muli %scan3A_77, %mul3A_78 : i32
      %swap3A = arith.index_cast %scan3A_76 : i32 to index
      %swap3A_80 = arith.index_cast %mul3A_79 : i32 to index
      %swap3A_81 = tpu.vector_load %arg15[%swap3A, %swap3A_80] {strides = array<i32>} : memref<128x16xf32, #tpu.memory_space<vmem>>, vector<1x16xf32>,
      %swap3A_82 = vector.shape_cast %swap3A_81 : vector<1x16xf32> to vector<16xf32>
      %swap3A_83 = vector.shape_cast %broadcast_in_dim3A_32 : vector<16xf32> to vector<1x16xf32>
      tpu.vector_store %arg15[%swap3A, %swap3A_80], %swap3A_83 {strides = array<i32>} : memref<128x16xf32, #tpu.memory_space<vmem>>, vector<1x16xf32>,
      %scan3A_84 = arith.constant 1 : i32
    }
    %scan3A_37 = arith.constant 128 : i32
    %broadcast_in_dim3A_38 = arith.constant 0.000000e+00 : f32
    %broadcast_in_dim3A_39 = vector.broadcast %broadcast_in_dim3A_38 : f32 to vector<16xf32>
    %scan3A_40 = arith.constant 0 : i32
    %scan3A_41 = arith.constant 128 : i32
    %scan3A_42 = arith.addi %scan3A_40, %scan3A_41 : i32
    %scan3A_43 = arith.constant 1 : i32
    scf.for %scan3A_76 = %scan3A_40 to %scan3A_42 step %scan3A_43  : i32 {
      %scan3A_77 = arith.constant 0 : i32
      %mul3A_78 = arith.constant 16 : i32
      %mul3A_79 = arith.muli %scan3A_77, %mul3A_78 : i32
      %swap3A = arith.index_cast %scan3A_76 : i32 to index
      %swap3A_80 = arith.index_cast %mul3A_79 : i32 to index
      %swap3A_81 = tpu.vector_load %arg16[%swap3A, %swap3A_80] {strides = array<i32>} : memref<128x16xf32, #tpu.memory_space<vmem>>, vector<1x16xf32>,
      %swap3A_82 = vector.shape_cast %swap3A_81 : vector<1x16xf32> to vector<16xf32>
      %swap3A_83 = vector.shape_cast %broadcast_in_dim3A_39 : vector<16xf32> to vector<1x16xf32>
      tpu.vector_store %arg16[%swap3A, %swap3A_80], %swap3A_83 {strides = array<i32>} : memref<128x16xf32, #tpu.memory_space<vmem>>, vector<1x16xf32>,
      %scan3A_84 = arith.constant 1 : i32
    }
    %scan3A_44 = arith.constant 128 : i32
    %add3A_45 = arith.constant 0 : i32
    %add3A_46 = arith.addi %mul3A_20, %add3A_45 : i32
    "tpu.region"() ({
      %run_scoped3A = tpu.sem_alloc : memref<!tpu.dma_semaphore, #tpu.memory_space<semaphore_mem>>
      %dma_start3A_76 = arith.constant 0 : i32
      %dma_start3A_77 = tpu.memref_slice %arg17[%add3A_46, %dma_start3A_76] : memref<10112x16xf32, #tpu.memory_space<vmem_shared>> -> memref<128x16xf32, #tpu.memory_space<vmem_shared>>
      %dma_start3A_78 = arith.constant 0 : i32
      %dma_start3A_79 = tpu.memref_slice %arg17[%add3A_46, %dma_start3A_78] : memref<10112x16xf32, #tpu.memory_space<vmem_shared>> -> memref<128x16xf32, #tpu.memory_space<vmem_shared>>
      tpu.enqueue_dma source(%arg16 : memref<128x16xf32, #tpu.memory_space<vmem>>) target(%dma_start3A_79 : memref<128x16xf32, #tpu.memory_space<vmem_shared>>) target_semaphore(%run_scoped3A : memref<!tpu.dma_semaphore, #tpu.memory_space<semaphore_mem>>)
      %dma_wait3A_80 = arith.constant 0 : i32
      %dma_wait3A_81 = tpu.memref_slice %arg17[%add3A_46, %dma_wait3A_80] : memref<10112x16xf32, #tpu.memory_space<vmem_shared>> -> memref<128x16xf32, #tpu.memory_space<vmem_shared>>
      %dma_wait3A_82 = arith.constant 0 : i32
      %dma_wait3A_83 = tpu.memref_slice %arg17[%add3A_46, %dma_wait3A_82] : memref<10112x16xf32, #tpu.memory_space<vmem_shared>> -> memref<128x16xf32, #tpu.memory_space<vmem_shared>>
      tpu.wait_dma2 semaphore(%run_scoped3A : memref<!tpu.dma_semaphore, #tpu.memory_space<semaphore_mem>>) src(%arg16 : memref<128x16xf32, #tpu.memory_space<vmem>>) dst(%dma_wait3A_83 : memref<128x16xf32, #tpu.memory_space<vmem_shared>>)
      tpu.yield
    }) : () -> ()
    %add3A_47 = arith.constant 128 : i32
    %add3A_48 = arith.addi %mul3A_20, %add3A_47 : i32
    "tpu.region"() ({
      %run_scoped3A = tpu.sem_alloc : memref<!tpu.dma_semaphore, #tpu.memory_space<semaphore_mem>>
      %dma_start3A_76 = arith.constant 0 : i32
      %dma_start3A_77 = tpu.memref_slice %arg17[%add3A_48, %dma_start3A_76] : memref<10112x16xf32, #tpu.memory_space<vmem_shared>> -> memref<128x16xf32, #tpu.memory_space<vmem_shared>>
      %dma_start3A_78 = arith.constant 0 : i32
      %dma_start3A_79 = tpu.memref_slice %arg17[%add3A_48, %dma_start3A_78] : memref<10112x16xf32, #tpu.memory_space<vmem_shared>> -> memref<128x16xf32, #tpu.memory_space<vmem_shared>>
      tpu.enqueue_dma source(%arg16 : memref<128x16xf32, #tpu.memory_space<vmem>>) target(%dma_start3A_79 : memref<128x16xf32, #tpu.memory_space<vmem_shared>>) target_semaphore(%run_scoped3A : memref<!tpu.dma_semaphore, #tpu.memory_space<semaphore_mem>>)
      %dma_wait3A_80 = arith.constant 0 : i32
      %dma_wait3A_81 = tpu.memref_slice %arg17[%add3A_48, %dma_wait3A_80] : memref<10112x16xf32, #tpu.memory_space<vmem_shared>> -> memref<128x16xf32, #tpu.memory_space<vmem_shared>>
      %dma_wait3A_82 = arith.constant 0 : i32
      %dma_wait3A_83 = tpu.memref_slice %arg17[%add3A_48, %dma_wait3A_82] : memref<10112x16xf32, #tpu.memory_space<vmem_shared>> -> memref<128x16xf32, #tpu.memory_space<vmem_shared>>
      tpu.wait_dma2 semaphore(%run_scoped3A : memref<!tpu.dma_semaphore, #tpu.memory_space<semaphore_mem>>) src(%arg16 : memref<128x16xf32, #tpu.memory_space<vmem>>) dst(%dma_wait3A_83 : memref<128x16xf32, #tpu.memory_space<vmem_shared>>)
      tpu.yield
    }) : () -> ()
    %add3A_49 = arith.constant 256 : i32
    %add3A_50 = arith.addi %mul3A_20, %add3A_49 : i32
    "tpu.region"() ({
      %run_scoped3A = tpu.sem_alloc : memref<!tpu.dma_semaphore, #tpu.memory_space<semaphore_mem>>
      %dma_start3A_76 = arith.constant 0 : i32
      %dma_start3A_77 = tpu.memref_slice %arg17[%add3A_50, %dma_start3A_76] : memref<10112x16xf32, #tpu.memory_space<vmem_shared>> -> memref<128x16xf32, #tpu.memory_space<vmem_shared>>
      %dma_start3A_78 = arith.constant 0 : i32
      %dma_start3A_79 = tpu.memref_slice %arg17[%add3A_50, %dma_start3A_78] : memref<10112x16xf32, #tpu.memory_space<vmem_shared>> -> memref<128x16xf32, #tpu.memory_space<vmem_shared>>
      tpu.enqueue_dma source(%arg16 : memref<128x16xf32, #tpu.memory_space<vmem>>) target(%dma_start3A_79 : memref<128x16xf32, #tpu.memory_space<vmem_shared>>) target_semaphore(%run_scoped3A : memref<!tpu.dma_semaphore, #tpu.memory_space<semaphore_mem>>)
      %dma_wait3A_80 = arith.constant 0 : i32
      %dma_wait3A_81 = tpu.memref_slice %arg17[%add3A_50, %dma_wait3A_80] : memref<10112x16xf32, #tpu.memory_space<vmem_shared>> -> memref<128x16xf32, #tpu.memory_space<vmem_shared>>
      %dma_wait3A_82 = arith.constant 0 : i32
      %dma_wait3A_83 = tpu.memref_slice %arg17[%add3A_50, %dma_wait3A_82] : memref<10112x16xf32, #tpu.memory_space<vmem_shared>> -> memref<128x16xf32, #tpu.memory_space<vmem_shared>>
      tpu.wait_dma2 semaphore(%run_scoped3A : memref<!tpu.dma_semaphore, #tpu.memory_space<semaphore_mem>>) src(%arg16 : memref<128x16xf32, #tpu.memory_space<vmem>>) dst(%dma_wait3A_83 : memref<128x16xf32, #tpu.memory_space<vmem_shared>>)
      tpu.yield
    }) : () -> ()
    %add3A_51 = arith.constant 384 : i32
    %add3A_52 = arith.addi %mul3A_20, %add3A_51 : i32
    "tpu.region"() ({
      %run_scoped3A = tpu.sem_alloc : memref<!tpu.dma_semaphore, #tpu.memory_space<semaphore_mem>>
      %dma_start3A_76 = arith.constant 0 : i32
      %dma_start3A_77 = tpu.memref_slice %arg17[%add3A_52, %dma_start3A_76] : memref<10112x16xf32, #tpu.memory_space<vmem_shared>> -> memref<128x16xf32, #tpu.memory_space<vmem_shared>>
      %dma_start3A_78 = arith.constant 0 : i32
      %dma_start3A_79 = tpu.memref_slice %arg17[%add3A_52, %dma_start3A_78] : memref<10112x16xf32, #tpu.memory_space<vmem_shared>> -> memref<128x16xf32, #tpu.memory_space<vmem_shared>>
      tpu.enqueue_dma source(%arg16 : memref<128x16xf32, #tpu.memory_space<vmem>>) target(%dma_start3A_79 : memref<128x16xf32, #tpu.memory_space<vmem_shared>>) target_semaphore(%run_scoped3A : memref<!tpu.dma_semaphore, #tpu.memory_space<semaphore_mem>>)
      %dma_wait3A_80 = arith.constant 0 : i32
      %dma_wait3A_81 = tpu.memref_slice %arg17[%add3A_52, %dma_wait3A_80] : memref<10112x16xf32, #tpu.memory_space<vmem_shared>> -> memref<128x16xf32, #tpu.memory_space<vmem_shared>>
      %dma_wait3A_82 = arith.constant 0 : i32
      %dma_wait3A_83 = tpu.memref_slice %arg17[%add3A_52, %dma_wait3A_82] : memref<10112x16xf32, #tpu.memory_space<vmem_shared>> -> memref<128x16xf32, #tpu.memory_space<vmem_shared>>
      tpu.wait_dma2 semaphore(%run_scoped3A : memref<!tpu.dma_semaphore, #tpu.memory_space<semaphore_mem>>) src(%arg16 : memref<128x16xf32, #tpu.memory_space<vmem>>) dst(%dma_wait3A_83 : memref<128x16xf32, #tpu.memory_space<vmem_shared>>)
      tpu.yield
    }) : () -> ()
    %add3A_53 = arith.constant 512 : i32
    %add3A_54 = arith.addi %mul3A_20, %add3A_53 : i32
    "tpu.region"() ({
      %run_scoped3A = tpu.sem_alloc : memref<!tpu.dma_semaphore, #tpu.memory_space<semaphore_mem>>
      %dma_start3A_76 = arith.constant 0 : i32
      %dma_start3A_77 = arith.constant 0 : i32
      %dma_start3A_78 = tpu.memref_slice %arg16[%dma_start3A_76, %dma_start3A_77] : memref<128x16xf32, #tpu.memory_space<vmem>> -> memref<120x16xf32, #tpu.memory_space<vmem>>
      %dma_start3A_79 = arith.constant 0 : i32
      %dma_start3A_80 = tpu.memref_slice %arg17[%add3A_54, %dma_start3A_79] : memref<10112x16xf32, #tpu.memory_space<vmem_shared>> -> memref<120x16xf32, #tpu.memory_space<vmem_shared>>
      %dma_start3A_81 = arith.constant 0 : i32
      %dma_start3A_82 = tpu.memref_slice %arg17[%add3A_54, %dma_start3A_81] : memref<10112x16xf32, #tpu.memory_space<vmem_shared>> -> memref<120x16xf32, #tpu.memory_space<vmem_shared>>
      %dma_start3A_83 = arith.constant 0 : i32
      %dma_start3A_84 = arith.constant 0 : i32
      %dma_start3A_85 = tpu.memref_slice %arg16[%dma_start3A_83, %dma_start3A_84] : memref<128x16xf32, #tpu.memory_space<vmem>> -> memref<120x16xf32, #tpu.memory_space<vmem>>
      tpu.enqueue_dma source(%dma_start3A_85 : memref<120x16xf32, #tpu.memory_space<vmem>>) target(%dma_start3A_82 : memref<120x16xf32, #tpu.memory_space<vmem_shared>>) target_semaphore(%run_scoped3A : memref<!tpu.dma_semaphore, #tpu.memory_space<semaphore_mem>>)
      %dma_wait3A_86 = arith.constant 0 : i32
      %dma_wait3A_87 = arith.constant 0 : i32
      %dma_wait3A_88 = tpu.memref_slice %arg16[%dma_wait3A_86, %dma_wait3A_87] : memref<128x16xf32, #tpu.memory_space<vmem>> -> memref<120x16xf32, #tpu.memory_space<vmem>>
      %dma_wait3A_89 = arith.constant 0 : i32
      %dma_wait3A_90 = tpu.memref_slice %arg17[%add3A_54, %dma_wait3A_89] : memref<10112x16xf32, #tpu.memory_space<vmem_shared>> -> memref<120x16xf32, #tpu.memory_space<vmem_shared>>
      %dma_wait3A_91 = arith.constant 0 : i32
      %dma_wait3A_92 = tpu.memref_slice %arg17[%add3A_54, %dma_wait3A_91] : memref<10112x16xf32, #tpu.memory_space<vmem_shared>> -> memref<120x16xf32, #tpu.memory_space<vmem_shared>>
      %dma_wait3A_93 = arith.constant 0 : i32
      %dma_wait3A_94 = arith.constant 0 : i32
      %dma_wait3A_95 = tpu.memref_slice %arg16[%dma_wait3A_93, %dma_wait3A_94] : memref<128x16xf32, #tpu.memory_space<vmem>> -> memref<120x16xf32, #tpu.memory_space<vmem>>
      tpu.wait_dma2 semaphore(%run_scoped3A : memref<!tpu.dma_semaphore, #tpu.memory_space<semaphore_mem>>) src(%dma_wait3A_95 : memref<120x16xf32, #tpu.memory_space<vmem>>) dst(%dma_wait3A_92 : memref<120x16xf32, #tpu.memory_space<vmem_shared>>)
      tpu.yield
    }) : () -> ()
    %barrier3A = arith.constant 0 : index
    tpu.barrier barrier_id(%barrier3A)
    "tpu.region"() ({
      %run_scoped3A = tpu.sem_alloc : memref<!tpu.dma_semaphore, #tpu.memory_space<semaphore_mem>>
      %dma_start3A_76 = arith.constant 0 : i32
      %dma_start3A_77 = tpu.memref_slice %arg3[%select_n3A, %dma_start3A_76] : memref<2640x128xi32, #tpu.memory_space<hbm>> -> memref<80x128xi32, #tpu.memory_space<hbm>>
      %dma_start3A_78 = arith.constant 0 : i32
      %dma_start3A_79 = tpu.memref_slice %arg3[%select_n3A, %dma_start3A_78] : memref<2640x128xi32, #tpu.memory_space<hbm>> -> memref<80x128xi32, #tpu.memory_space<hbm>>
      tpu.enqueue_dma source(%dma_start3A_79 : memref<80x128xi32, #tpu.memory_space<hbm>>) target(%arg7 : memref<80x128xi32, #tpu.memory_space<vmem>>) target_semaphore(%run_scoped3A : memref<!tpu.dma_semaphore, #tpu.memory_space<semaphore_mem>>)
      %dma_wait3A_80 = arith.constant 0 : i32
      %dma_wait3A_81 = tpu.memref_slice %arg3[%select_n3A, %dma_wait3A_80] : memref<2640x128xi32, #tpu.memory_space<hbm>> -> memref<80x128xi32, #tpu.memory_space<hbm>>
      %dma_wait3A_82 = arith.constant 0 : i32
      %dma_wait3A_83 = tpu.memref_slice %arg3[%select_n3A, %dma_wait3A_82] : memref<2640x128xi32, #tpu.memory_space<hbm>> -> memref<80x128xi32, #tpu.memory_space<hbm>>
      tpu.wait_dma2 semaphore(%run_scoped3A : memref<!tpu.dma_semaphore, #tpu.memory_space<semaphore_mem>>) src(%dma_wait3A_83 : memref<80x128xi32, #tpu.memory_space<hbm>>) dst(%arg7 : memref<80x128xi32, #tpu.memory_space<vmem>>)
      tpu.yield
    }) : () -> ()
    "tpu.region"() ({
      %run_scoped3A = tpu.sem_alloc : memref<!tpu.dma_semaphore, #tpu.memory_space<semaphore_mem>>
      %dma_start3A_76 = arith.constant 0 : i32
      %dma_start3A_77 = tpu.memref_slice %arg4[%select_n3A, %dma_start3A_76] : memref<2640x128xi32, #tpu.memory_space<hbm>> -> memref<80x128xi32, #tpu.memory_space<hbm>>
      %dma_start3A_78 = arith.constant 0 : i32
      %dma_start3A_79 = tpu.memref_slice %arg4[%select_n3A, %dma_start3A_78] : memref<2640x128xi32, #tpu.memory_space<hbm>> -> memref<80x128xi32, #tpu.memory_space<hbm>>
      tpu.enqueue_dma source(%dma_start3A_79 : memref<80x128xi32, #tpu.memory_space<hbm>>) target(%arg8 : memref<80x128xi32, #tpu.memory_space<vmem>>) target_semaphore(%run_scoped3A : memref<!tpu.dma_semaphore, #tpu.memory_space<semaphore_mem>>)
      %dma_wait3A_80 = arith.constant 0 : i32
      %dma_wait3A_81 = tpu.memref_slice %arg4[%select_n3A, %dma_wait3A_80] : memref<2640x128xi32, #tpu.memory_space<hbm>> -> memref<80x128xi32, #tpu.memory_space<hbm>>
      %dma_wait3A_82 = arith.constant 0 : i32
      %dma_wait3A_83 = tpu.memref_slice %arg4[%select_n3A, %dma_wait3A_82] : memref<2640x128xi32, #tpu.memory_space<hbm>> -> memref<80x128xi32, #tpu.memory_space<hbm>>
      tpu.wait_dma2 semaphore(%run_scoped3A : memref<!tpu.dma_semaphore, #tpu.memory_space<semaphore_mem>>) src(%dma_wait3A_83 : memref<80x128xi32, #tpu.memory_space<hbm>>) dst(%arg8 : memref<80x128xi32, #tpu.memory_space<vmem>>)
      tpu.yield
    }) : () -> ()
    %dma_start3A = arith.constant 0 : i32
    %dma_start3A_55 = arith.constant 0 : i32
    %dma_start3A_56 = tpu.memref_slice %arg7[%dma_start3A, %dma_start3A_55] : memref<80x128xi32, #tpu.memory_space<vmem>> -> memref<1x128xi32, #tpu.memory_space<vmem>>
    %dma_start3A_57 = tpu.memref_squeeze %dma_start3A_56 : memref<1x128xi32, #tpu.memory_space<vmem>> -> memref<128xi32, #tpu.memory_space<vmem>>
    %dma_start3A_58 = arith.constant 0 : i32
    %dma_start3A_59 = arith.constant 0 : i32
    %dma_start3A_60 = tpu.memref_slice %arg2[%dma_start3A_58, %dma_start3A_59] : memref<10112x64xf32, #tpu.memory_space<hbm>> -> memref<10112x64xf32, #tpu.memory_space<hbm>>
    tpu.enqueue_indirect_dma source(%dma_start3A_60 : memref<10112x64xf32, #tpu.memory_space<hbm>>) target(%arg9 : memref<128x64xf32, #tpu.memory_space<vmem>>) offsets(%dma_start3A_57 : memref<128xi32, #tpu.memory_space<vmem>>) semaphore(%arg13 : memref<!tpu.dma_semaphore, #tpu.memory_space<semaphore_mem>>)
    %while3A = arith.constant 0 : i32
    %while3A_61 = arith.subi %select_n3A_13, %while3A : i32
    %while3A_62 = arith.addi %while3A, %while3A_61 : i32
    %while3A_63 = arith.constant 1 : i32
    %while3A_64 = arith.divsi %while3A_61, %while3A_63 : i32
    %while3A_65 = arith.muli %while3A_64, %while3A_63 : i32
    %while3A_66 = arith.addi %while3A, %while3A_65 : i32
    %while3A_67 = arith.constant 1 : i32
    scf.for %while3A_76 = %while3A to %while3A_66 step %while3A_67  : i32 {
      %mul3A_77 = arith.constant 2 : i32
      %mul3A_78 = arith.muli %mul3A_77, %while3A_76 : i32
      %add3A_79 = arith.constant 1 : i32
      %add3A_80 = arith.addi %mul3A_78, %add3A_79 : i32
      %dma_start3A_81 = arith.constant 0 : i32
      %dma_start3A_82 = tpu.memref_slice %arg7[%add3A_80, %dma_start3A_81] : memref<80x128xi32, #tpu.memory_space<vmem>> -> memref<1x128xi32, #tpu.memory_space<vmem>>
      %dma_start3A_83 = tpu.memref_squeeze %dma_start3A_82 : memref<1x128xi32, #tpu.memory_space<vmem>> -> memref<128xi32, #tpu.memory_space<vmem>>
      %dma_start3A_84 = arith.constant 0 : i32
      %dma_start3A_85 = arith.constant 0 : i32
      %dma_start3A_86 = tpu.memref_slice %arg2[%dma_start3A_84, %dma_start3A_85] : memref<10112x64xf32, #tpu.memory_space<hbm>> -> memref<10112x64xf32, #tpu.memory_space<hbm>>
      tpu.enqueue_indirect_dma source(%dma_start3A_86 : memref<10112x64xf32, #tpu.memory_space<hbm>>) target(%arg10 : memref<128x64xf32, #tpu.memory_space<vmem>>) offsets(%dma_start3A_83 : memref<128xi32, #tpu.memory_space<vmem>>) semaphore(%arg14 : memref<!tpu.dma_semaphore, #tpu.memory_space<semaphore_mem>>)
      %dma_wait3A_87 = arith.constant 0 : i32
      %dma_wait3A_88 = arith.constant 0 : i32
      %dma_wait3A_89 = tpu.memref_slice %arg7[%dma_wait3A_87, %dma_wait3A_88] : memref<80x128xi32, #tpu.memory_space<vmem>> -> memref<1x128xi32, #tpu.memory_space<vmem>>
      %dma_wait3A_90 = tpu.memref_squeeze %dma_wait3A_89 : memref<1x128xi32, #tpu.memory_space<vmem>> -> memref<128xi32, #tpu.memory_space<vmem>>
      %dma_wait3A_91 = arith.constant 0 : i32
      %dma_wait3A_92 = arith.constant 0 : i32
      %dma_wait3A_93 = tpu.memref_slice %arg2[%dma_wait3A_91, %dma_wait3A_92] : memref<10112x64xf32, #tpu.memory_space<hbm>> -> memref<10112x64xf32, #tpu.memory_space<hbm>>
      tpu.wait_indirect_dma semaphore(%arg13 : memref<!tpu.dma_semaphore, #tpu.memory_space<semaphore_mem>>) src(%dma_wait3A_93 : memref<10112x64xf32, #tpu.memory_space<hbm>>) dst(%arg9 : memref<128x64xf32, #tpu.memory_space<vmem>>)
      "tpu.region"() ({
        %run_scoped3A = tpu.sem_alloc : memref<!tpu.dma_semaphore, #tpu.memory_space<semaphore_mem>>
        %dma_start3A_112 = arith.constant 0 : i32
        %dma_start3A_113 = tpu.memref_slice %arg8[%mul3A_78, %dma_start3A_112] : memref<80x128xi32, #tpu.memory_space<vmem>> -> memref<1x128xi32, #tpu.memory_space<vmem>>
        %dma_start3A_114 = tpu.memref_squeeze %dma_start3A_113 : memref<1x128xi32, #tpu.memory_space<vmem>> -> memref<128xi32, #tpu.memory_space<vmem>>
        %dma_start3A_115 = arith.constant 0 : i32
        %dma_start3A_116 = arith.constant 0 : i32
        %dma_start3A_117 = tpu.memref_slice %arg12[%dma_start3A_115, %dma_start3A_116] : memref<10112x64xf32, #tpu.memory_space<vmem_shared>> -> memref<10112x64xf32, #tpu.memory_space<vmem_shared>>
        tpu.enqueue_indirect_dma source(%arg9 : memref<128x64xf32, #tpu.memory_space<vmem>>) target(%dma_start3A_117 : memref<10112x64xf32, #tpu.memory_space<vmem_shared>>) offsets(%dma_start3A_114 : memref<128xi32, #tpu.memory_space<vmem>>) semaphore(%run_scoped3A : memref<!tpu.dma_semaphore, #tpu.memory_space<semaphore_mem>>) {add = true}
        %dma_wait3A_118 = arith.constant 0 : i32
        %dma_wait3A_119 = tpu.memref_slice %arg8[%mul3A_78, %dma_wait3A_118] : memref<80x128xi32, #tpu.memory_space<vmem>> -> memref<1x128xi32, #tpu.memory_space<vmem>>
        %dma_wait3A_120 = tpu.memref_squeeze %dma_wait3A_119 : memref<1x128xi32, #tpu.memory_space<vmem>> -> memref<128xi32, #tpu.memory_space<vmem>>
        %dma_wait3A_121 = arith.constant 0 : i32
        %dma_wait3A_122 = arith.constant 0 : i32
        %dma_wait3A_123 = tpu.memref_slice %arg12[%dma_wait3A_121, %dma_wait3A_122] : memref<10112x64xf32, #tpu.memory_space<vmem_shared>> -> memref<10112x64xf32, #tpu.memory_space<vmem_shared>>
        tpu.wait_indirect_dma semaphore(%run_scoped3A : memref<!tpu.dma_semaphore, #tpu.memory_space<semaphore_mem>>) src(%arg9 : memref<128x64xf32, #tpu.memory_space<vmem>>) dst(%dma_wait3A_123 : memref<10112x64xf32, #tpu.memory_space<vmem_shared>>)
        tpu.yield
      }) : () -> ()
      "tpu.region"() ({
        %run_scoped3A = tpu.sem_alloc : memref<!tpu.dma_semaphore, #tpu.memory_space<semaphore_mem>>
        %dma_start3A_112 = arith.constant 0 : i32
        %dma_start3A_113 = tpu.memref_slice %arg8[%mul3A_78, %dma_start3A_112] : memref<80x128xi32, #tpu.memory_space<vmem>> -> memref<1x128xi32, #tpu.memory_space<vmem>>
        %dma_start3A_114 = tpu.memref_squeeze %dma_start3A_113 : memref<1x128xi32, #tpu.memory_space<vmem>> -> memref<128xi32, #tpu.memory_space<vmem>>
        %dma_start3A_115 = arith.constant 0 : i32
        %dma_start3A_116 = arith.constant 0 : i32
        %dma_start3A_117 = tpu.memref_slice %arg17[%dma_start3A_115, %dma_start3A_116] : memref<10112x16xf32, #tpu.memory_space<vmem_shared>> -> memref<10112x16xf32, #tpu.memory_space<vmem_shared>>
        tpu.enqueue_indirect_dma source(%arg15 : memref<128x16xf32, #tpu.memory_space<vmem>>) target(%dma_start3A_117 : memref<10112x16xf32, #tpu.memory_space<vmem_shared>>) offsets(%dma_start3A_114 : memref<128xi32, #tpu.memory_space<vmem>>) semaphore(%run_scoped3A : memref<!tpu.dma_semaphore, #tpu.memory_space<semaphore_mem>>) {add = true}
        %dma_wait3A_118 = arith.constant 0 : i32
        %dma_wait3A_119 = tpu.memref_slice %arg8[%mul3A_78, %dma_wait3A_118] : memref<80x128xi32, #tpu.memory_space<vmem>> -> memref<1x128xi32, #tpu.memory_space<vmem>>
        %dma_wait3A_120 = tpu.memref_squeeze %dma_wait3A_119 : memref<1x128xi32, #tpu.memory_space<vmem>> -> memref<128xi32, #tpu.memory_space<vmem>>
        %dma_wait3A_121 = arith.constant 0 : i32
        %dma_wait3A_122 = arith.constant 0 : i32
        %dma_wait3A_123 = tpu.memref_slice %arg17[%dma_wait3A_121, %dma_wait3A_122] : memref<10112x16xf32, #tpu.memory_space<vmem_shared>> -> memref<10112x16xf32, #tpu.memory_space<vmem_shared>>
        tpu.wait_indirect_dma semaphore(%run_scoped3A : memref<!tpu.dma_semaphore, #tpu.memory_space<semaphore_mem>>) src(%arg15 : memref<128x16xf32, #tpu.memory_space<vmem>>) dst(%dma_wait3A_123 : memref<10112x16xf32, #tpu.memory_space<vmem_shared>>)
        tpu.yield
      }) : () -> ()
      %add3A_94 = arith.constant 2 : i32
      %add3A_95 = arith.addi %mul3A_78, %add3A_94 : i32
      %sub3A = arith.constant 1 : i32
      %sub3A_96 = arith.subi %select_n3A_8, %sub3A : i32
      %min3A = arith.minsi %add3A_95, %sub3A_96 : i32
      %dma_start3A_97 = arith.constant 0 : i32
      %dma_start3A_98 = tpu.memref_slice %arg7[%min3A, %dma_start3A_97] : memref<80x128xi32, #tpu.memory_space<vmem>> -> memref<1x128xi32, #tpu.memory_space<vmem>>
      %dma_start3A_99 = tpu.memref_squeeze %dma_start3A_98 : memref<1x128xi32, #tpu.memory_space<vmem>> -> memref<128xi32, #tpu.memory_space<vmem>>
      %dma_start3A_100 = arith.constant 0 : i32
      %dma_start3A_101 = arith.constant 0 : i32
      %dma_start3A_102 = tpu.memref_slice %arg2[%dma_start3A_100, %dma_start3A_101] : memref<10112x64xf32, #tpu.memory_space<hbm>> -> memref<10112x64xf32, #tpu.memory_space<hbm>>
      tpu.enqueue_indirect_dma source(%dma_start3A_102 : memref<10112x64xf32, #tpu.memory_space<hbm>>) target(%arg9 : memref<128x64xf32, #tpu.memory_space<vmem>>) offsets(%dma_start3A_99 : memref<128xi32, #tpu.memory_space<vmem>>) semaphore(%arg13 : memref<!tpu.dma_semaphore, #tpu.memory_space<semaphore_mem>>)
      %dma_wait3A_103 = arith.constant 0 : i32
      %dma_wait3A_104 = arith.constant 0 : i32
      %dma_wait3A_105 = tpu.memref_slice %arg7[%dma_wait3A_103, %dma_wait3A_104] : memref<80x128xi32, #tpu.memory_space<vmem>> -> memref<1x128xi32, #tpu.memory_space<vmem>>
      %dma_wait3A_106 = tpu.memref_squeeze %dma_wait3A_105 : memref<1x128xi32, #tpu.memory_space<vmem>> -> memref<128xi32, #tpu.memory_space<vmem>>
      %dma_wait3A_107 = arith.constant 0 : i32
      %dma_wait3A_108 = arith.constant 0 : i32
      %dma_wait3A_109 = tpu.memref_slice %arg2[%dma_wait3A_107, %dma_wait3A_108] : memref<10112x64xf32, #tpu.memory_space<hbm>> -> memref<10112x64xf32, #tpu.memory_space<hbm>>
      tpu.wait_indirect_dma semaphore(%arg14 : memref<!tpu.dma_semaphore, #tpu.memory_space<semaphore_mem>>) src(%dma_wait3A_109 : memref<10112x64xf32, #tpu.memory_space<hbm>>) dst(%arg10 : memref<128x64xf32, #tpu.memory_space<vmem>>)
      %add3A_110 = arith.constant 1 : i32
      %add3A_111 = arith.addi %mul3A_78, %add3A_110 : i32
      "tpu.region"() ({
        %run_scoped3A = tpu.sem_alloc : memref<!tpu.dma_semaphore, #tpu.memory_space<semaphore_mem>>
        %dma_start3A_112 = arith.constant 0 : i32
        %dma_start3A_113 = tpu.memref_slice %arg8[%add3A_111, %dma_start3A_112] : memref<80x128xi32, #tpu.memory_space<vmem>> -> memref<1x128xi32, #tpu.memory_space<vmem>>
        %dma_start3A_114 = tpu.memref_squeeze %dma_start3A_113 : memref<1x128xi32, #tpu.memory_space<vmem>> -> memref<128xi32, #tpu.memory_space<vmem>>
        %dma_start3A_115 = arith.constant 0 : i32
        %dma_start3A_116 = arith.constant 0 : i32
        %dma_start3A_117 = tpu.memref_slice %arg12[%dma_start3A_115, %dma_start3A_116] : memref<10112x64xf32, #tpu.memory_space<vmem_shared>> -> memref<10112x64xf32, #tpu.memory_space<vmem_shared>>
        tpu.enqueue_indirect_dma source(%arg10 : memref<128x64xf32, #tpu.memory_space<vmem>>) target(%dma_start3A_117 : memref<10112x64xf32, #tpu.memory_space<vmem_shared>>) offsets(%dma_start3A_114 : memref<128xi32, #tpu.memory_space<vmem>>) semaphore(%run_scoped3A : memref<!tpu.dma_semaphore, #tpu.memory_space<semaphore_mem>>) {add = true}
        %dma_wait3A_118 = arith.constant 0 : i32
        %dma_wait3A_119 = tpu.memref_slice %arg8[%add3A_111, %dma_wait3A_118] : memref<80x128xi32, #tpu.memory_space<vmem>> -> memref<1x128xi32, #tpu.memory_space<vmem>>
        %dma_wait3A_120 = tpu.memref_squeeze %dma_wait3A_119 : memref<1x128xi32, #tpu.memory_space<vmem>> -> memref<128xi32, #tpu.memory_space<vmem>>
        %dma_wait3A_121 = arith.constant 0 : i32
        %dma_wait3A_122 = arith.constant 0 : i32
        %dma_wait3A_123 = tpu.memref_slice %arg12[%dma_wait3A_121, %dma_wait3A_122] : memref<10112x64xf32, #tpu.memory_space<vmem_shared>> -> memref<10112x64xf32, #tpu.memory_space<vmem_shared>>
        tpu.wait_indirect_dma semaphore(%run_scoped3A : memref<!tpu.dma_semaphore, #tpu.memory_space<semaphore_mem>>) src(%arg10 : memref<128x64xf32, #tpu.memory_space<vmem>>) dst(%dma_wait3A_123 : memref<10112x64xf32, #tpu.memory_space<vmem_shared>>)
        tpu.yield
      }) : () -> ()
      "tpu.region"() ({
        %run_scoped3A = tpu.sem_alloc : memref<!tpu.dma_semaphore, #tpu.memory_space<semaphore_mem>>
        %dma_start3A_112 = arith.constant 0 : i32
        %dma_start3A_113 = tpu.memref_slice %arg8[%add3A_111, %dma_start3A_112] : memref<80x128xi32, #tpu.memory_space<vmem>> -> memref<1x128xi32, #tpu.memory_space<vmem>>
        %dma_start3A_114 = tpu.memref_squeeze %dma_start3A_113 : memref<1x128xi32, #tpu.memory_space<vmem>> -> memref<128xi32, #tpu.memory_space<vmem>>
        %dma_start3A_115 = arith.constant 0 : i32
        %dma_start3A_116 = arith.constant 0 : i32
        %dma_start3A_117 = tpu.memref_slice %arg17[%dma_start3A_115, %dma_start3A_116] : memref<10112x16xf32, #tpu.memory_space<vmem_shared>> -> memref<10112x16xf32, #tpu.memory_space<vmem_shared>>
        tpu.enqueue_indirect_dma source(%arg15 : memref<128x16xf32, #tpu.memory_space<vmem>>) target(%dma_start3A_117 : memref<10112x16xf32, #tpu.memory_space<vmem_shared>>) offsets(%dma_start3A_114 : memref<128xi32, #tpu.memory_space<vmem>>) semaphore(%run_scoped3A : memref<!tpu.dma_semaphore, #tpu.memory_space<semaphore_mem>>) {add = true}
        %dma_wait3A_118 = arith.constant 0 : i32
        %dma_wait3A_119 = tpu.memref_slice %arg8[%add3A_111, %dma_wait3A_118] : memref<80x128xi32, #tpu.memory_space<vmem>> -> memref<1x128xi32, #tpu.memory_space<vmem>>
        %dma_wait3A_120 = tpu.memref_squeeze %dma_wait3A_119 : memref<1x128xi32, #tpu.memory_space<vmem>> -> memref<128xi32, #tpu.memory_space<vmem>>
        %dma_wait3A_121 = arith.constant 0 : i32
        %dma_wait3A_122 = arith.constant 0 : i32
        %dma_wait3A_123 = tpu.memref_slice %arg17[%dma_wait3A_121, %dma_wait3A_122] : memref<10112x16xf32, #tpu.memory_space<vmem_shared>> -> memref<10112x16xf32, #tpu.memory_space<vmem_shared>>
        tpu.wait_indirect_dma semaphore(%run_scoped3A : memref<!tpu.dma_semaphore, #tpu.memory_space<semaphore_mem>>) src(%arg15 : memref<128x16xf32, #tpu.memory_space<vmem>>) dst(%dma_wait3A_123 : memref<10112x16xf32, #tpu.memory_space<vmem_shared>>)
        tpu.yield
      }) : () -> ()
    }
    %while3A_68 = arith.constant 1 : i32
    scf.for %while3A_76 = %while3A_66 to %while3A_62 step %while3A_68  : i32 {
      %mul3A_77 = arith.constant 2 : i32
      %mul3A_78 = arith.muli %mul3A_77, %while3A_76 : i32
      %add3A_79 = arith.constant 1 : i32
      %add3A_80 = arith.addi %mul3A_78, %add3A_79 : i32
      %dma_start3A_81 = arith.constant 0 : i32
      %dma_start3A_82 = tpu.memref_slice %arg7[%add3A_80, %dma_start3A_81] : memref<80x128xi32, #tpu.memory_space<vmem>> -> memref<1x128xi32, #tpu.memory_space<vmem>>
      %dma_start3A_83 = tpu.memref_squeeze %dma_start3A_82 : memref<1x128xi32, #tpu.memory_space<vmem>> -> memref<128xi32, #tpu.memory_space<vmem>>
      %dma_start3A_84 = arith.constant 0 : i32
      %dma_start3A_85 = arith.constant 0 : i32
      %dma_start3A_86 = tpu.memref_slice %arg2[%dma_start3A_84, %dma_start3A_85] : memref<10112x64xf32, #tpu.memory_space<hbm>> -> memref<10112x64xf32, #tpu.memory_space<hbm>>
      tpu.enqueue_indirect_dma source(%dma_start3A_86 : memref<10112x64xf32, #tpu.memory_space<hbm>>) target(%arg10 : memref<128x64xf32, #tpu.memory_space<vmem>>) offsets(%dma_start3A_83 : memref<128xi32, #tpu.memory_space<vmem>>) semaphore(%arg14 : memref<!tpu.dma_semaphore, #tpu.memory_space<semaphore_mem>>)
      %dma_wait3A_87 = arith.constant 0 : i32
      %dma_wait3A_88 = arith.constant 0 : i32
      %dma_wait3A_89 = tpu.memref_slice %arg7[%dma_wait3A_87, %dma_wait3A_88] : memref<80x128xi32, #tpu.memory_space<vmem>> -> memref<1x128xi32, #tpu.memory_space<vmem>>
      %dma_wait3A_90 = tpu.memref_squeeze %dma_wait3A_89 : memref<1x128xi32, #tpu.memory_space<vmem>> -> memref<128xi32, #tpu.memory_space<vmem>>
      %dma_wait3A_91 = arith.constant 0 : i32
      %dma_wait3A_92 = arith.constant 0 : i32
      %dma_wait3A_93 = tpu.memref_slice %arg2[%dma_wait3A_91, %dma_wait3A_92] : memref<10112x64xf32, #tpu.memory_space<hbm>> -> memref<10112x64xf32, #tpu.memory_space<hbm>>
      tpu.wait_indirect_dma semaphore(%arg13 : memref<!tpu.dma_semaphore, #tpu.memory_space<semaphore_mem>>) src(%dma_wait3A_93 : memref<10112x64xf32, #tpu.memory_space<hbm>>) dst(%arg9 : memref<128x64xf32, #tpu.memory_space<vmem>>)
      "tpu.region"() ({
        %run_scoped3A = tpu.sem_alloc : memref<!tpu.dma_semaphore, #tpu.memory_space<semaphore_mem>>
        %dma_start3A_112 = arith.constant 0 : i32
        %dma_start3A_113 = tpu.memref_slice %arg8[%mul3A_78, %dma_start3A_112] : memref<80x128xi32, #tpu.memory_space<vmem>> -> memref<1x128xi32, #tpu.memory_space<vmem>>
        %dma_start3A_114 = tpu.memref_squeeze %dma_start3A_113 : memref<1x128xi32, #tpu.memory_space<vmem>> -> memref<128xi32, #tpu.memory_space<vmem>>
        %dma_start3A_115 = arith.constant 0 : i32
        %dma_start3A_116 = arith.constant 0 : i32
        %dma_start3A_117 = tpu.memref_slice %arg12[%dma_start3A_115, %dma_start3A_116] : memref<10112x64xf32, #tpu.memory_space<vmem_shared>> -> memref<10112x64xf32, #tpu.memory_space<vmem_shared>>
        tpu.enqueue_indirect_dma source(%arg9 : memref<128x64xf32, #tpu.memory_space<vmem>>) target(%dma_start3A_117 : memref<10112x64xf32, #tpu.memory_space<vmem_shared>>) offsets(%dma_start3A_114 : memref<128xi32, #tpu.memory_space<vmem>>) semaphore(%run_scoped3A : memref<!tpu.dma_semaphore, #tpu.memory_space<semaphore_mem>>) {add = true}
        %dma_wait3A_118 = arith.constant 0 : i32
        %dma_wait3A_119 = tpu.memref_slice %arg8[%mul3A_78, %dma_wait3A_118] : memref<80x128xi32, #tpu.memory_space<vmem>> -> memref<1x128xi32, #tpu.memory_space<vmem>>
        %dma_wait3A_120 = tpu.memref_squeeze %dma_wait3A_119 : memref<1x128xi32, #tpu.memory_space<vmem>> -> memref<128xi32, #tpu.memory_space<vmem>>
        %dma_wait3A_121 = arith.constant 0 : i32
        %dma_wait3A_122 = arith.constant 0 : i32
        %dma_wait3A_123 = tpu.memref_slice %arg12[%dma_wait3A_121, %dma_wait3A_122] : memref<10112x64xf32, #tpu.memory_space<vmem_shared>> -> memref<10112x64xf32, #tpu.memory_space<vmem_shared>>
        tpu.wait_indirect_dma semaphore(%run_scoped3A : memref<!tpu.dma_semaphore, #tpu.memory_space<semaphore_mem>>) src(%arg9 : memref<128x64xf32, #tpu.memory_space<vmem>>) dst(%dma_wait3A_123 : memref<10112x64xf32, #tpu.memory_space<vmem_shared>>)
        tpu.yield
      }) : () -> ()
      "tpu.region"() ({
        %run_scoped3A = tpu.sem_alloc : memref<!tpu.dma_semaphore, #tpu.memory_space<semaphore_mem>>
        %dma_start3A_112 = arith.constant 0 : i32
        %dma_start3A_113 = tpu.memref_slice %arg8[%mul3A_78, %dma_start3A_112] : memref<80x128xi32, #tpu.memory_space<vmem>> -> memref<1x128xi32, #tpu.memory_space<vmem>>
        %dma_start3A_114 = tpu.memref_squeeze %dma_start3A_113 : memref<1x128xi32, #tpu.memory_space<vmem>> -> memref<128xi32, #tpu.memory_space<vmem>>
        %dma_start3A_115 = arith.constant 0 : i32
        %dma_start3A_116 = arith.constant 0 : i32
        %dma_start3A_117 = tpu.memref_slice %arg17[%dma_start3A_115, %dma_start3A_116] : memref<10112x16xf32, #tpu.memory_space<vmem_shared>> -> memref<10112x16xf32, #tpu.memory_space<vmem_shared>>
        tpu.enqueue_indirect_dma source(%arg15 : memref<128x16xf32, #tpu.memory_space<vmem>>) target(%dma_start3A_117 : memref<10112x16xf32, #tpu.memory_space<vmem_shared>>) offsets(%dma_start3A_114 : memref<128xi32, #tpu.memory_space<vmem>>) semaphore(%run_scoped3A : memref<!tpu.dma_semaphore, #tpu.memory_space<semaphore_mem>>) {add = true}
        %dma_wait3A_118 = arith.constant 0 : i32
        %dma_wait3A_119 = tpu.memref_slice %arg8[%mul3A_78, %dma_wait3A_118] : memref<80x128xi32, #tpu.memory_space<vmem>> -> memref<1x128xi32, #tpu.memory_space<vmem>>
        %dma_wait3A_120 = tpu.memref_squeeze %dma_wait3A_119 : memref<1x128xi32, #tpu.memory_space<vmem>> -> memref<128xi32, #tpu.memory_space<vmem>>
        %dma_wait3A_121 = arith.constant 0 : i32
        %dma_wait3A_122 = arith.constant 0 : i32
        %dma_wait3A_123 = tpu.memref_slice %arg17[%dma_wait3A_121, %dma_wait3A_122] : memref<10112x16xf32, #tpu.memory_space<vmem_shared>> -> memref<10112x16xf32, #tpu.memory_space<vmem_shared>>
        tpu.wait_indirect_dma semaphore(%run_scoped3A : memref<!tpu.dma_semaphore, #tpu.memory_space<semaphore_mem>>) src(%arg15 : memref<128x16xf32, #tpu.memory_space<vmem>>) dst(%dma_wait3A_123 : memref<10112x16xf32, #tpu.memory_space<vmem_shared>>)
        tpu.yield
      }) : () -> ()
      %add3A_94 = arith.constant 2 : i32
      %add3A_95 = arith.addi %mul3A_78, %add3A_94 : i32
      %sub3A = arith.constant 1 : i32
      %sub3A_96 = arith.subi %select_n3A_8, %sub3A : i32
      %min3A = arith.minsi %add3A_95, %sub3A_96 : i32
      %dma_start3A_97 = arith.constant 0 : i32
      %dma_start3A_98 = tpu.memref_slice %arg7[%min3A, %dma_start3A_97] : memref<80x128xi32, #tpu.memory_space<vmem>> -> memref<1x128xi32, #tpu.memory_space<vmem>>
      %dma_start3A_99 = tpu.memref_squeeze %dma_start3A_98 : memref<1x128xi32, #tpu.memory_space<vmem>> -> memref<128xi32, #tpu.memory_space<vmem>>
      %dma_start3A_100 = arith.constant 0 : i32
      %dma_start3A_101 = arith.constant 0 : i32
      %dma_start3A_102 = tpu.memref_slice %arg2[%dma_start3A_100, %dma_start3A_101] : memref<10112x64xf32, #tpu.memory_space<hbm>> -> memref<10112x64xf32, #tpu.memory_space<hbm>>
      tpu.enqueue_indirect_dma source(%dma_start3A_102 : memref<10112x64xf32, #tpu.memory_space<hbm>>) target(%arg9 : memref<128x64xf32, #tpu.memory_space<vmem>>) offsets(%dma_start3A_99 : memref<128xi32, #tpu.memory_space<vmem>>) semaphore(%arg13 : memref<!tpu.dma_semaphore, #tpu.memory_space<semaphore_mem>>)
      %dma_wait3A_103 = arith.constant 0 : i32
      %dma_wait3A_104 = arith.constant 0 : i32
      %dma_wait3A_105 = tpu.memref_slice %arg7[%dma_wait3A_103, %dma_wait3A_104] : memref<80x128xi32, #tpu.memory_space<vmem>> -> memref<1x128xi32, #tpu.memory_space<vmem>>
      %dma_wait3A_106 = tpu.memref_squeeze %dma_wait3A_105 : memref<1x128xi32, #tpu.memory_space<vmem>> -> memref<128xi32, #tpu.memory_space<vmem>>
      %dma_wait3A_107 = arith.constant 0 : i32
      %dma_wait3A_108 = arith.constant 0 : i32
      %dma_wait3A_109 = tpu.memref_slice %arg2[%dma_wait3A_107, %dma_wait3A_108] : memref<10112x64xf32, #tpu.memory_space<hbm>> -> memref<10112x64xf32, #tpu.memory_space<hbm>>
      tpu.wait_indirect_dma semaphore(%arg14 : memref<!tpu.dma_semaphore, #tpu.memory_space<semaphore_mem>>) src(%dma_wait3A_109 : memref<10112x64xf32, #tpu.memory_space<hbm>>) dst(%arg10 : memref<128x64xf32, #tpu.memory_space<vmem>>)
      %add3A_110 = arith.constant 1 : i32
      %add3A_111 = arith.addi %mul3A_78, %add3A_110 : i32
      "tpu.region"() ({
        %run_scoped3A = tpu.sem_alloc : memref<!tpu.dma_semaphore, #tpu.memory_space<semaphore_mem>>
        %dma_start3A_112 = arith.constant 0 : i32
        %dma_start3A_113 = tpu.memref_slice %arg8[%add3A_111, %dma_start3A_112] : memref<80x128xi32, #tpu.memory_space<vmem>> -> memref<1x128xi32, #tpu.memory_space<vmem>>
        %dma_start3A_114 = tpu.memref_squeeze %dma_start3A_113 : memref<1x128xi32, #tpu.memory_space<vmem>> -> memref<128xi32, #tpu.memory_space<vmem>>
        %dma_start3A_115 = arith.constant 0 : i32
        %dma_start3A_116 = arith.constant 0 : i32
        %dma_start3A_117 = tpu.memref_slice %arg12[%dma_start3A_115, %dma_start3A_116] : memref<10112x64xf32, #tpu.memory_space<vmem_shared>> -> memref<10112x64xf32, #tpu.memory_space<vmem_shared>>
        tpu.enqueue_indirect_dma source(%arg10 : memref<128x64xf32, #tpu.memory_space<vmem>>) target(%dma_start3A_117 : memref<10112x64xf32, #tpu.memory_space<vmem_shared>>) offsets(%dma_start3A_114 : memref<128xi32, #tpu.memory_space<vmem>>) semaphore(%run_scoped3A : memref<!tpu.dma_semaphore, #tpu.memory_space<semaphore_mem>>) {add = true}
        %dma_wait3A_118 = arith.constant 0 : i32
        %dma_wait3A_119 = tpu.memref_slice %arg8[%add3A_111, %dma_wait3A_118] : memref<80x128xi32, #tpu.memory_space<vmem>> -> memref<1x128xi32, #tpu.memory_space<vmem>>
        %dma_wait3A_120 = tpu.memref_squeeze %dma_wait3A_119 : memref<1x128xi32, #tpu.memory_space<vmem>> -> memref<128xi32, #tpu.memory_space<vmem>>
        %dma_wait3A_121 = arith.constant 0 : i32
        %dma_wait3A_122 = arith.constant 0 : i32
        %dma_wait3A_123 = tpu.memref_slice %arg12[%dma_wait3A_121, %dma_wait3A_122] : memref<10112x64xf32, #tpu.memory_space<vmem_shared>> -> memref<10112x64xf32, #tpu.memory_space<vmem_shared>>
        tpu.wait_indirect_dma semaphore(%run_scoped3A : memref<!tpu.dma_semaphore, #tpu.memory_space<semaphore_mem>>) src(%arg10 : memref<128x64xf32, #tpu.memory_space<vmem>>) dst(%dma_wait3A_123 : memref<10112x64xf32, #tpu.memory_space<vmem_shared>>)
        tpu.yield
      }) : () -> ()
      "tpu.region"() ({
        %run_scoped3A = tpu.sem_alloc : memref<!tpu.dma_semaphore, #tpu.memory_space<semaphore_mem>>
        %dma_start3A_112 = arith.constant 0 : i32
        %dma_start3A_113 = tpu.memref_slice %arg8[%add3A_111, %dma_start3A_112] : memref<80x128xi32, #tpu.memory_space<vmem>> -> memref<1x128xi32, #tpu.memory_space<vmem>>
        %dma_start3A_114 = tpu.memref_squeeze %dma_start3A_113 : memref<1x128xi32, #tpu.memory_space<vmem>> -> memref<128xi32, #tpu.memory_space<vmem>>
        %dma_start3A_115 = arith.constant 0 : i32
        %dma_start3A_116 = arith.constant 0 : i32
        %dma_start3A_117 = tpu.memref_slice %arg17[%dma_start3A_115, %dma_start3A_116] : memref<10112x16xf32, #tpu.memory_space<vmem_shared>> -> memref<10112x16xf32, #tpu.memory_space<vmem_shared>>
        tpu.enqueue_indirect_dma source(%arg15 : memref<128x16xf32, #tpu.memory_space<vmem>>) target(%dma_start3A_117 : memref<10112x16xf32, #tpu.memory_space<vmem_shared>>) offsets(%dma_start3A_114 : memref<128xi32, #tpu.memory_space<vmem>>) semaphore(%run_scoped3A : memref<!tpu.dma_semaphore, #tpu.memory_space<semaphore_mem>>) {add = true}
        %dma_wait3A_118 = arith.constant 0 : i32
        %dma_wait3A_119 = tpu.memref_slice %arg8[%add3A_111, %dma_wait3A_118] : memref<80x128xi32, #tpu.memory_space<vmem>> -> memref<1x128xi32, #tpu.memory_space<vmem>>
        %dma_wait3A_120 = tpu.memref_squeeze %dma_wait3A_119 : memref<1x128xi32, #tpu.memory_space<vmem>> -> memref<128xi32, #tpu.memory_space<vmem>>
        %dma_wait3A_121 = arith.constant 0 : i32
        %dma_wait3A_122 = arith.constant 0 : i32
        %dma_wait3A_123 = tpu.memref_slice %arg17[%dma_wait3A_121, %dma_wait3A_122] : memref<10112x16xf32, #tpu.memory_space<vmem_shared>> -> memref<10112x16xf32, #tpu.memory_space<vmem_shared>>
        tpu.wait_indirect_dma semaphore(%run_scoped3A : memref<!tpu.dma_semaphore, #tpu.memory_space<semaphore_mem>>) src(%arg15 : memref<128x16xf32, #tpu.memory_space<vmem>>) dst(%dma_wait3A_123 : memref<10112x16xf32, #tpu.memory_space<vmem_shared>>)
        tpu.yield
      }) : () -> ()
    }
    %dma_wait3A = arith.constant 0 : i32
    %dma_wait3A_69 = arith.constant 0 : i32
    %dma_wait3A_70 = tpu.memref_slice %arg7[%dma_wait3A, %dma_wait3A_69] : memref<80x128xi32, #tpu.memory_space<vmem>> -> memref<1x128xi32, #tpu.memory_space<vmem>>
    %dma_wait3A_71 = tpu.memref_squeeze %dma_wait3A_70 : memref<1x128xi32, #tpu.memory_space<vmem>> -> memref<128xi32, #tpu.memory_space<vmem>>
    %dma_wait3A_72 = arith.constant 0 : i32
    %dma_wait3A_73 = arith.constant 0 : i32
    %dma_wait3A_74 = tpu.memref_slice %arg2[%dma_wait3A_72, %dma_wait3A_73] : memref<10112x64xf32, #tpu.memory_space<hbm>> -> memref<10112x64xf32, #tpu.memory_space<hbm>>
    tpu.wait_indirect_dma semaphore(%arg13 : memref<!tpu.dma_semaphore, #tpu.memory_space<semaphore_mem>>) src(%dma_wait3A_74 : memref<10112x64xf32, #tpu.memory_space<hbm>>) dst(%arg9 : memref<128x64xf32, #tpu.memory_space<vmem>>)
    %barrier3A_75 = arith.constant 0 : index
    tpu.barrier barrier_id(%barrier3A_75)
    "tpu.region"() ({
      %run_scoped3A = tpu.sem_alloc : memref<!tpu.dma_semaphore, #tpu.memory_space<semaphore_mem>>
      %dma_start3A_76 = arith.constant 0 : i32
      %dma_start3A_77 = tpu.memref_slice %arg5[%arg0, %mul3A_20, %dma_start3A_76] : memref<2x10112x64xf32, #tpu.memory_space<hbm>> -> memref<1x632x64xf32, #tpu.memory_space<hbm>>
      %dma_start3A_78 = tpu.memref_squeeze %dma_start3A_77 : memref<1x632x64xf32, #tpu.memory_space<hbm>> -> memref<632x64xf32, #tpu.memory_space<hbm>>
      %dma_start3A_79 = arith.constant 0 : i32
      %dma_start3A_80 = tpu.memref_slice %arg12[%mul3A_20, %dma_start3A_79] : memref<10112x64xf32, #tpu.memory_space<vmem_shared>> -> memref<632x64xf32, #tpu.memory_space<vmem_shared>>
      tpu.enqueue_dma source(%dma_start3A_80 : memref<632x64xf32, #tpu.memory_space<vmem_shared>>) target(%dma_start3A_78 : memref<632x64xf32, #tpu.memory_space<hbm>>) target_semaphore(%run_scoped3A : memref<!tpu.dma_semaphore, #tpu.memory_space<semaphore_mem>>)
      %dma_wait3A_81 = arith.constant 0 : i32
      %dma_wait3A_82 = tpu.memref_slice %arg5[%arg0, %mul3A_20, %dma_wait3A_81] : memref<2x10112x64xf32, #tpu.memory_space<hbm>> -> memref<1x632x64xf32, #tpu.memory_space<hbm>>
      %dma_wait3A_83 = tpu.memref_squeeze %dma_wait3A_82 : memref<1x632x64xf32, #tpu.memory_space<hbm>> -> memref<632x64xf32, #tpu.memory_space<hbm>>
      %dma_wait3A_84 = arith.constant 0 : i32
      %dma_wait3A_85 = tpu.memref_slice %arg12[%mul3A_20, %dma_wait3A_84] : memref<10112x64xf32, #tpu.memory_space<vmem_shared>> -> memref<632x64xf32, #tpu.memory_space<vmem_shared>>
      tpu.wait_dma2 semaphore(%run_scoped3A : memref<!tpu.dma_semaphore, #tpu.memory_space<semaphore_mem>>) src(%dma_wait3A_85 : memref<632x64xf32, #tpu.memory_space<vmem_shared>>) dst(%dma_wait3A_83 : memref<632x64xf32, #tpu.memory_space<hbm>>)
      tpu.yield
    }) : () -> ()
    "tpu.region"() ({
      %run_scoped3A = tpu.sem_alloc : memref<!tpu.dma_semaphore, #tpu.memory_space<semaphore_mem>>
      %dma_start3A_76 = arith.constant 0 : i32
      %dma_start3A_77 = tpu.memref_slice %arg6[%arg0, %mul3A_20, %dma_start3A_76] : memref<2x10112x16xf32, #tpu.memory_space<hbm>> -> memref<1x632x16xf32, #tpu.memory_space<hbm>>
      %dma_start3A_78 = tpu.memref_squeeze %dma_start3A_77 : memref<1x632x16xf32, #tpu.memory_space<hbm>> -> memref<632x16xf32, #tpu.memory_space<hbm>>
      %dma_start3A_79 = arith.constant 0 : i32
      %dma_start3A_80 = tpu.memref_slice %arg17[%mul3A_20, %dma_start3A_79] : memref<10112x16xf32, #tpu.memory_space<vmem_shared>> -> memref<632x16xf32, #tpu.memory_space<vmem_shared>>
      tpu.enqueue_dma source(%dma_start3A_80 : memref<632x16xf32, #tpu.memory_space<vmem_shared>>) target(%dma_start3A_78 : memref<632x16xf32, #tpu.memory_space<hbm>>) target_semaphore(%run_scoped3A : memref<!tpu.dma_semaphore, #tpu.memory_space<semaphore_mem>>)
      %dma_wait3A_81 = arith.constant 0 : i32
      %dma_wait3A_82 = tpu.memref_slice %arg6[%arg0, %mul3A_20, %dma_wait3A_81] : memref<2x10112x16xf32, #tpu.memory_space<hbm>> -> memref<1x632x16xf32, #tpu.memory_space<hbm>>
      %dma_wait3A_83 = tpu.memref_squeeze %dma_wait3A_82 : memref<1x632x16xf32, #tpu.memory_space<hbm>> -> memref<632x16xf32, #tpu.memory_space<hbm>>
      %dma_wait3A_84 = arith.constant 0 : i32
      %dma_wait3A_85 = tpu.memref_slice %arg17[%mul3A_20, %dma_wait3A_84] : memref<10112x16xf32, #tpu.memory_space<vmem_shared>> -> memref<632x16xf32, #tpu.memory_space<vmem_shared>>
      tpu.wait_dma2 semaphore(%run_scoped3A : memref<!tpu.dma_semaphore, #tpu.memory_space<semaphore_mem>>) src(%dma_wait3A_85 : memref<632x16xf32, #tpu.memory_space<vmem_shared>>) dst(%dma_wait3A_83 : memref<632x16xf32, #tpu.memory_space<hbm>>)
      tpu.yield
    }) : () -> ()
    return
  }
}

#map = affine_map<(d0, d1) -> (0, 0)>
#map1 = affine_map<(d0, d1) -> (0, 0, 0)>
module attributes {stable_mosaic.version = 14 : i64} {
  func.func @agg_kernel(%arg0: i32, %arg1: i32, %arg2: memref<10112x64xf32, #tpu.memory_space<hbm>>, %arg3: memref<2640x128xi32, #tpu.memory_space<hbm>>, %arg4: memref<2640x128xi32, #tpu.memory_space<hbm>>, %arg5: memref<2x10112x64xf32, #tpu.memory_space<hbm>>, %arg6: memref<80x128xi32, #tpu.memory_space<vmem>>, %arg7: memref<80x128xi32, #tpu.memory_space<vmem>>, %arg8: memref<128x64xf32, #tpu.memory_space<vmem>>, %arg9: memref<128x64xf32, #tpu.memory_space<vmem>>, %arg10: memref<128x64xf32, #tpu.memory_space<vmem>>, %arg11: memref<10112x64xf32, #tpu.memory_space<vmem_shared>>, %arg12: memref<!tpu.dma_semaphore, #tpu.memory_space<semaphore_mem>>, %arg13: memref<!tpu.dma_semaphore, #tpu.memory_space<semaphore_mem>>) attributes {dimension_semantics = [#tpu.dimension_semantics<core_parallel>, #tpu.dimension_semantics<subcore_parallel>], iteration_bounds = array<i64: 2, 16>, scalar_prefetch = 0 : i64, scratch_operands = 8 : i64, tpu.core_type = #tpu.core_type<sc_vector_subcore>, window_params = [{transform_indices = #map}, {transform_indices = #map}, {transform_indices = #map}, {transform_indices = #map1}]} {
    %eq3A = arith.constant 0 : i32
    %eq3A_0 = arith.cmpi eq, %arg0, %eq3A : i32
    %mul3A = arith.constant 80 : i32
    %mul3A_1 = arith.muli %arg1, %mul3A : i32
    %mul3A_2 = arith.constant 80 : i32
    %mul3A_3 = arith.muli %arg1, %mul3A_2 : i32
    %add3A = arith.constant 1280 : i32
    %add3A_4 = arith.addi %add3A, %mul3A_3 : i32
    %select_n3A = arith.select %eq3A_0, %mul3A_1, %add3A_4 : i32
    %eq3A_5 = arith.constant 0 : i32
    %eq3A_6 = arith.cmpi eq, %arg0, %eq3A_5 : i32
    %jit3A = arith.constant 80 : i32
    %jit3A_7 = arith.constant 80 : i32
    %select_n3A_8 = arith.select %eq3A_6, %jit3A, %jit3A_7 : i32
    %eq3A_9 = arith.constant 0 : i32
    %eq3A_10 = arith.cmpi eq, %arg0, %eq3A_9 : i32
    %jit3A_11 = arith.constant 40 : i32
    %jit3A_12 = arith.constant 40 : i32
    %select_n3A_13 = arith.select %eq3A_10, %jit3A_11, %jit3A_12 : i32
    %broadcast_in_dim3A = arith.constant 0.000000e+00 : f32
    %broadcast_in_dim3A_14 = vector.broadcast %broadcast_in_dim3A : f32 to vector<16xf32>
    %scan3A = arith.constant 0 : i32
    %scan3A_15 = arith.constant 128 : i32
    %scan3A_16 = arith.addi %scan3A, %scan3A_15 : i32
    %scan3A_17 = arith.constant 1 : i32
    scf.for %scan3A_52 = %scan3A to %scan3A_16 step %scan3A_17  : i32 {
      %scan3A_53 = arith.constant 0 : i32
      %scan3A_54 = arith.constant 4 : i32
      %scan3A_55 = arith.addi %scan3A_53, %scan3A_54 : i32
      %scan3A_56 = arith.constant 1 : i32
      scf.for %scan3A_58 = %scan3A_53 to %scan3A_55 step %scan3A_56  : i32 {
        %mul3A_59 = arith.constant 16 : i32
        %mul3A_60 = arith.muli %scan3A_58, %mul3A_59 : i32
        %swap3A = arith.index_cast %scan3A_52 : i32 to index
        %swap3A_61 = arith.index_cast %mul3A_60 : i32 to index
        %swap3A_62 = tpu.vector_load %arg10[%swap3A, %swap3A_61] {strides = array<i32>} : memref<128x64xf32, #tpu.memory_space<vmem>>, vector<1x16xf32>,
        %swap3A_63 = vector.shape_cast %swap3A_62 : vector<1x16xf32> to vector<16xf32>
        %swap3A_64 = vector.shape_cast %broadcast_in_dim3A_14 : vector<16xf32> to vector<1x16xf32>
        tpu.vector_store %arg10[%swap3A, %swap3A_61], %swap3A_64 {strides = array<i32>} : memref<128x64xf32, #tpu.memory_space<vmem>>, vector<1x16xf32>,
      }
      %scan3A_57 = arith.constant 4 : i32
    }
    %scan3A_18 = arith.constant 128 : i32
    %mul3A_19 = arith.constant 632 : i32
    %mul3A_20 = arith.muli %arg1, %mul3A_19 : i32
    %add3A_21 = arith.constant 0 : i32
    %add3A_22 = arith.addi %mul3A_20, %add3A_21 : i32
    "tpu.region"() ({
      %run_scoped3A = tpu.sem_alloc : memref<!tpu.dma_semaphore, #tpu.memory_space<semaphore_mem>>
      %dma_start3A_52 = arith.constant 0 : i32
      %dma_start3A_53 = tpu.memref_slice %arg11[%add3A_22, %dma_start3A_52] : memref<10112x64xf32, #tpu.memory_space<vmem_shared>> -> memref<128x64xf32, #tpu.memory_space<vmem_shared>>
      %dma_start3A_54 = arith.constant 0 : i32
      %dma_start3A_55 = tpu.memref_slice %arg11[%add3A_22, %dma_start3A_54] : memref<10112x64xf32, #tpu.memory_space<vmem_shared>> -> memref<128x64xf32, #tpu.memory_space<vmem_shared>>
      tpu.enqueue_dma source(%arg10 : memref<128x64xf32, #tpu.memory_space<vmem>>) target(%dma_start3A_55 : memref<128x64xf32, #tpu.memory_space<vmem_shared>>) target_semaphore(%run_scoped3A : memref<!tpu.dma_semaphore, #tpu.memory_space<semaphore_mem>>)
      %dma_wait3A_56 = arith.constant 0 : i32
      %dma_wait3A_57 = tpu.memref_slice %arg11[%add3A_22, %dma_wait3A_56] : memref<10112x64xf32, #tpu.memory_space<vmem_shared>> -> memref<128x64xf32, #tpu.memory_space<vmem_shared>>
      %dma_wait3A_58 = arith.constant 0 : i32
      %dma_wait3A_59 = tpu.memref_slice %arg11[%add3A_22, %dma_wait3A_58] : memref<10112x64xf32, #tpu.memory_space<vmem_shared>> -> memref<128x64xf32, #tpu.memory_space<vmem_shared>>
      tpu.wait_dma2 semaphore(%run_scoped3A : memref<!tpu.dma_semaphore, #tpu.memory_space<semaphore_mem>>) src(%arg10 : memref<128x64xf32, #tpu.memory_space<vmem>>) dst(%dma_wait3A_59 : memref<128x64xf32, #tpu.memory_space<vmem_shared>>)
      tpu.yield
    }) : () -> ()
    %add3A_23 = arith.constant 128 : i32
    %add3A_24 = arith.addi %mul3A_20, %add3A_23 : i32
    "tpu.region"() ({
      %run_scoped3A = tpu.sem_alloc : memref<!tpu.dma_semaphore, #tpu.memory_space<semaphore_mem>>
      %dma_start3A_52 = arith.constant 0 : i32
      %dma_start3A_53 = tpu.memref_slice %arg11[%add3A_24, %dma_start3A_52] : memref<10112x64xf32, #tpu.memory_space<vmem_shared>> -> memref<128x64xf32, #tpu.memory_space<vmem_shared>>
      %dma_start3A_54 = arith.constant 0 : i32
      %dma_start3A_55 = tpu.memref_slice %arg11[%add3A_24, %dma_start3A_54] : memref<10112x64xf32, #tpu.memory_space<vmem_shared>> -> memref<128x64xf32, #tpu.memory_space<vmem_shared>>
      tpu.enqueue_dma source(%arg10 : memref<128x64xf32, #tpu.memory_space<vmem>>) target(%dma_start3A_55 : memref<128x64xf32, #tpu.memory_space<vmem_shared>>) target_semaphore(%run_scoped3A : memref<!tpu.dma_semaphore, #tpu.memory_space<semaphore_mem>>)
      %dma_wait3A_56 = arith.constant 0 : i32
      %dma_wait3A_57 = tpu.memref_slice %arg11[%add3A_24, %dma_wait3A_56] : memref<10112x64xf32, #tpu.memory_space<vmem_shared>> -> memref<128x64xf32, #tpu.memory_space<vmem_shared>>
      %dma_wait3A_58 = arith.constant 0 : i32
      %dma_wait3A_59 = tpu.memref_slice %arg11[%add3A_24, %dma_wait3A_58] : memref<10112x64xf32, #tpu.memory_space<vmem_shared>> -> memref<128x64xf32, #tpu.memory_space<vmem_shared>>
      tpu.wait_dma2 semaphore(%run_scoped3A : memref<!tpu.dma_semaphore, #tpu.memory_space<semaphore_mem>>) src(%arg10 : memref<128x64xf32, #tpu.memory_space<vmem>>) dst(%dma_wait3A_59 : memref<128x64xf32, #tpu.memory_space<vmem_shared>>)
      tpu.yield
    }) : () -> ()
    %add3A_25 = arith.constant 256 : i32
    %add3A_26 = arith.addi %mul3A_20, %add3A_25 : i32
    "tpu.region"() ({
      %run_scoped3A = tpu.sem_alloc : memref<!tpu.dma_semaphore, #tpu.memory_space<semaphore_mem>>
      %dma_start3A_52 = arith.constant 0 : i32
      %dma_start3A_53 = tpu.memref_slice %arg11[%add3A_26, %dma_start3A_52] : memref<10112x64xf32, #tpu.memory_space<vmem_shared>> -> memref<128x64xf32, #tpu.memory_space<vmem_shared>>
      %dma_start3A_54 = arith.constant 0 : i32
      %dma_start3A_55 = tpu.memref_slice %arg11[%add3A_26, %dma_start3A_54] : memref<10112x64xf32, #tpu.memory_space<vmem_shared>> -> memref<128x64xf32, #tpu.memory_space<vmem_shared>>
      tpu.enqueue_dma source(%arg10 : memref<128x64xf32, #tpu.memory_space<vmem>>) target(%dma_start3A_55 : memref<128x64xf32, #tpu.memory_space<vmem_shared>>) target_semaphore(%run_scoped3A : memref<!tpu.dma_semaphore, #tpu.memory_space<semaphore_mem>>)
      %dma_wait3A_56 = arith.constant 0 : i32
      %dma_wait3A_57 = tpu.memref_slice %arg11[%add3A_26, %dma_wait3A_56] : memref<10112x64xf32, #tpu.memory_space<vmem_shared>> -> memref<128x64xf32, #tpu.memory_space<vmem_shared>>
      %dma_wait3A_58 = arith.constant 0 : i32
      %dma_wait3A_59 = tpu.memref_slice %arg11[%add3A_26, %dma_wait3A_58] : memref<10112x64xf32, #tpu.memory_space<vmem_shared>> -> memref<128x64xf32, #tpu.memory_space<vmem_shared>>
      tpu.wait_dma2 semaphore(%run_scoped3A : memref<!tpu.dma_semaphore, #tpu.memory_space<semaphore_mem>>) src(%arg10 : memref<128x64xf32, #tpu.memory_space<vmem>>) dst(%dma_wait3A_59 : memref<128x64xf32, #tpu.memory_space<vmem_shared>>)
      tpu.yield
    }) : () -> ()
    %add3A_27 = arith.constant 384 : i32
    %add3A_28 = arith.addi %mul3A_20, %add3A_27 : i32
    "tpu.region"() ({
      %run_scoped3A = tpu.sem_alloc : memref<!tpu.dma_semaphore, #tpu.memory_space<semaphore_mem>>
      %dma_start3A_52 = arith.constant 0 : i32
      %dma_start3A_53 = tpu.memref_slice %arg11[%add3A_28, %dma_start3A_52] : memref<10112x64xf32, #tpu.memory_space<vmem_shared>> -> memref<128x64xf32, #tpu.memory_space<vmem_shared>>
      %dma_start3A_54 = arith.constant 0 : i32
      %dma_start3A_55 = tpu.memref_slice %arg11[%add3A_28, %dma_start3A_54] : memref<10112x64xf32, #tpu.memory_space<vmem_shared>> -> memref<128x64xf32, #tpu.memory_space<vmem_shared>>
      tpu.enqueue_dma source(%arg10 : memref<128x64xf32, #tpu.memory_space<vmem>>) target(%dma_start3A_55 : memref<128x64xf32, #tpu.memory_space<vmem_shared>>) target_semaphore(%run_scoped3A : memref<!tpu.dma_semaphore, #tpu.memory_space<semaphore_mem>>)
      %dma_wait3A_56 = arith.constant 0 : i32
      %dma_wait3A_57 = tpu.memref_slice %arg11[%add3A_28, %dma_wait3A_56] : memref<10112x64xf32, #tpu.memory_space<vmem_shared>> -> memref<128x64xf32, #tpu.memory_space<vmem_shared>>
      %dma_wait3A_58 = arith.constant 0 : i32
      %dma_wait3A_59 = tpu.memref_slice %arg11[%add3A_28, %dma_wait3A_58] : memref<10112x64xf32, #tpu.memory_space<vmem_shared>> -> memref<128x64xf32, #tpu.memory_space<vmem_shared>>
      tpu.wait_dma2 semaphore(%run_scoped3A : memref<!tpu.dma_semaphore, #tpu.memory_space<semaphore_mem>>) src(%arg10 : memref<128x64xf32, #tpu.memory_space<vmem>>) dst(%dma_wait3A_59 : memref<128x64xf32, #tpu.memory_space<vmem_shared>>)
      tpu.yield
    }) : () -> ()
    %add3A_29 = arith.constant 512 : i32
    %add3A_30 = arith.addi %mul3A_20, %add3A_29 : i32
    "tpu.region"() ({
      %run_scoped3A = tpu.sem_alloc : memref<!tpu.dma_semaphore, #tpu.memory_space<semaphore_mem>>
      %dma_start3A_52 = arith.constant 0 : i32
      %dma_start3A_53 = arith.constant 0 : i32
      %dma_start3A_54 = tpu.memref_slice %arg10[%dma_start3A_52, %dma_start3A_53] : memref<128x64xf32, #tpu.memory_space<vmem>> -> memref<120x64xf32, #tpu.memory_space<vmem>>
      %dma_start3A_55 = arith.constant 0 : i32
      %dma_start3A_56 = tpu.memref_slice %arg11[%add3A_30, %dma_start3A_55] : memref<10112x64xf32, #tpu.memory_space<vmem_shared>> -> memref<120x64xf32, #tpu.memory_space<vmem_shared>>
      %dma_start3A_57 = arith.constant 0 : i32
      %dma_start3A_58 = tpu.memref_slice %arg11[%add3A_30, %dma_start3A_57] : memref<10112x64xf32, #tpu.memory_space<vmem_shared>> -> memref<120x64xf32, #tpu.memory_space<vmem_shared>>
      %dma_start3A_59 = arith.constant 0 : i32
      %dma_start3A_60 = arith.constant 0 : i32
      %dma_start3A_61 = tpu.memref_slice %arg10[%dma_start3A_59, %dma_start3A_60] : memref<128x64xf32, #tpu.memory_space<vmem>> -> memref<120x64xf32, #tpu.memory_space<vmem>>
      tpu.enqueue_dma source(%dma_start3A_61 : memref<120x64xf32, #tpu.memory_space<vmem>>) target(%dma_start3A_58 : memref<120x64xf32, #tpu.memory_space<vmem_shared>>) target_semaphore(%run_scoped3A : memref<!tpu.dma_semaphore, #tpu.memory_space<semaphore_mem>>)
      %dma_wait3A_62 = arith.constant 0 : i32
      %dma_wait3A_63 = arith.constant 0 : i32
      %dma_wait3A_64 = tpu.memref_slice %arg10[%dma_wait3A_62, %dma_wait3A_63] : memref<128x64xf32, #tpu.memory_space<vmem>> -> memref<120x64xf32, #tpu.memory_space<vmem>>
      %dma_wait3A_65 = arith.constant 0 : i32
      %dma_wait3A_66 = tpu.memref_slice %arg11[%add3A_30, %dma_wait3A_65] : memref<10112x64xf32, #tpu.memory_space<vmem_shared>> -> memref<120x64xf32, #tpu.memory_space<vmem_shared>>
      %dma_wait3A_67 = arith.constant 0 : i32
      %dma_wait3A_68 = tpu.memref_slice %arg11[%add3A_30, %dma_wait3A_67] : memref<10112x64xf32, #tpu.memory_space<vmem_shared>> -> memref<120x64xf32, #tpu.memory_space<vmem_shared>>
      %dma_wait3A_69 = arith.constant 0 : i32
      %dma_wait3A_70 = arith.constant 0 : i32
      %dma_wait3A_71 = tpu.memref_slice %arg10[%dma_wait3A_69, %dma_wait3A_70] : memref<128x64xf32, #tpu.memory_space<vmem>> -> memref<120x64xf32, #tpu.memory_space<vmem>>
      tpu.wait_dma2 semaphore(%run_scoped3A : memref<!tpu.dma_semaphore, #tpu.memory_space<semaphore_mem>>) src(%dma_wait3A_71 : memref<120x64xf32, #tpu.memory_space<vmem>>) dst(%dma_wait3A_68 : memref<120x64xf32, #tpu.memory_space<vmem_shared>>)
      tpu.yield
    }) : () -> ()
    %barrier3A = arith.constant 0 : index
    tpu.barrier barrier_id(%barrier3A)
    "tpu.region"() ({
      %run_scoped3A = tpu.sem_alloc : memref<!tpu.dma_semaphore, #tpu.memory_space<semaphore_mem>>
      %dma_start3A_52 = arith.constant 0 : i32
      %dma_start3A_53 = tpu.memref_slice %arg3[%select_n3A, %dma_start3A_52] : memref<2640x128xi32, #tpu.memory_space<hbm>> -> memref<80x128xi32, #tpu.memory_space<hbm>>
      %dma_start3A_54 = arith.constant 0 : i32
      %dma_start3A_55 = tpu.memref_slice %arg3[%select_n3A, %dma_start3A_54] : memref<2640x128xi32, #tpu.memory_space<hbm>> -> memref<80x128xi32, #tpu.memory_space<hbm>>
      tpu.enqueue_dma source(%dma_start3A_55 : memref<80x128xi32, #tpu.memory_space<hbm>>) target(%arg6 : memref<80x128xi32, #tpu.memory_space<vmem>>) target_semaphore(%run_scoped3A : memref<!tpu.dma_semaphore, #tpu.memory_space<semaphore_mem>>)
      %dma_wait3A_56 = arith.constant 0 : i32
      %dma_wait3A_57 = tpu.memref_slice %arg3[%select_n3A, %dma_wait3A_56] : memref<2640x128xi32, #tpu.memory_space<hbm>> -> memref<80x128xi32, #tpu.memory_space<hbm>>
      %dma_wait3A_58 = arith.constant 0 : i32
      %dma_wait3A_59 = tpu.memref_slice %arg3[%select_n3A, %dma_wait3A_58] : memref<2640x128xi32, #tpu.memory_space<hbm>> -> memref<80x128xi32, #tpu.memory_space<hbm>>
      tpu.wait_dma2 semaphore(%run_scoped3A : memref<!tpu.dma_semaphore, #tpu.memory_space<semaphore_mem>>) src(%dma_wait3A_59 : memref<80x128xi32, #tpu.memory_space<hbm>>) dst(%arg6 : memref<80x128xi32, #tpu.memory_space<vmem>>)
      tpu.yield
    }) : () -> ()
    "tpu.region"() ({
      %run_scoped3A = tpu.sem_alloc : memref<!tpu.dma_semaphore, #tpu.memory_space<semaphore_mem>>
      %dma_start3A_52 = arith.constant 0 : i32
      %dma_start3A_53 = tpu.memref_slice %arg4[%select_n3A, %dma_start3A_52] : memref<2640x128xi32, #tpu.memory_space<hbm>> -> memref<80x128xi32, #tpu.memory_space<hbm>>
      %dma_start3A_54 = arith.constant 0 : i32
      %dma_start3A_55 = tpu.memref_slice %arg4[%select_n3A, %dma_start3A_54] : memref<2640x128xi32, #tpu.memory_space<hbm>> -> memref<80x128xi32, #tpu.memory_space<hbm>>
      tpu.enqueue_dma source(%dma_start3A_55 : memref<80x128xi32, #tpu.memory_space<hbm>>) target(%arg7 : memref<80x128xi32, #tpu.memory_space<vmem>>) target_semaphore(%run_scoped3A : memref<!tpu.dma_semaphore, #tpu.memory_space<semaphore_mem>>)
      %dma_wait3A_56 = arith.constant 0 : i32
      %dma_wait3A_57 = tpu.memref_slice %arg4[%select_n3A, %dma_wait3A_56] : memref<2640x128xi32, #tpu.memory_space<hbm>> -> memref<80x128xi32, #tpu.memory_space<hbm>>
      %dma_wait3A_58 = arith.constant 0 : i32
      %dma_wait3A_59 = tpu.memref_slice %arg4[%select_n3A, %dma_wait3A_58] : memref<2640x128xi32, #tpu.memory_space<hbm>> -> memref<80x128xi32, #tpu.memory_space<hbm>>
      tpu.wait_dma2 semaphore(%run_scoped3A : memref<!tpu.dma_semaphore, #tpu.memory_space<semaphore_mem>>) src(%dma_wait3A_59 : memref<80x128xi32, #tpu.memory_space<hbm>>) dst(%arg7 : memref<80x128xi32, #tpu.memory_space<vmem>>)
      tpu.yield
    }) : () -> ()
    %dma_start3A = arith.constant 0 : i32
    %dma_start3A_31 = arith.constant 0 : i32
    %dma_start3A_32 = tpu.memref_slice %arg6[%dma_start3A, %dma_start3A_31] : memref<80x128xi32, #tpu.memory_space<vmem>> -> memref<1x128xi32, #tpu.memory_space<vmem>>
    %dma_start3A_33 = tpu.memref_squeeze %dma_start3A_32 : memref<1x128xi32, #tpu.memory_space<vmem>> -> memref<128xi32, #tpu.memory_space<vmem>>
    %dma_start3A_34 = arith.constant 0 : i32
    %dma_start3A_35 = arith.constant 0 : i32
    %dma_start3A_36 = tpu.memref_slice %arg2[%dma_start3A_34, %dma_start3A_35] : memref<10112x64xf32, #tpu.memory_space<hbm>> -> memref<10112x64xf32, #tpu.memory_space<hbm>>
    tpu.enqueue_indirect_dma source(%dma_start3A_36 : memref<10112x64xf32, #tpu.memory_space<hbm>>) target(%arg8 : memref<128x64xf32, #tpu.memory_space<vmem>>) offsets(%dma_start3A_33 : memref<128xi32, #tpu.memory_space<vmem>>) semaphore(%arg12 : memref<!tpu.dma_semaphore, #tpu.memory_space<semaphore_mem>>)
    %while3A = arith.constant 0 : i32
    %while3A_37 = arith.subi %select_n3A_13, %while3A : i32
    %while3A_38 = arith.addi %while3A, %while3A_37 : i32
    %while3A_39 = arith.constant 1 : i32
    %while3A_40 = arith.divsi %while3A_37, %while3A_39 : i32
    %while3A_41 = arith.muli %while3A_40, %while3A_39 : i32
    %while3A_42 = arith.addi %while3A, %while3A_41 : i32
    %while3A_43 = arith.constant 1 : i32
    scf.for %while3A_52 = %while3A to %while3A_42 step %while3A_43  : i32 {
      %mul3A_53 = arith.constant 2 : i32
      %mul3A_54 = arith.muli %mul3A_53, %while3A_52 : i32
      %add3A_55 = arith.constant 1 : i32
      %add3A_56 = arith.addi %mul3A_54, %add3A_55 : i32
      %dma_start3A_57 = arith.constant 0 : i32
      %dma_start3A_58 = tpu.memref_slice %arg6[%add3A_56, %dma_start3A_57] : memref<80x128xi32, #tpu.memory_space<vmem>> -> memref<1x128xi32, #tpu.memory_space<vmem>>
      %dma_start3A_59 = tpu.memref_squeeze %dma_start3A_58 : memref<1x128xi32, #tpu.memory_space<vmem>> -> memref<128xi32, #tpu.memory_space<vmem>>
      %dma_start3A_60 = arith.constant 0 : i32
      %dma_start3A_61 = arith.constant 0 : i32
      %dma_start3A_62 = tpu.memref_slice %arg2[%dma_start3A_60, %dma_start3A_61] : memref<10112x64xf32, #tpu.memory_space<hbm>> -> memref<10112x64xf32, #tpu.memory_space<hbm>>
      tpu.enqueue_indirect_dma source(%dma_start3A_62 : memref<10112x64xf32, #tpu.memory_space<hbm>>) target(%arg9 : memref<128x64xf32, #tpu.memory_space<vmem>>) offsets(%dma_start3A_59 : memref<128xi32, #tpu.memory_space<vmem>>) semaphore(%arg13 : memref<!tpu.dma_semaphore, #tpu.memory_space<semaphore_mem>>)
      %dma_wait3A_63 = arith.constant 0 : i32
      %dma_wait3A_64 = arith.constant 0 : i32
      %dma_wait3A_65 = tpu.memref_slice %arg6[%dma_wait3A_63, %dma_wait3A_64] : memref<80x128xi32, #tpu.memory_space<vmem>> -> memref<1x128xi32, #tpu.memory_space<vmem>>
      %dma_wait3A_66 = tpu.memref_squeeze %dma_wait3A_65 : memref<1x128xi32, #tpu.memory_space<vmem>> -> memref<128xi32, #tpu.memory_space<vmem>>
      %dma_wait3A_67 = arith.constant 0 : i32
      %dma_wait3A_68 = arith.constant 0 : i32
      %dma_wait3A_69 = tpu.memref_slice %arg2[%dma_wait3A_67, %dma_wait3A_68] : memref<10112x64xf32, #tpu.memory_space<hbm>> -> memref<10112x64xf32, #tpu.memory_space<hbm>>
      tpu.wait_indirect_dma semaphore(%arg12 : memref<!tpu.dma_semaphore, #tpu.memory_space<semaphore_mem>>) src(%dma_wait3A_69 : memref<10112x64xf32, #tpu.memory_space<hbm>>) dst(%arg8 : memref<128x64xf32, #tpu.memory_space<vmem>>)
      "tpu.region"() ({
        %run_scoped3A = tpu.sem_alloc : memref<!tpu.dma_semaphore, #tpu.memory_space<semaphore_mem>>
        %dma_start3A_88 = arith.constant 0 : i32
        %dma_start3A_89 = tpu.memref_slice %arg7[%mul3A_54, %dma_start3A_88] : memref<80x128xi32, #tpu.memory_space<vmem>> -> memref<1x128xi32, #tpu.memory_space<vmem>>
        %dma_start3A_90 = tpu.memref_squeeze %dma_start3A_89 : memref<1x128xi32, #tpu.memory_space<vmem>> -> memref<128xi32, #tpu.memory_space<vmem>>
        %dma_start3A_91 = arith.constant 0 : i32
        %dma_start3A_92 = arith.constant 0 : i32
        %dma_start3A_93 = tpu.memref_slice %arg11[%dma_start3A_91, %dma_start3A_92] : memref<10112x64xf32, #tpu.memory_space<vmem_shared>> -> memref<10112x64xf32, #tpu.memory_space<vmem_shared>>
        tpu.enqueue_indirect_dma source(%arg8 : memref<128x64xf32, #tpu.memory_space<vmem>>) target(%dma_start3A_93 : memref<10112x64xf32, #tpu.memory_space<vmem_shared>>) offsets(%dma_start3A_90 : memref<128xi32, #tpu.memory_space<vmem>>) semaphore(%run_scoped3A : memref<!tpu.dma_semaphore, #tpu.memory_space<semaphore_mem>>) {add = true}
        %dma_wait3A_94 = arith.constant 0 : i32
        %dma_wait3A_95 = tpu.memref_slice %arg7[%mul3A_54, %dma_wait3A_94] : memref<80x128xi32, #tpu.memory_space<vmem>> -> memref<1x128xi32, #tpu.memory_space<vmem>>
        %dma_wait3A_96 = tpu.memref_squeeze %dma_wait3A_95 : memref<1x128xi32, #tpu.memory_space<vmem>> -> memref<128xi32, #tpu.memory_space<vmem>>
        %dma_wait3A_97 = arith.constant 0 : i32
        %dma_wait3A_98 = arith.constant 0 : i32
        %dma_wait3A_99 = tpu.memref_slice %arg11[%dma_wait3A_97, %dma_wait3A_98] : memref<10112x64xf32, #tpu.memory_space<vmem_shared>> -> memref<10112x64xf32, #tpu.memory_space<vmem_shared>>
        tpu.wait_indirect_dma semaphore(%run_scoped3A : memref<!tpu.dma_semaphore, #tpu.memory_space<semaphore_mem>>) src(%arg8 : memref<128x64xf32, #tpu.memory_space<vmem>>) dst(%dma_wait3A_99 : memref<10112x64xf32, #tpu.memory_space<vmem_shared>>)
        tpu.yield
      }) : () -> ()
      %add3A_70 = arith.constant 2 : i32
      %add3A_71 = arith.addi %mul3A_54, %add3A_70 : i32
      %sub3A = arith.constant 1 : i32
      %sub3A_72 = arith.subi %select_n3A_8, %sub3A : i32
      %min3A = arith.minsi %add3A_71, %sub3A_72 : i32
      %dma_start3A_73 = arith.constant 0 : i32
      %dma_start3A_74 = tpu.memref_slice %arg6[%min3A, %dma_start3A_73] : memref<80x128xi32, #tpu.memory_space<vmem>> -> memref<1x128xi32, #tpu.memory_space<vmem>>
      %dma_start3A_75 = tpu.memref_squeeze %dma_start3A_74 : memref<1x128xi32, #tpu.memory_space<vmem>> -> memref<128xi32, #tpu.memory_space<vmem>>
      %dma_start3A_76 = arith.constant 0 : i32
      %dma_start3A_77 = arith.constant 0 : i32
      %dma_start3A_78 = tpu.memref_slice %arg2[%dma_start3A_76, %dma_start3A_77] : memref<10112x64xf32, #tpu.memory_space<hbm>> -> memref<10112x64xf32, #tpu.memory_space<hbm>>
      tpu.enqueue_indirect_dma source(%dma_start3A_78 : memref<10112x64xf32, #tpu.memory_space<hbm>>) target(%arg8 : memref<128x64xf32, #tpu.memory_space<vmem>>) offsets(%dma_start3A_75 : memref<128xi32, #tpu.memory_space<vmem>>) semaphore(%arg12 : memref<!tpu.dma_semaphore, #tpu.memory_space<semaphore_mem>>)
      %dma_wait3A_79 = arith.constant 0 : i32
      %dma_wait3A_80 = arith.constant 0 : i32
      %dma_wait3A_81 = tpu.memref_slice %arg6[%dma_wait3A_79, %dma_wait3A_80] : memref<80x128xi32, #tpu.memory_space<vmem>> -> memref<1x128xi32, #tpu.memory_space<vmem>>
      %dma_wait3A_82 = tpu.memref_squeeze %dma_wait3A_81 : memref<1x128xi32, #tpu.memory_space<vmem>> -> memref<128xi32, #tpu.memory_space<vmem>>
      %dma_wait3A_83 = arith.constant 0 : i32
      %dma_wait3A_84 = arith.constant 0 : i32
      %dma_wait3A_85 = tpu.memref_slice %arg2[%dma_wait3A_83, %dma_wait3A_84] : memref<10112x64xf32, #tpu.memory_space<hbm>> -> memref<10112x64xf32, #tpu.memory_space<hbm>>
      tpu.wait_indirect_dma semaphore(%arg13 : memref<!tpu.dma_semaphore, #tpu.memory_space<semaphore_mem>>) src(%dma_wait3A_85 : memref<10112x64xf32, #tpu.memory_space<hbm>>) dst(%arg9 : memref<128x64xf32, #tpu.memory_space<vmem>>)
      %add3A_86 = arith.constant 1 : i32
      %add3A_87 = arith.addi %mul3A_54, %add3A_86 : i32
      "tpu.region"() ({
        %run_scoped3A = tpu.sem_alloc : memref<!tpu.dma_semaphore, #tpu.memory_space<semaphore_mem>>
        %dma_start3A_88 = arith.constant 0 : i32
        %dma_start3A_89 = tpu.memref_slice %arg7[%add3A_87, %dma_start3A_88] : memref<80x128xi32, #tpu.memory_space<vmem>> -> memref<1x128xi32, #tpu.memory_space<vmem>>
        %dma_start3A_90 = tpu.memref_squeeze %dma_start3A_89 : memref<1x128xi32, #tpu.memory_space<vmem>> -> memref<128xi32, #tpu.memory_space<vmem>>
        %dma_start3A_91 = arith.constant 0 : i32
        %dma_start3A_92 = arith.constant 0 : i32
        %dma_start3A_93 = tpu.memref_slice %arg11[%dma_start3A_91, %dma_start3A_92] : memref<10112x64xf32, #tpu.memory_space<vmem_shared>> -> memref<10112x64xf32, #tpu.memory_space<vmem_shared>>
        tpu.enqueue_indirect_dma source(%arg9 : memref<128x64xf32, #tpu.memory_space<vmem>>) target(%dma_start3A_93 : memref<10112x64xf32, #tpu.memory_space<vmem_shared>>) offsets(%dma_start3A_90 : memref<128xi32, #tpu.memory_space<vmem>>) semaphore(%run_scoped3A : memref<!tpu.dma_semaphore, #tpu.memory_space<semaphore_mem>>) {add = true}
        %dma_wait3A_94 = arith.constant 0 : i32
        %dma_wait3A_95 = tpu.memref_slice %arg7[%add3A_87, %dma_wait3A_94] : memref<80x128xi32, #tpu.memory_space<vmem>> -> memref<1x128xi32, #tpu.memory_space<vmem>>
        %dma_wait3A_96 = tpu.memref_squeeze %dma_wait3A_95 : memref<1x128xi32, #tpu.memory_space<vmem>> -> memref<128xi32, #tpu.memory_space<vmem>>
        %dma_wait3A_97 = arith.constant 0 : i32
        %dma_wait3A_98 = arith.constant 0 : i32
        %dma_wait3A_99 = tpu.memref_slice %arg11[%dma_wait3A_97, %dma_wait3A_98] : memref<10112x64xf32, #tpu.memory_space<vmem_shared>> -> memref<10112x64xf32, #tpu.memory_space<vmem_shared>>
        tpu.wait_indirect_dma semaphore(%run_scoped3A : memref<!tpu.dma_semaphore, #tpu.memory_space<semaphore_mem>>) src(%arg9 : memref<128x64xf32, #tpu.memory_space<vmem>>) dst(%dma_wait3A_99 : memref<10112x64xf32, #tpu.memory_space<vmem_shared>>)
        tpu.yield
      }) : () -> ()
    }
    %while3A_44 = arith.constant 1 : i32
    scf.for %while3A_52 = %while3A_42 to %while3A_38 step %while3A_44  : i32 {
      %mul3A_53 = arith.constant 2 : i32
      %mul3A_54 = arith.muli %mul3A_53, %while3A_52 : i32
      %add3A_55 = arith.constant 1 : i32
      %add3A_56 = arith.addi %mul3A_54, %add3A_55 : i32
      %dma_start3A_57 = arith.constant 0 : i32
      %dma_start3A_58 = tpu.memref_slice %arg6[%add3A_56, %dma_start3A_57] : memref<80x128xi32, #tpu.memory_space<vmem>> -> memref<1x128xi32, #tpu.memory_space<vmem>>
      %dma_start3A_59 = tpu.memref_squeeze %dma_start3A_58 : memref<1x128xi32, #tpu.memory_space<vmem>> -> memref<128xi32, #tpu.memory_space<vmem>>
      %dma_start3A_60 = arith.constant 0 : i32
      %dma_start3A_61 = arith.constant 0 : i32
      %dma_start3A_62 = tpu.memref_slice %arg2[%dma_start3A_60, %dma_start3A_61] : memref<10112x64xf32, #tpu.memory_space<hbm>> -> memref<10112x64xf32, #tpu.memory_space<hbm>>
      tpu.enqueue_indirect_dma source(%dma_start3A_62 : memref<10112x64xf32, #tpu.memory_space<hbm>>) target(%arg9 : memref<128x64xf32, #tpu.memory_space<vmem>>) offsets(%dma_start3A_59 : memref<128xi32, #tpu.memory_space<vmem>>) semaphore(%arg13 : memref<!tpu.dma_semaphore, #tpu.memory_space<semaphore_mem>>)
      %dma_wait3A_63 = arith.constant 0 : i32
      %dma_wait3A_64 = arith.constant 0 : i32
      %dma_wait3A_65 = tpu.memref_slice %arg6[%dma_wait3A_63, %dma_wait3A_64] : memref<80x128xi32, #tpu.memory_space<vmem>> -> memref<1x128xi32, #tpu.memory_space<vmem>>
      %dma_wait3A_66 = tpu.memref_squeeze %dma_wait3A_65 : memref<1x128xi32, #tpu.memory_space<vmem>> -> memref<128xi32, #tpu.memory_space<vmem>>
      %dma_wait3A_67 = arith.constant 0 : i32
      %dma_wait3A_68 = arith.constant 0 : i32
      %dma_wait3A_69 = tpu.memref_slice %arg2[%dma_wait3A_67, %dma_wait3A_68] : memref<10112x64xf32, #tpu.memory_space<hbm>> -> memref<10112x64xf32, #tpu.memory_space<hbm>>
      tpu.wait_indirect_dma semaphore(%arg12 : memref<!tpu.dma_semaphore, #tpu.memory_space<semaphore_mem>>) src(%dma_wait3A_69 : memref<10112x64xf32, #tpu.memory_space<hbm>>) dst(%arg8 : memref<128x64xf32, #tpu.memory_space<vmem>>)
      "tpu.region"() ({
        %run_scoped3A = tpu.sem_alloc : memref<!tpu.dma_semaphore, #tpu.memory_space<semaphore_mem>>
        %dma_start3A_88 = arith.constant 0 : i32
        %dma_start3A_89 = tpu.memref_slice %arg7[%mul3A_54, %dma_start3A_88] : memref<80x128xi32, #tpu.memory_space<vmem>> -> memref<1x128xi32, #tpu.memory_space<vmem>>
        %dma_start3A_90 = tpu.memref_squeeze %dma_start3A_89 : memref<1x128xi32, #tpu.memory_space<vmem>> -> memref<128xi32, #tpu.memory_space<vmem>>
        %dma_start3A_91 = arith.constant 0 : i32
        %dma_start3A_92 = arith.constant 0 : i32
        %dma_start3A_93 = tpu.memref_slice %arg11[%dma_start3A_91, %dma_start3A_92] : memref<10112x64xf32, #tpu.memory_space<vmem_shared>> -> memref<10112x64xf32, #tpu.memory_space<vmem_shared>>
        tpu.enqueue_indirect_dma source(%arg8 : memref<128x64xf32, #tpu.memory_space<vmem>>) target(%dma_start3A_93 : memref<10112x64xf32, #tpu.memory_space<vmem_shared>>) offsets(%dma_start3A_90 : memref<128xi32, #tpu.memory_space<vmem>>) semaphore(%run_scoped3A : memref<!tpu.dma_semaphore, #tpu.memory_space<semaphore_mem>>) {add = true}
        %dma_wait3A_94 = arith.constant 0 : i32
        %dma_wait3A_95 = tpu.memref_slice %arg7[%mul3A_54, %dma_wait3A_94] : memref<80x128xi32, #tpu.memory_space<vmem>> -> memref<1x128xi32, #tpu.memory_space<vmem>>
        %dma_wait3A_96 = tpu.memref_squeeze %dma_wait3A_95 : memref<1x128xi32, #tpu.memory_space<vmem>> -> memref<128xi32, #tpu.memory_space<vmem>>
        %dma_wait3A_97 = arith.constant 0 : i32
        %dma_wait3A_98 = arith.constant 0 : i32
        %dma_wait3A_99 = tpu.memref_slice %arg11[%dma_wait3A_97, %dma_wait3A_98] : memref<10112x64xf32, #tpu.memory_space<vmem_shared>> -> memref<10112x64xf32, #tpu.memory_space<vmem_shared>>
        tpu.wait_indirect_dma semaphore(%run_scoped3A : memref<!tpu.dma_semaphore, #tpu.memory_space<semaphore_mem>>) src(%arg8 : memref<128x64xf32, #tpu.memory_space<vmem>>) dst(%dma_wait3A_99 : memref<10112x64xf32, #tpu.memory_space<vmem_shared>>)
        tpu.yield
      }) : () -> ()
      %add3A_70 = arith.constant 2 : i32
      %add3A_71 = arith.addi %mul3A_54, %add3A_70 : i32
      %sub3A = arith.constant 1 : i32
      %sub3A_72 = arith.subi %select_n3A_8, %sub3A : i32
      %min3A = arith.minsi %add3A_71, %sub3A_72 : i32
      %dma_start3A_73 = arith.constant 0 : i32
      %dma_start3A_74 = tpu.memref_slice %arg6[%min3A, %dma_start3A_73] : memref<80x128xi32, #tpu.memory_space<vmem>> -> memref<1x128xi32, #tpu.memory_space<vmem>>
      %dma_start3A_75 = tpu.memref_squeeze %dma_start3A_74 : memref<1x128xi32, #tpu.memory_space<vmem>> -> memref<128xi32, #tpu.memory_space<vmem>>
      %dma_start3A_76 = arith.constant 0 : i32
      %dma_start3A_77 = arith.constant 0 : i32
      %dma_start3A_78 = tpu.memref_slice %arg2[%dma_start3A_76, %dma_start3A_77] : memref<10112x64xf32, #tpu.memory_space<hbm>> -> memref<10112x64xf32, #tpu.memory_space<hbm>>
      tpu.enqueue_indirect_dma source(%dma_start3A_78 : memref<10112x64xf32, #tpu.memory_space<hbm>>) target(%arg8 : memref<128x64xf32, #tpu.memory_space<vmem>>) offsets(%dma_start3A_75 : memref<128xi32, #tpu.memory_space<vmem>>) semaphore(%arg12 : memref<!tpu.dma_semaphore, #tpu.memory_space<semaphore_mem>>)
      %dma_wait3A_79 = arith.constant 0 : i32
      %dma_wait3A_80 = arith.constant 0 : i32
      %dma_wait3A_81 = tpu.memref_slice %arg6[%dma_wait3A_79, %dma_wait3A_80] : memref<80x128xi32, #tpu.memory_space<vmem>> -> memref<1x128xi32, #tpu.memory_space<vmem>>
      %dma_wait3A_82 = tpu.memref_squeeze %dma_wait3A_81 : memref<1x128xi32, #tpu.memory_space<vmem>> -> memref<128xi32, #tpu.memory_space<vmem>>
      %dma_wait3A_83 = arith.constant 0 : i32
      %dma_wait3A_84 = arith.constant 0 : i32
      %dma_wait3A_85 = tpu.memref_slice %arg2[%dma_wait3A_83, %dma_wait3A_84] : memref<10112x64xf32, #tpu.memory_space<hbm>> -> memref<10112x64xf32, #tpu.memory_space<hbm>>
      tpu.wait_indirect_dma semaphore(%arg13 : memref<!tpu.dma_semaphore, #tpu.memory_space<semaphore_mem>>) src(%dma_wait3A_85 : memref<10112x64xf32, #tpu.memory_space<hbm>>) dst(%arg9 : memref<128x64xf32, #tpu.memory_space<vmem>>)
      %add3A_86 = arith.constant 1 : i32
      %add3A_87 = arith.addi %mul3A_54, %add3A_86 : i32
      "tpu.region"() ({
        %run_scoped3A = tpu.sem_alloc : memref<!tpu.dma_semaphore, #tpu.memory_space<semaphore_mem>>
        %dma_start3A_88 = arith.constant 0 : i32
        %dma_start3A_89 = tpu.memref_slice %arg7[%add3A_87, %dma_start3A_88] : memref<80x128xi32, #tpu.memory_space<vmem>> -> memref<1x128xi32, #tpu.memory_space<vmem>>
        %dma_start3A_90 = tpu.memref_squeeze %dma_start3A_89 : memref<1x128xi32, #tpu.memory_space<vmem>> -> memref<128xi32, #tpu.memory_space<vmem>>
        %dma_start3A_91 = arith.constant 0 : i32
        %dma_start3A_92 = arith.constant 0 : i32
        %dma_start3A_93 = tpu.memref_slice %arg11[%dma_start3A_91, %dma_start3A_92] : memref<10112x64xf32, #tpu.memory_space<vmem_shared>> -> memref<10112x64xf32, #tpu.memory_space<vmem_shared>>
        tpu.enqueue_indirect_dma source(%arg9 : memref<128x64xf32, #tpu.memory_space<vmem>>) target(%dma_start3A_93 : memref<10112x64xf32, #tpu.memory_space<vmem_shared>>) offsets(%dma_start3A_90 : memref<128xi32, #tpu.memory_space<vmem>>) semaphore(%run_scoped3A : memref<!tpu.dma_semaphore, #tpu.memory_space<semaphore_mem>>) {add = true}
        %dma_wait3A_94 = arith.constant 0 : i32
        %dma_wait3A_95 = tpu.memref_slice %arg7[%add3A_87, %dma_wait3A_94] : memref<80x128xi32, #tpu.memory_space<vmem>> -> memref<1x128xi32, #tpu.memory_space<vmem>>
        %dma_wait3A_96 = tpu.memref_squeeze %dma_wait3A_95 : memref<1x128xi32, #tpu.memory_space<vmem>> -> memref<128xi32, #tpu.memory_space<vmem>>
        %dma_wait3A_97 = arith.constant 0 : i32
        %dma_wait3A_98 = arith.constant 0 : i32
        %dma_wait3A_99 = tpu.memref_slice %arg11[%dma_wait3A_97, %dma_wait3A_98] : memref<10112x64xf32, #tpu.memory_space<vmem_shared>> -> memref<10112x64xf32, #tpu.memory_space<vmem_shared>>
        tpu.wait_indirect_dma semaphore(%run_scoped3A : memref<!tpu.dma_semaphore, #tpu.memory_space<semaphore_mem>>) src(%arg9 : memref<128x64xf32, #tpu.memory_space<vmem>>) dst(%dma_wait3A_99 : memref<10112x64xf32, #tpu.memory_space<vmem_shared>>)
        tpu.yield
      }) : () -> ()
    }
    %dma_wait3A = arith.constant 0 : i32
    %dma_wait3A_45 = arith.constant 0 : i32
    %dma_wait3A_46 = tpu.memref_slice %arg6[%dma_wait3A, %dma_wait3A_45] : memref<80x128xi32, #tpu.memory_space<vmem>> -> memref<1x128xi32, #tpu.memory_space<vmem>>
    %dma_wait3A_47 = tpu.memref_squeeze %dma_wait3A_46 : memref<1x128xi32, #tpu.memory_space<vmem>> -> memref<128xi32, #tpu.memory_space<vmem>>
    %dma_wait3A_48 = arith.constant 0 : i32
    %dma_wait3A_49 = arith.constant 0 : i32
    %dma_wait3A_50 = tpu.memref_slice %arg2[%dma_wait3A_48, %dma_wait3A_49] : memref<10112x64xf32, #tpu.memory_space<hbm>> -> memref<10112x64xf32, #tpu.memory_space<hbm>>
    tpu.wait_indirect_dma semaphore(%arg12 : memref<!tpu.dma_semaphore, #tpu.memory_space<semaphore_mem>>) src(%dma_wait3A_50 : memref<10112x64xf32, #tpu.memory_space<hbm>>) dst(%arg8 : memref<128x64xf32, #tpu.memory_space<vmem>>)
    %barrier3A_51 = arith.constant 0 : index
    tpu.barrier barrier_id(%barrier3A_51)
    "tpu.region"() ({
      %run_scoped3A = tpu.sem_alloc : memref<!tpu.dma_semaphore, #tpu.memory_space<semaphore_mem>>
      %dma_start3A_52 = arith.constant 0 : i32
      %dma_start3A_53 = tpu.memref_slice %arg5[%arg0, %mul3A_20, %dma_start3A_52] : memref<2x10112x64xf32, #tpu.memory_space<hbm>> -> memref<1x632x64xf32, #tpu.memory_space<hbm>>
      %dma_start3A_54 = tpu.memref_squeeze %dma_start3A_53 : memref<1x632x64xf32, #tpu.memory_space<hbm>> -> memref<632x64xf32, #tpu.memory_space<hbm>>
      %dma_start3A_55 = arith.constant 0 : i32
      %dma_start3A_56 = tpu.memref_slice %arg11[%mul3A_20, %dma_start3A_55] : memref<10112x64xf32, #tpu.memory_space<vmem_shared>> -> memref<632x64xf32, #tpu.memory_space<vmem_shared>>
      tpu.enqueue_dma source(%dma_start3A_56 : memref<632x64xf32, #tpu.memory_space<vmem_shared>>) target(%dma_start3A_54 : memref<632x64xf32, #tpu.memory_space<hbm>>) target_semaphore(%run_scoped3A : memref<!tpu.dma_semaphore, #tpu.memory_space<semaphore_mem>>)
      %dma_wait3A_57 = arith.constant 0 : i32
      %dma_wait3A_58 = tpu.memref_slice %arg5[%arg0, %mul3A_20, %dma_wait3A_57] : memref<2x10112x64xf32, #tpu.memory_space<hbm>> -> memref<1x632x64xf32, #tpu.memory_space<hbm>>
      %dma_wait3A_59 = tpu.memref_squeeze %dma_wait3A_58 : memref<1x632x64xf32, #tpu.memory_space<hbm>> -> memref<632x64xf32, #tpu.memory_space<hbm>>
      %dma_wait3A_60 = arith.constant 0 : i32
      %dma_wait3A_61 = tpu.memref_slice %arg11[%mul3A_20, %dma_wait3A_60] : memref<10112x64xf32, #tpu.memory_space<vmem_shared>> -> memref<632x64xf32, #tpu.memory_space<vmem_shared>>
      tpu.wait_dma2 semaphore(%run_scoped3A : memref<!tpu.dma_semaphore, #tpu.memory_space<semaphore_mem>>) src(%dma_wait3A_61 : memref<632x64xf32, #tpu.memory_space<vmem_shared>>) dst(%dma_wait3A_59 : memref<632x64xf32, #tpu.memory_space<hbm>>)
      tpu.yield
    }) : () -> ()
    return
  }
}

#map = affine_map<(d0, d1) -> (0, 0)>
#map1 = affine_map<(d0, d1) -> (0, 0, 0)>
module attributes {stable_mosaic.version = 14 : i64} {
  func.func @agg_kernel(%arg0: i32, %arg1: i32, %arg2: memref<10112x64xf32, #tpu.memory_space<hbm>>, %arg3: memref<2640x128xi32, #tpu.memory_space<hbm>>, %arg4: memref<2640x128xi32, #tpu.memory_space<hbm>>, %arg5: memref<2x10112x64xf32, #tpu.memory_space<hbm>>, %arg6: memref<80x128xi32, #tpu.memory_space<vmem>>, %arg7: memref<80x128xi32, #tpu.memory_space<vmem>>, %arg8: memref<128x64xf32, #tpu.memory_space<vmem>>, %arg9: memref<128x64xf32, #tpu.memory_space<vmem>>, %arg10: memref<128x64xf32, #tpu.memory_space<vmem>>, %arg11: memref<10112x64xf32, #tpu.memory_space<vmem_shared>>, %arg12: memref<!tpu.dma_semaphore, #tpu.memory_space<semaphore_mem>>, %arg13: memref<!tpu.dma_semaphore, #tpu.memory_space<semaphore_mem>>) attributes {dimension_semantics = [#tpu.dimension_semantics<core_parallel>, #tpu.dimension_semantics<subcore_parallel>], iteration_bounds = array<i64: 2, 16>, scalar_prefetch = 0 : i64, scratch_operands = 8 : i64, tpu.core_type = #tpu.core_type<sc_vector_subcore>, window_params = [{transform_indices = #map}, {transform_indices = #map}, {transform_indices = #map}, {transform_indices = #map1}]} {
    %eq3A = arith.constant 0 : i32
    %eq3A_0 = arith.cmpi eq, %arg0, %eq3A : i32
    %mul3A = arith.constant 80 : i32
    %mul3A_1 = arith.muli %arg1, %mul3A : i32
    %mul3A_2 = arith.constant 80 : i32
    %mul3A_3 = arith.muli %arg1, %mul3A_2 : i32
    %add3A = arith.constant 1280 : i32
    %add3A_4 = arith.addi %add3A, %mul3A_3 : i32
    %select_n3A = arith.select %eq3A_0, %mul3A_1, %add3A_4 : i32
    %eq3A_5 = arith.constant 0 : i32
    %eq3A_6 = arith.cmpi eq, %arg0, %eq3A_5 : i32
    %jit3A = arith.constant 80 : i32
    %jit3A_7 = arith.constant 80 : i32
    %select_n3A_8 = arith.select %eq3A_6, %jit3A, %jit3A_7 : i32
    %eq3A_9 = arith.constant 0 : i32
    %eq3A_10 = arith.cmpi eq, %arg0, %eq3A_9 : i32
    %jit3A_11 = arith.constant 40 : i32
    %jit3A_12 = arith.constant 40 : i32
    %select_n3A_13 = arith.select %eq3A_10, %jit3A_11, %jit3A_12 : i32
    %broadcast_in_dim3A = arith.constant 0.000000e+00 : f32
    %broadcast_in_dim3A_14 = vector.broadcast %broadcast_in_dim3A : f32 to vector<16xf32>
    %scan3A = arith.constant 0 : i32
    %scan3A_15 = arith.constant 128 : i32
    %scan3A_16 = arith.addi %scan3A, %scan3A_15 : i32
    %scan3A_17 = arith.constant 1 : i32
    scf.for %scan3A_52 = %scan3A to %scan3A_16 step %scan3A_17  : i32 {
      %scan3A_53 = arith.constant 0 : i32
      %scan3A_54 = arith.constant 4 : i32
      %scan3A_55 = arith.addi %scan3A_53, %scan3A_54 : i32
      %scan3A_56 = arith.constant 1 : i32
      scf.for %scan3A_58 = %scan3A_53 to %scan3A_55 step %scan3A_56  : i32 {
        %mul3A_59 = arith.constant 16 : i32
        %mul3A_60 = arith.muli %scan3A_58, %mul3A_59 : i32
        %swap3A = arith.index_cast %scan3A_52 : i32 to index
        %swap3A_61 = arith.index_cast %mul3A_60 : i32 to index
        %swap3A_62 = tpu.vector_load %arg10[%swap3A, %swap3A_61] {strides = array<i32>} : memref<128x64xf32, #tpu.memory_space<vmem>>, vector<1x16xf32>,
        %swap3A_63 = vector.shape_cast %swap3A_62 : vector<1x16xf32> to vector<16xf32>
        %swap3A_64 = vector.shape_cast %broadcast_in_dim3A_14 : vector<16xf32> to vector<1x16xf32>
        tpu.vector_store %arg10[%swap3A, %swap3A_61], %swap3A_64 {strides = array<i32>} : memref<128x64xf32, #tpu.memory_space<vmem>>, vector<1x16xf32>,
      }
      %scan3A_57 = arith.constant 4 : i32
    }
    %scan3A_18 = arith.constant 128 : i32
    %mul3A_19 = arith.constant 632 : i32
    %mul3A_20 = arith.muli %arg1, %mul3A_19 : i32
    %add3A_21 = arith.constant 0 : i32
    %add3A_22 = arith.addi %mul3A_20, %add3A_21 : i32
    "tpu.region"() ({
      %run_scoped3A = tpu.sem_alloc : memref<!tpu.dma_semaphore, #tpu.memory_space<semaphore_mem>>
      %dma_start3A_52 = arith.constant 0 : i32
      %dma_start3A_53 = tpu.memref_slice %arg11[%add3A_22, %dma_start3A_52] : memref<10112x64xf32, #tpu.memory_space<vmem_shared>> -> memref<128x64xf32, #tpu.memory_space<vmem_shared>>
      %dma_start3A_54 = arith.constant 0 : i32
      %dma_start3A_55 = tpu.memref_slice %arg11[%add3A_22, %dma_start3A_54] : memref<10112x64xf32, #tpu.memory_space<vmem_shared>> -> memref<128x64xf32, #tpu.memory_space<vmem_shared>>
      tpu.enqueue_dma source(%arg10 : memref<128x64xf32, #tpu.memory_space<vmem>>) target(%dma_start3A_55 : memref<128x64xf32, #tpu.memory_space<vmem_shared>>) target_semaphore(%run_scoped3A : memref<!tpu.dma_semaphore, #tpu.memory_space<semaphore_mem>>)
      %dma_wait3A_56 = arith.constant 0 : i32
      %dma_wait3A_57 = tpu.memref_slice %arg11[%add3A_22, %dma_wait3A_56] : memref<10112x64xf32, #tpu.memory_space<vmem_shared>> -> memref<128x64xf32, #tpu.memory_space<vmem_shared>>
      %dma_wait3A_58 = arith.constant 0 : i32
      %dma_wait3A_59 = tpu.memref_slice %arg11[%add3A_22, %dma_wait3A_58] : memref<10112x64xf32, #tpu.memory_space<vmem_shared>> -> memref<128x64xf32, #tpu.memory_space<vmem_shared>>
      tpu.wait_dma2 semaphore(%run_scoped3A : memref<!tpu.dma_semaphore, #tpu.memory_space<semaphore_mem>>) src(%arg10 : memref<128x64xf32, #tpu.memory_space<vmem>>) dst(%dma_wait3A_59 : memref<128x64xf32, #tpu.memory_space<vmem_shared>>)
      tpu.yield
    }) : () -> ()
    %add3A_23 = arith.constant 128 : i32
    %add3A_24 = arith.addi %mul3A_20, %add3A_23 : i32
    "tpu.region"() ({
      %run_scoped3A = tpu.sem_alloc : memref<!tpu.dma_semaphore, #tpu.memory_space<semaphore_mem>>
      %dma_start3A_52 = arith.constant 0 : i32
      %dma_start3A_53 = tpu.memref_slice %arg11[%add3A_24, %dma_start3A_52] : memref<10112x64xf32, #tpu.memory_space<vmem_shared>> -> memref<128x64xf32, #tpu.memory_space<vmem_shared>>
      %dma_start3A_54 = arith.constant 0 : i32
      %dma_start3A_55 = tpu.memref_slice %arg11[%add3A_24, %dma_start3A_54] : memref<10112x64xf32, #tpu.memory_space<vmem_shared>> -> memref<128x64xf32, #tpu.memory_space<vmem_shared>>
      tpu.enqueue_dma source(%arg10 : memref<128x64xf32, #tpu.memory_space<vmem>>) target(%dma_start3A_55 : memref<128x64xf32, #tpu.memory_space<vmem_shared>>) target_semaphore(%run_scoped3A : memref<!tpu.dma_semaphore, #tpu.memory_space<semaphore_mem>>)
      %dma_wait3A_56 = arith.constant 0 : i32
      %dma_wait3A_57 = tpu.memref_slice %arg11[%add3A_24, %dma_wait3A_56] : memref<10112x64xf32, #tpu.memory_space<vmem_shared>> -> memref<128x64xf32, #tpu.memory_space<vmem_shared>>
      %dma_wait3A_58 = arith.constant 0 : i32
      %dma_wait3A_59 = tpu.memref_slice %arg11[%add3A_24, %dma_wait3A_58] : memref<10112x64xf32, #tpu.memory_space<vmem_shared>> -> memref<128x64xf32, #tpu.memory_space<vmem_shared>>
      tpu.wait_dma2 semaphore(%run_scoped3A : memref<!tpu.dma_semaphore, #tpu.memory_space<semaphore_mem>>) src(%arg10 : memref<128x64xf32, #tpu.memory_space<vmem>>) dst(%dma_wait3A_59 : memref<128x64xf32, #tpu.memory_space<vmem_shared>>)
      tpu.yield
    }) : () -> ()
    %add3A_25 = arith.constant 256 : i32
    %add3A_26 = arith.addi %mul3A_20, %add3A_25 : i32
    "tpu.region"() ({
      %run_scoped3A = tpu.sem_alloc : memref<!tpu.dma_semaphore, #tpu.memory_space<semaphore_mem>>
      %dma_start3A_52 = arith.constant 0 : i32
      %dma_start3A_53 = tpu.memref_slice %arg11[%add3A_26, %dma_start3A_52] : memref<10112x64xf32, #tpu.memory_space<vmem_shared>> -> memref<128x64xf32, #tpu.memory_space<vmem_shared>>
      %dma_start3A_54 = arith.constant 0 : i32
      %dma_start3A_55 = tpu.memref_slice %arg11[%add3A_26, %dma_start3A_54] : memref<10112x64xf32, #tpu.memory_space<vmem_shared>> -> memref<128x64xf32, #tpu.memory_space<vmem_shared>>
      tpu.enqueue_dma source(%arg10 : memref<128x64xf32, #tpu.memory_space<vmem>>) target(%dma_start3A_55 : memref<128x64xf32, #tpu.memory_space<vmem_shared>>) target_semaphore(%run_scoped3A : memref<!tpu.dma_semaphore, #tpu.memory_space<semaphore_mem>>)
      %dma_wait3A_56 = arith.constant 0 : i32
      %dma_wait3A_57 = tpu.memref_slice %arg11[%add3A_26, %dma_wait3A_56] : memref<10112x64xf32, #tpu.memory_space<vmem_shared>> -> memref<128x64xf32, #tpu.memory_space<vmem_shared>>
      %dma_wait3A_58 = arith.constant 0 : i32
      %dma_wait3A_59 = tpu.memref_slice %arg11[%add3A_26, %dma_wait3A_58] : memref<10112x64xf32, #tpu.memory_space<vmem_shared>> -> memref<128x64xf32, #tpu.memory_space<vmem_shared>>
      tpu.wait_dma2 semaphore(%run_scoped3A : memref<!tpu.dma_semaphore, #tpu.memory_space<semaphore_mem>>) src(%arg10 : memref<128x64xf32, #tpu.memory_space<vmem>>) dst(%dma_wait3A_59 : memref<128x64xf32, #tpu.memory_space<vmem_shared>>)
      tpu.yield
    }) : () -> ()
    %add3A_27 = arith.constant 384 : i32
    %add3A_28 = arith.addi %mul3A_20, %add3A_27 : i32
    "tpu.region"() ({
      %run_scoped3A = tpu.sem_alloc : memref<!tpu.dma_semaphore, #tpu.memory_space<semaphore_mem>>
      %dma_start3A_52 = arith.constant 0 : i32
      %dma_start3A_53 = tpu.memref_slice %arg11[%add3A_28, %dma_start3A_52] : memref<10112x64xf32, #tpu.memory_space<vmem_shared>> -> memref<128x64xf32, #tpu.memory_space<vmem_shared>>
      %dma_start3A_54 = arith.constant 0 : i32
      %dma_start3A_55 = tpu.memref_slice %arg11[%add3A_28, %dma_start3A_54] : memref<10112x64xf32, #tpu.memory_space<vmem_shared>> -> memref<128x64xf32, #tpu.memory_space<vmem_shared>>
      tpu.enqueue_dma source(%arg10 : memref<128x64xf32, #tpu.memory_space<vmem>>) target(%dma_start3A_55 : memref<128x64xf32, #tpu.memory_space<vmem_shared>>) target_semaphore(%run_scoped3A : memref<!tpu.dma_semaphore, #tpu.memory_space<semaphore_mem>>)
      %dma_wait3A_56 = arith.constant 0 : i32
      %dma_wait3A_57 = tpu.memref_slice %arg11[%add3A_28, %dma_wait3A_56] : memref<10112x64xf32, #tpu.memory_space<vmem_shared>> -> memref<128x64xf32, #tpu.memory_space<vmem_shared>>
      %dma_wait3A_58 = arith.constant 0 : i32
      %dma_wait3A_59 = tpu.memref_slice %arg11[%add3A_28, %dma_wait3A_58] : memref<10112x64xf32, #tpu.memory_space<vmem_shared>> -> memref<128x64xf32, #tpu.memory_space<vmem_shared>>
      tpu.wait_dma2 semaphore(%run_scoped3A : memref<!tpu.dma_semaphore, #tpu.memory_space<semaphore_mem>>) src(%arg10 : memref<128x64xf32, #tpu.memory_space<vmem>>) dst(%dma_wait3A_59 : memref<128x64xf32, #tpu.memory_space<vmem_shared>>)
      tpu.yield
    }) : () -> ()
    %add3A_29 = arith.constant 512 : i32
    %add3A_30 = arith.addi %mul3A_20, %add3A_29 : i32
    "tpu.region"() ({
      %run_scoped3A = tpu.sem_alloc : memref<!tpu.dma_semaphore, #tpu.memory_space<semaphore_mem>>
      %dma_start3A_52 = arith.constant 0 : i32
      %dma_start3A_53 = arith.constant 0 : i32
      %dma_start3A_54 = tpu.memref_slice %arg10[%dma_start3A_52, %dma_start3A_53] : memref<128x64xf32, #tpu.memory_space<vmem>> -> memref<120x64xf32, #tpu.memory_space<vmem>>
      %dma_start3A_55 = arith.constant 0 : i32
      %dma_start3A_56 = tpu.memref_slice %arg11[%add3A_30, %dma_start3A_55] : memref<10112x64xf32, #tpu.memory_space<vmem_shared>> -> memref<120x64xf32, #tpu.memory_space<vmem_shared>>
      %dma_start3A_57 = arith.constant 0 : i32
      %dma_start3A_58 = tpu.memref_slice %arg11[%add3A_30, %dma_start3A_57] : memref<10112x64xf32, #tpu.memory_space<vmem_shared>> -> memref<120x64xf32, #tpu.memory_space<vmem_shared>>
      %dma_start3A_59 = arith.constant 0 : i32
      %dma_start3A_60 = arith.constant 0 : i32
      %dma_start3A_61 = tpu.memref_slice %arg10[%dma_start3A_59, %dma_start3A_60] : memref<128x64xf32, #tpu.memory_space<vmem>> -> memref<120x64xf32, #tpu.memory_space<vmem>>
      tpu.enqueue_dma source(%dma_start3A_61 : memref<120x64xf32, #tpu.memory_space<vmem>>) target(%dma_start3A_58 : memref<120x64xf32, #tpu.memory_space<vmem_shared>>) target_semaphore(%run_scoped3A : memref<!tpu.dma_semaphore, #tpu.memory_space<semaphore_mem>>)
      %dma_wait3A_62 = arith.constant 0 : i32
      %dma_wait3A_63 = arith.constant 0 : i32
      %dma_wait3A_64 = tpu.memref_slice %arg10[%dma_wait3A_62, %dma_wait3A_63] : memref<128x64xf32, #tpu.memory_space<vmem>> -> memref<120x64xf32, #tpu.memory_space<vmem>>
      %dma_wait3A_65 = arith.constant 0 : i32
      %dma_wait3A_66 = tpu.memref_slice %arg11[%add3A_30, %dma_wait3A_65] : memref<10112x64xf32, #tpu.memory_space<vmem_shared>> -> memref<120x64xf32, #tpu.memory_space<vmem_shared>>
      %dma_wait3A_67 = arith.constant 0 : i32
      %dma_wait3A_68 = tpu.memref_slice %arg11[%add3A_30, %dma_wait3A_67] : memref<10112x64xf32, #tpu.memory_space<vmem_shared>> -> memref<120x64xf32, #tpu.memory_space<vmem_shared>>
      %dma_wait3A_69 = arith.constant 0 : i32
      %dma_wait3A_70 = arith.constant 0 : i32
      %dma_wait3A_71 = tpu.memref_slice %arg10[%dma_wait3A_69, %dma_wait3A_70] : memref<128x64xf32, #tpu.memory_space<vmem>> -> memref<120x64xf32, #tpu.memory_space<vmem>>
      tpu.wait_dma2 semaphore(%run_scoped3A : memref<!tpu.dma_semaphore, #tpu.memory_space<semaphore_mem>>) src(%dma_wait3A_71 : memref<120x64xf32, #tpu.memory_space<vmem>>) dst(%dma_wait3A_68 : memref<120x64xf32, #tpu.memory_space<vmem_shared>>)
      tpu.yield
    }) : () -> ()
    %barrier3A = arith.constant 0 : index
    tpu.barrier barrier_id(%barrier3A)
    "tpu.region"() ({
      %run_scoped3A = tpu.sem_alloc : memref<!tpu.dma_semaphore, #tpu.memory_space<semaphore_mem>>
      %dma_start3A_52 = arith.constant 0 : i32
      %dma_start3A_53 = tpu.memref_slice %arg3[%select_n3A, %dma_start3A_52] : memref<2640x128xi32, #tpu.memory_space<hbm>> -> memref<80x128xi32, #tpu.memory_space<hbm>>
      %dma_start3A_54 = arith.constant 0 : i32
      %dma_start3A_55 = tpu.memref_slice %arg3[%select_n3A, %dma_start3A_54] : memref<2640x128xi32, #tpu.memory_space<hbm>> -> memref<80x128xi32, #tpu.memory_space<hbm>>
      tpu.enqueue_dma source(%dma_start3A_55 : memref<80x128xi32, #tpu.memory_space<hbm>>) target(%arg6 : memref<80x128xi32, #tpu.memory_space<vmem>>) target_semaphore(%run_scoped3A : memref<!tpu.dma_semaphore, #tpu.memory_space<semaphore_mem>>)
      %dma_wait3A_56 = arith.constant 0 : i32
      %dma_wait3A_57 = tpu.memref_slice %arg3[%select_n3A, %dma_wait3A_56] : memref<2640x128xi32, #tpu.memory_space<hbm>> -> memref<80x128xi32, #tpu.memory_space<hbm>>
      %dma_wait3A_58 = arith.constant 0 : i32
      %dma_wait3A_59 = tpu.memref_slice %arg3[%select_n3A, %dma_wait3A_58] : memref<2640x128xi32, #tpu.memory_space<hbm>> -> memref<80x128xi32, #tpu.memory_space<hbm>>
      tpu.wait_dma2 semaphore(%run_scoped3A : memref<!tpu.dma_semaphore, #tpu.memory_space<semaphore_mem>>) src(%dma_wait3A_59 : memref<80x128xi32, #tpu.memory_space<hbm>>) dst(%arg6 : memref<80x128xi32, #tpu.memory_space<vmem>>)
      tpu.yield
    }) : () -> ()
    "tpu.region"() ({
      %run_scoped3A = tpu.sem_alloc : memref<!tpu.dma_semaphore, #tpu.memory_space<semaphore_mem>>
      %dma_start3A_52 = arith.constant 0 : i32
      %dma_start3A_53 = tpu.memref_slice %arg4[%select_n3A, %dma_start3A_52] : memref<2640x128xi32, #tpu.memory_space<hbm>> -> memref<80x128xi32, #tpu.memory_space<hbm>>
      %dma_start3A_54 = arith.constant 0 : i32
      %dma_start3A_55 = tpu.memref_slice %arg4[%select_n3A, %dma_start3A_54] : memref<2640x128xi32, #tpu.memory_space<hbm>> -> memref<80x128xi32, #tpu.memory_space<hbm>>
      tpu.enqueue_dma source(%dma_start3A_55 : memref<80x128xi32, #tpu.memory_space<hbm>>) target(%arg7 : memref<80x128xi32, #tpu.memory_space<vmem>>) target_semaphore(%run_scoped3A : memref<!tpu.dma_semaphore, #tpu.memory_space<semaphore_mem>>)
      %dma_wait3A_56 = arith.constant 0 : i32
      %dma_wait3A_57 = tpu.memref_slice %arg4[%select_n3A, %dma_wait3A_56] : memref<2640x128xi32, #tpu.memory_space<hbm>> -> memref<80x128xi32, #tpu.memory_space<hbm>>
      %dma_wait3A_58 = arith.constant 0 : i32
      %dma_wait3A_59 = tpu.memref_slice %arg4[%select_n3A, %dma_wait3A_58] : memref<2640x128xi32, #tpu.memory_space<hbm>> -> memref<80x128xi32, #tpu.memory_space<hbm>>
      tpu.wait_dma2 semaphore(%run_scoped3A : memref<!tpu.dma_semaphore, #tpu.memory_space<semaphore_mem>>) src(%dma_wait3A_59 : memref<80x128xi32, #tpu.memory_space<hbm>>) dst(%arg7 : memref<80x128xi32, #tpu.memory_space<vmem>>)
      tpu.yield
    }) : () -> ()
    %dma_start3A = arith.constant 0 : i32
    %dma_start3A_31 = arith.constant 0 : i32
    %dma_start3A_32 = tpu.memref_slice %arg6[%dma_start3A, %dma_start3A_31] : memref<80x128xi32, #tpu.memory_space<vmem>> -> memref<1x128xi32, #tpu.memory_space<vmem>>
    %dma_start3A_33 = tpu.memref_squeeze %dma_start3A_32 : memref<1x128xi32, #tpu.memory_space<vmem>> -> memref<128xi32, #tpu.memory_space<vmem>>
    %dma_start3A_34 = arith.constant 0 : i32
    %dma_start3A_35 = arith.constant 0 : i32
    %dma_start3A_36 = tpu.memref_slice %arg2[%dma_start3A_34, %dma_start3A_35] : memref<10112x64xf32, #tpu.memory_space<hbm>> -> memref<10112x64xf32, #tpu.memory_space<hbm>>
    tpu.enqueue_indirect_dma source(%dma_start3A_36 : memref<10112x64xf32, #tpu.memory_space<hbm>>) target(%arg8 : memref<128x64xf32, #tpu.memory_space<vmem>>) offsets(%dma_start3A_33 : memref<128xi32, #tpu.memory_space<vmem>>) semaphore(%arg12 : memref<!tpu.dma_semaphore, #tpu.memory_space<semaphore_mem>>)
    %while3A = arith.constant 0 : i32
    %while3A_37 = arith.subi %select_n3A_13, %while3A : i32
    %while3A_38 = arith.addi %while3A, %while3A_37 : i32
    %while3A_39 = arith.constant 1 : i32
    %while3A_40 = arith.divsi %while3A_37, %while3A_39 : i32
    %while3A_41 = arith.muli %while3A_40, %while3A_39 : i32
    %while3A_42 = arith.addi %while3A, %while3A_41 : i32
    %while3A_43 = arith.constant 1 : i32
    scf.for %while3A_52 = %while3A to %while3A_42 step %while3A_43  : i32 {
      %mul3A_53 = arith.constant 2 : i32
      %mul3A_54 = arith.muli %mul3A_53, %while3A_52 : i32
      %add3A_55 = arith.constant 1 : i32
      %add3A_56 = arith.addi %mul3A_54, %add3A_55 : i32
      %dma_start3A_57 = arith.constant 0 : i32
      %dma_start3A_58 = tpu.memref_slice %arg6[%add3A_56, %dma_start3A_57] : memref<80x128xi32, #tpu.memory_space<vmem>> -> memref<1x128xi32, #tpu.memory_space<vmem>>
      %dma_start3A_59 = tpu.memref_squeeze %dma_start3A_58 : memref<1x128xi32, #tpu.memory_space<vmem>> -> memref<128xi32, #tpu.memory_space<vmem>>
      %dma_start3A_60 = arith.constant 0 : i32
      %dma_start3A_61 = arith.constant 0 : i32
      %dma_start3A_62 = tpu.memref_slice %arg2[%dma_start3A_60, %dma_start3A_61] : memref<10112x64xf32, #tpu.memory_space<hbm>> -> memref<10112x64xf32, #tpu.memory_space<hbm>>
      tpu.enqueue_indirect_dma source(%dma_start3A_62 : memref<10112x64xf32, #tpu.memory_space<hbm>>) target(%arg9 : memref<128x64xf32, #tpu.memory_space<vmem>>) offsets(%dma_start3A_59 : memref<128xi32, #tpu.memory_space<vmem>>) semaphore(%arg13 : memref<!tpu.dma_semaphore, #tpu.memory_space<semaphore_mem>>)
      %dma_wait3A_63 = arith.constant 0 : i32
      %dma_wait3A_64 = arith.constant 0 : i32
      %dma_wait3A_65 = tpu.memref_slice %arg6[%dma_wait3A_63, %dma_wait3A_64] : memref<80x128xi32, #tpu.memory_space<vmem>> -> memref<1x128xi32, #tpu.memory_space<vmem>>
      %dma_wait3A_66 = tpu.memref_squeeze %dma_wait3A_65 : memref<1x128xi32, #tpu.memory_space<vmem>> -> memref<128xi32, #tpu.memory_space<vmem>>
      %dma_wait3A_67 = arith.constant 0 : i32
      %dma_wait3A_68 = arith.constant 0 : i32
      %dma_wait3A_69 = tpu.memref_slice %arg2[%dma_wait3A_67, %dma_wait3A_68] : memref<10112x64xf32, #tpu.memory_space<hbm>> -> memref<10112x64xf32, #tpu.memory_space<hbm>>
      tpu.wait_indirect_dma semaphore(%arg12 : memref<!tpu.dma_semaphore, #tpu.memory_space<semaphore_mem>>) src(%dma_wait3A_69 : memref<10112x64xf32, #tpu.memory_space<hbm>>) dst(%arg8 : memref<128x64xf32, #tpu.memory_space<vmem>>)
      "tpu.region"() ({
        %run_scoped3A = tpu.sem_alloc : memref<!tpu.dma_semaphore, #tpu.memory_space<semaphore_mem>>
        %dma_start3A_88 = arith.constant 0 : i32
        %dma_start3A_89 = tpu.memref_slice %arg7[%mul3A_54, %dma_start3A_88] : memref<80x128xi32, #tpu.memory_space<vmem>> -> memref<1x128xi32, #tpu.memory_space<vmem>>
        %dma_start3A_90 = tpu.memref_squeeze %dma_start3A_89 : memref<1x128xi32, #tpu.memory_space<vmem>> -> memref<128xi32, #tpu.memory_space<vmem>>
        %dma_start3A_91 = arith.constant 0 : i32
        %dma_start3A_92 = arith.constant 0 : i32
        %dma_start3A_93 = tpu.memref_slice %arg11[%dma_start3A_91, %dma_start3A_92] : memref<10112x64xf32, #tpu.memory_space<vmem_shared>> -> memref<10112x64xf32, #tpu.memory_space<vmem_shared>>
        tpu.enqueue_indirect_dma source(%arg8 : memref<128x64xf32, #tpu.memory_space<vmem>>) target(%dma_start3A_93 : memref<10112x64xf32, #tpu.memory_space<vmem_shared>>) offsets(%dma_start3A_90 : memref<128xi32, #tpu.memory_space<vmem>>) semaphore(%run_scoped3A : memref<!tpu.dma_semaphore, #tpu.memory_space<semaphore_mem>>) {add = true}
        %dma_wait3A_94 = arith.constant 0 : i32
        %dma_wait3A_95 = tpu.memref_slice %arg7[%mul3A_54, %dma_wait3A_94] : memref<80x128xi32, #tpu.memory_space<vmem>> -> memref<1x128xi32, #tpu.memory_space<vmem>>
        %dma_wait3A_96 = tpu.memref_squeeze %dma_wait3A_95 : memref<1x128xi32, #tpu.memory_space<vmem>> -> memref<128xi32, #tpu.memory_space<vmem>>
        %dma_wait3A_97 = arith.constant 0 : i32
        %dma_wait3A_98 = arith.constant 0 : i32
        %dma_wait3A_99 = tpu.memref_slice %arg11[%dma_wait3A_97, %dma_wait3A_98] : memref<10112x64xf32, #tpu.memory_space<vmem_shared>> -> memref<10112x64xf32, #tpu.memory_space<vmem_shared>>
        tpu.wait_indirect_dma semaphore(%run_scoped3A : memref<!tpu.dma_semaphore, #tpu.memory_space<semaphore_mem>>) src(%arg8 : memref<128x64xf32, #tpu.memory_space<vmem>>) dst(%dma_wait3A_99 : memref<10112x64xf32, #tpu.memory_space<vmem_shared>>)
        tpu.yield
      }) : () -> ()
      %add3A_70 = arith.constant 2 : i32
      %add3A_71 = arith.addi %mul3A_54, %add3A_70 : i32
      %sub3A = arith.constant 1 : i32
      %sub3A_72 = arith.subi %select_n3A_8, %sub3A : i32
      %min3A = arith.minsi %add3A_71, %sub3A_72 : i32
      %dma_start3A_73 = arith.constant 0 : i32
      %dma_start3A_74 = tpu.memref_slice %arg6[%min3A, %dma_start3A_73] : memref<80x128xi32, #tpu.memory_space<vmem>> -> memref<1x128xi32, #tpu.memory_space<vmem>>
      %dma_start3A_75 = tpu.memref_squeeze %dma_start3A_74 : memref<1x128xi32, #tpu.memory_space<vmem>> -> memref<128xi32, #tpu.memory_space<vmem>>
      %dma_start3A_76 = arith.constant 0 : i32
      %dma_start3A_77 = arith.constant 0 : i32
      %dma_start3A_78 = tpu.memref_slice %arg2[%dma_start3A_76, %dma_start3A_77] : memref<10112x64xf32, #tpu.memory_space<hbm>> -> memref<10112x64xf32, #tpu.memory_space<hbm>>
      tpu.enqueue_indirect_dma source(%dma_start3A_78 : memref<10112x64xf32, #tpu.memory_space<hbm>>) target(%arg8 : memref<128x64xf32, #tpu.memory_space<vmem>>) offsets(%dma_start3A_75 : memref<128xi32, #tpu.memory_space<vmem>>) semaphore(%arg12 : memref<!tpu.dma_semaphore, #tpu.memory_space<semaphore_mem>>)
      %dma_wait3A_79 = arith.constant 0 : i32
      %dma_wait3A_80 = arith.constant 0 : i32
      %dma_wait3A_81 = tpu.memref_slice %arg6[%dma_wait3A_79, %dma_wait3A_80] : memref<80x128xi32, #tpu.memory_space<vmem>> -> memref<1x128xi32, #tpu.memory_space<vmem>>
      %dma_wait3A_82 = tpu.memref_squeeze %dma_wait3A_81 : memref<1x128xi32, #tpu.memory_space<vmem>> -> memref<128xi32, #tpu.memory_space<vmem>>
      %dma_wait3A_83 = arith.constant 0 : i32
      %dma_wait3A_84 = arith.constant 0 : i32
      %dma_wait3A_85 = tpu.memref_slice %arg2[%dma_wait3A_83, %dma_wait3A_84] : memref<10112x64xf32, #tpu.memory_space<hbm>> -> memref<10112x64xf32, #tpu.memory_space<hbm>>
      tpu.wait_indirect_dma semaphore(%arg13 : memref<!tpu.dma_semaphore, #tpu.memory_space<semaphore_mem>>) src(%dma_wait3A_85 : memref<10112x64xf32, #tpu.memory_space<hbm>>) dst(%arg9 : memref<128x64xf32, #tpu.memory_space<vmem>>)
      %add3A_86 = arith.constant 1 : i32
      %add3A_87 = arith.addi %mul3A_54, %add3A_86 : i32
      "tpu.region"() ({
        %run_scoped3A = tpu.sem_alloc : memref<!tpu.dma_semaphore, #tpu.memory_space<semaphore_mem>>
        %dma_start3A_88 = arith.constant 0 : i32
        %dma_start3A_89 = tpu.memref_slice %arg7[%add3A_87, %dma_start3A_88] : memref<80x128xi32, #tpu.memory_space<vmem>> -> memref<1x128xi32, #tpu.memory_space<vmem>>
        %dma_start3A_90 = tpu.memref_squeeze %dma_start3A_89 : memref<1x128xi32, #tpu.memory_space<vmem>> -> memref<128xi32, #tpu.memory_space<vmem>>
        %dma_start3A_91 = arith.constant 0 : i32
        %dma_start3A_92 = arith.constant 0 : i32
        %dma_start3A_93 = tpu.memref_slice %arg11[%dma_start3A_91, %dma_start3A_92] : memref<10112x64xf32, #tpu.memory_space<vmem_shared>> -> memref<10112x64xf32, #tpu.memory_space<vmem_shared>>
        tpu.enqueue_indirect_dma source(%arg9 : memref<128x64xf32, #tpu.memory_space<vmem>>) target(%dma_start3A_93 : memref<10112x64xf32, #tpu.memory_space<vmem_shared>>) offsets(%dma_start3A_90 : memref<128xi32, #tpu.memory_space<vmem>>) semaphore(%run_scoped3A : memref<!tpu.dma_semaphore, #tpu.memory_space<semaphore_mem>>) {add = true}
        %dma_wait3A_94 = arith.constant 0 : i32
        %dma_wait3A_95 = tpu.memref_slice %arg7[%add3A_87, %dma_wait3A_94] : memref<80x128xi32, #tpu.memory_space<vmem>> -> memref<1x128xi32, #tpu.memory_space<vmem>>
        %dma_wait3A_96 = tpu.memref_squeeze %dma_wait3A_95 : memref<1x128xi32, #tpu.memory_space<vmem>> -> memref<128xi32, #tpu.memory_space<vmem>>
        %dma_wait3A_97 = arith.constant 0 : i32
        %dma_wait3A_98 = arith.constant 0 : i32
        %dma_wait3A_99 = tpu.memref_slice %arg11[%dma_wait3A_97, %dma_wait3A_98] : memref<10112x64xf32, #tpu.memory_space<vmem_shared>> -> memref<10112x64xf32, #tpu.memory_space<vmem_shared>>
        tpu.wait_indirect_dma semaphore(%run_scoped3A : memref<!tpu.dma_semaphore, #tpu.memory_space<semaphore_mem>>) src(%arg9 : memref<128x64xf32, #tpu.memory_space<vmem>>) dst(%dma_wait3A_99 : memref<10112x64xf32, #tpu.memory_space<vmem_shared>>)
        tpu.yield
      }) : () -> ()
    }
    %while3A_44 = arith.constant 1 : i32
    scf.for %while3A_52 = %while3A_42 to %while3A_38 step %while3A_44  : i32 {
      %mul3A_53 = arith.constant 2 : i32
      %mul3A_54 = arith.muli %mul3A_53, %while3A_52 : i32
      %add3A_55 = arith.constant 1 : i32
      %add3A_56 = arith.addi %mul3A_54, %add3A_55 : i32
      %dma_start3A_57 = arith.constant 0 : i32
      %dma_start3A_58 = tpu.memref_slice %arg6[%add3A_56, %dma_start3A_57] : memref<80x128xi32, #tpu.memory_space<vmem>> -> memref<1x128xi32, #tpu.memory_space<vmem>>
      %dma_start3A_59 = tpu.memref_squeeze %dma_start3A_58 : memref<1x128xi32, #tpu.memory_space<vmem>> -> memref<128xi32, #tpu.memory_space<vmem>>
      %dma_start3A_60 = arith.constant 0 : i32
      %dma_start3A_61 = arith.constant 0 : i32
      %dma_start3A_62 = tpu.memref_slice %arg2[%dma_start3A_60, %dma_start3A_61] : memref<10112x64xf32, #tpu.memory_space<hbm>> -> memref<10112x64xf32, #tpu.memory_space<hbm>>
      tpu.enqueue_indirect_dma source(%dma_start3A_62 : memref<10112x64xf32, #tpu.memory_space<hbm>>) target(%arg9 : memref<128x64xf32, #tpu.memory_space<vmem>>) offsets(%dma_start3A_59 : memref<128xi32, #tpu.memory_space<vmem>>) semaphore(%arg13 : memref<!tpu.dma_semaphore, #tpu.memory_space<semaphore_mem>>)
      %dma_wait3A_63 = arith.constant 0 : i32
      %dma_wait3A_64 = arith.constant 0 : i32
      %dma_wait3A_65 = tpu.memref_slice %arg6[%dma_wait3A_63, %dma_wait3A_64] : memref<80x128xi32, #tpu.memory_space<vmem>> -> memref<1x128xi32, #tpu.memory_space<vmem>>
      %dma_wait3A_66 = tpu.memref_squeeze %dma_wait3A_65 : memref<1x128xi32, #tpu.memory_space<vmem>> -> memref<128xi32, #tpu.memory_space<vmem>>
      %dma_wait3A_67 = arith.constant 0 : i32
      %dma_wait3A_68 = arith.constant 0 : i32
      %dma_wait3A_69 = tpu.memref_slice %arg2[%dma_wait3A_67, %dma_wait3A_68] : memref<10112x64xf32, #tpu.memory_space<hbm>> -> memref<10112x64xf32, #tpu.memory_space<hbm>>
      tpu.wait_indirect_dma semaphore(%arg12 : memref<!tpu.dma_semaphore, #tpu.memory_space<semaphore_mem>>) src(%dma_wait3A_69 : memref<10112x64xf32, #tpu.memory_space<hbm>>) dst(%arg8 : memref<128x64xf32, #tpu.memory_space<vmem>>)
      "tpu.region"() ({
        %run_scoped3A = tpu.sem_alloc : memref<!tpu.dma_semaphore, #tpu.memory_space<semaphore_mem>>
        %dma_start3A_88 = arith.constant 0 : i32
        %dma_start3A_89 = tpu.memref_slice %arg7[%mul3A_54, %dma_start3A_88] : memref<80x128xi32, #tpu.memory_space<vmem>> -> memref<1x128xi32, #tpu.memory_space<vmem>>
        %dma_start3A_90 = tpu.memref_squeeze %dma_start3A_89 : memref<1x128xi32, #tpu.memory_space<vmem>> -> memref<128xi32, #tpu.memory_space<vmem>>
        %dma_start3A_91 = arith.constant 0 : i32
        %dma_start3A_92 = arith.constant 0 : i32
        %dma_start3A_93 = tpu.memref_slice %arg11[%dma_start3A_91, %dma_start3A_92] : memref<10112x64xf32, #tpu.memory_space<vmem_shared>> -> memref<10112x64xf32, #tpu.memory_space<vmem_shared>>
        tpu.enqueue_indirect_dma source(%arg8 : memref<128x64xf32, #tpu.memory_space<vmem>>) target(%dma_start3A_93 : memref<10112x64xf32, #tpu.memory_space<vmem_shared>>) offsets(%dma_start3A_90 : memref<128xi32, #tpu.memory_space<vmem>>) semaphore(%run_scoped3A : memref<!tpu.dma_semaphore, #tpu.memory_space<semaphore_mem>>) {add = true}
        %dma_wait3A_94 = arith.constant 0 : i32
        %dma_wait3A_95 = tpu.memref_slice %arg7[%mul3A_54, %dma_wait3A_94] : memref<80x128xi32, #tpu.memory_space<vmem>> -> memref<1x128xi32, #tpu.memory_space<vmem>>
        %dma_wait3A_96 = tpu.memref_squeeze %dma_wait3A_95 : memref<1x128xi32, #tpu.memory_space<vmem>> -> memref<128xi32, #tpu.memory_space<vmem>>
        %dma_wait3A_97 = arith.constant 0 : i32
        %dma_wait3A_98 = arith.constant 0 : i32
        %dma_wait3A_99 = tpu.memref_slice %arg11[%dma_wait3A_97, %dma_wait3A_98] : memref<10112x64xf32, #tpu.memory_space<vmem_shared>> -> memref<10112x64xf32, #tpu.memory_space<vmem_shared>>
        tpu.wait_indirect_dma semaphore(%run_scoped3A : memref<!tpu.dma_semaphore, #tpu.memory_space<semaphore_mem>>) src(%arg8 : memref<128x64xf32, #tpu.memory_space<vmem>>) dst(%dma_wait3A_99 : memref<10112x64xf32, #tpu.memory_space<vmem_shared>>)
        tpu.yield
      }) : () -> ()
      %add3A_70 = arith.constant 2 : i32
      %add3A_71 = arith.addi %mul3A_54, %add3A_70 : i32
      %sub3A = arith.constant 1 : i32
      %sub3A_72 = arith.subi %select_n3A_8, %sub3A : i32
      %min3A = arith.minsi %add3A_71, %sub3A_72 : i32
      %dma_start3A_73 = arith.constant 0 : i32
      %dma_start3A_74 = tpu.memref_slice %arg6[%min3A, %dma_start3A_73] : memref<80x128xi32, #tpu.memory_space<vmem>> -> memref<1x128xi32, #tpu.memory_space<vmem>>
      %dma_start3A_75 = tpu.memref_squeeze %dma_start3A_74 : memref<1x128xi32, #tpu.memory_space<vmem>> -> memref<128xi32, #tpu.memory_space<vmem>>
      %dma_start3A_76 = arith.constant 0 : i32
      %dma_start3A_77 = arith.constant 0 : i32
      %dma_start3A_78 = tpu.memref_slice %arg2[%dma_start3A_76, %dma_start3A_77] : memref<10112x64xf32, #tpu.memory_space<hbm>> -> memref<10112x64xf32, #tpu.memory_space<hbm>>
      tpu.enqueue_indirect_dma source(%dma_start3A_78 : memref<10112x64xf32, #tpu.memory_space<hbm>>) target(%arg8 : memref<128x64xf32, #tpu.memory_space<vmem>>) offsets(%dma_start3A_75 : memref<128xi32, #tpu.memory_space<vmem>>) semaphore(%arg12 : memref<!tpu.dma_semaphore, #tpu.memory_space<semaphore_mem>>)
      %dma_wait3A_79 = arith.constant 0 : i32
      %dma_wait3A_80 = arith.constant 0 : i32
      %dma_wait3A_81 = tpu.memref_slice %arg6[%dma_wait3A_79, %dma_wait3A_80] : memref<80x128xi32, #tpu.memory_space<vmem>> -> memref<1x128xi32, #tpu.memory_space<vmem>>
      %dma_wait3A_82 = tpu.memref_squeeze %dma_wait3A_81 : memref<1x128xi32, #tpu.memory_space<vmem>> -> memref<128xi32, #tpu.memory_space<vmem>>
      %dma_wait3A_83 = arith.constant 0 : i32
      %dma_wait3A_84 = arith.constant 0 : i32
      %dma_wait3A_85 = tpu.memref_slice %arg2[%dma_wait3A_83, %dma_wait3A_84] : memref<10112x64xf32, #tpu.memory_space<hbm>> -> memref<10112x64xf32, #tpu.memory_space<hbm>>
      tpu.wait_indirect_dma semaphore(%arg13 : memref<!tpu.dma_semaphore, #tpu.memory_space<semaphore_mem>>) src(%dma_wait3A_85 : memref<10112x64xf32, #tpu.memory_space<hbm>>) dst(%arg9 : memref<128x64xf32, #tpu.memory_space<vmem>>)
      %add3A_86 = arith.constant 1 : i32
      %add3A_87 = arith.addi %mul3A_54, %add3A_86 : i32
      "tpu.region"() ({
        %run_scoped3A = tpu.sem_alloc : memref<!tpu.dma_semaphore, #tpu.memory_space<semaphore_mem>>
        %dma_start3A_88 = arith.constant 0 : i32
        %dma_start3A_89 = tpu.memref_slice %arg7[%add3A_87, %dma_start3A_88] : memref<80x128xi32, #tpu.memory_space<vmem>> -> memref<1x128xi32, #tpu.memory_space<vmem>>
        %dma_start3A_90 = tpu.memref_squeeze %dma_start3A_89 : memref<1x128xi32, #tpu.memory_space<vmem>> -> memref<128xi32, #tpu.memory_space<vmem>>
        %dma_start3A_91 = arith.constant 0 : i32
        %dma_start3A_92 = arith.constant 0 : i32
        %dma_start3A_93 = tpu.memref_slice %arg11[%dma_start3A_91, %dma_start3A_92] : memref<10112x64xf32, #tpu.memory_space<vmem_shared>> -> memref<10112x64xf32, #tpu.memory_space<vmem_shared>>
        tpu.enqueue_indirect_dma source(%arg9 : memref<128x64xf32, #tpu.memory_space<vmem>>) target(%dma_start3A_93 : memref<10112x64xf32, #tpu.memory_space<vmem_shared>>) offsets(%dma_start3A_90 : memref<128xi32, #tpu.memory_space<vmem>>) semaphore(%run_scoped3A : memref<!tpu.dma_semaphore, #tpu.memory_space<semaphore_mem>>) {add = true}
        %dma_wait3A_94 = arith.constant 0 : i32
        %dma_wait3A_95 = tpu.memref_slice %arg7[%add3A_87, %dma_wait3A_94] : memref<80x128xi32, #tpu.memory_space<vmem>> -> memref<1x128xi32, #tpu.memory_space<vmem>>
        %dma_wait3A_96 = tpu.memref_squeeze %dma_wait3A_95 : memref<1x128xi32, #tpu.memory_space<vmem>> -> memref<128xi32, #tpu.memory_space<vmem>>
        %dma_wait3A_97 = arith.constant 0 : i32
        %dma_wait3A_98 = arith.constant 0 : i32
        %dma_wait3A_99 = tpu.memref_slice %arg11[%dma_wait3A_97, %dma_wait3A_98] : memref<10112x64xf32, #tpu.memory_space<vmem_shared>> -> memref<10112x64xf32, #tpu.memory_space<vmem_shared>>
        tpu.wait_indirect_dma semaphore(%run_scoped3A : memref<!tpu.dma_semaphore, #tpu.memory_space<semaphore_mem>>) src(%arg9 : memref<128x64xf32, #tpu.memory_space<vmem>>) dst(%dma_wait3A_99 : memref<10112x64xf32, #tpu.memory_space<vmem_shared>>)
        tpu.yield
      }) : () -> ()
    }
    %dma_wait3A = arith.constant 0 : i32
    %dma_wait3A_45 = arith.constant 0 : i32
    %dma_wait3A_46 = tpu.memref_slice %arg6[%dma_wait3A, %dma_wait3A_45] : memref<80x128xi32, #tpu.memory_space<vmem>> -> memref<1x128xi32, #tpu.memory_space<vmem>>
    %dma_wait3A_47 = tpu.memref_squeeze %dma_wait3A_46 : memref<1x128xi32, #tpu.memory_space<vmem>> -> memref<128xi32, #tpu.memory_space<vmem>>
    %dma_wait3A_48 = arith.constant 0 : i32
    %dma_wait3A_49 = arith.constant 0 : i32
    %dma_wait3A_50 = tpu.memref_slice %arg2[%dma_wait3A_48, %dma_wait3A_49] : memref<10112x64xf32, #tpu.memory_space<hbm>> -> memref<10112x64xf32, #tpu.memory_space<hbm>>
    tpu.wait_indirect_dma semaphore(%arg12 : memref<!tpu.dma_semaphore, #tpu.memory_space<semaphore_mem>>) src(%dma_wait3A_50 : memref<10112x64xf32, #tpu.memory_space<hbm>>) dst(%arg8 : memref<128x64xf32, #tpu.memory_space<vmem>>)
    %barrier3A_51 = arith.constant 0 : index
    tpu.barrier barrier_id(%barrier3A_51)
    "tpu.region"() ({
      %run_scoped3A = tpu.sem_alloc : memref<!tpu.dma_semaphore, #tpu.memory_space<semaphore_mem>>
      %dma_start3A_52 = arith.constant 0 : i32
      %dma_start3A_53 = tpu.memref_slice %arg5[%arg0, %mul3A_20, %dma_start3A_52] : memref<2x10112x64xf32, #tpu.memory_space<hbm>> -> memref<1x632x64xf32, #tpu.memory_space<hbm>>
      %dma_start3A_54 = tpu.memref_squeeze %dma_start3A_53 : memref<1x632x64xf32, #tpu.memory_space<hbm>> -> memref<632x64xf32, #tpu.memory_space<hbm>>
      %dma_start3A_55 = arith.constant 0 : i32
      %dma_start3A_56 = tpu.memref_slice %arg11[%mul3A_20, %dma_start3A_55] : memref<10112x64xf32, #tpu.memory_space<vmem_shared>> -> memref<632x64xf32, #tpu.memory_space<vmem_shared>>
      tpu.enqueue_dma source(%dma_start3A_56 : memref<632x64xf32, #tpu.memory_space<vmem_shared>>) target(%dma_start3A_54 : memref<632x64xf32, #tpu.memory_space<hbm>>) target_semaphore(%run_scoped3A : memref<!tpu.dma_semaphore, #tpu.memory_space<semaphore_mem>>)
      %dma_wait3A_57 = arith.constant 0 : i32
      %dma_wait3A_58 = tpu.memref_slice %arg5[%arg0, %mul3A_20, %dma_wait3A_57] : memref<2x10112x64xf32, #tpu.memory_space<hbm>> -> memref<1x632x64xf32, #tpu.memory_space<hbm>>
      %dma_wait3A_59 = tpu.memref_squeeze %dma_wait3A_58 : memref<1x632x64xf32, #tpu.memory_space<hbm>> -> memref<632x64xf32, #tpu.memory_space<hbm>>
      %dma_wait3A_60 = arith.constant 0 : i32
      %dma_wait3A_61 = tpu.memref_slice %arg11[%mul3A_20, %dma_wait3A_60] : memref<10112x64xf32, #tpu.memory_space<vmem_shared>> -> memref<632x64xf32, #tpu.memory_space<vmem_shared>>
      tpu.wait_dma2 semaphore(%run_scoped3A : memref<!tpu.dma_semaphore, #tpu.memory_space<semaphore_mem>>) src(%dma_wait3A_61 : memref<632x64xf32, #tpu.memory_space<vmem_shared>>) dst(%dma_wait3A_59 : memref<632x64xf32, #tpu.memory_space<hbm>>)
      tpu.yield
    }) : () -> ()
    return
  }
}

#map = affine_map<(d0, d1) -> (0, 0)>
module attributes {stable_mosaic.version = 14 : i64} {
  func.func @gather_kernel(%arg0: i32, %arg1: i32, %arg2: memref<10112x64xf32, #tpu.memory_space<hbm>>, %arg3: memref<10112x64xf32, #tpu.memory_space<hbm>>, %arg4: memref<2640x128xi32, #tpu.memory_space<hbm>>, %arg5: memref<2640x128xi32, #tpu.memory_space<hbm>>, %arg6: memref<163840x128xf32, #tpu.memory_space<hbm>>, %arg7: memref<40x128xi32, #tpu.memory_space<vmem>>, %arg8: memref<40x128xi32, #tpu.memory_space<vmem>>, %arg9: memref<40x128xi32, #tpu.memory_space<vmem>>, %arg10: memref<40x128xi32, #tpu.memory_space<vmem>>, %arg11: memref<128x64xf32, #tpu.memory_space<vmem>>, %arg12: memref<128x64xf32, #tpu.memory_space<vmem>>, %arg13: memref<128x64xf32, #tpu.memory_space<vmem>>, %arg14: memref<128x64xf32, #tpu.memory_space<vmem>>, %arg15: memref<128x64xf32, #tpu.memory_space<vmem>>, %arg16: memref<128x64xf32, #tpu.memory_space<vmem>>, %arg17: memref<128x64xf32, #tpu.memory_space<vmem>>, %arg18: memref<128x64xf32, #tpu.memory_space<vmem>>, %arg19: memref<128x128xf32, #tpu.memory_space<vmem>>, %arg20: memref<!tpu.dma_semaphore, #tpu.memory_space<semaphore_mem>>, %arg21: memref<!tpu.dma_semaphore, #tpu.memory_space<semaphore_mem>>, %arg22: memref<!tpu.dma_semaphore, #tpu.memory_space<semaphore_mem>>, %arg23: memref<!tpu.dma_semaphore, #tpu.memory_space<semaphore_mem>>, %arg24: memref<!tpu.dma_semaphore, #tpu.memory_space<semaphore_mem>>, %arg25: memref<!tpu.dma_semaphore, #tpu.memory_space<semaphore_mem>>, %arg26: memref<!tpu.dma_semaphore, #tpu.memory_space<semaphore_mem>>, %arg27: memref<!tpu.dma_semaphore, #tpu.memory_space<semaphore_mem>>) attributes {dimension_semantics = [#tpu.dimension_semantics<core_parallel>, #tpu.dimension_semantics<subcore_parallel>], iteration_bounds = array<i64: 2, 16>, scalar_prefetch = 0 : i64, scratch_operands = 21 : i64, tpu.core_type = #tpu.core_type<sc_vector_subcore>, window_params = [{transform_indices = #map}, {transform_indices = #map}, {transform_indices = #map}, {transform_indices = #map}, {transform_indices = #map}]} {
    %mul3A = arith.constant 16 : i32
    %mul3A_0 = arith.muli %arg0, %mul3A : i32
    %add3A = arith.addi %mul3A_0, %arg1 : i32
    %mul3A_1 = arith.constant 40 : i32
    %mul3A_2 = arith.muli %add3A, %mul3A_1 : i32
    "tpu.region"() ({
      %run_scoped3A = tpu.sem_alloc : memref<!tpu.dma_semaphore, #tpu.memory_space<semaphore_mem>>
      %dma_start3A_65 = arith.constant 0 : i32
      %dma_start3A_66 = tpu.memref_slice %arg4[%mul3A_2, %dma_start3A_65] : memref<2640x128xi32, #tpu.memory_space<hbm>> -> memref<40x128xi32, #tpu.memory_space<hbm>>
      %dma_start3A_67 = arith.constant 0 : i32
      %dma_start3A_68 = tpu.memref_slice %arg4[%mul3A_2, %dma_start3A_67] : memref<2640x128xi32, #tpu.memory_space<hbm>> -> memref<40x128xi32, #tpu.memory_space<hbm>>
      tpu.enqueue_dma source(%dma_start3A_68 : memref<40x128xi32, #tpu.memory_space<hbm>>) target(%arg7 : memref<40x128xi32, #tpu.memory_space<vmem>>) target_semaphore(%run_scoped3A : memref<!tpu.dma_semaphore, #tpu.memory_space<semaphore_mem>>)
      %dma_wait3A_69 = arith.constant 0 : i32
      %dma_wait3A_70 = tpu.memref_slice %arg4[%mul3A_2, %dma_wait3A_69] : memref<2640x128xi32, #tpu.memory_space<hbm>> -> memref<40x128xi32, #tpu.memory_space<hbm>>
      %dma_wait3A_71 = arith.constant 0 : i32
      %dma_wait3A_72 = tpu.memref_slice %arg4[%mul3A_2, %dma_wait3A_71] : memref<2640x128xi32, #tpu.memory_space<hbm>> -> memref<40x128xi32, #tpu.memory_space<hbm>>
      tpu.wait_dma2 semaphore(%run_scoped3A : memref<!tpu.dma_semaphore, #tpu.memory_space<semaphore_mem>>) src(%dma_wait3A_72 : memref<40x128xi32, #tpu.memory_space<hbm>>) dst(%arg7 : memref<40x128xi32, #tpu.memory_space<vmem>>)
      tpu.yield
    }) : () -> ()
    "tpu.region"() ({
      %run_scoped3A = tpu.sem_alloc : memref<!tpu.dma_semaphore, #tpu.memory_space<semaphore_mem>>
      %dma_start3A_65 = arith.constant 0 : i32
      %dma_start3A_66 = tpu.memref_slice %arg5[%mul3A_2, %dma_start3A_65] : memref<2640x128xi32, #tpu.memory_space<hbm>> -> memref<40x128xi32, #tpu.memory_space<hbm>>
      %dma_start3A_67 = arith.constant 0 : i32
      %dma_start3A_68 = tpu.memref_slice %arg5[%mul3A_2, %dma_start3A_67] : memref<2640x128xi32, #tpu.memory_space<hbm>> -> memref<40x128xi32, #tpu.memory_space<hbm>>
      tpu.enqueue_dma source(%dma_start3A_68 : memref<40x128xi32, #tpu.memory_space<hbm>>) target(%arg8 : memref<40x128xi32, #tpu.memory_space<vmem>>) target_semaphore(%run_scoped3A : memref<!tpu.dma_semaphore, #tpu.memory_space<semaphore_mem>>)
      %dma_wait3A_69 = arith.constant 0 : i32
      %dma_wait3A_70 = tpu.memref_slice %arg5[%mul3A_2, %dma_wait3A_69] : memref<2640x128xi32, #tpu.memory_space<hbm>> -> memref<40x128xi32, #tpu.memory_space<hbm>>
      %dma_wait3A_71 = arith.constant 0 : i32
      %dma_wait3A_72 = tpu.memref_slice %arg5[%mul3A_2, %dma_wait3A_71] : memref<2640x128xi32, #tpu.memory_space<hbm>> -> memref<40x128xi32, #tpu.memory_space<hbm>>
      tpu.wait_dma2 semaphore(%run_scoped3A : memref<!tpu.dma_semaphore, #tpu.memory_space<semaphore_mem>>) src(%dma_wait3A_72 : memref<40x128xi32, #tpu.memory_space<hbm>>) dst(%arg8 : memref<40x128xi32, #tpu.memory_space<vmem>>)
      tpu.yield
    }) : () -> ()
    %add3A_3 = arith.constant 1250 : i32
    %add3A_4 = arith.addi %add3A_3, %mul3A_2 : i32
    "tpu.region"() ({
      %run_scoped3A = tpu.sem_alloc : memref<!tpu.dma_semaphore, #tpu.memory_space<semaphore_mem>>
      %dma_start3A_65 = arith.constant 0 : i32
      %dma_start3A_66 = tpu.memref_slice %arg4[%add3A_4, %dma_start3A_65] : memref<2640x128xi32, #tpu.memory_space<hbm>> -> memref<40x128xi32, #tpu.memory_space<hbm>>
      %dma_start3A_67 = arith.constant 0 : i32
      %dma_start3A_68 = tpu.memref_slice %arg4[%add3A_4, %dma_start3A_67] : memref<2640x128xi32, #tpu.memory_space<hbm>> -> memref<40x128xi32, #tpu.memory_space<hbm>>
      tpu.enqueue_dma source(%dma_start3A_68 : memref<40x128xi32, #tpu.memory_space<hbm>>) target(%arg9 : memref<40x128xi32, #tpu.memory_space<vmem>>) target_semaphore(%run_scoped3A : memref<!tpu.dma_semaphore, #tpu.memory_space<semaphore_mem>>)
      %dma_wait3A_69 = arith.constant 0 : i32
      %dma_wait3A_70 = tpu.memref_slice %arg4[%add3A_4, %dma_wait3A_69] : memref<2640x128xi32, #tpu.memory_space<hbm>> -> memref<40x128xi32, #tpu.memory_space<hbm>>
      %dma_wait3A_71 = arith.constant 0 : i32
      %dma_wait3A_72 = tpu.memref_slice %arg4[%add3A_4, %dma_wait3A_71] : memref<2640x128xi32, #tpu.memory_space<hbm>> -> memref<40x128xi32, #tpu.memory_space<hbm>>
      tpu.wait_dma2 semaphore(%run_scoped3A : memref<!tpu.dma_semaphore, #tpu.memory_space<semaphore_mem>>) src(%dma_wait3A_72 : memref<40x128xi32, #tpu.memory_space<hbm>>) dst(%arg9 : memref<40x128xi32, #tpu.memory_space<vmem>>)
      tpu.yield
    }) : () -> ()
    %add3A_5 = arith.constant 1250 : i32
    %add3A_6 = arith.addi %add3A_5, %mul3A_2 : i32
    "tpu.region"() ({
      %run_scoped3A = tpu.sem_alloc : memref<!tpu.dma_semaphore, #tpu.memory_space<semaphore_mem>>
      %dma_start3A_65 = arith.constant 0 : i32
      %dma_start3A_66 = tpu.memref_slice %arg5[%add3A_6, %dma_start3A_65] : memref<2640x128xi32, #tpu.memory_space<hbm>> -> memref<40x128xi32, #tpu.memory_space<hbm>>
      %dma_start3A_67 = arith.constant 0 : i32
      %dma_start3A_68 = tpu.memref_slice %arg5[%add3A_6, %dma_start3A_67] : memref<2640x128xi32, #tpu.memory_space<hbm>> -> memref<40x128xi32, #tpu.memory_space<hbm>>
      tpu.enqueue_dma source(%dma_start3A_68 : memref<40x128xi32, #tpu.memory_space<hbm>>) target(%arg10 : memref<40x128xi32, #tpu.memory_space<vmem>>) target_semaphore(%run_scoped3A : memref<!tpu.dma_semaphore, #tpu.memory_space<semaphore_mem>>)
      %dma_wait3A_69 = arith.constant 0 : i32
      %dma_wait3A_70 = tpu.memref_slice %arg5[%add3A_6, %dma_wait3A_69] : memref<2640x128xi32, #tpu.memory_space<hbm>> -> memref<40x128xi32, #tpu.memory_space<hbm>>
      %dma_wait3A_71 = arith.constant 0 : i32
      %dma_wait3A_72 = tpu.memref_slice %arg5[%add3A_6, %dma_wait3A_71] : memref<2640x128xi32, #tpu.memory_space<hbm>> -> memref<40x128xi32, #tpu.memory_space<hbm>>
      tpu.wait_dma2 semaphore(%run_scoped3A : memref<!tpu.dma_semaphore, #tpu.memory_space<semaphore_mem>>) src(%dma_wait3A_72 : memref<40x128xi32, #tpu.memory_space<hbm>>) dst(%arg10 : memref<40x128xi32, #tpu.memory_space<vmem>>)
      tpu.yield
    }) : () -> ()
    %dma_start3A = arith.constant 0 : i32
    %dma_start3A_7 = arith.constant 0 : i32
    %dma_start3A_8 = tpu.memref_slice %arg7[%dma_start3A, %dma_start3A_7] : memref<40x128xi32, #tpu.memory_space<vmem>> -> memref<1x128xi32, #tpu.memory_space<vmem>>
    %dma_start3A_9 = tpu.memref_squeeze %dma_start3A_8 : memref<1x128xi32, #tpu.memory_space<vmem>> -> memref<128xi32, #tpu.memory_space<vmem>>
    %dma_start3A_10 = arith.constant 0 : i32
    %dma_start3A_11 = arith.constant 0 : i32
    %dma_start3A_12 = tpu.memref_slice %arg2[%dma_start3A_10, %dma_start3A_11] : memref<10112x64xf32, #tpu.memory_space<hbm>> -> memref<10112x64xf32, #tpu.memory_space<hbm>>
    tpu.enqueue_indirect_dma source(%dma_start3A_12 : memref<10112x64xf32, #tpu.memory_space<hbm>>) target(%arg11 : memref<128x64xf32, #tpu.memory_space<vmem>>) offsets(%dma_start3A_9 : memref<128xi32, #tpu.memory_space<vmem>>) semaphore(%arg20 : memref<!tpu.dma_semaphore, #tpu.memory_space<semaphore_mem>>)
    %dma_start3A_13 = arith.constant 0 : i32
    %dma_start3A_14 = arith.constant 0 : i32
    %dma_start3A_15 = tpu.memref_slice %arg8[%dma_start3A_13, %dma_start3A_14] : memref<40x128xi32, #tpu.memory_space<vmem>> -> memref<1x128xi32, #tpu.memory_space<vmem>>
    %dma_start3A_16 = tpu.memref_squeeze %dma_start3A_15 : memref<1x128xi32, #tpu.memory_space<vmem>> -> memref<128xi32, #tpu.memory_space<vmem>>
    %dma_start3A_17 = arith.constant 0 : i32
    %dma_start3A_18 = arith.constant 0 : i32
    %dma_start3A_19 = tpu.memref_slice %arg3[%dma_start3A_17, %dma_start3A_18] : memref<10112x64xf32, #tpu.memory_space<hbm>> -> memref<10112x64xf32, #tpu.memory_space<hbm>>
    tpu.enqueue_indirect_dma source(%dma_start3A_19 : memref<10112x64xf32, #tpu.memory_space<hbm>>) target(%arg13 : memref<128x64xf32, #tpu.memory_space<vmem>>) offsets(%dma_start3A_16 : memref<128xi32, #tpu.memory_space<vmem>>) semaphore(%arg21 : memref<!tpu.dma_semaphore, #tpu.memory_space<semaphore_mem>>)
    %dma_start3A_20 = arith.constant 0 : i32
    %dma_start3A_21 = arith.constant 0 : i32
    %dma_start3A_22 = tpu.memref_slice %arg9[%dma_start3A_20, %dma_start3A_21] : memref<40x128xi32, #tpu.memory_space<vmem>> -> memref<1x128xi32, #tpu.memory_space<vmem>>
    %dma_start3A_23 = tpu.memref_squeeze %dma_start3A_22 : memref<1x128xi32, #tpu.memory_space<vmem>> -> memref<128xi32, #tpu.memory_space<vmem>>
    %dma_start3A_24 = arith.constant 0 : i32
    %dma_start3A_25 = arith.constant 0 : i32
    %dma_start3A_26 = tpu.memref_slice %arg2[%dma_start3A_24, %dma_start3A_25] : memref<10112x64xf32, #tpu.memory_space<hbm>> -> memref<10112x64xf32, #tpu.memory_space<hbm>>
    tpu.enqueue_indirect_dma source(%dma_start3A_26 : memref<10112x64xf32, #tpu.memory_space<hbm>>) target(%arg15 : memref<128x64xf32, #tpu.memory_space<vmem>>) offsets(%dma_start3A_23 : memref<128xi32, #tpu.memory_space<vmem>>) semaphore(%arg22 : memref<!tpu.dma_semaphore, #tpu.memory_space<semaphore_mem>>)
    %dma_start3A_27 = arith.constant 0 : i32
    %dma_start3A_28 = arith.constant 0 : i32
    %dma_start3A_29 = tpu.memref_slice %arg10[%dma_start3A_27, %dma_start3A_28] : memref<40x128xi32, #tpu.memory_space<vmem>> -> memref<1x128xi32, #tpu.memory_space<vmem>>
    %dma_start3A_30 = tpu.memref_squeeze %dma_start3A_29 : memref<1x128xi32, #tpu.memory_space<vmem>> -> memref<128xi32, #tpu.memory_space<vmem>>
    %dma_start3A_31 = arith.constant 0 : i32
    %dma_start3A_32 = arith.constant 0 : i32
    %dma_start3A_33 = tpu.memref_slice %arg3[%dma_start3A_31, %dma_start3A_32] : memref<10112x64xf32, #tpu.memory_space<hbm>> -> memref<10112x64xf32, #tpu.memory_space<hbm>>
    tpu.enqueue_indirect_dma source(%dma_start3A_33 : memref<10112x64xf32, #tpu.memory_space<hbm>>) target(%arg17 : memref<128x64xf32, #tpu.memory_space<vmem>>) offsets(%dma_start3A_30 : memref<128xi32, #tpu.memory_space<vmem>>) semaphore(%arg23 : memref<!tpu.dma_semaphore, #tpu.memory_space<semaphore_mem>>)
    %scan3A = arith.constant 0 : i32
    %scan3A_34 = arith.constant 20 : i32
    %scan3A_35 = arith.addi %scan3A, %scan3A_34 : i32
    %scan3A_36 = arith.constant 1 : i32
    scf.for %scan3A_65 = %scan3A to %scan3A_35 step %scan3A_36  : i32 {
      %mul3A_66 = arith.constant 2 : i32
      %mul3A_67 = arith.muli %mul3A_66, %scan3A_65 : i32
      %add3A_68 = arith.constant 1 : i32
      %add3A_69 = arith.addi %mul3A_67, %add3A_68 : i32
      %dma_start3A_70 = arith.constant 0 : i32
      %dma_start3A_71 = tpu.memref_slice %arg7[%add3A_69, %dma_start3A_70] : memref<40x128xi32, #tpu.memory_space<vmem>> -> memref<1x128xi32, #tpu.memory_space<vmem>>
      %dma_start3A_72 = tpu.memref_squeeze %dma_start3A_71 : memref<1x128xi32, #tpu.memory_space<vmem>> -> memref<128xi32, #tpu.memory_space<vmem>>
      %dma_start3A_73 = arith.constant 0 : i32
      %dma_start3A_74 = arith.constant 0 : i32
      %dma_start3A_75 = tpu.memref_slice %arg2[%dma_start3A_73, %dma_start3A_74] : memref<10112x64xf32, #tpu.memory_space<hbm>> -> memref<10112x64xf32, #tpu.memory_space<hbm>>
      tpu.enqueue_indirect_dma source(%dma_start3A_75 : memref<10112x64xf32, #tpu.memory_space<hbm>>) target(%arg12 : memref<128x64xf32, #tpu.memory_space<vmem>>) offsets(%dma_start3A_72 : memref<128xi32, #tpu.memory_space<vmem>>) semaphore(%arg24 : memref<!tpu.dma_semaphore, #tpu.memory_space<semaphore_mem>>)
      %dma_start3A_76 = arith.constant 0 : i32
      %dma_start3A_77 = tpu.memref_slice %arg8[%add3A_69, %dma_start3A_76] : memref<40x128xi32, #tpu.memory_space<vmem>> -> memref<1x128xi32, #tpu.memory_space<vmem>>
      %dma_start3A_78 = tpu.memref_squeeze %dma_start3A_77 : memref<1x128xi32, #tpu.memory_space<vmem>> -> memref<128xi32, #tpu.memory_space<vmem>>
      %dma_start3A_79 = arith.constant 0 : i32
      %dma_start3A_80 = arith.constant 0 : i32
      %dma_start3A_81 = tpu.memref_slice %arg3[%dma_start3A_79, %dma_start3A_80] : memref<10112x64xf32, #tpu.memory_space<hbm>> -> memref<10112x64xf32, #tpu.memory_space<hbm>>
      tpu.enqueue_indirect_dma source(%dma_start3A_81 : memref<10112x64xf32, #tpu.memory_space<hbm>>) target(%arg14 : memref<128x64xf32, #tpu.memory_space<vmem>>) offsets(%dma_start3A_78 : memref<128xi32, #tpu.memory_space<vmem>>) semaphore(%arg25 : memref<!tpu.dma_semaphore, #tpu.memory_space<semaphore_mem>>)
      %dma_start3A_82 = arith.constant 0 : i32
      %dma_start3A_83 = tpu.memref_slice %arg9[%add3A_69, %dma_start3A_82] : memref<40x128xi32, #tpu.memory_space<vmem>> -> memref<1x128xi32, #tpu.memory_space<vmem>>
      %dma_start3A_84 = tpu.memref_squeeze %dma_start3A_83 : memref<1x128xi32, #tpu.memory_space<vmem>> -> memref<128xi32, #tpu.memory_space<vmem>>
      %dma_start3A_85 = arith.constant 0 : i32
      %dma_start3A_86 = arith.constant 0 : i32
      %dma_start3A_87 = tpu.memref_slice %arg2[%dma_start3A_85, %dma_start3A_86] : memref<10112x64xf32, #tpu.memory_space<hbm>> -> memref<10112x64xf32, #tpu.memory_space<hbm>>
      tpu.enqueue_indirect_dma source(%dma_start3A_87 : memref<10112x64xf32, #tpu.memory_space<hbm>>) target(%arg16 : memref<128x64xf32, #tpu.memory_space<vmem>>) offsets(%dma_start3A_84 : memref<128xi32, #tpu.memory_space<vmem>>) semaphore(%arg26 : memref<!tpu.dma_semaphore, #tpu.memory_space<semaphore_mem>>)
      %dma_start3A_88 = arith.constant 0 : i32
      %dma_start3A_89 = tpu.memref_slice %arg10[%add3A_69, %dma_start3A_88] : memref<40x128xi32, #tpu.memory_space<vmem>> -> memref<1x128xi32, #tpu.memory_space<vmem>>
      %dma_start3A_90 = tpu.memref_squeeze %dma_start3A_89 : memref<1x128xi32, #tpu.memory_space<vmem>> -> memref<128xi32, #tpu.memory_space<vmem>>
      %dma_start3A_91 = arith.constant 0 : i32
      %dma_start3A_92 = arith.constant 0 : i32
      %dma_start3A_93 = tpu.memref_slice %arg3[%dma_start3A_91, %dma_start3A_92] : memref<10112x64xf32, #tpu.memory_space<hbm>> -> memref<10112x64xf32, #tpu.memory_space<hbm>>
      tpu.enqueue_indirect_dma source(%dma_start3A_93 : memref<10112x64xf32, #tpu.memory_space<hbm>>) target(%arg18 : memref<128x64xf32, #tpu.memory_space<vmem>>) offsets(%dma_start3A_90 : memref<128xi32, #tpu.memory_space<vmem>>) semaphore(%arg27 : memref<!tpu.dma_semaphore, #tpu.memory_space<semaphore_mem>>)
      %dma_wait3A_94 = arith.constant 0 : i32
      %dma_wait3A_95 = arith.constant 0 : i32
      %dma_wait3A_96 = tpu.memref_slice %arg7[%dma_wait3A_94, %dma_wait3A_95] : memref<40x128xi32, #tpu.memory_space<vmem>> -> memref<1x128xi32, #tpu.memory_space<vmem>>
      %dma_wait3A_97 = tpu.memref_squeeze %dma_wait3A_96 : memref<1x128xi32, #tpu.memory_space<vmem>> -> memref<128xi32, #tpu.memory_space<vmem>>
      %dma_wait3A_98 = arith.constant 0 : i32
      %dma_wait3A_99 = arith.constant 0 : i32
      %dma_wait3A_100 = tpu.memref_slice %arg2[%dma_wait3A_98, %dma_wait3A_99] : memref<10112x64xf32, #tpu.memory_space<hbm>> -> memref<10112x64xf32, #tpu.memory_space<hbm>>
      tpu.wait_indirect_dma semaphore(%arg20 : memref<!tpu.dma_semaphore, #tpu.memory_space<semaphore_mem>>) src(%dma_wait3A_100 : memref<10112x64xf32, #tpu.memory_space<hbm>>) dst(%arg11 : memref<128x64xf32, #tpu.memory_space<vmem>>)
      %dma_wait3A_101 = arith.constant 0 : i32
      %dma_wait3A_102 = arith.constant 0 : i32
      %dma_wait3A_103 = tpu.memref_slice %arg7[%dma_wait3A_101, %dma_wait3A_102] : memref<40x128xi32, #tpu.memory_space<vmem>> -> memref<1x128xi32, #tpu.memory_space<vmem>>
      %dma_wait3A_104 = tpu.memref_squeeze %dma_wait3A_103 : memref<1x128xi32, #tpu.memory_space<vmem>> -> memref<128xi32, #tpu.memory_space<vmem>>
      %dma_wait3A_105 = arith.constant 0 : i32
      %dma_wait3A_106 = arith.constant 0 : i32
      %dma_wait3A_107 = tpu.memref_slice %arg2[%dma_wait3A_105, %dma_wait3A_106] : memref<10112x64xf32, #tpu.memory_space<hbm>> -> memref<10112x64xf32, #tpu.memory_space<hbm>>
      tpu.wait_indirect_dma semaphore(%arg21 : memref<!tpu.dma_semaphore, #tpu.memory_space<semaphore_mem>>) src(%dma_wait3A_107 : memref<10112x64xf32, #tpu.memory_space<hbm>>) dst(%arg13 : memref<128x64xf32, #tpu.memory_space<vmem>>)
      %dma_wait3A_108 = arith.constant 0 : i32
      %dma_wait3A_109 = arith.constant 0 : i32
      %dma_wait3A_110 = tpu.memref_slice %arg7[%dma_wait3A_108, %dma_wait3A_109] : memref<40x128xi32, #tpu.memory_space<vmem>> -> memref<1x128xi32, #tpu.memory_space<vmem>>
      %dma_wait3A_111 = tpu.memref_squeeze %dma_wait3A_110 : memref<1x128xi32, #tpu.memory_space<vmem>> -> memref<128xi32, #tpu.memory_space<vmem>>
      %dma_wait3A_112 = arith.constant 0 : i32
      %dma_wait3A_113 = arith.constant 0 : i32
      %dma_wait3A_114 = tpu.memref_slice %arg2[%dma_wait3A_112, %dma_wait3A_113] : memref<10112x64xf32, #tpu.memory_space<hbm>> -> memref<10112x64xf32, #tpu.memory_space<hbm>>
      tpu.wait_indirect_dma semaphore(%arg22 : memref<!tpu.dma_semaphore, #tpu.memory_space<semaphore_mem>>) src(%dma_wait3A_114 : memref<10112x64xf32, #tpu.memory_space<hbm>>) dst(%arg15 : memref<128x64xf32, #tpu.memory_space<vmem>>)
      %dma_wait3A_115 = arith.constant 0 : i32
      %dma_wait3A_116 = arith.constant 0 : i32
      %dma_wait3A_117 = tpu.memref_slice %arg7[%dma_wait3A_115, %dma_wait3A_116] : memref<40x128xi32, #tpu.memory_space<vmem>> -> memref<1x128xi32, #tpu.memory_space<vmem>>
      %dma_wait3A_118 = tpu.memref_squeeze %dma_wait3A_117 : memref<1x128xi32, #tpu.memory_space<vmem>> -> memref<128xi32, #tpu.memory_space<vmem>>
      %dma_wait3A_119 = arith.constant 0 : i32
      %dma_wait3A_120 = arith.constant 0 : i32
      %dma_wait3A_121 = tpu.memref_slice %arg2[%dma_wait3A_119, %dma_wait3A_120] : memref<10112x64xf32, #tpu.memory_space<hbm>> -> memref<10112x64xf32, #tpu.memory_space<hbm>>
      tpu.wait_indirect_dma semaphore(%arg23 : memref<!tpu.dma_semaphore, #tpu.memory_space<semaphore_mem>>) src(%dma_wait3A_121 : memref<10112x64xf32, #tpu.memory_space<hbm>>) dst(%arg17 : memref<128x64xf32, #tpu.memory_space<vmem>>)
      %scan3A_122 = arith.constant 0 : i32
      %scan3A_123 = arith.constant 128 : i32
      %scan3A_124 = arith.addi %scan3A_122, %scan3A_123 : i32
      %scan3A_125 = arith.constant 1 : i32
      scf.for %scan3A_195 = %scan3A_122 to %scan3A_124 step %scan3A_125  : i32 {
        %get3A = arith.index_cast %scan3A_195 : i32 to index
        %get3A_196 = arith.constant 0 : index
        %get3A_197 = tpu.vector_load %arg11[%get3A, %get3A_196] {strides = array<i32>} : memref<128x64xf32, #tpu.memory_space<vmem>>, vector<1x16xf32>,
        %get3A_198 = vector.shape_cast %get3A_197 : vector<1x16xf32> to vector<16xf32>
        %get3A_199 = arith.index_cast %scan3A_195 : i32 to index
        %get3A_200 = arith.constant 0 : index
        %get3A_201 = tpu.vector_load %arg13[%get3A_199, %get3A_200] {strides = array<i32>} : memref<128x64xf32, #tpu.memory_space<vmem>>, vector<1x16xf32>,
        %get3A_202 = vector.shape_cast %get3A_201 : vector<1x16xf32> to vector<16xf32>
        %add3A_203 = arith.addf %get3A_198, %get3A_202 : vector<16xf32>
        %swap3A = arith.index_cast %scan3A_195 : i32 to index
        %swap3A_204 = arith.constant 0 : index
        %swap3A_205 = tpu.vector_load %arg19[%swap3A, %swap3A_204] {strides = array<i32>} : memref<128x128xf32, #tpu.memory_space<vmem>>, vector<1x16xf32>,
        %swap3A_206 = vector.shape_cast %swap3A_205 : vector<1x16xf32> to vector<16xf32>
        %swap3A_207 = vector.shape_cast %add3A_203 : vector<16xf32> to vector<1x16xf32>
        tpu.vector_store %arg19[%swap3A, %swap3A_204], %swap3A_207 {strides = array<i32>} : memref<128x128xf32, #tpu.memory_space<vmem>>, vector<1x16xf32>,
        %get3A_208 = arith.index_cast %scan3A_195 : i32 to index
        %get3A_209 = arith.constant 0 : index
        %get3A_210 = tpu.vector_load %arg15[%get3A_208, %get3A_209] {strides = array<i32>} : memref<128x64xf32, #tpu.memory_space<vmem>>, vector<1x16xf32>,
        %get3A_211 = vector.shape_cast %get3A_210 : vector<1x16xf32> to vector<16xf32>
        %get3A_212 = arith.index_cast %scan3A_195 : i32 to index
        %get3A_213 = arith.constant 0 : index
        %get3A_214 = tpu.vector_load %arg17[%get3A_212, %get3A_213] {strides = array<i32>} : memref<128x64xf32, #tpu.memory_space<vmem>>, vector<1x16xf32>,
        %get3A_215 = vector.shape_cast %get3A_214 : vector<1x16xf32> to vector<16xf32>
        %add3A_216 = arith.addf %get3A_211, %get3A_215 : vector<16xf32>
        %swap3A_217 = arith.index_cast %scan3A_195 : i32 to index
        %swap3A_218 = arith.constant 64 : index
        %swap3A_219 = tpu.vector_load %arg19[%swap3A_217, %swap3A_218] {strides = array<i32>} : memref<128x128xf32, #tpu.memory_space<vmem>>, vector<1x16xf32>,
        %swap3A_220 = vector.shape_cast %swap3A_219 : vector<1x16xf32> to vector<16xf32>
        %swap3A_221 = vector.shape_cast %add3A_216 : vector<16xf32> to vector<1x16xf32>
        tpu.vector_store %arg19[%swap3A_217, %swap3A_218], %swap3A_221 {strides = array<i32>} : memref<128x128xf32, #tpu.memory_space<vmem>>, vector<1x16xf32>,
        %get3A_222 = arith.index_cast %scan3A_195 : i32 to index
        %get3A_223 = arith.constant 16 : index
        %get3A_224 = tpu.vector_load %arg11[%get3A_222, %get3A_223] {strides = array<i32>} : memref<128x64xf32, #tpu.memory_space<vmem>>, vector<1x16xf32>,
        %get3A_225 = vector.shape_cast %get3A_224 : vector<1x16xf32> to vector<16xf32>
        %get3A_226 = arith.index_cast %scan3A_195 : i32 to index
        %get3A_227 = arith.constant 16 : index
        %get3A_228 = tpu.vector_load %arg13[%get3A_226, %get3A_227] {strides = array<i32>} : memref<128x64xf32, #tpu.memory_space<vmem>>, vector<1x16xf32>,
        %get3A_229 = vector.shape_cast %get3A_228 : vector<1x16xf32> to vector<16xf32>
        %add3A_230 = arith.addf %get3A_225, %get3A_229 : vector<16xf32>
        %swap3A_231 = arith.index_cast %scan3A_195 : i32 to index
        %swap3A_232 = arith.constant 16 : index
        %swap3A_233 = tpu.vector_load %arg19[%swap3A_231, %swap3A_232] {strides = array<i32>} : memref<128x128xf32, #tpu.memory_space<vmem>>, vector<1x16xf32>,
        %swap3A_234 = vector.shape_cast %swap3A_233 : vector<1x16xf32> to vector<16xf32>
        %swap3A_235 = vector.shape_cast %add3A_230 : vector<16xf32> to vector<1x16xf32>
        tpu.vector_store %arg19[%swap3A_231, %swap3A_232], %swap3A_235 {strides = array<i32>} : memref<128x128xf32, #tpu.memory_space<vmem>>, vector<1x16xf32>,
        %get3A_236 = arith.index_cast %scan3A_195 : i32 to index
        %get3A_237 = arith.constant 16 : index
        %get3A_238 = tpu.vector_load %arg15[%get3A_236, %get3A_237] {strides = array<i32>} : memref<128x64xf32, #tpu.memory_space<vmem>>, vector<1x16xf32>,
        %get3A_239 = vector.shape_cast %get3A_238 : vector<1x16xf32> to vector<16xf32>
        %get3A_240 = arith.index_cast %scan3A_195 : i32 to index
        %get3A_241 = arith.constant 16 : index
        %get3A_242 = tpu.vector_load %arg17[%get3A_240, %get3A_241] {strides = array<i32>} : memref<128x64xf32, #tpu.memory_space<vmem>>, vector<1x16xf32>,
        %get3A_243 = vector.shape_cast %get3A_242 : vector<1x16xf32> to vector<16xf32>
        %add3A_244 = arith.addf %get3A_239, %get3A_243 : vector<16xf32>
        %swap3A_245 = arith.index_cast %scan3A_195 : i32 to index
        %swap3A_246 = arith.constant 80 : index
        %swap3A_247 = tpu.vector_load %arg19[%swap3A_245, %swap3A_246] {strides = array<i32>} : memref<128x128xf32, #tpu.memory_space<vmem>>, vector<1x16xf32>,
        %swap3A_248 = vector.shape_cast %swap3A_247 : vector<1x16xf32> to vector<16xf32>
        %swap3A_249 = vector.shape_cast %add3A_244 : vector<16xf32> to vector<1x16xf32>
        tpu.vector_store %arg19[%swap3A_245, %swap3A_246], %swap3A_249 {strides = array<i32>} : memref<128x128xf32, #tpu.memory_space<vmem>>, vector<1x16xf32>,
        %get3A_250 = arith.index_cast %scan3A_195 : i32 to index
        %get3A_251 = arith.constant 32 : index
        %get3A_252 = tpu.vector_load %arg11[%get3A_250, %get3A_251] {strides = array<i32>} : memref<128x64xf32, #tpu.memory_space<vmem>>, vector<1x16xf32>,
        %get3A_253 = vector.shape_cast %get3A_252 : vector<1x16xf32> to vector<16xf32>
        %get3A_254 = arith.index_cast %scan3A_195 : i32 to index
        %get3A_255 = arith.constant 32 : index
        %get3A_256 = tpu.vector_load %arg13[%get3A_254, %get3A_255] {strides = array<i32>} : memref<128x64xf32, #tpu.memory_space<vmem>>, vector<1x16xf32>,
        %get3A_257 = vector.shape_cast %get3A_256 : vector<1x16xf32> to vector<16xf32>
        %add3A_258 = arith.addf %get3A_253, %get3A_257 : vector<16xf32>
        %swap3A_259 = arith.index_cast %scan3A_195 : i32 to index
        %swap3A_260 = arith.constant 32 : index
        %swap3A_261 = tpu.vector_load %arg19[%swap3A_259, %swap3A_260] {strides = array<i32>} : memref<128x128xf32, #tpu.memory_space<vmem>>, vector<1x16xf32>,
        %swap3A_262 = vector.shape_cast %swap3A_261 : vector<1x16xf32> to vector<16xf32>
        %swap3A_263 = vector.shape_cast %add3A_258 : vector<16xf32> to vector<1x16xf32>
        tpu.vector_store %arg19[%swap3A_259, %swap3A_260], %swap3A_263 {strides = array<i32>} : memref<128x128xf32, #tpu.memory_space<vmem>>, vector<1x16xf32>,
        %get3A_264 = arith.index_cast %scan3A_195 : i32 to index
        %get3A_265 = arith.constant 32 : index
        %get3A_266 = tpu.vector_load %arg15[%get3A_264, %get3A_265] {strides = array<i32>} : memref<128x64xf32, #tpu.memory_space<vmem>>, vector<1x16xf32>,
        %get3A_267 = vector.shape_cast %get3A_266 : vector<1x16xf32> to vector<16xf32>
        %get3A_268 = arith.index_cast %scan3A_195 : i32 to index
        %get3A_269 = arith.constant 32 : index
        %get3A_270 = tpu.vector_load %arg17[%get3A_268, %get3A_269] {strides = array<i32>} : memref<128x64xf32, #tpu.memory_space<vmem>>, vector<1x16xf32>,
        %get3A_271 = vector.shape_cast %get3A_270 : vector<1x16xf32> to vector<16xf32>
        %add3A_272 = arith.addf %get3A_267, %get3A_271 : vector<16xf32>
        %swap3A_273 = arith.index_cast %scan3A_195 : i32 to index
        %swap3A_274 = arith.constant 96 : index
        %swap3A_275 = tpu.vector_load %arg19[%swap3A_273, %swap3A_274] {strides = array<i32>} : memref<128x128xf32, #tpu.memory_space<vmem>>, vector<1x16xf32>,
        %swap3A_276 = vector.shape_cast %swap3A_275 : vector<1x16xf32> to vector<16xf32>
        %swap3A_277 = vector.shape_cast %add3A_272 : vector<16xf32> to vector<1x16xf32>
        tpu.vector_store %arg19[%swap3A_273, %swap3A_274], %swap3A_277 {strides = array<i32>} : memref<128x128xf32, #tpu.memory_space<vmem>>, vector<1x16xf32>,
        %get3A_278 = arith.index_cast %scan3A_195 : i32 to index
        %get3A_279 = arith.constant 48 : index
        %get3A_280 = tpu.vector_load %arg11[%get3A_278, %get3A_279] {strides = array<i32>} : memref<128x64xf32, #tpu.memory_space<vmem>>, vector<1x16xf32>,
        %get3A_281 = vector.shape_cast %get3A_280 : vector<1x16xf32> to vector<16xf32>
        %get3A_282 = arith.index_cast %scan3A_195 : i32 to index
        %get3A_283 = arith.constant 48 : index
        %get3A_284 = tpu.vector_load %arg13[%get3A_282, %get3A_283] {strides = array<i32>} : memref<128x64xf32, #tpu.memory_space<vmem>>, vector<1x16xf32>,
        %get3A_285 = vector.shape_cast %get3A_284 : vector<1x16xf32> to vector<16xf32>
        %add3A_286 = arith.addf %get3A_281, %get3A_285 : vector<16xf32>
        %swap3A_287 = arith.index_cast %scan3A_195 : i32 to index
        %swap3A_288 = arith.constant 48 : index
        %swap3A_289 = tpu.vector_load %arg19[%swap3A_287, %swap3A_288] {strides = array<i32>} : memref<128x128xf32, #tpu.memory_space<vmem>>, vector<1x16xf32>,
        %swap3A_290 = vector.shape_cast %swap3A_289 : vector<1x16xf32> to vector<16xf32>
        %swap3A_291 = vector.shape_cast %add3A_286 : vector<16xf32> to vector<1x16xf32>
        tpu.vector_store %arg19[%swap3A_287, %swap3A_288], %swap3A_291 {strides = array<i32>} : memref<128x128xf32, #tpu.memory_space<vmem>>, vector<1x16xf32>,
        %get3A_292 = arith.index_cast %scan3A_195 : i32 to index
        %get3A_293 = arith.constant 48 : index
        %get3A_294 = tpu.vector_load %arg15[%get3A_292, %get3A_293] {strides = array<i32>} : memref<128x64xf32, #tpu.memory_space<vmem>>, vector<1x16xf32>,
        %get3A_295 = vector.shape_cast %get3A_294 : vector<1x16xf32> to vector<16xf32>
        %get3A_296 = arith.index_cast %scan3A_195 : i32 to index
        %get3A_297 = arith.constant 48 : index
        %get3A_298 = tpu.vector_load %arg17[%get3A_296, %get3A_297] {strides = array<i32>} : memref<128x64xf32, #tpu.memory_space<vmem>>, vector<1x16xf32>,
        %get3A_299 = vector.shape_cast %get3A_298 : vector<1x16xf32> to vector<16xf32>
        %add3A_300 = arith.addf %get3A_295, %get3A_299 : vector<16xf32>
        %swap3A_301 = arith.index_cast %scan3A_195 : i32 to index
        %swap3A_302 = arith.constant 112 : index
        %swap3A_303 = tpu.vector_load %arg19[%swap3A_301, %swap3A_302] {strides = array<i32>} : memref<128x128xf32, #tpu.memory_space<vmem>>, vector<1x16xf32>,
        %swap3A_304 = vector.shape_cast %swap3A_303 : vector<1x16xf32> to vector<16xf32>
        %swap3A_305 = vector.shape_cast %add3A_300 : vector<16xf32> to vector<1x16xf32>
        tpu.vector_store %arg19[%swap3A_301, %swap3A_302], %swap3A_305 {strides = array<i32>} : memref<128x128xf32, #tpu.memory_space<vmem>>, vector<1x16xf32>,
      }
      %scan3A_126 = arith.constant 128 : i32
      %add3A_127 = arith.addi %mul3A_2, %mul3A_67 : i32
      %mul3A_128 = arith.constant 128 : i32
      %mul3A_129 = arith.muli %add3A_127, %mul3A_128 : i32
      "tpu.region"() ({
        %run_scoped3A = tpu.sem_alloc : memref<!tpu.dma_semaphore, #tpu.memory_space<semaphore_mem>>
        %dma_start3A_195 = arith.constant 0 : i32
        %dma_start3A_196 = tpu.memref_slice %arg6[%mul3A_129, %dma_start3A_195] : memref<163840x128xf32, #tpu.memory_space<hbm>> -> memref<128x128xf32, #tpu.memory_space<hbm>>
        %dma_start3A_197 = arith.constant 0 : i32
        %dma_start3A_198 = tpu.memref_slice %arg6[%mul3A_129, %dma_start3A_197] : memref<163840x128xf32, #tpu.memory_space<hbm>> -> memref<128x128xf32, #tpu.memory_space<hbm>>
        tpu.enqueue_dma source(%arg19 : memref<128x128xf32, #tpu.memory_space<vmem>>) target(%dma_start3A_198 : memref<128x128xf32, #tpu.memory_space<hbm>>) target_semaphore(%run_scoped3A : memref<!tpu.dma_semaphore, #tpu.memory_space<semaphore_mem>>)
        %dma_wait3A_199 = arith.constant 0 : i32
        %dma_wait3A_200 = tpu.memref_slice %arg6[%mul3A_129, %dma_wait3A_199] : memref<163840x128xf32, #tpu.memory_space<hbm>> -> memref<128x128xf32, #tpu.memory_space<hbm>>
        %dma_wait3A_201 = arith.constant 0 : i32
        %dma_wait3A_202 = tpu.memref_slice %arg6[%mul3A_129, %dma_wait3A_201] : memref<163840x128xf32, #tpu.memory_space<hbm>> -> memref<128x128xf32, #tpu.memory_space<hbm>>
        tpu.wait_dma2 semaphore(%run_scoped3A : memref<!tpu.dma_semaphore, #tpu.memory_space<semaphore_mem>>) src(%arg19 : memref<128x128xf32, #tpu.memory_space<vmem>>) dst(%dma_wait3A_202 : memref<128x128xf32, #tpu.memory_space<hbm>>)
        tpu.yield
      }) : () -> ()
      %add3A_130 = arith.constant 2 : i32
      %add3A_131 = arith.addi %mul3A_67, %add3A_130 : i32
      %min3A = arith.constant 39 : i32
      %min3A_132 = arith.minsi %add3A_131, %min3A : i32
      %dma_start3A_133 = arith.constant 0 : i32
      %dma_start3A_134 = tpu.memref_slice %arg7[%min3A_132, %dma_start3A_133] : memref<40x128xi32, #tpu.memory_space<vmem>> -> memref<1x128xi32, #tpu.memory_space<vmem>>
      %dma_start3A_135 = tpu.memref_squeeze %dma_start3A_134 : memref<1x128xi32, #tpu.memory_space<vmem>> -> memref<128xi32, #tpu.memory_space<vmem>>
      %dma_start3A_136 = arith.constant 0 : i32
      %dma_start3A_137 = arith.constant 0 : i32
      %dma_start3A_138 = tpu.memref_slice %arg2[%dma_start3A_136, %dma_start3A_137] : memref<10112x64xf32, #tpu.memory_space<hbm>> -> memref<10112x64xf32, #tpu.memory_space<hbm>>
      tpu.enqueue_indirect_dma source(%dma_start3A_138 : memref<10112x64xf32, #tpu.memory_space<hbm>>) target(%arg11 : memref<128x64xf32, #tpu.memory_space<vmem>>) offsets(%dma_start3A_135 : memref<128xi32, #tpu.memory_space<vmem>>) semaphore(%arg20 : memref<!tpu.dma_semaphore, #tpu.memory_space<semaphore_mem>>)
      %dma_start3A_139 = arith.constant 0 : i32
      %dma_start3A_140 = tpu.memref_slice %arg8[%min3A_132, %dma_start3A_139] : memref<40x128xi32, #tpu.memory_space<vmem>> -> memref<1x128xi32, #tpu.memory_space<vmem>>
      %dma_start3A_141 = tpu.memref_squeeze %dma_start3A_140 : memref<1x128xi32, #tpu.memory_space<vmem>> -> memref<128xi32, #tpu.memory_space<vmem>>
      %dma_start3A_142 = arith.constant 0 : i32
      %dma_start3A_143 = arith.constant 0 : i32
      %dma_start3A_144 = tpu.memref_slice %arg3[%dma_start3A_142, %dma_start3A_143] : memref<10112x64xf32, #tpu.memory_space<hbm>> -> memref<10112x64xf32, #tpu.memory_space<hbm>>
      tpu.enqueue_indirect_dma source(%dma_start3A_144 : memref<10112x64xf32, #tpu.memory_space<hbm>>) target(%arg13 : memref<128x64xf32, #tpu.memory_space<vmem>>) offsets(%dma_start3A_141 : memref<128xi32, #tpu.memory_space<vmem>>) semaphore(%arg21 : memref<!tpu.dma_semaphore, #tpu.memory_space<semaphore_mem>>)
      %dma_start3A_145 = arith.constant 0 : i32
      %dma_start3A_146 = tpu.memref_slice %arg9[%min3A_132, %dma_start3A_145] : memref<40x128xi32, #tpu.memory_space<vmem>> -> memref<1x128xi32, #tpu.memory_space<vmem>>
      %dma_start3A_147 = tpu.memref_squeeze %dma_start3A_146 : memref<1x128xi32, #tpu.memory_space<vmem>> -> memref<128xi32, #tpu.memory_space<vmem>>
      %dma_start3A_148 = arith.constant 0 : i32
      %dma_start3A_149 = arith.constant 0 : i32
      %dma_start3A_150 = tpu.memref_slice %arg2[%dma_start3A_148, %dma_start3A_149] : memref<10112x64xf32, #tpu.memory_space<hbm>> -> memref<10112x64xf32, #tpu.memory_space<hbm>>
      tpu.enqueue_indirect_dma source(%dma_start3A_150 : memref<10112x64xf32, #tpu.memory_space<hbm>>) target(%arg15 : memref<128x64xf32, #tpu.memory_space<vmem>>) offsets(%dma_start3A_147 : memref<128xi32, #tpu.memory_space<vmem>>) semaphore(%arg22 : memref<!tpu.dma_semaphore, #tpu.memory_space<semaphore_mem>>)
      %dma_start3A_151 = arith.constant 0 : i32
      %dma_start3A_152 = tpu.memref_slice %arg10[%min3A_132, %dma_start3A_151] : memref<40x128xi32, #tpu.memory_space<vmem>> -> memref<1x128xi32, #tpu.memory_space<vmem>>
      %dma_start3A_153 = tpu.memref_squeeze %dma_start3A_152 : memref<1x128xi32, #tpu.memory_space<vmem>> -> memref<128xi32, #tpu.memory_space<vmem>>
      %dma_start3A_154 = arith.constant 0 : i32
      %dma_start3A_155 = arith.constant 0 : i32
      %dma_start3A_156 = tpu.memref_slice %arg3[%dma_start3A_154, %dma_start3A_155] : memref<10112x64xf32, #tpu.memory_space<hbm>> -> memref<10112x64xf32, #tpu.memory_space<hbm>>
      tpu.enqueue_indirect_dma source(%dma_start3A_156 : memref<10112x64xf32, #tpu.memory_space<hbm>>) target(%arg17 : memref<128x64xf32, #tpu.memory_space<vmem>>) offsets(%dma_start3A_153 : memref<128xi32, #tpu.memory_space<vmem>>) semaphore(%arg23 : memref<!tpu.dma_semaphore, #tpu.memory_space<semaphore_mem>>)
      %dma_wait3A_157 = arith.constant 0 : i32
      %dma_wait3A_158 = arith.constant 0 : i32
      %dma_wait3A_159 = tpu.memref_slice %arg7[%dma_wait3A_157, %dma_wait3A_158] : memref<40x128xi32, #tpu.memory_space<vmem>> -> memref<1x128xi32, #tpu.memory_space<vmem>>
      %dma_wait3A_160 = tpu.memref_squeeze %dma_wait3A_159 : memref<1x128xi32, #tpu.memory_space<vmem>> -> memref<128xi32, #tpu.memory_space<vmem>>
      %dma_wait3A_161 = arith.constant 0 : i32
      %dma_wait3A_162 = arith.constant 0 : i32
      %dma_wait3A_163 = tpu.memref_slice %arg2[%dma_wait3A_161, %dma_wait3A_162] : memref<10112x64xf32, #tpu.memory_space<hbm>> -> memref<10112x64xf32, #tpu.memory_space<hbm>>
      tpu.wait_indirect_dma semaphore(%arg24 : memref<!tpu.dma_semaphore, #tpu.memory_space<semaphore_mem>>) src(%dma_wait3A_163 : memref<10112x64xf32, #tpu.memory_space<hbm>>) dst(%arg12 : memref<128x64xf32, #tpu.memory_space<vmem>>)
      %dma_wait3A_164 = arith.constant 0 : i32
      %dma_wait3A_165 = arith.constant 0 : i32
      %dma_wait3A_166 = tpu.memref_slice %arg7[%dma_wait3A_164, %dma_wait3A_165] : memref<40x128xi32, #tpu.memory_space<vmem>> -> memref<1x128xi32, #tpu.memory_space<vmem>>
      %dma_wait3A_167 = tpu.memref_squeeze %dma_wait3A_166 : memref<1x128xi32, #tpu.memory_space<vmem>> -> memref<128xi32, #tpu.memory_space<vmem>>
      %dma_wait3A_168 = arith.constant 0 : i32
      %dma_wait3A_169 = arith.constant 0 : i32
      %dma_wait3A_170 = tpu.memref_slice %arg2[%dma_wait3A_168, %dma_wait3A_169] : memref<10112x64xf32, #tpu.memory_space<hbm>> -> memref<10112x64xf32, #tpu.memory_space<hbm>>
      tpu.wait_indirect_dma semaphore(%arg25 : memref<!tpu.dma_semaphore, #tpu.memory_space<semaphore_mem>>) src(%dma_wait3A_170 : memref<10112x64xf32, #tpu.memory_space<hbm>>) dst(%arg14 : memref<128x64xf32, #tpu.memory_space<vmem>>)
      %dma_wait3A_171 = arith.constant 0 : i32
      %dma_wait3A_172 = arith.constant 0 : i32
      %dma_wait3A_173 = tpu.memref_slice %arg7[%dma_wait3A_171, %dma_wait3A_172] : memref<40x128xi32, #tpu.memory_space<vmem>> -> memref<1x128xi32, #tpu.memory_space<vmem>>
      %dma_wait3A_174 = tpu.memref_squeeze %dma_wait3A_173 : memref<1x128xi32, #tpu.memory_space<vmem>> -> memref<128xi32, #tpu.memory_space<vmem>>
      %dma_wait3A_175 = arith.constant 0 : i32
      %dma_wait3A_176 = arith.constant 0 : i32
      %dma_wait3A_177 = tpu.memref_slice %arg2[%dma_wait3A_175, %dma_wait3A_176] : memref<10112x64xf32, #tpu.memory_space<hbm>> -> memref<10112x64xf32, #tpu.memory_space<hbm>>
      tpu.wait_indirect_dma semaphore(%arg26 : memref<!tpu.dma_semaphore, #tpu.memory_space<semaphore_mem>>) src(%dma_wait3A_177 : memref<10112x64xf32, #tpu.memory_space<hbm>>) dst(%arg16 : memref<128x64xf32, #tpu.memory_space<vmem>>)
      %dma_wait3A_178 = arith.constant 0 : i32
      %dma_wait3A_179 = arith.constant 0 : i32
      %dma_wait3A_180 = tpu.memref_slice %arg7[%dma_wait3A_178, %dma_wait3A_179] : memref<40x128xi32, #tpu.memory_space<vmem>> -> memref<1x128xi32, #tpu.memory_space<vmem>>
      %dma_wait3A_181 = tpu.memref_squeeze %dma_wait3A_180 : memref<1x128xi32, #tpu.memory_space<vmem>> -> memref<128xi32, #tpu.memory_space<vmem>>
      %dma_wait3A_182 = arith.constant 0 : i32
      %dma_wait3A_183 = arith.constant 0 : i32
      %dma_wait3A_184 = tpu.memref_slice %arg2[%dma_wait3A_182, %dma_wait3A_183] : memref<10112x64xf32, #tpu.memory_space<hbm>> -> memref<10112x64xf32, #tpu.memory_space<hbm>>
      tpu.wait_indirect_dma semaphore(%arg27 : memref<!tpu.dma_semaphore, #tpu.memory_space<semaphore_mem>>) src(%dma_wait3A_184 : memref<10112x64xf32, #tpu.memory_space<hbm>>) dst(%arg18 : memref<128x64xf32, #tpu.memory_space<vmem>>)
      %add3A_185 = arith.constant 1 : i32
      %add3A_186 = arith.addi %mul3A_67, %add3A_185 : i32
      %scan3A_187 = arith.constant 0 : i32
      %scan3A_188 = arith.constant 128 : i32
      %scan3A_189 = arith.addi %scan3A_187, %scan3A_188 : i32
      %scan3A_190 = arith.constant 1 : i32
      scf.for %scan3A_195 = %scan3A_187 to %scan3A_189 step %scan3A_190  : i32 {
        %get3A = arith.index_cast %scan3A_195 : i32 to index
        %get3A_196 = arith.constant 0 : index
        %get3A_197 = tpu.vector_load %arg12[%get3A, %get3A_196] {strides = array<i32>} : memref<128x64xf32, #tpu.memory_space<vmem>>, vector<1x16xf32>,
        %get3A_198 = vector.shape_cast %get3A_197 : vector<1x16xf32> to vector<16xf32>
        %get3A_199 = arith.index_cast %scan3A_195 : i32 to index
        %get3A_200 = arith.constant 0 : index
        %get3A_201 = tpu.vector_load %arg14[%get3A_199, %get3A_200] {strides = array<i32>} : memref<128x64xf32, #tpu.memory_space<vmem>>, vector<1x16xf32>,
        %get3A_202 = vector.shape_cast %get3A_201 : vector<1x16xf32> to vector<16xf32>
        %add3A_203 = arith.addf %get3A_198, %get3A_202 : vector<16xf32>
        %swap3A = arith.index_cast %scan3A_195 : i32 to index
        %swap3A_204 = arith.constant 0 : index
        %swap3A_205 = tpu.vector_load %arg19[%swap3A, %swap3A_204] {strides = array<i32>} : memref<128x128xf32, #tpu.memory_space<vmem>>, vector<1x16xf32>,
        %swap3A_206 = vector.shape_cast %swap3A_205 : vector<1x16xf32> to vector<16xf32>
        %swap3A_207 = vector.shape_cast %add3A_203 : vector<16xf32> to vector<1x16xf32>
        tpu.vector_store %arg19[%swap3A, %swap3A_204], %swap3A_207 {strides = array<i32>} : memref<128x128xf32, #tpu.memory_space<vmem>>, vector<1x16xf32>,
        %get3A_208 = arith.index_cast %scan3A_195 : i32 to index
        %get3A_209 = arith.constant 0 : index
        %get3A_210 = tpu.vector_load %arg16[%get3A_208, %get3A_209] {strides = array<i32>} : memref<128x64xf32, #tpu.memory_space<vmem>>, vector<1x16xf32>,
        %get3A_211 = vector.shape_cast %get3A_210 : vector<1x16xf32> to vector<16xf32>
        %get3A_212 = arith.index_cast %scan3A_195 : i32 to index
        %get3A_213 = arith.constant 0 : index
        %get3A_214 = tpu.vector_load %arg18[%get3A_212, %get3A_213] {strides = array<i32>} : memref<128x64xf32, #tpu.memory_space<vmem>>, vector<1x16xf32>,
        %get3A_215 = vector.shape_cast %get3A_214 : vector<1x16xf32> to vector<16xf32>
        %add3A_216 = arith.addf %get3A_211, %get3A_215 : vector<16xf32>
        %swap3A_217 = arith.index_cast %scan3A_195 : i32 to index
        %swap3A_218 = arith.constant 64 : index
        %swap3A_219 = tpu.vector_load %arg19[%swap3A_217, %swap3A_218] {strides = array<i32>} : memref<128x128xf32, #tpu.memory_space<vmem>>, vector<1x16xf32>,
        %swap3A_220 = vector.shape_cast %swap3A_219 : vector<1x16xf32> to vector<16xf32>
        %swap3A_221 = vector.shape_cast %add3A_216 : vector<16xf32> to vector<1x16xf32>
        tpu.vector_store %arg19[%swap3A_217, %swap3A_218], %swap3A_221 {strides = array<i32>} : memref<128x128xf32, #tpu.memory_space<vmem>>, vector<1x16xf32>,
        %get3A_222 = arith.index_cast %scan3A_195 : i32 to index
        %get3A_223 = arith.constant 16 : index
        %get3A_224 = tpu.vector_load %arg12[%get3A_222, %get3A_223] {strides = array<i32>} : memref<128x64xf32, #tpu.memory_space<vmem>>, vector<1x16xf32>,
        %get3A_225 = vector.shape_cast %get3A_224 : vector<1x16xf32> to vector<16xf32>
        %get3A_226 = arith.index_cast %scan3A_195 : i32 to index
        %get3A_227 = arith.constant 16 : index
        %get3A_228 = tpu.vector_load %arg14[%get3A_226, %get3A_227] {strides = array<i32>} : memref<128x64xf32, #tpu.memory_space<vmem>>, vector<1x16xf32>,
        %get3A_229 = vector.shape_cast %get3A_228 : vector<1x16xf32> to vector<16xf32>
        %add3A_230 = arith.addf %get3A_225, %get3A_229 : vector<16xf32>
        %swap3A_231 = arith.index_cast %scan3A_195 : i32 to index
        %swap3A_232 = arith.constant 16 : index
        %swap3A_233 = tpu.vector_load %arg19[%swap3A_231, %swap3A_232] {strides = array<i32>} : memref<128x128xf32, #tpu.memory_space<vmem>>, vector<1x16xf32>,
        %swap3A_234 = vector.shape_cast %swap3A_233 : vector<1x16xf32> to vector<16xf32>
        %swap3A_235 = vector.shape_cast %add3A_230 : vector<16xf32> to vector<1x16xf32>
        tpu.vector_store %arg19[%swap3A_231, %swap3A_232], %swap3A_235 {strides = array<i32>} : memref<128x128xf32, #tpu.memory_space<vmem>>, vector<1x16xf32>,
        %get3A_236 = arith.index_cast %scan3A_195 : i32 to index
        %get3A_237 = arith.constant 16 : index
        %get3A_238 = tpu.vector_load %arg16[%get3A_236, %get3A_237] {strides = array<i32>} : memref<128x64xf32, #tpu.memory_space<vmem>>, vector<1x16xf32>,
        %get3A_239 = vector.shape_cast %get3A_238 : vector<1x16xf32> to vector<16xf32>
        %get3A_240 = arith.index_cast %scan3A_195 : i32 to index
        %get3A_241 = arith.constant 16 : index
        %get3A_242 = tpu.vector_load %arg18[%get3A_240, %get3A_241] {strides = array<i32>} : memref<128x64xf32, #tpu.memory_space<vmem>>, vector<1x16xf32>,
        %get3A_243 = vector.shape_cast %get3A_242 : vector<1x16xf32> to vector<16xf32>
        %add3A_244 = arith.addf %get3A_239, %get3A_243 : vector<16xf32>
        %swap3A_245 = arith.index_cast %scan3A_195 : i32 to index
        %swap3A_246 = arith.constant 80 : index
        %swap3A_247 = tpu.vector_load %arg19[%swap3A_245, %swap3A_246] {strides = array<i32>} : memref<128x128xf32, #tpu.memory_space<vmem>>, vector<1x16xf32>,
        %swap3A_248 = vector.shape_cast %swap3A_247 : vector<1x16xf32> to vector<16xf32>
        %swap3A_249 = vector.shape_cast %add3A_244 : vector<16xf32> to vector<1x16xf32>
        tpu.vector_store %arg19[%swap3A_245, %swap3A_246], %swap3A_249 {strides = array<i32>} : memref<128x128xf32, #tpu.memory_space<vmem>>, vector<1x16xf32>,
        %get3A_250 = arith.index_cast %scan3A_195 : i32 to index
        %get3A_251 = arith.constant 32 : index
        %get3A_252 = tpu.vector_load %arg12[%get3A_250, %get3A_251] {strides = array<i32>} : memref<128x64xf32, #tpu.memory_space<vmem>>, vector<1x16xf32>,
        %get3A_253 = vector.shape_cast %get3A_252 : vector<1x16xf32> to vector<16xf32>
        %get3A_254 = arith.index_cast %scan3A_195 : i32 to index
        %get3A_255 = arith.constant 32 : index
        %get3A_256 = tpu.vector_load %arg14[%get3A_254, %get3A_255] {strides = array<i32>} : memref<128x64xf32, #tpu.memory_space<vmem>>, vector<1x16xf32>,
        %get3A_257 = vector.shape_cast %get3A_256 : vector<1x16xf32> to vector<16xf32>
        %add3A_258 = arith.addf %get3A_253, %get3A_257 : vector<16xf32>
        %swap3A_259 = arith.index_cast %scan3A_195 : i32 to index
        %swap3A_260 = arith.constant 32 : index
        %swap3A_261 = tpu.vector_load %arg19[%swap3A_259, %swap3A_260] {strides = array<i32>} : memref<128x128xf32, #tpu.memory_space<vmem>>, vector<1x16xf32>,
        %swap3A_262 = vector.shape_cast %swap3A_261 : vector<1x16xf32> to vector<16xf32>
        %swap3A_263 = vector.shape_cast %add3A_258 : vector<16xf32> to vector<1x16xf32>
        tpu.vector_store %arg19[%swap3A_259, %swap3A_260], %swap3A_263 {strides = array<i32>} : memref<128x128xf32, #tpu.memory_space<vmem>>, vector<1x16xf32>,
        %get3A_264 = arith.index_cast %scan3A_195 : i32 to index
        %get3A_265 = arith.constant 32 : index
        %get3A_266 = tpu.vector_load %arg16[%get3A_264, %get3A_265] {strides = array<i32>} : memref<128x64xf32, #tpu.memory_space<vmem>>, vector<1x16xf32>,
        %get3A_267 = vector.shape_cast %get3A_266 : vector<1x16xf32> to vector<16xf32>
        %get3A_268 = arith.index_cast %scan3A_195 : i32 to index
        %get3A_269 = arith.constant 32 : index
        %get3A_270 = tpu.vector_load %arg18[%get3A_268, %get3A_269] {strides = array<i32>} : memref<128x64xf32, #tpu.memory_space<vmem>>, vector<1x16xf32>,
        %get3A_271 = vector.shape_cast %get3A_270 : vector<1x16xf32> to vector<16xf32>
        %add3A_272 = arith.addf %get3A_267, %get3A_271 : vector<16xf32>
        %swap3A_273 = arith.index_cast %scan3A_195 : i32 to index
        %swap3A_274 = arith.constant 96 : index
        %swap3A_275 = tpu.vector_load %arg19[%swap3A_273, %swap3A_274] {strides = array<i32>} : memref<128x128xf32, #tpu.memory_space<vmem>>, vector<1x16xf32>,
        %swap3A_276 = vector.shape_cast %swap3A_275 : vector<1x16xf32> to vector<16xf32>
        %swap3A_277 = vector.shape_cast %add3A_272 : vector<16xf32> to vector<1x16xf32>
        tpu.vector_store %arg19[%swap3A_273, %swap3A_274], %swap3A_277 {strides = array<i32>} : memref<128x128xf32, #tpu.memory_space<vmem>>, vector<1x16xf32>,
        %get3A_278 = arith.index_cast %scan3A_195 : i32 to index
        %get3A_279 = arith.constant 48 : index
        %get3A_280 = tpu.vector_load %arg12[%get3A_278, %get3A_279] {strides = array<i32>} : memref<128x64xf32, #tpu.memory_space<vmem>>, vector<1x16xf32>,
        %get3A_281 = vector.shape_cast %get3A_280 : vector<1x16xf32> to vector<16xf32>
        %get3A_282 = arith.index_cast %scan3A_195 : i32 to index
        %get3A_283 = arith.constant 48 : index
        %get3A_284 = tpu.vector_load %arg14[%get3A_282, %get3A_283] {strides = array<i32>} : memref<128x64xf32, #tpu.memory_space<vmem>>, vector<1x16xf32>,
        %get3A_285 = vector.shape_cast %get3A_284 : vector<1x16xf32> to vector<16xf32>
        %add3A_286 = arith.addf %get3A_281, %get3A_285 : vector<16xf32>
        %swap3A_287 = arith.index_cast %scan3A_195 : i32 to index
        %swap3A_288 = arith.constant 48 : index
        %swap3A_289 = tpu.vector_load %arg19[%swap3A_287, %swap3A_288] {strides = array<i32>} : memref<128x128xf32, #tpu.memory_space<vmem>>, vector<1x16xf32>,
        %swap3A_290 = vector.shape_cast %swap3A_289 : vector<1x16xf32> to vector<16xf32>
        %swap3A_291 = vector.shape_cast %add3A_286 : vector<16xf32> to vector<1x16xf32>
        tpu.vector_store %arg19[%swap3A_287, %swap3A_288], %swap3A_291 {strides = array<i32>} : memref<128x128xf32, #tpu.memory_space<vmem>>, vector<1x16xf32>,
        %get3A_292 = arith.index_cast %scan3A_195 : i32 to index
        %get3A_293 = arith.constant 48 : index
        %get3A_294 = tpu.vector_load %arg16[%get3A_292, %get3A_293] {strides = array<i32>} : memref<128x64xf32, #tpu.memory_space<vmem>>, vector<1x16xf32>,
        %get3A_295 = vector.shape_cast %get3A_294 : vector<1x16xf32> to vector<16xf32>
        %get3A_296 = arith.index_cast %scan3A_195 : i32 to index
        %get3A_297 = arith.constant 48 : index
        %get3A_298 = tpu.vector_load %arg18[%get3A_296, %get3A_297] {strides = array<i32>} : memref<128x64xf32, #tpu.memory_space<vmem>>, vector<1x16xf32>,
        %get3A_299 = vector.shape_cast %get3A_298 : vector<1x16xf32> to vector<16xf32>
        %add3A_300 = arith.addf %get3A_295, %get3A_299 : vector<16xf32>
        %swap3A_301 = arith.index_cast %scan3A_195 : i32 to index
        %swap3A_302 = arith.constant 112 : index
        %swap3A_303 = tpu.vector_load %arg19[%swap3A_301, %swap3A_302] {strides = array<i32>} : memref<128x128xf32, #tpu.memory_space<vmem>>, vector<1x16xf32>,
        %swap3A_304 = vector.shape_cast %swap3A_303 : vector<1x16xf32> to vector<16xf32>
        %swap3A_305 = vector.shape_cast %add3A_300 : vector<16xf32> to vector<1x16xf32>
        tpu.vector_store %arg19[%swap3A_301, %swap3A_302], %swap3A_305 {strides = array<i32>} : memref<128x128xf32, #tpu.memory_space<vmem>>, vector<1x16xf32>,
      }
      %scan3A_191 = arith.constant 128 : i32
      %add3A_192 = arith.addi %mul3A_2, %add3A_186 : i32
      %mul3A_193 = arith.constant 128 : i32
      %mul3A_194 = arith.muli %add3A_192, %mul3A_193 : i32
      "tpu.region"() ({
        %run_scoped3A = tpu.sem_alloc : memref<!tpu.dma_semaphore, #tpu.memory_space<semaphore_mem>>
        %dma_start3A_195 = arith.constant 0 : i32
        %dma_start3A_196 = tpu.memref_slice %arg6[%mul3A_194, %dma_start3A_195] : memref<163840x128xf32, #tpu.memory_space<hbm>> -> memref<128x128xf32, #tpu.memory_space<hbm>>
        %dma_start3A_197 = arith.constant 0 : i32
        %dma_start3A_198 = tpu.memref_slice %arg6[%mul3A_194, %dma_start3A_197] : memref<163840x128xf32, #tpu.memory_space<hbm>> -> memref<128x128xf32, #tpu.memory_space<hbm>>
        tpu.enqueue_dma source(%arg19 : memref<128x128xf32, #tpu.memory_space<vmem>>) target(%dma_start3A_198 : memref<128x128xf32, #tpu.memory_space<hbm>>) target_semaphore(%run_scoped3A : memref<!tpu.dma_semaphore, #tpu.memory_space<semaphore_mem>>)
        %dma_wait3A_199 = arith.constant 0 : i32
        %dma_wait3A_200 = tpu.memref_slice %arg6[%mul3A_194, %dma_wait3A_199] : memref<163840x128xf32, #tpu.memory_space<hbm>> -> memref<128x128xf32, #tpu.memory_space<hbm>>
        %dma_wait3A_201 = arith.constant 0 : i32
        %dma_wait3A_202 = tpu.memref_slice %arg6[%mul3A_194, %dma_wait3A_201] : memref<163840x128xf32, #tpu.memory_space<hbm>> -> memref<128x128xf32, #tpu.memory_space<hbm>>
        tpu.wait_dma2 semaphore(%run_scoped3A : memref<!tpu.dma_semaphore, #tpu.memory_space<semaphore_mem>>) src(%arg19 : memref<128x128xf32, #tpu.memory_space<vmem>>) dst(%dma_wait3A_202 : memref<128x128xf32, #tpu.memory_space<hbm>>)
        tpu.yield
      }) : () -> ()
    }
    %scan3A_37 = arith.constant 20 : i32
    %dma_wait3A = arith.constant 0 : i32
    %dma_wait3A_38 = arith.constant 0 : i32
    %dma_wait3A_39 = tpu.memref_slice %arg7[%dma_wait3A, %dma_wait3A_38] : memref<40x128xi32, #tpu.memory_space<vmem>> -> memref<1x128xi32, #tpu.memory_space<vmem>>
    %dma_wait3A_40 = tpu.memref_squeeze %dma_wait3A_39 : memref<1x128xi32, #tpu.memory_space<vmem>> -> memref<128xi32, #tpu.memory_space<vmem>>
    %dma_wait3A_41 = arith.constant 0 : i32
    %dma_wait3A_42 = arith.constant 0 : i32
    %dma_wait3A_43 = tpu.memref_slice %arg2[%dma_wait3A_41, %dma_wait3A_42] : memref<10112x64xf32, #tpu.memory_space<hbm>> -> memref<10112x64xf32, #tpu.memory_space<hbm>>
    tpu.wait_indirect_dma semaphore(%arg20 : memref<!tpu.dma_semaphore, #tpu.memory_space<semaphore_mem>>) src(%dma_wait3A_43 : memref<10112x64xf32, #tpu.memory_space<hbm>>) dst(%arg11 : memref<128x64xf32, #tpu.memory_space<vmem>>)
    %dma_wait3A_44 = arith.constant 0 : i32
    %dma_wait3A_45 = arith.constant 0 : i32
    %dma_wait3A_46 = tpu.memref_slice %arg7[%dma_wait3A_44, %dma_wait3A_45] : memref<40x128xi32, #tpu.memory_space<vmem>> -> memref<1x128xi32, #tpu.memory_space<vmem>>
    %dma_wait3A_47 = tpu.memref_squeeze %dma_wait3A_46 : memref<1x128xi32, #tpu.memory_space<vmem>> -> memref<128xi32, #tpu.memory_space<vmem>>
    %dma_wait3A_48 = arith.constant 0 : i32
    %dma_wait3A_49 = arith.constant 0 : i32
    %dma_wait3A_50 = tpu.memref_slice %arg2[%dma_wait3A_48, %dma_wait3A_49] : memref<10112x64xf32, #tpu.memory_space<hbm>> -> memref<10112x64xf32, #tpu.memory_space<hbm>>
    tpu.wait_indirect_dma semaphore(%arg21 : memref<!tpu.dma_semaphore, #tpu.memory_space<semaphore_mem>>) src(%dma_wait3A_50 : memref<10112x64xf32, #tpu.memory_space<hbm>>) dst(%arg13 : memref<128x64xf32, #tpu.memory_space<vmem>>)
    %dma_wait3A_51 = arith.constant 0 : i32
    %dma_wait3A_52 = arith.constant 0 : i32
    %dma_wait3A_53 = tpu.memref_slice %arg7[%dma_wait3A_51, %dma_wait3A_52] : memref<40x128xi32, #tpu.memory_space<vmem>> -> memref<1x128xi32, #tpu.memory_space<vmem>>
    %dma_wait3A_54 = tpu.memref_squeeze %dma_wait3A_53 : memref<1x128xi32, #tpu.memory_space<vmem>> -> memref<128xi32, #tpu.memory_space<vmem>>
    %dma_wait3A_55 = arith.constant 0 : i32
    %dma_wait3A_56 = arith.constant 0 : i32
    %dma_wait3A_57 = tpu.memref_slice %arg2[%dma_wait3A_55, %dma_wait3A_56] : memref<10112x64xf32, #tpu.memory_space<hbm>> -> memref<10112x64xf32, #tpu.memory_space<hbm>>
    tpu.wait_indirect_dma semaphore(%arg22 : memref<!tpu.dma_semaphore, #tpu.memory_space<semaphore_mem>>) src(%dma_wait3A_57 : memref<10112x64xf32, #tpu.memory_space<hbm>>) dst(%arg15 : memref<128x64xf32, #tpu.memory_space<vmem>>)
    %dma_wait3A_58 = arith.constant 0 : i32
    %dma_wait3A_59 = arith.constant 0 : i32
    %dma_wait3A_60 = tpu.memref_slice %arg7[%dma_wait3A_58, %dma_wait3A_59] : memref<40x128xi32, #tpu.memory_space<vmem>> -> memref<1x128xi32, #tpu.memory_space<vmem>>
    %dma_wait3A_61 = tpu.memref_squeeze %dma_wait3A_60 : memref<1x128xi32, #tpu.memory_space<vmem>> -> memref<128xi32, #tpu.memory_space<vmem>>
    %dma_wait3A_62 = arith.constant 0 : i32
    %dma_wait3A_63 = arith.constant 0 : i32
    %dma_wait3A_64 = tpu.memref_slice %arg2[%dma_wait3A_62, %dma_wait3A_63] : memref<10112x64xf32, #tpu.memory_space<hbm>> -> memref<10112x64xf32, #tpu.memory_space<hbm>>
    tpu.wait_indirect_dma semaphore(%arg23 : memref<!tpu.dma_semaphore, #tpu.memory_space<semaphore_mem>>) src(%dma_wait3A_64 : memref<10112x64xf32, #tpu.memory_space<hbm>>) dst(%arg17 : memref<128x64xf32, #tpu.memory_space<vmem>>)
    return
  }
}

module attributes {stable_mosaic.version = 14 : i64} {
  func.func @_tc_in_body(%arg0: memref<10112x128xf32, #tpu.memory_space<vmem>>, %arg1: memref<128x64xf32, #tpu.memory_space<vmem>>, %arg2: memref<1x64xf32, #tpu.memory_space<vmem>>, %arg3: memref<10112x64xf32, #tpu.memory_space<vmem>>) attributes {dimension_semantics = [], scalar_prefetch = 0 : i64, scratch_operands = 0 : i64, tpu.core_type = #tpu.core_type<tc>} {
    %get3A = arith.constant 0 : index
    %get3A_0 = arith.constant 0 : index
    %get3A_1 = vector.load %arg0[%get3A, %get3A_0] : memref<10112x128xf32, #tpu.memory_space<vmem>>, vector<10112x128xf32>
    %get3A_2 = arith.constant 0 : index
    %get3A_3 = arith.constant 0 : index
    %get3A_4 = vector.load %arg1[%get3A_2, %get3A_3] : memref<128x64xf32, #tpu.memory_space<vmem>>, vector<128x64xf32>
    %dot_general3A = arith.constant dense<0.000000e+00> : vector<10112x64xf32>
    %dot_general3A_5 = tpu.matmul %get3A_1, %get3A_4, %dot_general3A {dimension_numbers = #tpu.dot_dimension_numbers<[1], [0], [0], [1], [0, 0, 1, 1], [], []>, transpose_lhs_hint = false} : vector<10112x128xf32>, vector<128x64xf32>, vector<10112x64xf32> -> vector<10112x64xf32>
    %get3A_6 = arith.constant 0 : index
    %get3A_7 = arith.constant 0 : index
    %get3A_8 = vector.load %arg2[%get3A_6, %get3A_7] : memref<1x64xf32, #tpu.memory_space<vmem>>, vector<1x64xf32>
    %add3A = vector.broadcast %get3A_8 : vector<1x64xf32> to vector<10112x64xf32>
    %add3A_9 = arith.addf %dot_general3A_5, %add3A : vector<10112x64xf32>
    %swap3A = arith.constant 0 : index
    %swap3A_10 = arith.constant 0 : index
    %swap3A_11 = vector.load %arg3[%swap3A, %swap3A_10] : memref<10112x64xf32, #tpu.memory_space<vmem>>, vector<10112x64xf32>
    tpu.vector_store %arg3[%swap3A, %swap3A_10], %add3A_9 {strides = array<i32>} : memref<10112x64xf32, #tpu.memory_space<vmem>>, vector<10112x64xf32>,
    return
  }
}

module attributes {stable_mosaic.version = 14 : i64} {
  func.func @_tc_layer_body(%arg0: memref<2x10112x64xf32, #tpu.memory_space<vmem>>, %arg1: memref<2x10112x16xf32, #tpu.memory_space<vmem>>, %arg2: memref<10112x64xf32, #tpu.memory_space<vmem>>, %arg3: memref<64x64xf32, #tpu.memory_space<vmem>>, %arg4: memref<1x64xf32, #tpu.memory_space<vmem>>, %arg5: memref<64x64xf32, #tpu.memory_space<vmem>>, %arg6: memref<1x64xf32, #tpu.memory_space<vmem>>, %arg7: memref<1x64xf32, #tpu.memory_space<vmem>>, %arg8: memref<10112x64xf32, #tpu.memory_space<vmem>>) attributes {dimension_semantics = [], scalar_prefetch = 0 : i64, scratch_operands = 0 : i64, tpu.core_type = #tpu.core_type<tc>} {
    %get3A = arith.constant 0 : index
    %get3A_0 = arith.constant 0 : index
    %get3A_1 = arith.constant 0 : index
    %get3A_2 = vector.load %arg0[%get3A, %get3A_0, %get3A_1] : memref<2x10112x64xf32, #tpu.memory_space<vmem>>, vector<1x10112x64xf32>
    %get3A_3 = vector.shape_cast %get3A_2 : vector<1x10112x64xf32> to vector<10112x64xf32>
    %get3A_4 = arith.constant 1 : index
    %get3A_5 = arith.constant 0 : index
    %get3A_6 = arith.constant 0 : index
    %get3A_7 = vector.load %arg0[%get3A_4, %get3A_5, %get3A_6] : memref<2x10112x64xf32, #tpu.memory_space<vmem>>, vector<1x10112x64xf32>
    %get3A_8 = vector.shape_cast %get3A_7 : vector<1x10112x64xf32> to vector<10112x64xf32>
    %add3A = arith.addf %get3A_3, %get3A_8 : vector<10112x64xf32>
    %get3A_9 = arith.constant 0 : index
    %get3A_10 = arith.constant 0 : index
    %get3A_11 = arith.constant 0 : index
    %get3A_12 = vector.load %arg1[%get3A_9, %get3A_10, %get3A_11] : memref<2x10112x16xf32, #tpu.memory_space<vmem>>, vector<1x10112x16xf32>
    %get3A_13 = vector.shape_cast %get3A_12 : vector<1x10112x16xf32> to vector<10112x16xf32>
    %get3A_14 = arith.constant 1 : index
    %get3A_15 = arith.constant 0 : index
    %get3A_16 = arith.constant 0 : index
    %get3A_17 = vector.load %arg1[%get3A_14, %get3A_15, %get3A_16] : memref<2x10112x16xf32, #tpu.memory_space<vmem>>, vector<1x10112x16xf32>
    %get3A_18 = vector.shape_cast %get3A_17 : vector<1x10112x16xf32> to vector<10112x16xf32>
    %add3A_19 = arith.addf %get3A_13, %get3A_18 : vector<10112x16xf32>
    %slice3A = vector.extract_strided_slice %add3A_19 {offsets = [0, 0], sizes = [10112, 1], strides = [1, 1]} : vector<10112x16xf32> to vector<10112x1xf32>
    %max3A = arith.constant 1.000000e+00 : f32
    %max3A_20 = vector.broadcast %max3A : f32 to vector<10112x1xf32>
    %max3A_21 = arith.maximumf %slice3A, %max3A_20 : vector<10112x1xf32>
    %div3A = vector.broadcast %max3A_21 : vector<10112x1xf32> to vector<10112x64xf32>
    %div3A_22 = arith.divf %add3A, %div3A : vector<10112x64xf32>
    %get3A_23 = arith.constant 0 : index
    %get3A_24 = arith.constant 0 : index
    %get3A_25 = vector.load %arg2[%get3A_23, %get3A_24] : memref<10112x64xf32, #tpu.memory_space<vmem>>, vector<10112x64xf32>
    %get3A_26 = arith.constant 0 : index
    %get3A_27 = arith.constant 0 : index
    %get3A_28 = vector.load %arg3[%get3A_26, %get3A_27] : memref<64x64xf32, #tpu.memory_space<vmem>>, vector<64x64xf32>
    %dot_general3A = arith.constant dense<0.000000e+00> : vector<10112x64xf32>
    %dot_general3A_29 = tpu.matmul %div3A_22, %get3A_28, %dot_general3A {dimension_numbers = #tpu.dot_dimension_numbers<[1], [0], [0], [1], [0, 0, 1, 1], [], []>, transpose_lhs_hint = false} : vector<10112x64xf32>, vector<64x64xf32>, vector<10112x64xf32> -> vector<10112x64xf32>
    %get3A_30 = arith.constant 0 : index
    %get3A_31 = arith.constant 0 : index
    %get3A_32 = vector.load %arg4[%get3A_30, %get3A_31] : memref<1x64xf32, #tpu.memory_space<vmem>>, vector<1x64xf32>
    %add3A_33 = vector.broadcast %get3A_32 : vector<1x64xf32> to vector<10112x64xf32>
    %add3A_34 = arith.addf %dot_general3A_29, %add3A_33 : vector<10112x64xf32>
    %get3A_35 = arith.constant 0 : index
    %get3A_36 = arith.constant 0 : index
    %get3A_37 = vector.load %arg5[%get3A_35, %get3A_36] : memref<64x64xf32, #tpu.memory_space<vmem>>, vector<64x64xf32>
    %dot_general3A_38 = arith.constant dense<0.000000e+00> : vector<10112x64xf32>
    %dot_general3A_39 = tpu.matmul %get3A_25, %get3A_37, %dot_general3A_38 {dimension_numbers = #tpu.dot_dimension_numbers<[1], [0], [0], [1], [0, 0, 1, 1], [], []>, transpose_lhs_hint = false} : vector<10112x64xf32>, vector<64x64xf32>, vector<10112x64xf32> -> vector<10112x64xf32>
    %add3A_40 = arith.addf %add3A_34, %dot_general3A_39 : vector<10112x64xf32>
    %reduce_sum3A = arith.constant dense<0.000000e+00> : vector<10112xf32>
    %reduce_sum3A_41 = vector.multi_reduction <add>, %add3A_40, %reduce_sum3A [1] : vector<10112x64xf32> to vector<10112xf32>
    %broadcast_in_dim3A = vector.shape_cast %reduce_sum3A_41 : vector<10112xf32> to vector<10112x1xf32>
    %div3A_42 = arith.constant 6.400000e+01 : f32
    %div3A_43 = vector.broadcast %div3A_42 : f32 to vector<10112x1xf32>
    %div3A_44 = arith.divf %broadcast_in_dim3A, %div3A_43 : vector<10112x1xf32>
    %sub3A = vector.broadcast %div3A_44 : vector<10112x1xf32> to vector<10112x64xf32>
    %sub3A_45 = arith.subf %add3A_40, %sub3A : vector<10112x64xf32>
    %integer_pow3A = arith.mulf %sub3A_45, %sub3A_45 : vector<10112x64xf32>
    %reduce_sum3A_46 = arith.constant dense<0.000000e+00> : vector<10112xf32>
    %reduce_sum3A_47 = vector.multi_reduction <add>, %integer_pow3A, %reduce_sum3A_46 [1] : vector<10112x64xf32> to vector<10112xf32>
    %broadcast_in_dim3A_48 = vector.shape_cast %reduce_sum3A_47 : vector<10112xf32> to vector<10112x1xf32>
    %div3A_49 = arith.constant 6.400000e+01 : f32
    %div3A_50 = vector.broadcast %div3A_49 : f32 to vector<10112x1xf32>
    %div3A_51 = arith.divf %broadcast_in_dim3A_48, %div3A_50 : vector<10112x1xf32>
    %sub3A_52 = vector.broadcast %div3A_44 : vector<10112x1xf32> to vector<10112x64xf32>
    %sub3A_53 = arith.subf %add3A_40, %sub3A_52 : vector<10112x64xf32>
    %add3A_54 = arith.constant 9.99999974E-6 : f32
    %add3A_55 = vector.broadcast %add3A_54 : f32 to vector<10112x1xf32>
    %add3A_56 = arith.addf %div3A_51, %add3A_55 : vector<10112x1xf32>
    %rsqrt3A = math.rsqrt %add3A_56 : vector<10112x1xf32>
    %mul3A = vector.broadcast %rsqrt3A : vector<10112x1xf32> to vector<10112x64xf32>
    %mul3A_57 = arith.mulf %sub3A_53, %mul3A : vector<10112x64xf32>
    %get3A_58 = arith.constant 0 : index
    %get3A_59 = arith.constant 0 : index
    %get3A_60 = vector.load %arg6[%get3A_58, %get3A_59] : memref<1x64xf32, #tpu.memory_space<vmem>>, vector<1x64xf32>
    %mul3A_61 = vector.broadcast %get3A_60 : vector<1x64xf32> to vector<10112x64xf32>
    %mul3A_62 = arith.mulf %mul3A_57, %mul3A_61 : vector<10112x64xf32>
    %get3A_63 = arith.constant 0 : index
    %get3A_64 = arith.constant 0 : index
    %get3A_65 = vector.load %arg7[%get3A_63, %get3A_64] : memref<1x64xf32, #tpu.memory_space<vmem>>, vector<1x64xf32>
    %add3A_66 = vector.broadcast %get3A_65 : vector<1x64xf32> to vector<10112x64xf32>
    %add3A_67 = arith.addf %mul3A_62, %add3A_66 : vector<10112x64xf32>
    %max3A_68 = arith.constant 0.000000e+00 : f32
    %max3A_69 = vector.broadcast %max3A_68 : f32 to vector<10112x64xf32>
    %max3A_70 = arith.maximumf %add3A_67, %max3A_69 : vector<10112x64xf32>
    %swap3A = arith.constant 0 : index
    %swap3A_71 = arith.constant 0 : index
    %swap3A_72 = vector.load %arg8[%swap3A, %swap3A_71] : memref<10112x64xf32, #tpu.memory_space<vmem>>, vector<10112x64xf32>
    tpu.vector_store %arg8[%swap3A, %swap3A_71], %max3A_70 {strides = array<i32>} : memref<10112x64xf32, #tpu.memory_space<vmem>>, vector<10112x64xf32>,
    return
  }
}

module attributes {stable_mosaic.version = 14 : i64} {
  func.func @_tc_ab_body(%arg0: memref<10112x64xf32, #tpu.memory_space<vmem>>, %arg1: memref<64x64xf32, #tpu.memory_space<vmem>>, %arg2: memref<64x64xf32, #tpu.memory_space<vmem>>, %arg3: memref<10112x64xf32, #tpu.memory_space<vmem>>, %arg4: memref<10112x64xf32, #tpu.memory_space<vmem>>) attributes {dimension_semantics = [], scalar_prefetch = 0 : i64, scratch_operands = 0 : i64, tpu.core_type = #tpu.core_type<tc>} {
    %get3A = arith.constant 0 : index
    %get3A_0 = arith.constant 0 : index
    %get3A_1 = vector.load %arg0[%get3A, %get3A_0] : memref<10112x64xf32, #tpu.memory_space<vmem>>, vector<10112x64xf32>
    %get3A_2 = arith.constant 0 : index
    %get3A_3 = arith.constant 0 : index
    %get3A_4 = vector.load %arg1[%get3A_2, %get3A_3] : memref<64x64xf32, #tpu.memory_space<vmem>>, vector<64x64xf32>
    %dot_general3A = arith.constant dense<0.000000e+00> : vector<10112x64xf32>
    %dot_general3A_5 = tpu.matmul %get3A_1, %get3A_4, %dot_general3A {dimension_numbers = #tpu.dot_dimension_numbers<[1], [0], [0], [1], [0, 0, 1, 1], [], []>, transpose_lhs_hint = false} : vector<10112x64xf32>, vector<64x64xf32>, vector<10112x64xf32> -> vector<10112x64xf32>
    %swap3A = arith.constant 0 : index
    %swap3A_6 = arith.constant 0 : index
    %swap3A_7 = vector.load %arg3[%swap3A, %swap3A_6] : memref<10112x64xf32, #tpu.memory_space<vmem>>, vector<10112x64xf32>
    tpu.vector_store %arg3[%swap3A, %swap3A_6], %dot_general3A_5 {strides = array<i32>} : memref<10112x64xf32, #tpu.memory_space<vmem>>, vector<10112x64xf32>,
    %get3A_8 = arith.constant 0 : index
    %get3A_9 = arith.constant 0 : index
    %get3A_10 = vector.load %arg2[%get3A_8, %get3A_9] : memref<64x64xf32, #tpu.memory_space<vmem>>, vector<64x64xf32>
    %dot_general3A_11 = arith.constant dense<0.000000e+00> : vector<10112x64xf32>
    %dot_general3A_12 = tpu.matmul %get3A_1, %get3A_10, %dot_general3A_11 {dimension_numbers = #tpu.dot_dimension_numbers<[1], [0], [0], [1], [0, 0, 1, 1], [], []>, transpose_lhs_hint = false} : vector<10112x64xf32>, vector<64x64xf32>, vector<10112x64xf32> -> vector<10112x64xf32>
    %swap3A_13 = arith.constant 0 : index
    %swap3A_14 = arith.constant 0 : index
    %swap3A_15 = vector.load %arg4[%swap3A_13, %swap3A_14] : memref<10112x64xf32, #tpu.memory_space<vmem>>, vector<10112x64xf32>
    tpu.vector_store %arg4[%swap3A_13, %swap3A_14], %dot_general3A_12 {strides = array<i32>} : memref<10112x64xf32, #tpu.memory_space<vmem>>, vector<10112x64xf32>,
    return
  }
}

module attributes {stable_mosaic.version = 14 : i64} {
  func.func @_tc_edge_body(%arg0: i32, %arg1: memref<6400x128xf32, #tpu.memory_space<vmem>>, %arg2: memref<6400x16xf32, #tpu.memory_space<vmem>>, %arg3: memref<6400x16xf32, #tpu.memory_space<vmem>>, %arg4: memref<16x64xf32, #tpu.memory_space<vmem>>, %arg5: memref<1x64xf32, #tpu.memory_space<vmem>>, %arg6: memref<64x32xf32, #tpu.memory_space<vmem>>, %arg7: memref<1x32xf32, #tpu.memory_space<vmem>>, %arg8: memref<1x32xf32, #tpu.memory_space<vmem>>, %arg9: memref<1x1xf32, #tpu.memory_space<vmem>>, %arg10: memref<2x6400xf32, #tpu.memory_space<vmem>>) attributes {dimension_semantics = [#tpu.dimension_semantics<arbitrary>], iteration_bounds = array<i64: 25>, scalar_prefetch = 0 : i64, scratch_operands = 0 : i64, tpu.core_type = #tpu.core_type<tc>, window_params = [{transform_indices = @transform_0, window_bounds = array<i64: 6400, 128>}, {transform_indices = @transform_1, window_bounds = array<i64: 6400, 16>}, {transform_indices = @transform_2, window_bounds = array<i64: 6400, 16>}, {pipeline_mode = #tpu.pipeline_mode<synchronous>, transform_indices = @transform_3, window_bounds = array<i64: 16, 64>}, {pipeline_mode = #tpu.pipeline_mode<synchronous>, transform_indices = @transform_4, window_bounds = array<i64: 1, 64>}, {pipeline_mode = #tpu.pipeline_mode<synchronous>, transform_indices = @transform_5, window_bounds = array<i64: 64, 32>}, {pipeline_mode = #tpu.pipeline_mode<synchronous>, transform_indices = @transform_6, window_bounds = array<i64: 1, 32>}, {pipeline_mode = #tpu.pipeline_mode<synchronous>, transform_indices = @transform_7, window_bounds = array<i64: 1, 32>}, {pipeline_mode = #tpu.pipeline_mode<synchronous>, transform_indices = @transform_8, window_bounds = array<i64: 1, 1>}, {transform_indices = @transform_9, window_bounds = array<i64: 2, 6400>}]} {
    %get3A = arith.constant 0 : index
    %get3A_0 = arith.constant 0 : index
    %get3A_1 = vector.load %arg1[%get3A, %get3A_0] : memref<6400x128xf32, #tpu.memory_space<vmem>>, vector<6400x128xf32>
    %get3A_2 = arith.constant 0 : index
    %get3A_3 = arith.constant 0 : index
    %get3A_4 = vector.load %arg4[%get3A_2, %get3A_3] : memref<16x64xf32, #tpu.memory_space<vmem>>, vector<16x64xf32>
    %get3A_5 = arith.constant 0 : index
    %get3A_6 = arith.constant 0 : index
    %get3A_7 = vector.load %arg5[%get3A_5, %get3A_6] : memref<1x64xf32, #tpu.memory_space<vmem>>, vector<1x64xf32>
    %slice3A = vector.extract_strided_slice %get3A_1 {offsets = [0, 0], sizes = [6400, 64], strides = [1, 1]} : vector<6400x128xf32> to vector<6400x64xf32>
    %get3A_8 = arith.constant 0 : index
    %get3A_9 = arith.constant 0 : index
    %get3A_10 = vector.load %arg2[%get3A_8, %get3A_9] : memref<6400x16xf32, #tpu.memory_space<vmem>>, vector<6400x16xf32>
    %dot_general3A = arith.constant dense<0.000000e+00> : vector<6400x64xf32>
    %dot_general3A_11 = tpu.matmul %get3A_10, %get3A_4, %dot_general3A {dimension_numbers = #tpu.dot_dimension_numbers<[1], [0], [0], [1], [0, 0, 1, 1], [], []>, transpose_lhs_hint = false} : vector<6400x16xf32>, vector<16x64xf32>, vector<6400x64xf32> -> vector<6400x64xf32>
    %add3A = arith.addf %slice3A, %dot_general3A_11 : vector<6400x64xf32>
    %add3A_12 = vector.broadcast %get3A_7 : vector<1x64xf32> to vector<6400x64xf32>
    %add3A_13 = arith.addf %add3A, %add3A_12 : vector<6400x64xf32>
    %max3A = arith.constant 0.000000e+00 : f32
    %max3A_14 = vector.broadcast %max3A : f32 to vector<6400x64xf32>
    %max3A_15 = arith.maximumf %add3A_13, %max3A_14 : vector<6400x64xf32>
    %slice3A_16 = vector.extract_strided_slice %get3A_1 {offsets = [0, 64], sizes = [6400, 64], strides = [1, 1]} : vector<6400x128xf32> to vector<6400x64xf32>
    %get3A_17 = arith.constant 0 : index
    %get3A_18 = arith.constant 0 : index
    %get3A_19 = vector.load %arg3[%get3A_17, %get3A_18] : memref<6400x16xf32, #tpu.memory_space<vmem>>, vector<6400x16xf32>
    %dot_general3A_20 = arith.constant dense<0.000000e+00> : vector<6400x64xf32>
    %dot_general3A_21 = tpu.matmul %get3A_19, %get3A_4, %dot_general3A_20 {dimension_numbers = #tpu.dot_dimension_numbers<[1], [0], [0], [1], [0, 0, 1, 1], [], []>, transpose_lhs_hint = false} : vector<6400x16xf32>, vector<16x64xf32>, vector<6400x64xf32> -> vector<6400x64xf32>
    %add3A_22 = arith.addf %slice3A_16, %dot_general3A_21 : vector<6400x64xf32>
    %add3A_23 = vector.broadcast %get3A_7 : vector<1x64xf32> to vector<6400x64xf32>
    %add3A_24 = arith.addf %add3A_22, %add3A_23 : vector<6400x64xf32>
    %max3A_25 = arith.constant 0.000000e+00 : f32
    %max3A_26 = vector.broadcast %max3A_25 : f32 to vector<6400x64xf32>
    %max3A_27 = arith.maximumf %add3A_24, %max3A_26 : vector<6400x64xf32>
    %get3A_28 = arith.constant 0 : index
    %get3A_29 = arith.constant 0 : index
    %get3A_30 = vector.load %arg6[%get3A_28, %get3A_29] : memref<64x32xf32, #tpu.memory_space<vmem>>, vector<64x32xf32>
    %get3A_31 = arith.constant 0 : index
    %get3A_32 = arith.constant 0 : index
    %get3A_33 = vector.load %arg7[%get3A_31, %get3A_32] : memref<1x32xf32, #tpu.memory_space<vmem>>, vector<1x32xf32>
    %get3A_34 = arith.constant 0 : index
    %get3A_35 = arith.constant 0 : index
    %get3A_36 = vector.load %arg8[%get3A_34, %get3A_35] : memref<1x32xf32, #tpu.memory_space<vmem>>, vector<1x32xf32>
    %get3A_37 = arith.constant 0 : index
    %get3A_38 = arith.constant 0 : index
    %get3A_39 = vector.load %arg9[%get3A_37, %get3A_38] : memref<1x1xf32, #tpu.memory_space<vmem>>, vector<1x1xf32>
    %dot_general3A_40 = arith.constant dense<0.000000e+00> : vector<6400x32xf32>
    %dot_general3A_41 = tpu.matmul %max3A_15, %get3A_30, %dot_general3A_40 {dimension_numbers = #tpu.dot_dimension_numbers<[1], [0], [0], [1], [0, 0, 1, 1], [], []>, transpose_lhs_hint = false} : vector<6400x64xf32>, vector<64x32xf32>, vector<6400x32xf32> -> vector<6400x32xf32>
    %add3A_42 = vector.broadcast %get3A_33 : vector<1x32xf32> to vector<6400x32xf32>
    %add3A_43 = arith.addf %dot_general3A_41, %add3A_42 : vector<6400x32xf32>
    %max3A_44 = arith.constant 0.000000e+00 : f32
    %max3A_45 = vector.broadcast %max3A_44 : f32 to vector<6400x32xf32>
    %max3A_46 = arith.maximumf %add3A_43, %max3A_45 : vector<6400x32xf32>
    %dot_general3A_47 = arith.constant dense<0.000000e+00> : vector<6400x32xf32>
    %dot_general3A_48 = tpu.matmul %max3A_27, %get3A_30, %dot_general3A_47 {dimension_numbers = #tpu.dot_dimension_numbers<[1], [0], [0], [1], [0, 0, 1, 1], [], []>, transpose_lhs_hint = false} : vector<6400x64xf32>, vector<64x32xf32>, vector<6400x32xf32> -> vector<6400x32xf32>
    %add3A_49 = vector.broadcast %get3A_33 : vector<1x32xf32> to vector<6400x32xf32>
    %add3A_50 = arith.addf %dot_general3A_48, %add3A_49 : vector<6400x32xf32>
    %max3A_51 = arith.constant 0.000000e+00 : f32
    %max3A_52 = vector.broadcast %max3A_51 : f32 to vector<6400x32xf32>
    %max3A_53 = arith.maximumf %add3A_50, %max3A_52 : vector<6400x32xf32>
    %mul3A = vector.broadcast %get3A_36 : vector<1x32xf32> to vector<6400x32xf32>
    %mul3A_54 = arith.mulf %max3A_46, %mul3A : vector<6400x32xf32>
    %reduce_sum3A = arith.constant dense<0.000000e+00> : vector<6400xf32>
    %reduce_sum3A_55 = vector.multi_reduction <add>, %mul3A_54, %reduce_sum3A [1] : vector<6400x32xf32> to vector<6400xf32>
    %squeeze3A = vector.extract %get3A_39[0, 0] : f32 from vector<1x1xf32>
    %add3A_56 = vector.broadcast %squeeze3A : f32 to vector<6400xf32>
    %add3A_57 = arith.addf %reduce_sum3A_55, %add3A_56 : vector<6400xf32>
    %mul3A_58 = vector.broadcast %get3A_36 : vector<1x32xf32> to vector<6400x32xf32>
    %mul3A_59 = arith.mulf %max3A_53, %mul3A_58 : vector<6400x32xf32>
    %reduce_sum3A_60 = arith.constant dense<0.000000e+00> : vector<6400xf32>
    %reduce_sum3A_61 = vector.multi_reduction <add>, %mul3A_59, %reduce_sum3A_60 [1] : vector<6400x32xf32> to vector<6400xf32>
    %squeeze3A_62 = vector.extract %get3A_39[0, 0] : f32 from vector<1x1xf32>
    %add3A_63 = vector.broadcast %squeeze3A_62 : f32 to vector<6400xf32>
    %add3A_64 = arith.addf %reduce_sum3A_61, %add3A_63 : vector<6400xf32>
    %stack3A = vector.shape_cast %add3A_57 : vector<6400xf32> to vector<1x6400xf32>
    %stack3A_65 = vector.shape_cast %add3A_64 : vector<6400xf32> to vector<1x6400xf32>
    %stack3A_66 = tpu.concatenate %stack3A, %stack3A_65 in 0 : vector<1x6400xf32>, vector<1x6400xf32> -> vector<2x6400xf32>
    %swap3A = arith.constant 0 : index
    %swap3A_67 = arith.constant 0 : index
    %swap3A_68 = vector.load %arg10[%swap3A, %swap3A_67] : memref<2x6400xf32, #tpu.memory_space<vmem>>, vector<2x6400xf32>
    tpu.vector_store %arg10[%swap3A, %swap3A_67], %stack3A_66 {strides = array<i32>} : memref<2x6400xf32, #tpu.memory_space<vmem>>, vector<2x6400xf32>,
    return
  }
  func.func @transform_0(%arg0: i32) -> (i32, i32) {
    %c0_i32 = arith.constant 0 : i32
    %c0_i32_0 = arith.constant 0 : i32
    return %arg0, %c0_i32 : i32, i32
  }
  func.func @transform_1(%arg0: i32) -> (i32, i32) {
    %c0_i32 = arith.constant 0 : i32
    %c0_i32_0 = arith.constant 0 : i32
    return %arg0, %c0_i32 : i32, i32
  }
  func.func @transform_2(%arg0: i32) -> (i32, i32) {
    %add3A = arith.constant 25 : i32
    %add3A_0 = arith.addi %arg0, %add3A : i32
    %c0_i32 = arith.constant 0 : i32
    %c0_i32_1 = arith.constant 0 : i32
    return %add3A_0, %c0_i32 : i32, i32
  }
  func.func @transform_3(%arg0: i32) -> (i32, i32) {
    %c0_i32 = arith.constant 0 : i32
    %c0_i32_0 = arith.constant 0 : i32
    %c0_i32_1 = arith.constant 0 : i32
    return %c0_i32, %c0_i32_0 : i32, i32
  }
  func.func @transform_4(%arg0: i32) -> (i32, i32) {
    %c0_i32 = arith.constant 0 : i32
    %c0_i32_0 = arith.constant 0 : i32
    %c0_i32_1 = arith.constant 0 : i32
    return %c0_i32, %c0_i32_0 : i32, i32
  }
  func.func @transform_5(%arg0: i32) -> (i32, i32) {
    %c0_i32 = arith.constant 0 : i32
    %c0_i32_0 = arith.constant 0 : i32
    %c0_i32_1 = arith.constant 0 : i32
    return %c0_i32, %c0_i32_0 : i32, i32
  }
  func.func @transform_6(%arg0: i32) -> (i32, i32) {
    %c0_i32 = arith.constant 0 : i32
    %c0_i32_0 = arith.constant 0 : i32
    %c0_i32_1 = arith.constant 0 : i32
    return %c0_i32, %c0_i32_0 : i32, i32
  }
  func.func @transform_7(%arg0: i32) -> (i32, i32) {
    %c0_i32 = arith.constant 0 : i32
    %c0_i32_0 = arith.constant 0 : i32
    %c0_i32_1 = arith.constant 0 : i32
    return %c0_i32, %c0_i32_0 : i32, i32
  }
  func.func @transform_8(%arg0: i32) -> (i32, i32) {
    %c0_i32 = arith.constant 0 : i32
    %c0_i32_0 = arith.constant 0 : i32
    %c0_i32_1 = arith.constant 0 : i32
    return %c0_i32, %c0_i32_0 : i32, i32
  }
  func.func @transform_9(%arg0: i32) -> (i32, i32) {
    %c0_i32 = arith.constant 0 : i32
    %c0_i32_0 = arith.constant 0 : i32
    return %c0_i32, %arg0 : i32, i32
  }
}

</mosaic_0001>

<sc_bundles>
// kernel: kernel.14.cloned.1.call-start
scs
__scs_entry_jumppad:
0x0: {  	(pc) =	sbr.rel $0x88, $3  }
0x1: {  	(tag) =	ssettag $0x0;
	lr =	simm.s32 $0x1  }
0x2: {  	[smem:$0x3F91] =	sst lr;
	_ =	strace $0xD0000000  }
0x3: {  	_ = 	snop  }
0x4: {  	_ = 	snop  }
0x5: {  	_ = 	snop  }
0x6: {  	_ = 	snop  }
0x7: {  	_ = 	snop  }
__scs_overlays_trampoline_lowered:
0x8: {  	[smem:$0x3FA0] =	sst s0  }
0x9: {  	[smem:$0x3FA1] =	sst s1  }
0xa: {  	[smem:$0x3FA2] =	sst s2  }
0xb: {  	[smem:$0x3FA3] =	sst s3  }
0xc: {  	[smem:$0x3FA4] =	sst s4  }
0xd: {  	[smem:$0x3FA5] =	sst s5  }
0xe: {  	[smem:$0x3FA6] =	sst s6  }
0xf: {  	[smem:$0x3FA7] =	sst s7  }
0x10: {  	[smem:$0x3FA8] =	sst s8  }
0x11: {  	[smem:$0x3FA9] =	sst s9;
	s0 =	simm.s32 @!p0 $0x0  }
0x12: {  	s1 =	sld [smem:$0x3F8F];
	s0 =	simm.s32 @p0 $0x1  }
0x13: {  	[smem:$0x3FAA] =	sst s0;
	s0 =	simm.s32 @!p1 $0x0  }
0x14: {  	s2 =	sld [smem:$0x3F8E];
	s0 =	simm.s32 @p1 $0x1  }
0x15: {  	[smem:$0x3FAB] =	sst s0;
	s0 =	simm.s32 @!p2 $0x0  }
0x16: {  	s3 =	sld [smem:$0x3FDB];
	s0 =	simm.s32 @p2 $0x1  }
0x17: {  	s4 =	simm.s32 $0x1BF5;
	[smem:$0x3FAD] =	sst s0  }
0x18: {  	s0 =	sld [smem:$0x3F90];
	_ =	swait.ge [sflag:s4], $0x0  }
0x19: {  	s7 =	sld [smem:$0x3F91]  }
0x1a: {  	s8 =	sadd.s32 $0xFFFFE003, lr  }
0x1b: {  	s9 =	sadd.s32 $0xFFFFFEF7, lr;
	s5 =	simm.s32 $0xFFFFFFFF;
	p2 =	slt.u32 s8, $0xFFFFF086  }
0x1c: {  	p1 =	slt.u32 s9, $0xF7A;
	s5 =	simm.s32 @!p2 $0x0  }
0x1d: {  	s5 =	simm.s32 @p1 $0x1;
	p0 =	seq.s32 s7, s2  }
0x1e: {  	s7 =	smul.u32 @!p0 $0xF7A, s2;
	p2 =	seq.s32 @!p0 s5, $0x0  }
0x1f: {  	s9 =	smul.u32 $0xF7A, s1;
	s8 =	simm.s32 @!p0 $0x1BF5;
	p2 =	por !p2, p0  }
0x20: {  	[sflag:s8] =	ssyncset.s32 @!p0 $0xFFFFF086;
	s6 =	sadd.s32 @!p0 s3, s7;
	s7 =	simm.s32 @!p0 $0x108  }
0x21: {  	s3 =	sadd.s32 s3, s9;
	s6 =	sadd.s32 @!p0 $0x88, s6;
	s7 =	simm.s32 @p2 $0x1082  }
0x22: {  	[simem:s7], [sflag:s8] =	dma.local @!p0 [hbm:s6], $0xF7A  }
0x23: {  	s9 =	sor.u32 $0xD0000000, s2;
	s6 =	simm.s32 $0x108;
	_ =	swait.ge @!p0 [sflag:s8], $0x0  }
0x24: {  	s3 =	sadd.s32 $0x88, s3;
	s6 =	simm.s32 @!p1 $0x1082;
	[sflag:s4] =	ssyncset.s32 $0xFFFFF086  }
0x25: {  	[simem:s6], [sflag:s4] =	dma.local [hbm:s3], $0xF7A  }
0x26: {  	[smem:$0x3F91] =	sst s1;
	(tag) =	ssettag s2;
	_ =	strace s9  }
0x27: {  	s1 =	sld [smem:$0x3FA1]  }
0x28: {  	s2 =	sld [smem:$0x3FA2]  }
0x29: {  	s4 =	sld [smem:$0x3FA4]  }
0x2a: {  	p0 =	seq.s32 s5, $0x0;
	s5 =	sld [smem:$0x3FA5]  }
0x2b: {  	s6 =	sld [smem:$0x3FA6]  }
0x2c: {  	s7 =	sld [smem:$0x3FA7]  }
0x2d: {  	s3 =	simm.s32 $0x108;
	s8 =	sld [smem:$0x3FA8]  }
0x2e: {  	s3 =	simm.s32 @!p0 $0x1082;
	s9 =	sld [smem:$0x3FA9]  }
0x2f: {  	lr =	sadd.s32 s0, s3;
	s0 =	sld [smem:$0x3FA0]  }
0x30: {  	s3 =	sld [smem:$0x3FA3]  }
0x31: {  	[smem:$0x3FAC] =	sst s10  }
0x32: {  	s10 =	sld [smem:$0x3FAA];
	_ =	sdelay $0x3  }
0x33: {  	p0 =	seq.s32 s10, $0x1;
	s10 =	sld [smem:$0x3FAC];
	_ =	sdelay $0x3  }
0x34: {  	[smem:$0x3FAC] =	sst s10  }
0x35: {  	s10 =	sld [smem:$0x3FAB];
	_ =	sdelay $0x3  }
0x36: {  	p1 =	seq.s32 s10, $0x1;
	s10 =	sld [smem:$0x3FAC];
	_ =	sdelay $0x3  }
0x37: {  	[smem:$0x3FAC] =	sst s10  }
0x38: {  	s10 =	sld [smem:$0x3FAD]  }
0x39: {  	_ = 	snop;
	(pc) =	sbr.ind lr, $3  }
0x3a: {  	_ = 	snop  }
0x3b: {  	_ = 	snop  }
0x3c: {  	p2 =	seq.s32 s10, $0x1;
	s10 =	sld [smem:$0x3FAC]  }
0x3d: {  	_ =	shalt  }
0x3e: {  	_ =	shalt  }
0x3f: {  	_ =	shalt  }
0x40: {  	_ =	shalt  }
0x41: {  	_ =	shalt  }
0x42: {  	_ =	shalt  }
0x43: {  	_ =	shalt  }
0x44: {  	_ =	shalt  }
0x45: {  	_ =	shalt  }
0x46: {  	_ =	shalt  }
0x47: {  	_ =	shalt  }
0x48: {  	_ =	shalt  }
0x49: {  	_ =	shalt  }
0x4a: {  	_ =	shalt  }
0x4b: {  	_ =	shalt  }
0x4c: {  	_ =	shalt  }
0x4d: {  	_ =	shalt  }
0x4e: {  	_ =	shalt  }
0x4f: {  	_ =	shalt  }
0x50: {  	_ =	shalt  }
0x51: {  	_ =	shalt  }
0x52: {  	_ =	shalt  }
0x53: {  	_ =	shalt  }
0x54: {  	_ =	shalt  }
0x55: {  	_ =	shalt  }
0x56: {  	_ =	shalt  }
0x57: {  	_ =	shalt  }
0x58: {  	_ =	shalt  }
0x59: {  	_ =	shalt  }
0x5a: {  	_ =	shalt  }
0x5b: {  	_ =	shalt  }
0x5c: {  	_ =	shalt  }
0x5d: {  	_ =	shalt  }
0x5e: {  	_ =	shalt  }
0x5f: {  	_ =	shalt  }
0x60: {  	_ =	shalt  }
0x61: {  	_ =	shalt  }
0x62: {  	_ =	shalt  }
0x63: {  	_ =	shalt  }
0x64: {  	_ =	shalt  }
0x65: {  	_ =	shalt  }
0x66: {  	_ =	shalt  }
0x67: {  	_ =	shalt  }
0x68: {  	_ =	shalt  }
0x69: {  	_ =	shalt  }
0x6a: {  	_ =	shalt  }
0x6b: {  	_ =	shalt  }
0x6c: {  	_ =	shalt  }
0x6d: {  	_ =	shalt  }
0x6e: {  	_ =	shalt  }
0x6f: {  	_ =	shalt  }
0x70: {  	_ =	shalt  }
0x71: {  	_ =	shalt  }
0x72: {  	_ =	shalt  }
0x73: {  	_ =	shalt  }
0x74: {  	_ =	shalt  }
0x75: {  	_ =	shalt  }
0x76: {  	_ =	shalt  }
0x77: {  	_ =	shalt  }
0x78: {  	_ =	shalt  }
0x79: {  	_ =	shalt  }
0x7a: {  	_ =	shalt  }
0x7b: {  	_ =	shalt  }
0x7c: {  	_ =	shalt  }
0x7d: {  	_ =	shalt  }
0x7e: {  	_ =	shalt  }
0x7f: {  	_ =	shalt  }
0x80: {  	_ =	shalt  }
0x81: {  	_ =	shalt  }
0x82: {  	_ =	shalt  }
0x83: {  	_ =	shalt  }
0x84: {  	_ =	shalt  }
0x85: {  	_ =	shalt  }
0x86: {  	_ =	shalt  }
0x87: {  	_ =	shalt  }
.Lfunc_end0:
.L_simem_size_0:
called_computation_lowered:
.L_overlay_start_0:
0x88: {  	s2 =	sld [smem:$0x3FD9]  }
0x89: {  	s3 =	sld [smem:$0x3FFE];
	_ =	sdelay $0x1  }
0x8a: {  	s1 =	srdreg.scid  }
0x8b: {  	s0 =	sand.u32 $0x1, s1  }
0x8c: {  	s16 =	sshll.u32 s0, $0xA;
	s2 =	sadd.s32 s3, s2  }
0x8d: {  	s2 =	sadd.s32 s2, s16  }
0x8e: {  	[smem:$0x3FB8] =	sst s2  }
0x8f: {  	_ = 	snop  }
0x90: {  	(tm) =	ssettm $0x1  }
0x91: {  	s17 =	sld [smem:$0x3FFB];
	_ =	sdelay $0x3  }
0x92: {  	_ =	strace s17  }
0x93: {  	s2 =	sld [smem:$0x3FFC];
	_ =	sdelay $0x3  }
0x94: {  	_ =	strace s2  }
0x95: {  	s2 =	sld [smem:$0x3FFD];
	_ =	sdelay $0x3  }
0x96: {  	_ =	strace s2  }
0x97: {  	_ =	strace $0x8FFFFFFF  }
0x98: {  	s18 =	sld [smem:$0x3FDB];
	_ =	sdelay $0x1  }
0x99: {  	s19 =	simm.s32 $_scs_section_size  }
0x9a: {  	s4 =	simm.s32 $_size__tile_overlayer_lowered;
	s5 =	simm.s32 $_tile_overlayer_lowered  }
0x9b: {  	s22 =	simm.s32 $0x1BFF;
	s21 =	sshll.u32 s5, $0x1;
	s2 =	sadd.s32 s19, s18  }
0x9c: {  	s6 =	simm.s32 $0x0;
	s20 =	sshll.u32 s4, $0x1;
	s4 =	sadd.s32 s21, s2  }
0x9d: {  	[timem:s6], [sflag:s22] =	dma.local [hbm:s4], s20  }
0x9e: {  	_ =	swait.ge [sflag:s22], s20  }
0x9f: {  	s3 =	ssub.s32 $0x0, s20;
	[sflag:s22] =	ssyncset.done $0x0  }
0xa0: {  	[sflag:s22] =	ssyncadd.s32 s3;
	_ =	sdelay $0x1  }
0xa1: {  	s23 =	simm.s32 $0x1B8B  }
0xa2: {  	_ =	swait.ge [sflag:s23], $0x1  }
0xa3: {  	[sflag:s23] =	ssyncset.done $0x0  }
0xa4: {  	s25 =	simm.s32 $0x1B8E;
	s24 =	sld [smem:$0x3FFE];
	[sflag:s23] =	ssyncadd.s32 $0xFFFFFFFF  }
0xa5: {  	s26 =	simm.s32 $execute0_lowered;
	[smem:$0x3FD2] =	sst s25  }
0xa6: {  	s4 =	sshll.u32 s26, $0x1;
	_ =	strace $0x80000046;
	[dreg:$0x1] =	wrdreg $0xFFFFFFFF  }
0xa7: {  	s28 =	simm.s32 $_size_execute0_lowered;
	s2 =	sadd.s32 s2, s4;
	[dreg:$0x0] =	wrdreg $0x0  }
0xa8: {  	s4 =	sshll.u32 s28, $0x1;
	[dreg:$0x2] =	wrdreg s2  }
0xa9: {  	[dreg:$0x3] =	wrdreg s4  }
0xaa: {  	[dreg:$0x4] =	wrdreg $0xC0  }
0xab: {  	_ =	task [dreg:s6], $0x5FFFF  }
0xac: {  	[dreg:$0x1] =	wrdreg $0xFFFFFFFF  }
0xad: {  	[dreg:$0x0] =	wrdreg $0x60  }
0xae: {  	[dreg:$0x2] =	wrdreg s24  }
0xaf: {  	[dreg:$0x3] =	wrdreg $0xB0000  }
0xb0: {  	[dreg:$0x4] =	wrdreg $0x15E000  }
0xb1: {  	[dreg:$0x5] =	wrdreg $0x9  }
0xb2: {  	_ =	task.clear_ibuf [dreg:s6], $0x6FFFF;
	_ =	strace $0x90000046  }
0xb3: {  	s29 =	simm.s32 $0x9;
	_ =	strace $0x80000048  }
0xb4: {  	_ =	swait.ge [sflag:s29], $0x1  }
0xb5: {  	[sflag:s29] =	ssyncadd.s32 $0xFFFFFFFF  }
0xb6: {  	_ =	strace $0x90000048  }
0xb7: {  	_ =	sfence  }
0xb8: {  	s30 =	sld [smem:$0x0];
	_ =	sdelay $0x2  }
0xb9: {  	s31 =	sshll.u32 s1, $0xD;
	s1 =	sshrl.u32 s1, $0x2  }
0xba: {  	s3 =	sand.u32 $0x4000, s31;
	s1 =	sadd.s32 s1, s30  }
0xbb: {  	s0 =	sor.u32 s3, s0;
	s1 =	sshll.u32 s1, $0x11  }
0xbc: {  	s0 =	sor.u32 s1, s0  }
0xbd: {  	s0 =	sadd.s32 $0x8F2B, s0  }
0xbe: {  	[sflag:s0] =	ssyncadd.remote.s32 $0x1  }
0xbf: {  	_ =	sfence.sel $0xFFFF  }
0xc0: {  	[dreg:$0x0] =	wrdreg $0xFFFFFFFF;
	(pc) =	sbr.abs _section_cstart, $3  }
0xc1: {  	[dreg:$0x1] =	wrdreg $0xFFFFFFFF  }
0xc2: {  	_ =	task.clear_ibuf [dreg:s6], $0x2FFFF;
	_ =	strace $0x9FFFFFFF  }
0xc3: {  	(tm) =	ssettm $0x7FFFFFFF  }
tec
execute0_lowered:
.L_overlay_start_1:
0x0: {  	(tag) =	ssettag $0x1  }
0x1: {  	s0 =	rddreg [dreg:$0x0]  }
0x2: {  	s2 =	rddreg [dreg:$0x1];
	s10 =	stileid.u32  }
0x3: {  	s3 =	rddreg [dreg:$0x2];
	s5 =	smul.u32 $0x2800, s10  }
0x4: {  	s4 =	simm.s32 $0x0;
	s1 =	srdreg.scid;
	s6 =	smul.u32 $0x9E00, s10  }
0x5: {  	s28 =	simm.s32 $0x7000;
	s29 =	simm.s32 $0x1;
	s11 =	smul.u32 $0x2780, s10  }
0x6: {  	s30 =	simm.s32 $0x14E00;
	s1 =	sand.u32 $0x1, s1;
	s10 =	smul.u32 $0x278, s10  }
0x7: {  	s31 =	simm.s32 $0x2;
	[smem:$0x7FF] =	sst s4;
	s8 =	smul.u32 $0x9E000, s1  }
0x8: {  	p0 =	seq.s32 s1, $0x0;
	s9 =	smul.u32 $0x27800, s1;
	s1 =	ssub.s32 $0x2, s1  }
0x9: {  	_ =	strace $0x80000047;
	s7 =	sadd.s32 $0x28000, s5;
	s12 =	sshrl.u32 s1, $0x1  }
0xa: {  	s21 =	sadd.s32 $0x80, s10;
	s13 =	sadd.s32 $0x100, s10;
	s14 =	sadd.s32 $0x180, s10  }
0xb: {  	s15 =	sadd.s32 $0x200, s10;
	s7 =	smov.u32 @p0 s5;
	s8 =	sadd.s32 s6, s8  }
0xc: {  	s5 =	sadd.s32 $0x4E00, s0;
	s9 =	sadd.s32 s11, s9;
	s1 =	ssub.s32 s1, s12  }
0xd: {  	s6 =	sadd.s32 s6, s2;
	s22 =	sshll.u32 s21, $0x6;
	s23 =	sshll.u32 s13, $0x6  }
0xe: {  	s24 =	sshll.u32 s14, $0x6;
	s10 =	sshll.u32 s15, $0x6;
	s12 =	sshll.u32 s21, $0x4  }
0xf: {  	s11 =	sadd.s32 s11, s3;
	s13 =	sshll.u32 s13, $0x4;
	s14 =	sshll.u32 s14, $0x4  }
0x10: {  	s15 =	sshll.u32 s15, $0x4;
	s21 =	simm.s32 $0x9000;
	s7 =	sshrl.u32 s7, $0x3  }
0x11: {  	s8 =	sshrl.u32 s8, $0x3;
	s9 =	sshrl.u32 s9, $0x3;
	s25 =	sadd.s32 s10, s2  }
0x12: {  	s26 =	sadd.s32 s12, s3;
	s13 =	sadd.s32 s13, s3;
	s14 =	sadd.s32 s14, s3  }
0x13: {  	s15 =	sadd.s32 s15, s3;
	s20 =	smax.u32 s1, $0x1;
	s1 =	simm.s32 $0x4F00  }
0x14: {  	s7 =	sadd.s32 s7, s0;
	s8 =	sadd.s32 s8, s0;
	[dreg:$0x7] =	wrdreg s25  }
0x15: {  	s0 =	sadd.s32 s9, s0;
	s9 =	sadd.s32 s22, s2;
	[dreg:$0x8] =	wrdreg s26  }
0x16: {  	s22 =	simm.s32 $0x3;
	s25 =	simm.s32 $0x80;
	s26 =	simm.s32 $0x5000  }
0x17: {  	[dreg:$0x4] =	wrdreg s9;
	s9 =	sadd.s32 s23, s2;
	s16 =	sadd.s32 $0x23000, s7  }
0x18: {  	s17 =	sadd.s32 $0x18A00, s7;
	s18 =	sadd.s32 $0x2D600, s8;
	s19 =	sadd.s32 $0x54E00, s0  }
0x19: {  	s23 =	simm.s32 $0x15600;
	[dreg:$0x5] =	wrdreg s9;
	s9 =	sadd.s32 s24, s2  }
0x1a: {  	v0 =	vimm.f32 $0.0e+00;
	v1 =	vimm.f32 $1.000000000e+00;
	s0 =	simm.s32 $0x2780;
	s24 =	simm.s32 $0x4F80;
	[dreg:$0x6] =	wrdreg s9  }
.LBB2_1:
0x1b: {  	s8 =	simm.s32 $0x100;
	s7 =	simm.s32 $0x0  }
.LBB2_2:
0x1c: {  	p0 =	sne.s32 s8, $0x7F00;
	[tilespmem:s7+$0x9030] =	vst v0;
	s9 =	smov.u32 s8;
	s8 =	sadd.s32 $0x100, s8  }
.Ltmp0:
0x1d: {  	[tilespmem:s7+$0x9020] =	vst v0;
	(pc) =	sbr.rel @p0 .LBB2_2-.Ltmp0, $3  }
0x1e: {  	[tilespmem:s7+$0x9000] =	vst v0  }
0x1f: {  	[tilespmem:s7+$0x9010] =	vst v0;
	_ =	sdelay $0x1  }
0x20: {  	s7 =	sshra.s32 s9, $0x2  }
0x21: {  	[tilespmem:s7+$0x9030] =	vst v0  }
0x22: {  	[tilespmem:s7+$0x9020] =	vst v0  }
0x23: {  	[tilespmem:s7+$0x9000] =	vst v0  }
0x24: {  	[tilespmem:s7+$0x9010] =	vst v0  }
0x25: {  	[spmem:s6] =	stream.linear.scatter [tilespmem:s21], [sflag:$0x3], $0x2000, $0x38;
	[tilespmem:$0x18580] =	vst v63  }
0x26: {  	_ =	swait.ge [sflag:s22], $0x2000  }
0x27: {  	[sflag:s22] =	ssyncset.done $0x0  }
0x28: {  	s8 =	rddreg [dreg:$0x4];
	[sflag:s22] =	ssyncadd.s32 $0xFFFFE000  }
0x29: {  	[spmem:s8] =	stream.linear.scatter [tilespmem:s21], [sflag:$0x3], $0x2000, $0x38;
	[tilespmem:$0x18580] =	vst v63  }
0x2a: {  	_ =	swait.ge [sflag:s22], $0x2000  }
0x2b: {  	[sflag:s22] =	ssyncset.done $0x0  }
0x2c: {  	s9 =	rddreg [dreg:$0x5];
	[sflag:s22] =	ssyncadd.s32 $0xFFFFE000  }
0x2d: {  	[spmem:s9] =	stream.linear.scatter [tilespmem:s21], [sflag:$0x3], $0x2000, $0x38;
	[tilespmem:$0x18580] =	vst v63  }
0x2e: {  	_ =	swait.ge [sflag:s22], $0x2000  }
0x2f: {  	[sflag:s22] =	ssyncset.done $0x0  }
0x30: {  	s10 =	rddreg [dreg:$0x6];
	[sflag:s22] =	ssyncadd.s32 $0xFFFFE000  }
0x31: {  	[spmem:s10] =	stream.linear.scatter [tilespmem:s21], [sflag:$0x3], $0x2000, $0x38;
	[tilespmem:$0x18580] =	vst v63  }
0x32: {  	_ =	swait.ge [sflag:s22], $0x2000  }
0x33: {  	[sflag:s22] =	ssyncset.done $0x0  }
0x34: {  	s12 =	rddreg [dreg:$0x7];
	[sflag:s22] =	ssyncadd.s32 $0xFFFFE000  }
0x35: {  	[spmem:s12] =	stream.linear.scatter [tilespmem:s21], [sflag:$0x3], $0x1E00, $0x38;
	[tilespmem:$0x18580] =	vst v63  }
0x36: {  	_ =	swait.ge [sflag:s22], $0x1E00  }
0x37: {  	[sflag:s22] =	ssyncset.done $0x0  }
0x38: {  	s7 =	simm.s32 $0x40;
	s8 =	simm.s32 $0x0;
	[sflag:s22] =	ssyncadd.s32 $0xFFFFE200  }
.LBB2_4:
0x39: {  	p0 =	sne.s32 s7, $0x1FC0;
	[tilespmem:s8+$0x14E00] =	vst v1;
	s8 =	smov.u32 s7;
	s7 =	sadd.s32 $0x40, s7  }
.Ltmp1:
0x3a: {  	(pc) =	sbr.rel @p0 .LBB2_4-.Ltmp1, $2  }
0x3b: {  	_ =	sdelay $0x2  }
0x3c: {  	s8 =	sshra.s32 s8, $0x2  }
0x3d: {  	[tilespmem:s8+$0x14E00] =	vst v1;
	s7 =	simm.s32 $0x40;
	s8 =	simm.s32 $0x0  }
.LBB2_6:
0x3e: {  	p0 =	sne.s32 s7, $0x1FC0;
	[tilespmem:s8+$0x15600] =	vst v0;
	s8 =	smov.u32 s7;
	s7 =	sadd.s32 $0x40, s7  }
.Ltmp2:
0x3f: {  	(pc) =	sbr.rel @p0 .LBB2_6-.Ltmp2, $2  }
0x40: {  	_ =	sdelay $0x2  }
0x41: {  	s8 =	sshra.s32 s8, $0x2  }
0x42: {  	[tilespmem:s8+$0x15600] =	vst v0  }
0x43: {  	[spmem:s11] =	stream.linear.scatter [tilespmem:s23], [sflag:$0x3], $0x800, $0x38;
	[tilespmem:$0x18580] =	vst v63  }
0x44: {  	_ =	swait.ge [sflag:s22], $0x800  }
0x45: {  	[sflag:s22] =	ssyncset.done $0x0  }
0x46: {  	s7 =	rddreg [dreg:$0x8];
	[sflag:s22] =	ssyncadd.s32 $0xFFFFF800  }
0x47: {  	[spmem:s7] =	stream.linear.scatter [tilespmem:s23], [sflag:$0x3], $0x800, $0x38;
	[tilespmem:$0x18580] =	vst v63  }
0x48: {  	_ =	swait.ge [sflag:s22], $0x800  }
0x49: {  	[sflag:s22] =	ssyncset.done $0x0  }
0x4a: {  	[sflag:s22] =	ssyncadd.s32 $0xFFFFF800  }
0x4b: {  	[spmem:s13] =	stream.linear.scatter [tilespmem:s23], [sflag:$0x3], $0x800, $0x38;
	[tilespmem:$0x18580] =	vst v63  }
0x4c: {  	_ =	swait.ge [sflag:s22], $0x800  }
0x4d: {  	[sflag:s22] =	ssyncset.done $0x0  }
0x4e: {  	[sflag:s22] =	ssyncadd.s32 $0xFFFFF800  }
0x4f: {  	[spmem:s14] =	stream.linear.scatter [tilespmem:s23], [sflag:$0x3], $0x800, $0x38;
	[tilespmem:$0x18580] =	vst v63  }
0x50: {  	_ =	swait.ge [sflag:s22], $0x800  }
0x51: {  	[sflag:s22] =	ssyncset.done $0x0  }
0x52: {  	[sflag:s22] =	ssyncadd.s32 $0xFFFFF800  }
0x53: {  	[spmem:s15] =	stream.linear.scatter [tilespmem:s23], [sflag:$0x3], $0x780, $0x38;
	[tilespmem:$0x18580] =	vst v63  }
0x54: {  	_ =	swait.ge [sflag:s22], $0x780  }
0x55: {  	[sflag:s22] =	ssyncset.done $0x0  }
0x56: {  	[sflag:s22] =	ssyncadd.s32 $0xFFFFF880  }
0x57: {  	s10 =	simm.s32 $0x0;
	[bflag:$0x0] =	sbarrier.arrive $0xFFFF  }
0x58: {  	[tilespmem:s10], [sflag:$0x3] =	stream.linear.gather [hbm4b:s16+s10], $0x2800, $0x38;
	[tilespmem:$0x18580] =	vst v63  }
0x59: {  	_ =	swait.ge [sflag:s22], $0x2800  }
0x5a: {  	[sflag:s22] =	ssyncset.done $0x0  }
0x5b: {  	s12 =	simm.s32 $0x2800;
	[sflag:s22] =	ssyncadd.s32 $0xFFFFD800  }
0x5c: {  	[tilespmem:s12], [sflag:$0x3] =	stream.linear.gather [hbm4b:s17+s10], $0x2800, $0x38;
	[tilespmem:$0x18580] =	vst v63  }
0x5d: {  	_ =	swait.ge [sflag:s22], $0x2800  }
0x5e: {  	[sflag:s22] =	ssyncset.done $0x0  }
0x5f: {  	[sflag:s22] =	ssyncadd.s32 $0xFFFFD800  }
0x60: {  	[tilespmem:s26], [sflag:$0x1] =	stream.indirect.gather [hbm4b:s5+s25], $0x40, s10, s25, $0xb8;
	[tilespmem:$0x18580] =	vst v63  }
0x61: {  	s8 =	simm.s32 $0x80  }
0x62: {  	[tilespmem:s28], [sflag:$0x2] =	stream.indirect.gather [hbm4b:s5+s25], $0x40, s8, s25, $0xb8;
	[tilespmem:$0x18580] =	vst v63  }
0x63: {  	_ =	swait.ge [sflag:s29], $0x2000  }
0x64: {  	[sflag:s29] =	ssyncset.done $0x0  }
0x65: {  	s9 =	simm.s32 $0x2800;
	[sflag:s29] =	ssyncadd.s32 $0xFFFFE000  }
0x66: {  	[spmem:s2] =	stream.indirect.scatter.add.f32 [tilespmem:s26], [sflag:$0x3], $0x40, s9, s25, $0xb8;
	[tilespmem:$0x18580] =	vst v63  }
0x67: {  	_ =	swait.ge [sflag:s22], $0x2000  }
0x68: {  	[sflag:s22] =	ssyncset.done $0x0  }
0x69: {  	[sflag:s22] =	ssyncadd.s32 $0xFFFFE000  }
0x6a: {  	[spmem:s3] =	stream.indirect.scatter.add.f32 [tilespmem:s30], [sflag:$0x3], $0x10, s9, s25, $0xb8;
	[tilespmem:$0x18580] =	vst v63  }
0x6b: {  	_ =	swait.ge [sflag:s22], $0x800  }
0x6c: {  	[sflag:s22] =	ssyncset.done $0x0  }
0x6d: {  	s10 =	simm.s32 $0x100;
	[sflag:s22] =	ssyncadd.s32 $0xFFFFF800  }
0x6e: {  	[tilespmem:s26], [sflag:$0x1] =	stream.indirect.gather [hbm4b:s5+s25], $0x40, s10, s25, $0xb8;
	[tilespmem:$0x18580] =	vst v63  }
0x6f: {  	_ =	swait.ge [sflag:s31], $0x2000  }
0x70: {  	[sflag:s31] =	ssyncset.done $0x0  }
0x71: {  	s12 =	simm.s32 $0x2880;
	[sflag:s31] =	ssyncadd.s32 $0xFFFFE000  }
0x72: {  	[spmem:s2] =	stream.indirect.scatter.add.f32 [tilespmem:s28], [sflag:$0x3], $0x40, s12, s25, $0xb8;
	[tilespmem:$0x18580] =	vst v63  }
0x73: {  	_ =	swait.ge [sflag:s22], $0x2000  }
0x74: {  	[sflag:s22] =	ssyncset.done $0x0  }
0x75: {  	[sflag:s22] =	ssyncadd.s32 $0xFFFFE000  }
0x76: {  	[spmem:s3] =	stream.indirect.scatter.add.f32 [tilespmem:s30], [sflag:$0x3], $0x10, s12, s25, $0xb8;
	[tilespmem:$0x18580] =	vst v63  }
0x77: {  	_ =	swait.ge [sflag:s22], $0x800  }
0x78: {  	s7 =	simm.s32 $0x100;
	s8 =	simm.s32 $0x800;
	[sflag:s22] =	ssyncset.done $0x0  }
.LBB2_8:
0x79: {  	s9 =	sadd.s32 $0x80, s7  }
0x7a: {  	[sflag:s22] =	ssyncadd.s32 $0xFFFFF800;
	s10 =	smov.u32 s8;
	s12 =	sadd.s32 $0x400, s8  }
0x7b: {  	[tilespmem:s28], [sflag:$0x2] =	stream.indirect.gather [hbm4b:s5+s25], $0x40, s9, s25, $0xb8;
	[tilespmem:$0x18580] =	vst v63  }
0x7c: {  	p0 =	sne.s32 s8, $0x9800;
	_ =	swait.ge [sflag:s29], $0x2000  }
0x7d: {  	[sflag:s29] =	ssyncset.done $0x0  }
0x7e: {  	s8 =	sadd.s32 $0x2800, s7;
	[sflag:s29] =	ssyncadd.s32 $0xFFFFE000  }
0x7f: {  	[spmem:s2] =	stream.indirect.scatter.add.f32 [tilespmem:s26], [sflag:$0x3], $0x40, s8, s25, $0xb8;
	[tilespmem:$0x18580] =	vst v63  }
0x80: {  	_ =	swait.ge [sflag:s22], $0x2000  }
0x81: {  	[sflag:s22] =	ssyncset.done $0x0  }
0x82: {  	[sflag:s22] =	ssyncadd.s32 $0xFFFFE000  }
0x83: {  	[spmem:s3] =	stream.indirect.scatter.add.f32 [tilespmem:s30], [sflag:$0x3], $0x10, s8, s25, $0xb8;
	[tilespmem:$0x18580] =	vst v63  }
0x84: {  	_ =	swait.ge [sflag:s22], $0x800  }
0x85: {  	[sflag:s22] =	ssyncset.done $0x0  }
0x86: {  	s8 =	sadd.s32 $0x100, s7;
	[sflag:s22] =	ssyncadd.s32 $0xFFFFF800  }
0x87: {  	[tilespmem:s26], [sflag:$0x1] =	stream.indirect.gather [hbm4b:s5+s25], $0x40, s8, s25, $0xb8;
	[tilespmem:$0x18580] =	vst v63  }
0x88: {  	_ =	swait.ge [sflag:s31], $0x2000  }
0x89: {  	[sflag:s31] =	ssyncset.done $0x0  }
0x8a: {  	s7 =	sadd.s32 $0x2880, s7;
	[sflag:s31] =	ssyncadd.s32 $0xFFFFE000  }
0x8b: {  	[spmem:s2] =	stream.indirect.scatter.add.f32 [tilespmem:s28], [sflag:$0x3], $0x40, s7, s25, $0xb8;
	[tilespmem:$0x18580] =	vst v63  }
0x8c: {  	_ =	swait.ge [sflag:s22], $0x2000  }
.Ltmp3:
0x8d: {  	[sflag:s22] =	ssyncset.done $0x0;
	(pc) =	sbr.rel @p0 .LBB2_8-.Ltmp3, $4  }
0x8e: {  	[sflag:s22] =	ssyncadd.s32 $0xFFFFE000  }
0x8f: {  	[spmem:s3] =	stream.indirect.scatter.add.f32 [tilespmem:s30], [sflag:$0x3], $0x10, s7, s25, $0xb8;
	[tilespmem:$0x18580] =	vst v63  }
0x90: {  	_ =	swait.ge [sflag:s22], $0x800  }
0x91: {  	s8 =	smov.u32 s12;
	s7 =	sshra.s32 s10, $0x2;
	[sflag:s22] =	ssyncset.done $0x0  }
0x92: {  	s8 =	sadd.s32 $0x80, s7;
	[sflag:s22] =	ssyncadd.s32 $0xFFFFF800  }
0x93: {  	[tilespmem:s28], [sflag:$0x2] =	stream.indirect.gather [hbm4b:s5+s25], $0x40, s8, s25, $0xb8;
	[tilespmem:$0x18580] =	vst v63  }
0x94: {  	_ =	swait.ge [sflag:s29], $0x2000  }
0x95: {  	[sflag:s29] =	ssyncset.done $0x0  }
0x96: {  	s10 =	sadd.s32 $0x2800, s7;
	[sflag:s29] =	ssyncadd.s32 $0xFFFFE000  }
0x97: {  	[spmem:s2] =	stream.indirect.scatter.add.f32 [tilespmem:s26], [sflag:$0x3], $0x40, s10, s25, $0xb8;
	[tilespmem:$0x18580] =	vst v63  }
0x98: {  	_ =	swait.ge [sflag:s22], $0x2000  }
0x99: {  	[sflag:s22] =	ssyncset.done $0x0  }
0x9a: {  	[sflag:s22] =	ssyncadd.s32 $0xFFFFE000  }
0x9b: {  	[spmem:s3] =	stream.indirect.scatter.add.f32 [tilespmem:s30], [sflag:$0x3], $0x10, s10, s25, $0xb8;
	[tilespmem:$0x18580] =	vst v63  }
0x9c: {  	_ =	swait.ge [sflag:s22], $0x800  }
0x9d: {  	[sflag:s22] =	ssyncset.done $0x0  }
0x9e: {  	s12 =	sadd.s32 $0x100, s7;
	[sflag:s22] =	ssyncadd.s32 $0xFFFFF800  }
0x9f: {  	[tilespmem:s26], [sflag:$0x1] =	stream.indirect.gather [hbm4b:s5+s25], $0x40, s12, s25, $0xb8;
	[tilespmem:$0x18580] =	vst v63  }
0xa0: {  	_ =	swait.ge [sflag:s31], $0x2000  }
0xa1: {  	[sflag:s31] =	ssyncset.done $0x0  }
0xa2: {  	s8 =	sadd.s32 $0x2880, s7;
	[sflag:s31] =	ssyncadd.s32 $0xFFFFE000  }
0xa3: {  	[spmem:s2] =	stream.indirect.scatter.add.f32 [tilespmem:s28], [sflag:$0x3], $0x40, s8, s25, $0xb8;
	[tilespmem:$0x18580] =	vst v63  }
0xa4: {  	_ =	swait.ge [sflag:s22], $0x2000  }
0xa5: {  	[sflag:s22] =	ssyncset.done $0x0  }
0xa6: {  	[sflag:s22] =	ssyncadd.s32 $0xFFFFE000  }
0xa7: {  	[spmem:s3] =	stream.indirect.scatter.add.f32 [tilespmem:s30], [sflag:$0x3], $0x10, s8, s25, $0xb8;
	[tilespmem:$0x18580] =	vst v63  }
0xa8: {  	_ =	swait.ge [sflag:s22], $0x800  }
0xa9: {  	[sflag:s22] =	ssyncset.done $0x0  }
0xaa: {  	[sflag:s22] =	ssyncadd.s32 $0xFFFFF800  }
0xab: {  	[tilespmem:s28], [sflag:$0x2] =	stream.indirect.gather [hbm4b:s5+s25], $0x40, s0, s25, $0xb8;
	[tilespmem:$0x18580] =	vst v63  }
0xac: {  	_ =	swait.ge [sflag:s29], $0x2000  }
0xad: {  	[sflag:s29] =	ssyncset.done $0x0  }
0xae: {  	[sflag:s29] =	ssyncadd.s32 $0xFFFFE000  }
0xaf: {  	[spmem:s2] =	stream.indirect.scatter.add.f32 [tilespmem:s26], [sflag:$0x3], $0x40, s1, s25, $0xb8;
	[tilespmem:$0x18580] =	vst v63  }
0xb0: {  	_ =	swait.ge [sflag:s22], $0x2000  }
0xb1: {  	[sflag:s22] =	ssyncset.done $0x0  }
0xb2: {  	[sflag:s22] =	ssyncadd.s32 $0xFFFFE000  }
0xb3: {  	[spmem:s3] =	stream.indirect.scatter.add.f32 [tilespmem:s30], [sflag:$0x3], $0x10, s1, s25, $0xb8;
	[tilespmem:$0x18580] =	vst v63  }
0xb4: {  	_ =	swait.ge [sflag:s22], $0x800  }
0xb5: {  	[sflag:s22] =	ssyncset.done $0x0  }
0xb6: {  	[sflag:s22] =	ssyncadd.s32 $0xFFFFF800  }
0xb7: {  	[tilespmem:s26], [sflag:$0x1] =	stream.indirect.gather [hbm4b:s5+s25], $0x40, s0, s25, $0xb8;
	[tilespmem:$0x18580] =	vst v63  }
0xb8: {  	_ =	swait.ge [sflag:s31], $0x2000  }
0xb9: {  	[sflag:s31] =	ssyncset.done $0x0  }
0xba: {  	[sflag:s31] =	ssyncadd.s32 $0xFFFFE000  }
0xbb: {  	[spmem:s2] =	stream.indirect.scatter.add.f32 [tilespmem:s28], [sflag:$0x3], $0x40, s24, s25, $0xb8;
	[tilespmem:$0x18580] =	vst v63  }
0xbc: {  	_ =	swait.ge [sflag:s22], $0x2000  }
0xbd: {  	[sflag:s22] =	ssyncset.done $0x0  }
0xbe: {  	[sflag:s22] =	ssyncadd.s32 $0xFFFFE000  }
0xbf: {  	[spmem:s3] =	stream.indirect.scatter.add.f32 [tilespmem:s30], [sflag:$0x3], $0x10, s24, s25, $0xb8;
	[tilespmem:$0x18580] =	vst v63  }
0xc0: {  	_ =	swait.ge [sflag:s22], $0x800  }
0xc1: {  	[sflag:s22] =	ssyncset.done $0x0  }
0xc2: {  	[sflag:s22] =	ssyncadd.s32 $0xFFFFF800  }
0xc3: {  	_ =	swait.ge [sflag:s29], $0x2000  }
0xc4: {  	s9 =	stileid.u32;
	[sflag:s29] =	ssyncset.done $0x0  }
0xc5: {  	s7 =	sshll.u32 s9, $0x6;
	[sflag:s29] =	ssyncadd.s32 $0xFFFFE000  }
0xc6: {  	s7 =	sor.u32 $0x1C03, s7;
	s10 =	sshrl.u32 s6, $0x3;
	[bflag:$0x0] =	sbarrier.arrive $0xFFFF  }
0xc7: {  	[hbm:s18], [sflag:s7] =	dma.local [spmem:s10], $0x13C0  }
0xc8: {  	s4 =	sadd.s32 $0x1, s4;
	_ =	swait.ge [sflag:s22], $0x13C0  }
0xc9: {  	p0 =	sne.s32 s4, s20;
	[sflag:s22] =	ssyncset.done $0x0  }
.Ltmp4:
0xca: {  	s12 =	sshrl.u32 s11, $0x3;
	[sflag:s22] =	ssyncadd.s32 $0xFFFFEC40;
	(pc) =	sbr.rel @p0 .LBB2_1-.Ltmp4, $4  }
0xcb: {  	[hbm:s19], [sflag:s7] =	dma.local [spmem:s12], $0x4F0  }
0xcc: {  	_ =	swait.ge [sflag:s22], $0x4F0  }
0xcd: {  	[sflag:s22] =	ssyncset.done $0x0  }
0xce: {  	[sflag:s22] =	ssyncadd.s32 $0xFFFFFB10  }
0xcf: {  	_ =	sfence.sel $0x180000  }
0xd0: {  	[bflag:$0x0] =	sbarrier.arrive $0xFFFF  }
0xd1: {  	_ =	strace $0x90000047  }
0xd2: {  	s0 =	stileid.u32;
	[bflag:$0x2] =	sbarrier.arrive $0xFFFF  }
0xd3: {  	p0 =	sne.s32 s0, $0x0;
	s0 =	rddreg [dreg:$0x3]  }
0xd4: {  	s0 =	sadd.s32 @!p0 $0x100000, s0  }
0xd5: {  	[sflag:s0] =	ssyncadd.tile.s32 @!p0 $0x1;
	_ =	shalt  }
.Lfunc_end2:
_tile_overlayer_lowered:
.L_overlay_start_2:
0xd6: {  	(tag) =	ssettag $0x2  }
0xd7: {  	s0 =	rddreg [dreg:$0x0];
	s2 =	stileid.u32  }
0xd8: {  	s1 =	rddreg [dreg:$0x1];
	p0 =	sne.s32 s2, $0x0  }
0xd9: {  	s3 =	rddreg [dreg:$0x2];
	[bflag:$0x3] =	sbarrier.arrive $0xFFFF;
	s2 =	simm.s32 @!p0 $0x1C03  }
0xda: {  	[timem:s3], [sflag:s2] =	dma.local @!p0 [hbm:s0], s1  }
0xdb: {  	s0 =	simm.s32 @!p0 $0x3  }
0xdc: {  	_ =	swait.ge @!p0 [sflag:s0], s1  }
0xdd: {  	s1 =	ssub.s32 @!p0 $0x0, s1;
	[sflag:s0] =	ssyncset.done @!p0 $0x0  }
0xde: {  	[sflag:s0] =	ssyncadd.s32 @!p0 s1  }
0xdf: {  	[bflag:$0x3] =	sbarrier.arrive $0xFFFF  }
0xe0: {  	_ =	shalt  }

// kernel: kernel.17.cloned.1.call-start
scs
__scs_entry_jumppad:
0x0: {  	(pc) =	sbr.rel $0x88, $3  }
0x1: {  	(tag) =	ssettag $0x0;
	lr =	simm.s32 $0x1  }
0x2: {  	[smem:$0x3F91] =	sst lr;
	_ =	strace $0xD0000000  }
0x3: {  	_ = 	snop  }
0x4: {  	_ = 	snop  }
0x5: {  	_ = 	snop  }
0x6: {  	_ = 	snop  }
0x7: {  	_ = 	snop  }
__scs_overlays_trampoline_lowered:
0x8: {  	[smem:$0x3FA0] =	sst s0  }
0x9: {  	[smem:$0x3FA1] =	sst s1  }
0xa: {  	[smem:$0x3FA2] =	sst s2  }
0xb: {  	[smem:$0x3FA3] =	sst s3  }
0xc: {  	[smem:$0x3FA4] =	sst s4  }
0xd: {  	[smem:$0x3FA5] =	sst s5  }
0xe: {  	[smem:$0x3FA6] =	sst s6  }
0xf: {  	[smem:$0x3FA7] =	sst s7  }
0x10: {  	[smem:$0x3FA8] =	sst s8  }
0x11: {  	[smem:$0x3FA9] =	sst s9;
	s0 =	simm.s32 @!p0 $0x0  }
0x12: {  	s1 =	sld [smem:$0x3F8F];
	s0 =	simm.s32 @p0 $0x1  }
0x13: {  	[smem:$0x3FAA] =	sst s0;
	s0 =	simm.s32 @!p1 $0x0  }
0x14: {  	s2 =	sld [smem:$0x3F8E];
	s0 =	simm.s32 @p1 $0x1  }
0x15: {  	[smem:$0x3FAB] =	sst s0;
	s0 =	simm.s32 @!p2 $0x0  }
0x16: {  	s3 =	sld [smem:$0x3FDB];
	s0 =	simm.s32 @p2 $0x1  }
0x17: {  	s4 =	simm.s32 $0x1BF5;
	[smem:$0x3FAD] =	sst s0  }
0x18: {  	s0 =	sld [smem:$0x3F90];
	_ =	swait.ge [sflag:s4], $0x0  }
0x19: {  	s7 =	sld [smem:$0x3F91]  }
0x1a: {  	s8 =	sadd.s32 $0xFFFFE003, lr  }
0x1b: {  	s9 =	sadd.s32 $0xFFFFFEF7, lr;
	s5 =	simm.s32 $0xFFFFFFFF;
	p2 =	slt.u32 s8, $0xFFFFF086  }
0x1c: {  	p1 =	slt.u32 s9, $0xF7A;
	s5 =	simm.s32 @!p2 $0x0  }
0x1d: {  	s5 =	simm.s32 @p1 $0x1;
	p0 =	seq.s32 s7, s2  }
0x1e: {  	s7 =	smul.u32 @!p0 $0xF7A, s2;
	p2 =	seq.s32 @!p0 s5, $0x0  }
0x1f: {  	s9 =	smul.u32 $0xF7A, s1;
	s8 =	simm.s32 @!p0 $0x1BF5;
	p2 =	por !p2, p0  }
0x20: {  	[sflag:s8] =	ssyncset.s32 @!p0 $0xFFFFF086;
	s6 =	sadd.s32 @!p0 s3, s7;
	s7 =	simm.s32 @!p0 $0x108  }
0x21: {  	s3 =	sadd.s32 s3, s9;
	s6 =	sadd.s32 @!p0 $0x88, s6;
	s7 =	simm.s32 @p2 $0x1082  }
0x22: {  	[simem:s7], [sflag:s8] =	dma.local @!p0 [hbm:s6], $0xF7A  }
0x23: {  	s9 =	sor.u32 $0xD0000000, s2;
	s6 =	simm.s32 $0x108;
	_ =	swait.ge @!p0 [sflag:s8], $0x0  }
0x24: {  	s3 =	sadd.s32 $0x88, s3;
	s6 =	simm.s32 @!p1 $0x1082;
	[sflag:s4] =	ssyncset.s32 $0xFFFFF086  }
0x25: {  	[simem:s6], [sflag:s4] =	dma.local [hbm:s3], $0xF7A  }
0x26: {  	[smem:$0x3F91] =	sst s1;
	(tag) =	ssettag s2;
	_ =	strace s9  }
0x27: {  	s1 =	sld [smem:$0x3FA1]  }
0x28: {  	s2 =	sld [smem:$0x3FA2]  }
0x29: {  	s4 =	sld [smem:$0x3FA4]  }
0x2a: {  	p0 =	seq.s32 s5, $0x0;
	s5 =	sld [smem:$0x3FA5]  }
0x2b: {  	s6 =	sld [smem:$0x3FA6]  }
0x2c: {  	s7 =	sld [smem:$0x3FA7]  }
0x2d: {  	s3 =	simm.s32 $0x108;
	s8 =	sld [smem:$0x3FA8]  }
0x2e: {  	s3 =	simm.s32 @!p0 $0x1082;
	s9 =	sld [smem:$0x3FA9]  }
0x2f: {  	lr =	sadd.s32 s0, s3;
	s0 =	sld [smem:$0x3FA0]  }
0x30: {  	s3 =	sld [smem:$0x3FA3]  }
0x31: {  	[smem:$0x3FAC] =	sst s10  }
0x32: {  	s10 =	sld [smem:$0x3FAA];
	_ =	sdelay $0x3  }
0x33: {  	p0 =	seq.s32 s10, $0x1;
	s10 =	sld [smem:$0x3FAC];
	_ =	sdelay $0x3  }
0x34: {  	[smem:$0x3FAC] =	sst s10  }
0x35: {  	s10 =	sld [smem:$0x3FAB];
	_ =	sdelay $0x3  }
0x36: {  	p1 =	seq.s32 s10, $0x1;
	s10 =	sld [smem:$0x3FAC];
	_ =	sdelay $0x3  }
0x37: {  	[smem:$0x3FAC] =	sst s10  }
0x38: {  	s10 =	sld [smem:$0x3FAD]  }
0x39: {  	_ = 	snop;
	(pc) =	sbr.ind lr, $3  }
0x3a: {  	_ = 	snop  }
0x3b: {  	_ = 	snop  }
0x3c: {  	p2 =	seq.s32 s10, $0x1;
	s10 =	sld [smem:$0x3FAC]  }
0x3d: {  	_ =	shalt  }
0x3e: {  	_ =	shalt  }
0x3f: {  	_ =	shalt  }
0x40: {  	_ =	shalt  }
0x41: {  	_ =	shalt  }
0x42: {  	_ =	shalt  }
0x43: {  	_ =	shalt  }
0x44: {  	_ =	shalt  }
0x45: {  	_ =	shalt  }
0x46: {  	_ =	shalt  }
0x47: {  	_ =	shalt  }
0x48: {  	_ =	shalt  }
0x49: {  	_ =	shalt  }
0x4a: {  	_ =	shalt  }
0x4b: {  	_ =	shalt  }
0x4c: {  	_ =	shalt  }
0x4d: {  	_ =	shalt  }
0x4e: {  	_ =	shalt  }
0x4f: {  	_ =	shalt  }
0x50: {  	_ =	shalt  }
0x51: {  	_ =	shalt  }
0x52: {  	_ =	shalt  }
0x53: {  	_ =	shalt  }
0x54: {  	_ =	shalt  }
0x55: {  	_ =	shalt  }
0x56: {  	_ =	shalt  }
0x57: {  	_ =	shalt  }
0x58: {  	_ =	shalt  }
0x59: {  	_ =	shalt  }
0x5a: {  	_ =	shalt  }
0x5b: {  	_ =	shalt  }
0x5c: {  	_ =	shalt  }
0x5d: {  	_ =	shalt  }
0x5e: {  	_ =	shalt  }
0x5f: {  	_ =	shalt  }
0x60: {  	_ =	shalt  }
0x61: {  	_ =	shalt  }
0x62: {  	_ =	shalt  }
0x63: {  	_ =	shalt  }
0x64: {  	_ =	shalt  }
0x65: {  	_ =	shalt  }
0x66: {  	_ =	shalt  }
0x67: {  	_ =	shalt  }
0x68: {  	_ =	shalt  }
0x69: {  	_ =	shalt  }
0x6a: {  	_ =	shalt  }
0x6b: {  	_ =	shalt  }
0x6c: {  	_ =	shalt  }
0x6d: {  	_ =	shalt  }
0x6e: {  	_ =	shalt  }
0x6f: {  	_ =	shalt  }
0x70: {  	_ =	shalt  }
0x71: {  	_ =	shalt  }
0x72: {  	_ =	shalt  }
0x73: {  	_ =	shalt  }
0x74: {  	_ =	shalt  }
0x75: {  	_ =	shalt  }
0x76: {  	_ =	shalt  }
0x77: {  	_ =	shalt  }
0x78: {  	_ =	shalt  }
0x79: {  	_ =	shalt  }
0x7a: {  	_ =	shalt  }
0x7b: {  	_ =	shalt  }
0x7c: {  	_ =	shalt  }
0x7d: {  	_ =	shalt  }
0x7e: {  	_ =	shalt  }
0x7f: {  	_ =	shalt  }
0x80: {  	_ =	shalt  }
0x81: {  	_ =	shalt  }
0x82: {  	_ =	shalt  }
0x83: {  	_ =	shalt  }
0x84: {  	_ =	shalt  }
0x85: {  	_ =	shalt  }
0x86: {  	_ =	shalt  }
0x87: {  	_ =	shalt  }
.Lfunc_end0:
.L_simem_size_0:
called_computation.1_lowered:
.L_overlay_start_0:
0x88: {  	s2 =	sld [smem:$0x3FD9]  }
0x89: {  	s3 =	sld [smem:$0x3FFE];
	_ =	sdelay $0x1  }
0x8a: {  	s1 =	srdreg.scid  }
0x8b: {  	s0 =	sand.u32 $0x1, s1  }
0x8c: {  	s16 =	sshll.u32 s0, $0xA;
	s2 =	sadd.s32 s3, s2  }
0x8d: {  	s2 =	sadd.s32 s2, s16  }
0x8e: {  	[smem:$0x3FB8] =	sst s2  }
0x8f: {  	_ = 	snop  }
0x90: {  	(tm) =	ssettm $0x1  }
0x91: {  	s17 =	sld [smem:$0x3FFB];
	_ =	sdelay $0x3  }
0x92: {  	_ =	strace s17  }
0x93: {  	s2 =	sld [smem:$0x3FFC];
	_ =	sdelay $0x3  }
0x94: {  	_ =	strace s2  }
0x95: {  	s2 =	sld [smem:$0x3FFD];
	_ =	sdelay $0x3  }
0x96: {  	_ =	strace s2  }
0x97: {  	_ =	strace $0x8FFFFFFF  }
0x98: {  	s18 =	sld [smem:$0x3FDB];
	_ =	sdelay $0x1  }
0x99: {  	s19 =	simm.s32 $_scs_section_size  }
0x9a: {  	s4 =	simm.s32 $_size__tile_overlayer_lowered;
	s5 =	simm.s32 $_tile_overlayer_lowered  }
0x9b: {  	s22 =	simm.s32 $0x1BFF;
	s21 =	sshll.u32 s5, $0x1;
	s2 =	sadd.s32 s19, s18  }
0x9c: {  	s6 =	simm.s32 $0x0;
	s20 =	sshll.u32 s4, $0x1;
	s4 =	sadd.s32 s21, s2  }
0x9d: {  	[timem:s6], [sflag:s22] =	dma.local [hbm:s4], s20  }
0x9e: {  	_ =	swait.ge [sflag:s22], s20  }
0x9f: {  	s3 =	ssub.s32 $0x0, s20;
	[sflag:s22] =	ssyncset.done $0x0  }
0xa0: {  	[sflag:s22] =	ssyncadd.s32 s3;
	_ =	sdelay $0x1  }
0xa1: {  	s23 =	simm.s32 $0x1B8B  }
0xa2: {  	_ =	swait.ge [sflag:s23], $0x1  }
0xa3: {  	[sflag:s23] =	ssyncset.done $0x0  }
0xa4: {  	s25 =	simm.s32 $0x1B8E;
	s24 =	sld [smem:$0x3FFE];
	[sflag:s23] =	ssyncadd.s32 $0xFFFFFFFF  }
0xa5: {  	s26 =	simm.s32 $execute0_lowered;
	[smem:$0x3FD2] =	sst s25  }
0xa6: {  	s4 =	sshll.u32 s26, $0x1;
	_ =	strace $0x80000049;
	[dreg:$0x1] =	wrdreg $0xFFFFFFFF  }
0xa7: {  	s28 =	simm.s32 $_size_execute0_lowered;
	s2 =	sadd.s32 s2, s4;
	[dreg:$0x0] =	wrdreg $0x0  }
0xa8: {  	s4 =	sshll.u32 s28, $0x1;
	[dreg:$0x2] =	wrdreg s2  }
0xa9: {  	[dreg:$0x3] =	wrdreg s4  }
0xaa: {  	[dreg:$0x4] =	wrdreg $0xC0  }
0xab: {  	_ =	task [dreg:s6], $0x5FFFF  }
0xac: {  	[dreg:$0x1] =	wrdreg $0xFFFFFFFF  }
0xad: {  	[dreg:$0x0] =	wrdreg $0x60  }
0xae: {  	[dreg:$0x2] =	wrdreg s24  }
0xaf: {  	[dreg:$0x3] =	wrdreg $0xB0000  }
0xb0: {  	[dreg:$0x4] =	wrdreg $0x9  }
0xb1: {  	_ =	task.clear_ibuf [dreg:s6], $0x5FFFF;
	_ =	strace $0x90000049  }
0xb2: {  	s29 =	simm.s32 $0x9;
	_ =	strace $0x8000004B  }
0xb3: {  	_ =	swait.ge [sflag:s29], $0x1  }
0xb4: {  	[sflag:s29] =	ssyncadd.s32 $0xFFFFFFFF  }
0xb5: {  	_ =	strace $0x9000004B  }
0xb6: {  	_ =	sfence  }
0xb7: {  	s30 =	sld [smem:$0x0];
	_ =	sdelay $0x2  }
0xb8: {  	s31 =	sshll.u32 s1, $0xD;
	s1 =	sshrl.u32 s1, $0x2  }
0xb9: {  	s3 =	sand.u32 $0x4000, s31;
	s1 =	sadd.s32 s1, s30  }
0xba: {  	s0 =	sor.u32 s3, s0;
	s1 =	sshll.u32 s1, $0x11  }
0xbb: {  	s0 =	sor.u32 s1, s0  }
0xbc: {  	s0 =	sadd.s32 $0x8F2B, s0  }
0xbd: {  	[sflag:s0] =	ssyncadd.remote.s32 $0x1  }
0xbe: {  	_ =	sfence.sel $0xFFFF  }
0xbf: {  	[dreg:$0x0] =	wrdreg $0xFFFFFFFF;
	(pc) =	sbr.abs _section_cstart, $3  }
0xc0: {  	[dreg:$0x1] =	wrdreg $0xFFFFFFFF  }
0xc1: {  	_ =	task.clear_ibuf [dreg:s6], $0x2FFFF;
	_ =	strace $0x9FFFFFFF  }
0xc2: {  	(tm) =	ssettm $0x7FFFFFFF  }
0xc3: {  	_ =	shalt  }
tec
execute0_lowered:
.L_overlay_start_1:
0x0: {  	(tag) =	ssettag $0x1  }
0x1: {  	s5 =	rddreg [dreg:$0x0]  }
0x2: {  	s2 =	rddreg [dreg:$0x1]  }
0x3: {  	s0 =	rddreg [dreg:$0x2];
	s1 =	stileid.u32;
	s3 =	simm.s32 $0x0  }
0x4: {  	s4 =	srdreg.scid;
	s14 =	simm.s32 $0x9000;
	s15 =	simm.s32 $0x3  }
0x5: {  	s16 =	simm.s32 $0x2800;
	s17 =	simm.s32 $0x80;
	s18 =	simm.s32 $0x5000  }
0x6: {  	s19 =	simm.s32 $0x7000;
	s20 =	simm.s32 $0x1;
	s21 =	simm.s32 $0x2  }
0x7: {  	s22 =	simm.s32 $0x2780;
	s23 =	simm.s32 $0x4F00;
	s6 =	smul.u32 $0x2800, s1  }
0x8: {  	s24 =	simm.s32 $0x4F80;
	s7 =	sand.u32 $0x1, s4;
	s8 =	smul.u32 $0x9E00, s1  }
0x9: {  	[smem:$0x7FF] =	sst s3;
	s10 =	smul.u32 $0x27800, s1;
	p0 =	seq.s32 s7, $0x0  }
0xa: {  	s29 =	smul.u32 $0x9E000, s7;
	_ =	strace $0x8000004A;
	s7 =	ssub.s32 $0x2, s7  }
0xb: {  	s4 =	sadd.s32 $0x28000, s6;
	s30 =	sshrl.u32 s10, $0x2;
	s31 =	sshrl.u32 s7, $0x1  }
0xc: {  	s4 =	smov.u32 @p0 s6;
	s6 =	sadd.s32 s8, s29;
	s13 =	ssub.s32 s7, s31  }
0xd: {  	s9 =	sshrl.u32 s4, $0x3;
	s4 =	sadd.s32 $0x4E00, s5;
	s6 =	sshrl.u32 s6, $0x3  }
0xe: {  	s13 =	smax.u32 s13, $0x1;
	s11 =	sadd.s32 s9, s5;
	s9 =	sadd.s32 s30, s2  }
0xf: {  	s12 =	sadd.s32 s6, s5;
	s5 =	sadd.s32 s8, s2;
	s6 =	sadd.s32 $0x2000, s9  }
0x10: {  	s7 =	sadd.s32 $0x4000, s9;
	s8 =	sadd.s32 $0x6000, s9;
	s9 =	sadd.s32 $0x8000, s9  }
0x11: {  	v0 =	vimm.f32 $0.0e+00;
	s10 =	sadd.s32 $0x23000, s11;
	s11 =	sadd.s32 $0x18A00, s11;
	s12 =	sadd.s32 $0x7C600, s12  }
.LBB2_1:
0x12: {  	s26 =	simm.s32 $0x100;
	s25 =	simm.s32 $0x0  }
.LBB2_2:
0x13: {  	p0 =	sne.s32 s26, $0x7F00;
	[tilespmem:s25+$0x9030] =	vst v0;
	s28 =	smov.u32 s26;
	s26 =	sadd.s32 $0x100, s26  }
.Ltmp0:
0x14: {  	[tilespmem:s25+$0x9020] =	vst v0;
	(pc) =	sbr.rel @p0 .LBB2_2-.Ltmp0, $3  }
0x15: {  	[tilespmem:s25+$0x9000] =	vst v0  }
0x16: {  	[tilespmem:s25+$0x9010] =	vst v0;
	_ =	sdelay $0x1  }
0x17: {  	s25 =	sshra.s32 s28, $0x2  }
0x18: {  	[tilespmem:s25+$0x9030] =	vst v0  }
0x19: {  	[tilespmem:s25+$0x9020] =	vst v0  }
0x1a: {  	[tilespmem:s25+$0x9000] =	vst v0  }
0x1b: {  	[tilespmem:s25+$0x9010] =	vst v0  }
0x1c: {  	[spmem:s5] =	stream.linear.scatter [tilespmem:s14], [sflag:$0x3], $0x2000, $0x38;
	[tilespmem:$0x14E00] =	vst v63  }
0x1d: {  	_ =	swait.ge [sflag:s15], $0x2000  }
0x1e: {  	[sflag:s15] =	ssyncset.done $0x0  }
0x1f: {  	[sflag:s15] =	ssyncadd.s32 $0xFFFFE000  }
0x20: {  	[spmem:s6] =	stream.linear.scatter [tilespmem:s14], [sflag:$0x3], $0x2000, $0x38;
	[tilespmem:$0x14E00] =	vst v63  }
0x21: {  	_ =	swait.ge [sflag:s15], $0x2000  }
0x22: {  	[sflag:s15] =	ssyncset.done $0x0  }
0x23: {  	[sflag:s15] =	ssyncadd.s32 $0xFFFFE000  }
0x24: {  	[spmem:s7] =	stream.linear.scatter [tilespmem:s14], [sflag:$0x3], $0x2000, $0x38;
	[tilespmem:$0x14E00] =	vst v63  }
0x25: {  	_ =	swait.ge [sflag:s15], $0x2000  }
0x26: {  	[sflag:s15] =	ssyncset.done $0x0  }
0x27: {  	[sflag:s15] =	ssyncadd.s32 $0xFFFFE000  }
0x28: {  	[spmem:s8] =	stream.linear.scatter [tilespmem:s14], [sflag:$0x3], $0x2000, $0x38;
	[tilespmem:$0x14E00] =	vst v63  }
0x29: {  	_ =	swait.ge [sflag:s15], $0x2000  }
0x2a: {  	[sflag:s15] =	ssyncset.done $0x0  }
0x2b: {  	[sflag:s15] =	ssyncadd.s32 $0xFFFFE000  }
0x2c: {  	[spmem:s9] =	stream.linear.scatter [tilespmem:s14], [sflag:$0x3], $0x1E00, $0x38;
	[tilespmem:$0x14E00] =	vst v63  }
0x2d: {  	_ =	swait.ge [sflag:s15], $0x1E00  }
0x2e: {  	[sflag:s15] =	ssyncset.done $0x0  }
0x2f: {  	[sflag:s15] =	ssyncadd.s32 $0xFFFFE200  }
0x30: {  	s26 =	simm.s32 $0x0;
	[bflag:$0x0] =	sbarrier.arrive $0xFFFF  }
0x31: {  	[tilespmem:s26], [sflag:$0x3] =	stream.linear.gather [hbm4b:s10+s26], $0x2800, $0x38;
	[tilespmem:$0x14E00] =	vst v63  }
0x32: {  	_ =	swait.ge [sflag:s15], $0x2800  }
0x33: {  	[sflag:s15] =	ssyncset.done $0x0  }
0x34: {  	[sflag:s15] =	ssyncadd.s32 $0xFFFFD800  }
0x35: {  	[tilespmem:s16], [sflag:$0x3] =	stream.linear.gather [hbm4b:s11+s26], $0x2800, $0x38;
	[tilespmem:$0x14E00] =	vst v63  }
0x36: {  	_ =	swait.ge [sflag:s15], $0x2800  }
0x37: {  	[sflag:s15] =	ssyncset.done $0x0  }
0x38: {  	[sflag:s15] =	ssyncadd.s32 $0xFFFFD800  }
0x39: {  	[tilespmem:s18], [sflag:$0x1] =	stream.indirect.gather [hbm4b:s4+s17], $0x40, s26, s17, $0xb8;
	[tilespmem:$0x14E00] =	vst v63  }
0x3a: {  	s28 =	simm.s32 $0x80  }
0x3b: {  	[tilespmem:s19], [sflag:$0x2] =	stream.indirect.gather [hbm4b:s4+s17], $0x40, s28, s17, $0xb8;
	[tilespmem:$0x14E00] =	vst v63  }
0x3c: {  	_ =	swait.ge [sflag:s20], $0x2000  }
0x3d: {  	[sflag:s20] =	ssyncset.done $0x0  }
0x3e: {  	s29 =	simm.s32 $0x2800;
	[sflag:s20] =	ssyncadd.s32 $0xFFFFE000  }
0x3f: {  	[spmem:s2] =	stream.indirect.scatter.add.f32 [tilespmem:s18], [sflag:$0x3], $0x40, s29, s17, $0xb8;
	[tilespmem:$0x14E00] =	vst v63  }
0x40: {  	_ =	swait.ge [sflag:s15], $0x2000  }
0x41: {  	[sflag:s15] =	ssyncset.done $0x0  }
0x42: {  	s30 =	simm.s32 $0x100;
	[sflag:s15] =	ssyncadd.s32 $0xFFFFE000  }
0x43: {  	[tilespmem:s18], [sflag:$0x1] =	stream.indirect.gather [hbm4b:s4+s17], $0x40, s30, s17, $0xb8;
	[tilespmem:$0x14E00] =	vst v63  }
0x44: {  	_ =	swait.ge [sflag:s21], $0x2000  }
0x45: {  	[sflag:s21] =	ssyncset.done $0x0  }
0x46: {  	s31 =	simm.s32 $0x2880;
	[sflag:s21] =	ssyncadd.s32 $0xFFFFE000  }
0x47: {  	[spmem:s2] =	stream.indirect.scatter.add.f32 [tilespmem:s19], [sflag:$0x3], $0x40, s31, s17, $0xb8;
	[tilespmem:$0x14E00] =	vst v63  }
0x48: {  	_ =	swait.ge [sflag:s15], $0x2000  }
0x49: {  	s25 =	simm.s32 $0x100;
	s26 =	simm.s32 $0x800;
	[sflag:s15] =	ssyncset.done $0x0  }
.LBB2_4:
0x4a: {  	s28 =	sadd.s32 $0x80, s25  }
0x4b: {  	[sflag:s15] =	ssyncadd.s32 $0xFFFFE000;
	s29 =	smov.u32 s26;
	s30 =	sadd.s32 $0x400, s26  }
0x4c: {  	[tilespmem:s19], [sflag:$0x2] =	stream.indirect.gather [hbm4b:s4+s17], $0x40, s28, s17, $0xb8;
	[tilespmem:$0x14E00] =	vst v63  }
0x4d: {  	p0 =	sne.s32 s26, $0x9800;
	_ =	swait.ge [sflag:s20], $0x2000  }
0x4e: {  	[sflag:s20] =	ssyncset.done $0x0  }
0x4f: {  	s26 =	sadd.s32 $0x2800, s25;
	[sflag:s20] =	ssyncadd.s32 $0xFFFFE000  }
0x50: {  	[spmem:s2] =	stream.indirect.scatter.add.f32 [tilespmem:s18], [sflag:$0x3], $0x40, s26, s17, $0xb8;
	[tilespmem:$0x14E00] =	vst v63  }
0x51: {  	_ =	swait.ge [sflag:s15], $0x2000  }
0x52: {  	[sflag:s15] =	ssyncset.done $0x0  }
0x53: {  	s26 =	sadd.s32 $0x100, s25;
	[sflag:s15] =	ssyncadd.s32 $0xFFFFE000  }
0x54: {  	[tilespmem:s18], [sflag:$0x1] =	stream.indirect.gather [hbm4b:s4+s17], $0x40, s26, s17, $0xb8;
	[tilespmem:$0x14E00] =	vst v63  }
0x55: {  	_ =	swait.ge [sflag:s21], $0x2000  }
.Ltmp1:
0x56: {  	[sflag:s21] =	ssyncset.done $0x0;
	(pc) =	sbr.rel @p0 .LBB2_4-.Ltmp1, $4  }
0x57: {  	s25 =	sadd.s32 $0x2880, s25;
	[sflag:s21] =	ssyncadd.s32 $0xFFFFE000  }
0x58: {  	[spmem:s2] =	stream.indirect.scatter.add.f32 [tilespmem:s19], [sflag:$0x3], $0x40, s25, s17, $0xb8;
	[tilespmem:$0x14E00] =	vst v63  }
0x59: {  	_ =	swait.ge [sflag:s15], $0x2000  }
0x5a: {  	s26 =	smov.u32 s30;
	s25 =	sshra.s32 s29, $0x2;
	[sflag:s15] =	ssyncset.done $0x0  }
0x5b: {  	s26 =	sadd.s32 $0x80, s25;
	[sflag:s15] =	ssyncadd.s32 $0xFFFFE000  }
0x5c: {  	[tilespmem:s19], [sflag:$0x2] =	stream.indirect.gather [hbm4b:s4+s17], $0x40, s26, s17, $0xb8;
	[tilespmem:$0x14E00] =	vst v63  }
0x5d: {  	_ =	swait.ge [sflag:s20], $0x2000  }
0x5e: {  	[sflag:s20] =	ssyncset.done $0x0  }
0x5f: {  	s31 =	sadd.s32 $0x2800, s25;
	[sflag:s20] =	ssyncadd.s32 $0xFFFFE000  }
0x60: {  	[spmem:s2] =	stream.indirect.scatter.add.f32 [tilespmem:s18], [sflag:$0x3], $0x40, s31, s17, $0xb8;
	[tilespmem:$0x14E00] =	vst v63  }
0x61: {  	_ =	swait.ge [sflag:s15], $0x2000  }
0x62: {  	[sflag:s15] =	ssyncset.done $0x0  }
0x63: {  	s28 =	sadd.s32 $0x100, s25;
	[sflag:s15] =	ssyncadd.s32 $0xFFFFE000  }
0x64: {  	[tilespmem:s18], [sflag:$0x1] =	stream.indirect.gather [hbm4b:s4+s17], $0x40, s28, s17, $0xb8;
	[tilespmem:$0x14E00] =	vst v63  }
0x65: {  	_ =	swait.ge [sflag:s21], $0x2000  }
0x66: {  	[sflag:s21] =	ssyncset.done $0x0  }
0x67: {  	s29 =	sadd.s32 $0x2880, s25;
	[sflag:s21] =	ssyncadd.s32 $0xFFFFE000  }
0x68: {  	[spmem:s2] =	stream.indirect.scatter.add.f32 [tilespmem:s19], [sflag:$0x3], $0x40, s29, s17, $0xb8;
	[tilespmem:$0x14E00] =	vst v63  }
0x69: {  	_ =	swait.ge [sflag:s15], $0x2000  }
0x6a: {  	[sflag:s15] =	ssyncset.done $0x0  }
0x6b: {  	[sflag:s15] =	ssyncadd.s32 $0xFFFFE000  }
0x6c: {  	[tilespmem:s19], [sflag:$0x2] =	stream.indirect.gather [hbm4b:s4+s17], $0x40, s22, s17, $0xb8;
	[tilespmem:$0x14E00] =	vst v63  }
0x6d: {  	_ =	swait.ge [sflag:s20], $0x2000  }
0x6e: {  	[sflag:s20] =	ssyncset.done $0x0  }
0x6f: {  	[sflag:s20] =	ssyncadd.s32 $0xFFFFE000  }
0x70: {  	[spmem:s2] =	stream.indirect.scatter.add.f32 [tilespmem:s18], [sflag:$0x3], $0x40, s23, s17, $0xb8;
	[tilespmem:$0x14E00] =	vst v63  }
0x71: {  	_ =	swait.ge [sflag:s15], $0x2000  }
0x72: {  	[sflag:s15] =	ssyncset.done $0x0  }
0x73: {  	[sflag:s15] =	ssyncadd.s32 $0xFFFFE000  }
0x74: {  	[tilespmem:s18], [sflag:$0x1] =	stream.indirect.gather [hbm4b:s4+s17], $0x40, s22, s17, $0xb8;
	[tilespmem:$0x14E00] =	vst v63  }
0x75: {  	_ =	swait.ge [sflag:s21], $0x2000  }
0x76: {  	[sflag:s21] =	ssyncset.done $0x0  }
0x77: {  	[sflag:s21] =	ssyncadd.s32 $0xFFFFE000  }
0x78: {  	[spmem:s2] =	stream.indirect.scatter.add.f32 [tilespmem:s19], [sflag:$0x3], $0x40, s24, s17, $0xb8;
	[tilespmem:$0x14E00] =	vst v63  }
0x79: {  	_ =	swait.ge [sflag:s15], $0x2000  }
0x7a: {  	[sflag:s15] =	ssyncset.done $0x0  }
0x7b: {  	[sflag:s15] =	ssyncadd.s32 $0xFFFFE000  }
0x7c: {  	_ =	swait.ge [sflag:s20], $0x2000  }
0x7d: {  	s30 =	sshll.u32 s1, $0x6;
	s3 =	sadd.s32 $0x1, s3;
	[sflag:s20] =	ssyncset.done $0x0  }
0x7e: {  	s25 =	sor.u32 $0x1C03, s30;
	p0 =	sne.s32 s3, s13;
	[sflag:s20] =	ssyncadd.s32 $0xFFFFE000  }
.Ltmp2:
0x7f: {  	s31 =	sshrl.u32 s5, $0x3;
	[bflag:$0x0] =	sbarrier.arrive $0xFFFF;
	(pc) =	sbr.rel @p0 .LBB2_1-.Ltmp2, $4  }
0x80: {  	[hbm:s12], [sflag:s25] =	dma.local [spmem:s31], $0x13C0  }
0x81: {  	_ =	swait.ge [sflag:s15], $0x13C0  }
0x82: {  	[sflag:s15] =	ssyncset.done $0x0  }
0x83: {  	[sflag:s15] =	ssyncadd.s32 $0xFFFFEC40  }
0x84: {  	_ =	sfence.sel $0x180000  }
0x85: {  	[bflag:$0x0] =	sbarrier.arrive $0xFFFF  }
0x86: {  	p0 =	sne.s32 s1, $0x0;
	_ =	strace $0x9000004A  }
0x87: {  	s0 =	sadd.s32 @!p0 $0x100000, s0;
	[bflag:$0x2] =	sbarrier.arrive $0xFFFF  }
0x88: {  	[sflag:s0] =	ssyncadd.tile.s32 @!p0 $0x1;
	_ =	shalt  }
.Lfunc_end2:
_tile_overlayer_lowered:
.L_overlay_start_2:
0x89: {  	(tag) =	ssettag $0x2  }
0x8a: {  	s0 =	rddreg [dreg:$0x0];
	s2 =	stileid.u32  }
0x8b: {  	s1 =	rddreg [dreg:$0x1];
	p0 =	sne.s32 s2, $0x0  }
0x8c: {  	s3 =	rddreg [dreg:$0x2];
	[bflag:$0x3] =	sbarrier.arrive $0xFFFF;
	s2 =	simm.s32 @!p0 $0x1C03  }
0x8d: {  	[timem:s3], [sflag:s2] =	dma.local @!p0 [hbm:s0], s1  }
0x8e: {  	s0 =	simm.s32 @!p0 $0x3  }
0x8f: {  	_ =	swait.ge @!p0 [sflag:s0], s1  }
0x90: {  	s1 =	ssub.s32 @!p0 $0x0, s1;
	[sflag:s0] =	ssyncset.done @!p0 $0x0  }
0x91: {  	[sflag:s0] =	ssyncadd.s32 @!p0 s1  }
0x92: {  	[bflag:$0x3] =	sbarrier.arrive $0xFFFF  }
0x93: {  	_ =	shalt  }

// kernel: kernel.20.cloned.1.call-start
scs
__scs_entry_jumppad:
0x0: {  	(pc) =	sbr.rel $0x88, $3  }
0x1: {  	(tag) =	ssettag $0x0;
	lr =	simm.s32 $0x1  }
0x2: {  	[smem:$0x3F91] =	sst lr;
	_ =	strace $0xD0000000  }
0x3: {  	_ = 	snop  }
0x4: {  	_ = 	snop  }
0x5: {  	_ = 	snop  }
0x6: {  	_ = 	snop  }
0x7: {  	_ = 	snop  }
__scs_overlays_trampoline_lowered:
0x8: {  	[smem:$0x3FA0] =	sst s0  }
0x9: {  	[smem:$0x3FA1] =	sst s1  }
0xa: {  	[smem:$0x3FA2] =	sst s2  }
0xb: {  	[smem:$0x3FA3] =	sst s3  }
0xc: {  	[smem:$0x3FA4] =	sst s4  }
0xd: {  	[smem:$0x3FA5] =	sst s5  }
0xe: {  	[smem:$0x3FA6] =	sst s6  }
0xf: {  	[smem:$0x3FA7] =	sst s7  }
0x10: {  	[smem:$0x3FA8] =	sst s8  }
0x11: {  	[smem:$0x3FA9] =	sst s9;
	s0 =	simm.s32 @!p0 $0x0  }
0x12: {  	s1 =	sld [smem:$0x3F8F];
	s0 =	simm.s32 @p0 $0x1  }
0x13: {  	[smem:$0x3FAA] =	sst s0;
	s0 =	simm.s32 @!p1 $0x0  }
0x14: {  	s2 =	sld [smem:$0x3F8E];
	s0 =	simm.s32 @p1 $0x1  }
0x15: {  	[smem:$0x3FAB] =	sst s0;
	s0 =	simm.s32 @!p2 $0x0  }
0x16: {  	s3 =	sld [smem:$0x3FDB];
	s0 =	simm.s32 @p2 $0x1  }
0x17: {  	s4 =	simm.s32 $0x1BF5;
	[smem:$0x3FAD] =	sst s0  }
0x18: {  	s0 =	sld [smem:$0x3F90];
	_ =	swait.ge [sflag:s4], $0x0  }
0x19: {  	s7 =	sld [smem:$0x3F91]  }
0x1a: {  	s8 =	sadd.s32 $0xFFFFE003, lr  }
0x1b: {  	s9 =	sadd.s32 $0xFFFFFEF7, lr;
	s5 =	simm.s32 $0xFFFFFFFF;
	p2 =	slt.u32 s8, $0xFFFFF086  }
0x1c: {  	p1 =	slt.u32 s9, $0xF7A;
	s5 =	simm.s32 @!p2 $0x0  }
0x1d: {  	s5 =	simm.s32 @p1 $0x1;
	p0 =	seq.s32 s7, s2  }
0x1e: {  	s7 =	smul.u32 @!p0 $0xF7A, s2;
	p2 =	seq.s32 @!p0 s5, $0x0  }
0x1f: {  	s9 =	smul.u32 $0xF7A, s1;
	s8 =	simm.s32 @!p0 $0x1BF5;
	p2 =	por !p2, p0  }
0x20: {  	[sflag:s8] =	ssyncset.s32 @!p0 $0xFFFFF086;
	s6 =	sadd.s32 @!p0 s3, s7;
	s7 =	simm.s32 @!p0 $0x108  }
0x21: {  	s3 =	sadd.s32 s3, s9;
	s6 =	sadd.s32 @!p0 $0x88, s6;
	s7 =	simm.s32 @p2 $0x1082  }
0x22: {  	[simem:s7], [sflag:s8] =	dma.local @!p0 [hbm:s6], $0xF7A  }
0x23: {  	s9 =	sor.u32 $0xD0000000, s2;
	s6 =	simm.s32 $0x108;
	_ =	swait.ge @!p0 [sflag:s8], $0x0  }
0x24: {  	s3 =	sadd.s32 $0x88, s3;
	s6 =	simm.s32 @!p1 $0x1082;
	[sflag:s4] =	ssyncset.s32 $0xFFFFF086  }
0x25: {  	[simem:s6], [sflag:s4] =	dma.local [hbm:s3], $0xF7A  }
0x26: {  	[smem:$0x3F91] =	sst s1;
	(tag) =	ssettag s2;
	_ =	strace s9  }
0x27: {  	s1 =	sld [smem:$0x3FA1]  }
0x28: {  	s2 =	sld [smem:$0x3FA2]  }
0x29: {  	s4 =	sld [smem:$0x3FA4]  }
0x2a: {  	p0 =	seq.s32 s5, $0x0;
	s5 =	sld [smem:$0x3FA5]  }
0x2b: {  	s6 =	sld [smem:$0x3FA6]  }
0x2c: {  	s7 =	sld [smem:$0x3FA7]  }
0x2d: {  	s3 =	simm.s32 $0x108;
	s8 =	sld [smem:$0x3FA8]  }
0x2e: {  	s3 =	simm.s32 @!p0 $0x1082;
	s9 =	sld [smem:$0x3FA9]  }
0x2f: {  	lr =	sadd.s32 s0, s3;
	s0 =	sld [smem:$0x3FA0]  }
0x30: {  	s3 =	sld [smem:$0x3FA3]  }
0x31: {  	[smem:$0x3FAC] =	sst s10  }
0x32: {  	s10 =	sld [smem:$0x3FAA];
	_ =	sdelay $0x3  }
0x33: {  	p0 =	seq.s32 s10, $0x1;
	s10 =	sld [smem:$0x3FAC];
	_ =	sdelay $0x3  }
0x34: {  	[smem:$0x3FAC] =	sst s10  }
0x35: {  	s10 =	sld [smem:$0x3FAB];
	_ =	sdelay $0x3  }
0x36: {  	p1 =	seq.s32 s10, $0x1;
	s10 =	sld [smem:$0x3FAC];
	_ =	sdelay $0x3  }
0x37: {  	[smem:$0x3FAC] =	sst s10  }
0x38: {  	s10 =	sld [smem:$0x3FAD]  }
0x39: {  	_ = 	snop;
	(pc) =	sbr.ind lr, $3  }
0x3a: {  	_ = 	snop  }
0x3b: {  	_ = 	snop  }
0x3c: {  	p2 =	seq.s32 s10, $0x1;
	s10 =	sld [smem:$0x3FAC]  }
0x3d: {  	_ =	shalt  }
0x3e: {  	_ =	shalt  }
0x3f: {  	_ =	shalt  }
0x40: {  	_ =	shalt  }
0x41: {  	_ =	shalt  }
0x42: {  	_ =	shalt  }
0x43: {  	_ =	shalt  }
0x44: {  	_ =	shalt  }
0x45: {  	_ =	shalt  }
0x46: {  	_ =	shalt  }
0x47: {  	_ =	shalt  }
0x48: {  	_ =	shalt  }
0x49: {  	_ =	shalt  }
0x4a: {  	_ =	shalt  }
0x4b: {  	_ =	shalt  }
0x4c: {  	_ =	shalt  }
0x4d: {  	_ =	shalt  }
0x4e: {  	_ =	shalt  }
0x4f: {  	_ =	shalt  }
0x50: {  	_ =	shalt  }
0x51: {  	_ =	shalt  }
0x52: {  	_ =	shalt  }
0x53: {  	_ =	shalt  }
0x54: {  	_ =	shalt  }
0x55: {  	_ =	shalt  }
0x56: {  	_ =	shalt  }
0x57: {  	_ =	shalt  }
0x58: {  	_ =	shalt  }
0x59: {  	_ =	shalt  }
0x5a: {  	_ =	shalt  }
0x5b: {  	_ =	shalt  }
0x5c: {  	_ =	shalt  }
0x5d: {  	_ =	shalt  }
0x5e: {  	_ =	shalt  }
0x5f: {  	_ =	shalt  }
0x60: {  	_ =	shalt  }
0x61: {  	_ =	shalt  }
0x62: {  	_ =	shalt  }
0x63: {  	_ =	shalt  }
0x64: {  	_ =	shalt  }
0x65: {  	_ =	shalt  }
0x66: {  	_ =	shalt  }
0x67: {  	_ =	shalt  }
0x68: {  	_ =	shalt  }
0x69: {  	_ =	shalt  }
0x6a: {  	_ =	shalt  }
0x6b: {  	_ =	shalt  }
0x6c: {  	_ =	shalt  }
0x6d: {  	_ =	shalt  }
0x6e: {  	_ =	shalt  }
0x6f: {  	_ =	shalt  }
0x70: {  	_ =	shalt  }
0x71: {  	_ =	shalt  }
0x72: {  	_ =	shalt  }
0x73: {  	_ =	shalt  }
0x74: {  	_ =	shalt  }
0x75: {  	_ =	shalt  }
0x76: {  	_ =	shalt  }
0x77: {  	_ =	shalt  }
0x78: {  	_ =	shalt  }
0x79: {  	_ =	shalt  }
0x7a: {  	_ =	shalt  }
0x7b: {  	_ =	shalt  }
0x7c: {  	_ =	shalt  }
0x7d: {  	_ =	shalt  }
0x7e: {  	_ =	shalt  }
0x7f: {  	_ =	shalt  }
0x80: {  	_ =	shalt  }
0x81: {  	_ =	shalt  }
0x82: {  	_ =	shalt  }
0x83: {  	_ =	shalt  }
0x84: {  	_ =	shalt  }
0x85: {  	_ =	shalt  }
0x86: {  	_ =	shalt  }
0x87: {  	_ =	shalt  }
.Lfunc_end0:
.L_simem_size_0:
called_computation.2_lowered:
.L_overlay_start_0:
0x88: {  	s2 =	sld [smem:$0x3FD9]  }
0x89: {  	s3 =	sld [smem:$0x3FFE];
	_ =	sdelay $0x1  }
0x8a: {  	s1 =	srdreg.scid  }
0x8b: {  	s0 =	sand.u32 $0x1, s1  }
0x8c: {  	s16 =	sshll.u32 s0, $0xA;
	s2 =	sadd.s32 s3, s2  }
0x8d: {  	s2 =	sadd.s32 s2, s16  }
0x8e: {  	[smem:$0x3FB8] =	sst s2  }
0x8f: {  	_ = 	snop  }
0x90: {  	(tm) =	ssettm $0x1  }
0x91: {  	s17 =	sld [smem:$0x3FFB];
	_ =	sdelay $0x3  }
0x92: {  	_ =	strace s17  }
0x93: {  	s2 =	sld [smem:$0x3FFC];
	_ =	sdelay $0x3  }
0x94: {  	_ =	strace s2  }
0x95: {  	s2 =	sld [smem:$0x3FFD];
	_ =	sdelay $0x3  }
0x96: {  	_ =	strace s2  }
0x97: {  	_ =	strace $0x8FFFFFFF  }
0x98: {  	s18 =	sld [smem:$0x3FDB];
	_ =	sdelay $0x1  }
0x99: {  	s19 =	simm.s32 $_scs_section_size  }
0x9a: {  	s4 =	simm.s32 $_size__tile_overlayer_lowered;
	s5 =	simm.s32 $_tile_overlayer_lowered  }
0x9b: {  	s22 =	simm.s32 $0x1BFF;
	s21 =	sshll.u32 s5, $0x1;
	s2 =	sadd.s32 s19, s18  }
0x9c: {  	s6 =	simm.s32 $0x0;
	s20 =	sshll.u32 s4, $0x1;
	s4 =	sadd.s32 s21, s2  }
0x9d: {  	[timem:s6], [sflag:s22] =	dma.local [hbm:s4], s20  }
0x9e: {  	_ =	swait.ge [sflag:s22], s20  }
0x9f: {  	s3 =	ssub.s32 $0x0, s20;
	[sflag:s22] =	ssyncset.done $0x0  }
0xa0: {  	[sflag:s22] =	ssyncadd.s32 s3;
	_ =	sdelay $0x1  }
0xa1: {  	s23 =	simm.s32 $0x1B8B  }
0xa2: {  	_ =	swait.ge [sflag:s23], $0x1  }
0xa3: {  	[sflag:s23] =	ssyncset.done $0x0  }
0xa4: {  	s25 =	simm.s32 $0x1B8E;
	s24 =	sld [smem:$0x3FFE];
	[sflag:s23] =	ssyncadd.s32 $0xFFFFFFFF  }
0xa5: {  	s26 =	simm.s32 $execute0_lowered;
	[smem:$0x3FD2] =	sst s25  }
0xa6: {  	s4 =	sshll.u32 s26, $0x1;
	_ =	strace $0x8000004C;
	[dreg:$0x1] =	wrdreg $0xFFFFFFFF  }
0xa7: {  	s28 =	simm.s32 $_size_execute0_lowered;
	s2 =	sadd.s32 s2, s4;
	[dreg:$0x0] =	wrdreg $0x0  }
0xa8: {  	s4 =	sshll.u32 s28, $0x1;
	[dreg:$0x2] =	wrdreg s2  }
0xa9: {  	[dreg:$0x3] =	wrdreg s4  }
0xaa: {  	[dreg:$0x4] =	wrdreg $0xC0  }
0xab: {  	_ =	task [dreg:s6], $0x5FFFF  }
0xac: {  	[dreg:$0x1] =	wrdreg $0xFFFFFFFF  }
0xad: {  	[dreg:$0x0] =	wrdreg $0x60  }
0xae: {  	[dreg:$0x2] =	wrdreg s24  }
0xaf: {  	[dreg:$0x3] =	wrdreg $0xB0000  }
0xb0: {  	[dreg:$0x4] =	wrdreg $0x9  }
0xb1: {  	_ =	task.clear_ibuf [dreg:s6], $0x5FFFF;
	_ =	strace $0x9000004C  }
0xb2: {  	s29 =	simm.s32 $0x9;
	_ =	strace $0x8000004E  }
0xb3: {  	_ =	swait.ge [sflag:s29], $0x1  }
0xb4: {  	[sflag:s29] =	ssyncadd.s32 $0xFFFFFFFF  }
0xb5: {  	_ =	strace $0x9000004E  }
0xb6: {  	_ =	sfence  }
0xb7: {  	s30 =	sld [smem:$0x0];
	_ =	sdelay $0x2  }
0xb8: {  	s31 =	sshll.u32 s1, $0xD;
	s1 =	sshrl.u32 s1, $0x2  }
0xb9: {  	s3 =	sand.u32 $0x4000, s31;
	s1 =	sadd.s32 s1, s30  }
0xba: {  	s0 =	sor.u32 s3, s0;
	s1 =	sshll.u32 s1, $0x11  }
0xbb: {  	s0 =	sor.u32 s1, s0  }
0xbc: {  	s0 =	sadd.s32 $0x8F2B, s0  }
0xbd: {  	[sflag:s0] =	ssyncadd.remote.s32 $0x1  }
0xbe: {  	_ =	sfence.sel $0xFFFF  }
0xbf: {  	[dreg:$0x0] =	wrdreg $0xFFFFFFFF;
	(pc) =	sbr.abs _section_cstart, $3  }
0xc0: {  	[dreg:$0x1] =	wrdreg $0xFFFFFFFF  }
0xc1: {  	_ =	task.clear_ibuf [dreg:s6], $0x2FFFF;
	_ =	strace $0x9FFFFFFF  }
0xc2: {  	(tm) =	ssettm $0x7FFFFFFF  }
0xc3: {  	_ =	shalt  }
tec
execute0_lowered:
.L_overlay_start_1:
0x0: {  	(tag) =	ssettag $0x1  }
0x1: {  	s5 =	rddreg [dreg:$0x0]  }
0x2: {  	s2 =	rddreg [dreg:$0x1]  }
0x3: {  	s0 =	rddreg [dreg:$0x2];
	s1 =	stileid.u32;
	s3 =	simm.s32 $0x0  }
0x4: {  	s4 =	srdreg.scid;
	s14 =	simm.s32 $0x9000;
	s15 =	simm.s32 $0x3  }
0x5: {  	s16 =	simm.s32 $0x2800;
	s17 =	simm.s32 $0x80;
	s18 =	simm.s32 $0x5000  }
0x6: {  	s19 =	simm.s32 $0x7000;
	s20 =	simm.s32 $0x1;
	s21 =	simm.s32 $0x2  }
0x7: {  	s22 =	simm.s32 $0x2780;
	s23 =	simm.s32 $0x4F00;
	s6 =	smul.u32 $0x2800, s1  }
0x8: {  	s24 =	simm.s32 $0x4F80;
	s7 =	sand.u32 $0x1, s4;
	s8 =	smul.u32 $0x9E00, s1  }
0x9: {  	[smem:$0x7FF] =	sst s3;
	s10 =	smul.u32 $0x27800, s1;
	p0 =	seq.s32 s7, $0x0  }
0xa: {  	s29 =	smul.u32 $0x9E000, s7;
	_ =	strace $0x8000004D;
	s7 =	ssub.s32 $0x2, s7  }
0xb: {  	s4 =	sadd.s32 $0x28000, s6;
	s30 =	sshrl.u32 s10, $0x2;
	s31 =	sshrl.u32 s7, $0x1  }
0xc: {  	s4 =	smov.u32 @p0 s6;
	s6 =	sadd.s32 s8, s29;
	s13 =	ssub.s32 s7, s31  }
0xd: {  	s9 =	sshrl.u32 s4, $0x3;
	s4 =	sadd.s32 $0x4E00, s5;
	s6 =	sshrl.u32 s6, $0x3  }
0xe: {  	s13 =	smax.u32 s13, $0x1;
	s11 =	sadd.s32 s9, s5;
	s9 =	sadd.s32 s30, s2  }
0xf: {  	s12 =	sadd.s32 s6, s5;
	s5 =	sadd.s32 s8, s2;
	s6 =	sadd.s32 $0x2000, s9  }
0x10: {  	s7 =	sadd.s32 $0x4000, s9;
	s8 =	sadd.s32 $0x6000, s9;
	s9 =	sadd.s32 $0x8000, s9  }
0x11: {  	v0 =	vimm.f32 $0.0e+00;
	s10 =	sadd.s32 $0x23000, s11;
	s11 =	sadd.s32 $0x18A00, s11;
	s12 =	sadd.s32 $0x7C600, s12  }
.LBB2_1:
0x12: {  	s26 =	simm.s32 $0x100;
	s25 =	simm.s32 $0x0  }
.LBB2_2:
0x13: {  	p0 =	sne.s32 s26, $0x7F00;
	[tilespmem:s25+$0x9030] =	vst v0;
	s28 =	smov.u32 s26;
	s26 =	sadd.s32 $0x100, s26  }
.Ltmp0:
0x14: {  	[tilespmem:s25+$0x9020] =	vst v0;
	(pc) =	sbr.rel @p0 .LBB2_2-.Ltmp0, $3  }
0x15: {  	[tilespmem:s25+$0x9000] =	vst v0  }
0x16: {  	[tilespmem:s25+$0x9010] =	vst v0;
	_ =	sdelay $0x1  }
0x17: {  	s25 =	sshra.s32 s28, $0x2  }
0x18: {  	[tilespmem:s25+$0x9030] =	vst v0  }
0x19: {  	[tilespmem:s25+$0x9020] =	vst v0  }
0x1a: {  	[tilespmem:s25+$0x9000] =	vst v0  }
0x1b: {  	[tilespmem:s25+$0x9010] =	vst v0  }
0x1c: {  	[spmem:s5] =	stream.linear.scatter [tilespmem:s14], [sflag:$0x3], $0x2000, $0x38;
	[tilespmem:$0x14E00] =	vst v63  }
0x1d: {  	_ =	swait.ge [sflag:s15], $0x2000  }
0x1e: {  	[sflag:s15] =	ssyncset.done $0x0  }
0x1f: {  	[sflag:s15] =	ssyncadd.s32 $0xFFFFE000  }
0x20: {  	[spmem:s6] =	stream.linear.scatter [tilespmem:s14], [sflag:$0x3], $0x2000, $0x38;
	[tilespmem:$0x14E00] =	vst v63  }
0x21: {  	_ =	swait.ge [sflag:s15], $0x2000  }
0x22: {  	[sflag:s15] =	ssyncset.done $0x0  }
0x23: {  	[sflag:s15] =	ssyncadd.s32 $0xFFFFE000  }
0x24: {  	[spmem:s7] =	stream.linear.scatter [tilespmem:s14], [sflag:$0x3], $0x2000, $0x38;
	[tilespmem:$0x14E00] =	vst v63  }
0x25: {  	_ =	swait.ge [sflag:s15], $0x2000  }
0x26: {  	[sflag:s15] =	ssyncset.done $0x0  }
0x27: {  	[sflag:s15] =	ssyncadd.s32 $0xFFFFE000  }
0x28: {  	[spmem:s8] =	stream.linear.scatter [tilespmem:s14], [sflag:$0x3], $0x2000, $0x38;
	[tilespmem:$0x14E00] =	vst v63  }
0x29: {  	_ =	swait.ge [sflag:s15], $0x2000  }
0x2a: {  	[sflag:s15] =	ssyncset.done $0x0  }
0x2b: {  	[sflag:s15] =	ssyncadd.s32 $0xFFFFE000  }
0x2c: {  	[spmem:s9] =	stream.linear.scatter [tilespmem:s14], [sflag:$0x3], $0x1E00, $0x38;
	[tilespmem:$0x14E00] =	vst v63  }
0x2d: {  	_ =	swait.ge [sflag:s15], $0x1E00  }
0x2e: {  	[sflag:s15] =	ssyncset.done $0x0  }
0x2f: {  	[sflag:s15] =	ssyncadd.s32 $0xFFFFE200  }
0x30: {  	s26 =	simm.s32 $0x0;
	[bflag:$0x0] =	sbarrier.arrive $0xFFFF  }
0x31: {  	[tilespmem:s26], [sflag:$0x3] =	stream.linear.gather [hbm4b:s10+s26], $0x2800, $0x38;
	[tilespmem:$0x14E00] =	vst v63  }
0x32: {  	_ =	swait.ge [sflag:s15], $0x2800  }
0x33: {  	[sflag:s15] =	ssyncset.done $0x0  }
0x34: {  	[sflag:s15] =	ssyncadd.s32 $0xFFFFD800  }
0x35: {  	[tilespmem:s16], [sflag:$0x3] =	stream.linear.gather [hbm4b:s11+s26], $0x2800, $0x38;
	[tilespmem:$0x14E00] =	vst v63  }
0x36: {  	_ =	swait.ge [sflag:s15], $0x2800  }
0x37: {  	[sflag:s15] =	ssyncset.done $0x0  }
0x38: {  	[sflag:s15] =	ssyncadd.s32 $0xFFFFD800  }
0x39: {  	[tilespmem:s18], [sflag:$0x1] =	stream.indirect.gather [hbm4b:s4+s17], $0x40, s26, s17, $0xb8;
	[tilespmem:$0x14E00] =	vst v63  }
0x3a: {  	s28 =	simm.s32 $0x80  }
0x3b: {  	[tilespmem:s19], [sflag:$0x2] =	stream.indirect.gather [hbm4b:s4+s17], $0x40, s28, s17, $0xb8;
	[tilespmem:$0x14E00] =	vst v63  }
0x3c: {  	_ =	swait.ge [sflag:s20], $0x2000  }
0x3d: {  	[sflag:s20] =	ssyncset.done $0x0  }
0x3e: {  	s29 =	simm.s32 $0x2800;
	[sflag:s20] =	ssyncadd.s32 $0xFFFFE000  }
0x3f: {  	[spmem:s2] =	stream.indirect.scatter.add.f32 [tilespmem:s18], [sflag:$0x3], $0x40, s29, s17, $0xb8;
	[tilespmem:$0x14E00] =	vst v63  }
0x40: {  	_ =	swait.ge [sflag:s15], $0x2000  }
0x41: {  	[sflag:s15] =	ssyncset.done $0x0  }
0x42: {  	s30 =	simm.s32 $0x100;
	[sflag:s15] =	ssyncadd.s32 $0xFFFFE000  }
0x43: {  	[tilespmem:s18], [sflag:$0x1] =	stream.indirect.gather [hbm4b:s4+s17], $0x40, s30, s17, $0xb8;
	[tilespmem:$0x14E00] =	vst v63  }
0x44: {  	_ =	swait.ge [sflag:s21], $0x2000  }
0x45: {  	[sflag:s21] =	ssyncset.done $0x0  }
0x46: {  	s31 =	simm.s32 $0x2880;
	[sflag:s21] =	ssyncadd.s32 $0xFFFFE000  }
0x47: {  	[spmem:s2] =	stream.indirect.scatter.add.f32 [tilespmem:s19], [sflag:$0x3], $0x40, s31, s17, $0xb8;
	[tilespmem:$0x14E00] =	vst v63  }
0x48: {  	_ =	swait.ge [sflag:s15], $0x2000  }
0x49: {  	s25 =	simm.s32 $0x100;
	s26 =	simm.s32 $0x800;
	[sflag:s15] =	ssyncset.done $0x0  }
.LBB2_4:
0x4a: {  	s28 =	sadd.s32 $0x80, s25  }
0x4b: {  	[sflag:s15] =	ssyncadd.s32 $0xFFFFE000;
	s29 =	smov.u32 s26;
	s30 =	sadd.s32 $0x400, s26  }
0x4c: {  	[tilespmem:s19], [sflag:$0x2] =	stream.indirect.gather [hbm4b:s4+s17], $0x40, s28, s17, $0xb8;
	[tilespmem:$0x14E00] =	vst v63  }
0x4d: {  	p0 =	sne.s32 s26, $0x9800;
	_ =	swait.ge [sflag:s20], $0x2000  }
0x4e: {  	[sflag:s20] =	ssyncset.done $0x0  }
0x4f: {  	s26 =	sadd.s32 $0x2800, s25;
	[sflag:s20] =	ssyncadd.s32 $0xFFFFE000  }
0x50: {  	[spmem:s2] =	stream.indirect.scatter.add.f32 [tilespmem:s18], [sflag:$0x3], $0x40, s26, s17, $0xb8;
	[tilespmem:$0x14E00] =	vst v63  }
0x51: {  	_ =	swait.ge [sflag:s15], $0x2000  }
0x52: {  	[sflag:s15] =	ssyncset.done $0x0  }
0x53: {  	s26 =	sadd.s32 $0x100, s25;
	[sflag:s15] =	ssyncadd.s32 $0xFFFFE000  }
0x54: {  	[tilespmem:s18], [sflag:$0x1] =	stream.indirect.gather [hbm4b:s4+s17], $0x40, s26, s17, $0xb8;
	[tilespmem:$0x14E00] =	vst v63  }
0x55: {  	_ =	swait.ge [sflag:s21], $0x2000  }
.Ltmp1:
0x56: {  	[sflag:s21] =	ssyncset.done $0x0;
	(pc) =	sbr.rel @p0 .LBB2_4-.Ltmp1, $4  }
0x57: {  	s25 =	sadd.s32 $0x2880, s25;
	[sflag:s21] =	ssyncadd.s32 $0xFFFFE000  }
0x58: {  	[spmem:s2] =	stream.indirect.scatter.add.f32 [tilespmem:s19], [sflag:$0x3], $0x40, s25, s17, $0xb8;
	[tilespmem:$0x14E00] =	vst v63  }
0x59: {  	_ =	swait.ge [sflag:s15], $0x2000  }
0x5a: {  	s26 =	smov.u32 s30;
	s25 =	sshra.s32 s29, $0x2;
	[sflag:s15] =	ssyncset.done $0x0  }
0x5b: {  	s26 =	sadd.s32 $0x80, s25;
	[sflag:s15] =	ssyncadd.s32 $0xFFFFE000  }
0x5c: {  	[tilespmem:s19], [sflag:$0x2] =	stream.indirect.gather [hbm4b:s4+s17], $0x40, s26, s17, $0xb8;
	[tilespmem:$0x14E00] =	vst v63  }
0x5d: {  	_ =	swait.ge [sflag:s20], $0x2000  }
0x5e: {  	[sflag:s20] =	ssyncset.done $0x0  }
0x5f: {  	s31 =	sadd.s32 $0x2800, s25;
	[sflag:s20] =	ssyncadd.s32 $0xFFFFE000  }
0x60: {  	[spmem:s2] =	stream.indirect.scatter.add.f32 [tilespmem:s18], [sflag:$0x3], $0x40, s31, s17, $0xb8;
	[tilespmem:$0x14E00] =	vst v63  }
0x61: {  	_ =	swait.ge [sflag:s15], $0x2000  }
0x62: {  	[sflag:s15] =	ssyncset.done $0x0  }
0x63: {  	s28 =	sadd.s32 $0x100, s25;
	[sflag:s15] =	ssyncadd.s32 $0xFFFFE000  }
0x64: {  	[tilespmem:s18], [sflag:$0x1] =	stream.indirect.gather [hbm4b:s4+s17], $0x40, s28, s17, $0xb8;
	[tilespmem:$0x14E00] =	vst v63  }
0x65: {  	_ =	swait.ge [sflag:s21], $0x2000  }
0x66: {  	[sflag:s21] =	ssyncset.done $0x0  }
0x67: {  	s29 =	sadd.s32 $0x2880, s25;
	[sflag:s21] =	ssyncadd.s32 $0xFFFFE000  }
0x68: {  	[spmem:s2] =	stream.indirect.scatter.add.f32 [tilespmem:s19], [sflag:$0x3], $0x40, s29, s17, $0xb8;
	[tilespmem:$0x14E00] =	vst v63  }
0x69: {  	_ =	swait.ge [sflag:s15], $0x2000  }
0x6a: {  	[sflag:s15] =	ssyncset.done $0x0  }
0x6b: {  	[sflag:s15] =	ssyncadd.s32 $0xFFFFE000  }
0x6c: {  	[tilespmem:s19], [sflag:$0x2] =	stream.indirect.gather [hbm4b:s4+s17], $0x40, s22, s17, $0xb8;
	[tilespmem:$0x14E00] =	vst v63  }
0x6d: {  	_ =	swait.ge [sflag:s20], $0x2000  }
0x6e: {  	[sflag:s20] =	ssyncset.done $0x0  }
0x6f: {  	[sflag:s20] =	ssyncadd.s32 $0xFFFFE000  }
0x70: {  	[spmem:s2] =	stream.indirect.scatter.add.f32 [tilespmem:s18], [sflag:$0x3], $0x40, s23, s17, $0xb8;
	[tilespmem:$0x14E00] =	vst v63  }
0x71: {  	_ =	swait.ge [sflag:s15], $0x2000  }
0x72: {  	[sflag:s15] =	ssyncset.done $0x0  }
0x73: {  	[sflag:s15] =	ssyncadd.s32 $0xFFFFE000  }
0x74: {  	[tilespmem:s18], [sflag:$0x1] =	stream.indirect.gather [hbm4b:s4+s17], $0x40, s22, s17, $0xb8;
	[tilespmem:$0x14E00] =	vst v63  }
0x75: {  	_ =	swait.ge [sflag:s21], $0x2000  }
0x76: {  	[sflag:s21] =	ssyncset.done $0x0  }
0x77: {  	[sflag:s21] =	ssyncadd.s32 $0xFFFFE000  }
0x78: {  	[spmem:s2] =	stream.indirect.scatter.add.f32 [tilespmem:s19], [sflag:$0x3], $0x40, s24, s17, $0xb8;
	[tilespmem:$0x14E00] =	vst v63  }
0x79: {  	_ =	swait.ge [sflag:s15], $0x2000  }
0x7a: {  	[sflag:s15] =	ssyncset.done $0x0  }
0x7b: {  	[sflag:s15] =	ssyncadd.s32 $0xFFFFE000  }
0x7c: {  	_ =	swait.ge [sflag:s20], $0x2000  }
0x7d: {  	s30 =	sshll.u32 s1, $0x6;
	s3 =	sadd.s32 $0x1, s3;
	[sflag:s20] =	ssyncset.done $0x0  }
0x7e: {  	s25 =	sor.u32 $0x1C03, s30;
	p0 =	sne.s32 s3, s13;
	[sflag:s20] =	ssyncadd.s32 $0xFFFFE000  }
.Ltmp2:
0x7f: {  	s31 =	sshrl.u32 s5, $0x3;
	[bflag:$0x0] =	sbarrier.arrive $0xFFFF;
	(pc) =	sbr.rel @p0 .LBB2_1-.Ltmp2, $4  }
0x80: {  	[hbm:s12], [sflag:s25] =	dma.local [spmem:s31], $0x13C0  }
0x81: {  	_ =	swait.ge [sflag:s15], $0x13C0  }
0x82: {  	[sflag:s15] =	ssyncset.done $0x0  }
0x83: {  	[sflag:s15] =	ssyncadd.s32 $0xFFFFEC40  }
0x84: {  	_ =	sfence.sel $0x180000  }
0x85: {  	[bflag:$0x0] =	sbarrier.arrive $0xFFFF  }
0x86: {  	p0 =	sne.s32 s1, $0x0;
	_ =	strace $0x9000004D  }
0x87: {  	s0 =	sadd.s32 @!p0 $0x100000, s0;
	[bflag:$0x2] =	sbarrier.arrive $0xFFFF  }
0x88: {  	[sflag:s0] =	ssyncadd.tile.s32 @!p0 $0x1;
	_ =	shalt  }
.Lfunc_end2:
_tile_overlayer_lowered:
.L_overlay_start_2:
0x89: {  	(tag) =	ssettag $0x2  }
0x8a: {  	s0 =	rddreg [dreg:$0x0];
	s2 =	stileid.u32  }
0x8b: {  	s1 =	rddreg [dreg:$0x1];
	p0 =	sne.s32 s2, $0x0  }
0x8c: {  	s3 =	rddreg [dreg:$0x2];
	[bflag:$0x3] =	sbarrier.arrive $0xFFFF;
	s2 =	simm.s32 @!p0 $0x1C03  }
0x8d: {  	[timem:s3], [sflag:s2] =	dma.local @!p0 [hbm:s0], s1  }
0x8e: {  	s0 =	simm.s32 @!p0 $0x3  }
0x8f: {  	_ =	swait.ge @!p0 [sflag:s0], s1  }
0x90: {  	s1 =	ssub.s32 @!p0 $0x0, s1;
	[sflag:s0] =	ssyncset.done @!p0 $0x0  }
0x91: {  	[sflag:s0] =	ssyncadd.s32 @!p0 s1  }
0x92: {  	[bflag:$0x3] =	sbarrier.arrive $0xFFFF  }
0x93: {  	_ =	shalt  }

// kernel: kernel.23.cloned.1.call-start
scs
__scs_entry_jumppad:
0x0: {  	(pc) =	sbr.rel $0x88, $3  }
0x1: {  	(tag) =	ssettag $0x0;
	lr =	simm.s32 $0x1  }
0x2: {  	[smem:$0x3F91] =	sst lr;
	_ =	strace $0xD0000000  }
0x3: {  	_ = 	snop  }
0x4: {  	_ = 	snop  }
0x5: {  	_ = 	snop  }
0x6: {  	_ = 	snop  }
0x7: {  	_ = 	snop  }
__scs_overlays_trampoline_lowered:
0x8: {  	[smem:$0x3FA0] =	sst s0  }
0x9: {  	[smem:$0x3FA1] =	sst s1  }
0xa: {  	[smem:$0x3FA2] =	sst s2  }
0xb: {  	[smem:$0x3FA3] =	sst s3  }
0xc: {  	[smem:$0x3FA4] =	sst s4  }
0xd: {  	[smem:$0x3FA5] =	sst s5  }
0xe: {  	[smem:$0x3FA6] =	sst s6  }
0xf: {  	[smem:$0x3FA7] =	sst s7  }
0x10: {  	[smem:$0x3FA8] =	sst s8  }
0x11: {  	[smem:$0x3FA9] =	sst s9;
	s0 =	simm.s32 @!p0 $0x0  }
0x12: {  	s1 =	sld [smem:$0x3F8F];
	s0 =	simm.s32 @p0 $0x1  }
0x13: {  	[smem:$0x3FAA] =	sst s0;
	s0 =	simm.s32 @!p1 $0x0  }
0x14: {  	s2 =	sld [smem:$0x3F8E];
	s0 =	simm.s32 @p1 $0x1  }
0x15: {  	[smem:$0x3FAB] =	sst s0;
	s0 =	simm.s32 @!p2 $0x0  }
0x16: {  	s3 =	sld [smem:$0x3FDB];
	s0 =	simm.s32 @p2 $0x1  }
0x17: {  	s4 =	simm.s32 $0x1BF5;
	[smem:$0x3FAD] =	sst s0  }
0x18: {  	s0 =	sld [smem:$0x3F90];
	_ =	swait.ge [sflag:s4], $0x0  }
0x19: {  	s7 =	sld [smem:$0x3F91]  }
0x1a: {  	s8 =	sadd.s32 $0xFFFFE003, lr  }
0x1b: {  	s9 =	sadd.s32 $0xFFFFFEF7, lr;
	s5 =	simm.s32 $0xFFFFFFFF;
	p2 =	slt.u32 s8, $0xFFFFF086  }
0x1c: {  	p1 =	slt.u32 s9, $0xF7A;
	s5 =	simm.s32 @!p2 $0x0  }
0x1d: {  	s5 =	simm.s32 @p1 $0x1;
	p0 =	seq.s32 s7, s2  }
0x1e: {  	s7 =	smul.u32 @!p0 $0xF7A, s2;
	p2 =	seq.s32 @!p0 s5, $0x0  }
0x1f: {  	s9 =	smul.u32 $0xF7A, s1;
	s8 =	simm.s32 @!p0 $0x1BF5;
	p2 =	por !p2, p0  }
0x20: {  	[sflag:s8] =	ssyncset.s32 @!p0 $0xFFFFF086;
	s6 =	sadd.s32 @!p0 s3, s7;
	s7 =	simm.s32 @!p0 $0x108  }
0x21: {  	s3 =	sadd.s32 s3, s9;
	s6 =	sadd.s32 @!p0 $0x88, s6;
	s7 =	simm.s32 @p2 $0x1082  }
0x22: {  	[simem:s7], [sflag:s8] =	dma.local @!p0 [hbm:s6], $0xF7A  }
0x23: {  	s9 =	sor.u32 $0xD0000000, s2;
	s6 =	simm.s32 $0x108;
	_ =	swait.ge @!p0 [sflag:s8], $0x0  }
0x24: {  	s3 =	sadd.s32 $0x88, s3;
	s6 =	simm.s32 @!p1 $0x1082;
	[sflag:s4] =	ssyncset.s32 $0xFFFFF086  }
0x25: {  	[simem:s6], [sflag:s4] =	dma.local [hbm:s3], $0xF7A  }
0x26: {  	[smem:$0x3F91] =	sst s1;
	(tag) =	ssettag s2;
	_ =	strace s9  }
0x27: {  	s1 =	sld [smem:$0x3FA1]  }
0x28: {  	s2 =	sld [smem:$0x3FA2]  }
0x29: {  	s4 =	sld [smem:$0x3FA4]  }
0x2a: {  	p0 =	seq.s32 s5, $0x0;
	s5 =	sld [smem:$0x3FA5]  }
0x2b: {  	s6 =	sld [smem:$0x3FA6]  }
0x2c: {  	s7 =	sld [smem:$0x3FA7]  }
0x2d: {  	s3 =	simm.s32 $0x108;
	s8 =	sld [smem:$0x3FA8]  }
0x2e: {  	s3 =	simm.s32 @!p0 $0x1082;
	s9 =	sld [smem:$0x3FA9]  }
0x2f: {  	lr =	sadd.s32 s0, s3;
	s0 =	sld [smem:$0x3FA0]  }
0x30: {  	s3 =	sld [smem:$0x3FA3]  }
0x31: {  	[smem:$0x3FAC] =	sst s10  }
0x32: {  	s10 =	sld [smem:$0x3FAA];
	_ =	sdelay $0x3  }
0x33: {  	p0 =	seq.s32 s10, $0x1;
	s10 =	sld [smem:$0x3FAC];
	_ =	sdelay $0x3  }
0x34: {  	[smem:$0x3FAC] =	sst s10  }
0x35: {  	s10 =	sld [smem:$0x3FAB];
	_ =	sdelay $0x3  }
0x36: {  	p1 =	seq.s32 s10, $0x1;
	s10 =	sld [smem:$0x3FAC];
	_ =	sdelay $0x3  }
0x37: {  	[smem:$0x3FAC] =	sst s10  }
0x38: {  	s10 =	sld [smem:$0x3FAD]  }
0x39: {  	_ = 	snop;
	(pc) =	sbr.ind lr, $3  }
0x3a: {  	_ = 	snop  }
0x3b: {  	_ = 	snop  }
0x3c: {  	p2 =	seq.s32 s10, $0x1;
	s10 =	sld [smem:$0x3FAC]  }
0x3d: {  	_ =	shalt  }
0x3e: {  	_ =	shalt  }
0x3f: {  	_ =	shalt  }
0x40: {  	_ =	shalt  }
0x41: {  	_ =	shalt  }
0x42: {  	_ =	shalt  }
0x43: {  	_ =	shalt  }
0x44: {  	_ =	shalt  }
0x45: {  	_ =	shalt  }
0x46: {  	_ =	shalt  }
0x47: {  	_ =	shalt  }
0x48: {  	_ =	shalt  }
0x49: {  	_ =	shalt  }
0x4a: {  	_ =	shalt  }
0x4b: {  	_ =	shalt  }
0x4c: {  	_ =	shalt  }
0x4d: {  	_ =	shalt  }
0x4e: {  	_ =	shalt  }
0x4f: {  	_ =	shalt  }
0x50: {  	_ =	shalt  }
0x51: {  	_ =	shalt  }
0x52: {  	_ =	shalt  }
0x53: {  	_ =	shalt  }
0x54: {  	_ =	shalt  }
0x55: {  	_ =	shalt  }
0x56: {  	_ =	shalt  }
0x57: {  	_ =	shalt  }
0x58: {  	_ =	shalt  }
0x59: {  	_ =	shalt  }
0x5a: {  	_ =	shalt  }
0x5b: {  	_ =	shalt  }
0x5c: {  	_ =	shalt  }
0x5d: {  	_ =	shalt  }
0x5e: {  	_ =	shalt  }
0x5f: {  	_ =	shalt  }
0x60: {  	_ =	shalt  }
0x61: {  	_ =	shalt  }
0x62: {  	_ =	shalt  }
0x63: {  	_ =	shalt  }
0x64: {  	_ =	shalt  }
0x65: {  	_ =	shalt  }
0x66: {  	_ =	shalt  }
0x67: {  	_ =	shalt  }
0x68: {  	_ =	shalt  }
0x69: {  	_ =	shalt  }
0x6a: {  	_ =	shalt  }
0x6b: {  	_ =	shalt  }
0x6c: {  	_ =	shalt  }
0x6d: {  	_ =	shalt  }
0x6e: {  	_ =	shalt  }
0x6f: {  	_ =	shalt  }
0x70: {  	_ =	shalt  }
0x71: {  	_ =	shalt  }
0x72: {  	_ =	shalt  }
0x73: {  	_ =	shalt  }
0x74: {  	_ =	shalt  }
0x75: {  	_ =	shalt  }
0x76: {  	_ =	shalt  }
0x77: {  	_ =	shalt  }
0x78: {  	_ =	shalt  }
0x79: {  	_ =	shalt  }
0x7a: {  	_ =	shalt  }
0x7b: {  	_ =	shalt  }
0x7c: {  	_ =	shalt  }
0x7d: {  	_ =	shalt  }
0x7e: {  	_ =	shalt  }
0x7f: {  	_ =	shalt  }
0x80: {  	_ =	shalt  }
0x81: {  	_ =	shalt  }
0x82: {  	_ =	shalt  }
0x83: {  	_ =	shalt  }
0x84: {  	_ =	shalt  }
0x85: {  	_ =	shalt  }
0x86: {  	_ =	shalt  }
0x87: {  	_ =	shalt  }
.Lfunc_end0:
.L_simem_size_0:
called_computation.3_lowered:
.L_overlay_start_0:
0x88: {  	s2 =	sld [smem:$0x3FD9]  }
0x89: {  	s3 =	sld [smem:$0x3FFE];
	_ =	sdelay $0x1  }
0x8a: {  	s1 =	srdreg.scid  }
0x8b: {  	s0 =	sand.u32 $0x1, s1  }
0x8c: {  	s16 =	sshll.u32 s0, $0xA;
	s2 =	sadd.s32 s3, s2  }
0x8d: {  	s2 =	sadd.s32 s2, s16  }
0x8e: {  	[smem:$0x3FB8] =	sst s2  }
0x8f: {  	_ = 	snop  }
0x90: {  	(tm) =	ssettm $0x1  }
0x91: {  	s17 =	sld [smem:$0x3FFB];
	_ =	sdelay $0x3  }
0x92: {  	_ =	strace s17  }
0x93: {  	s2 =	sld [smem:$0x3FFC];
	_ =	sdelay $0x3  }
0x94: {  	_ =	strace s2  }
0x95: {  	s2 =	sld [smem:$0x3FFD];
	_ =	sdelay $0x3  }
0x96: {  	_ =	strace s2  }
0x97: {  	_ =	strace $0x8FFFFFFF  }
0x98: {  	s18 =	sld [smem:$0x3FDB];
	_ =	sdelay $0x1  }
0x99: {  	s19 =	simm.s32 $_scs_section_size  }
0x9a: {  	s4 =	simm.s32 $_size__tile_overlayer_lowered;
	s5 =	simm.s32 $_tile_overlayer_lowered  }
0x9b: {  	s22 =	simm.s32 $0x1BFF;
	s21 =	sshll.u32 s5, $0x1;
	s2 =	sadd.s32 s19, s18  }
0x9c: {  	s6 =	simm.s32 $0x0;
	s20 =	sshll.u32 s4, $0x1;
	s4 =	sadd.s32 s21, s2  }
0x9d: {  	[timem:s6], [sflag:s22] =	dma.local [hbm:s4], s20  }
0x9e: {  	_ =	swait.ge [sflag:s22], s20  }
0x9f: {  	s3 =	ssub.s32 $0x0, s20;
	[sflag:s22] =	ssyncset.done $0x0  }
0xa0: {  	[sflag:s22] =	ssyncadd.s32 s3;
	_ =	sdelay $0x1  }
0xa1: {  	s23 =	simm.s32 $0x1B8B  }
0xa2: {  	_ =	swait.ge [sflag:s23], $0x1  }
0xa3: {  	[sflag:s23] =	ssyncset.done $0x0  }
0xa4: {  	s25 =	simm.s32 $0x1B8E;
	s24 =	sld [smem:$0x3FFE];
	[sflag:s23] =	ssyncadd.s32 $0xFFFFFFFF  }
0xa5: {  	s26 =	simm.s32 $execute0_lowered;
	[smem:$0x3FD2] =	sst s25  }
0xa6: {  	s4 =	sshll.u32 s26, $0x1;
	_ =	strace $0x8000004F;
	[dreg:$0x1] =	wrdreg $0xFFFFFFFF  }
0xa7: {  	s28 =	simm.s32 $_size_execute0_lowered;
	s2 =	sadd.s32 s2, s4;
	[dreg:$0x0] =	wrdreg $0x0  }
0xa8: {  	s4 =	sshll.u32 s28, $0x1;
	[dreg:$0x2] =	wrdreg s2  }
0xa9: {  	[dreg:$0x3] =	wrdreg s4  }
0xaa: {  	[dreg:$0x4] =	wrdreg $0xC0  }
0xab: {  	_ =	task [dreg:s6], $0x5FFFF  }
0xac: {  	[dreg:$0x1] =	wrdreg $0xFFFFFFFF  }
0xad: {  	[dreg:$0x0] =	wrdreg $0x60  }
0xae: {  	[dreg:$0x2] =	wrdreg s24  }
0xaf: {  	[dreg:$0x3] =	wrdreg $0xB0000  }
0xb0: {  	[dreg:$0x4] =	wrdreg $0x9  }
0xb1: {  	_ =	task.clear_ibuf [dreg:s6], $0x5FFFF;
	_ =	strace $0x9000004F  }
0xb2: {  	s29 =	simm.s32 $0x9;
	_ =	strace $0x80000051  }
0xb3: {  	_ =	swait.ge [sflag:s29], $0x1  }
0xb4: {  	[sflag:s29] =	ssyncadd.s32 $0xFFFFFFFF  }
0xb5: {  	_ =	strace $0x90000051  }
0xb6: {  	_ =	sfence  }
0xb7: {  	s30 =	sld [smem:$0x0];
	_ =	sdelay $0x2  }
0xb8: {  	s31 =	sshll.u32 s1, $0xD;
	s1 =	sshrl.u32 s1, $0x2  }
0xb9: {  	s3 =	sand.u32 $0x4000, s31;
	s1 =	sadd.s32 s1, s30  }
0xba: {  	s0 =	sor.u32 s3, s0;
	s1 =	sshll.u32 s1, $0x11  }
0xbb: {  	s0 =	sor.u32 s1, s0  }
0xbc: {  	s0 =	sadd.s32 $0x8F2B, s0  }
0xbd: {  	[sflag:s0] =	ssyncadd.remote.s32 $0x1  }
0xbe: {  	_ =	sfence.sel $0xFFFF  }
0xbf: {  	[dreg:$0x0] =	wrdreg $0xFFFFFFFF;
	(pc) =	sbr.abs _section_cstart, $3  }
0xc0: {  	[dreg:$0x1] =	wrdreg $0xFFFFFFFF  }
0xc1: {  	_ =	task.clear_ibuf [dreg:s6], $0x2FFFF;
	_ =	strace $0x9FFFFFFF  }
0xc2: {  	(tm) =	ssettm $0x7FFFFFFF  }
0xc3: {  	_ =	shalt  }
tec
execute0_lowered:
.L_overlay_start_1:
0x0: {  	(tag) =	ssettag $0x1  }
0x1: {  	s5 =	rddreg [dreg:$0x0]  }
0x2: {  	s2 =	rddreg [dreg:$0x1]  }
0x3: {  	s0 =	rddreg [dreg:$0x2];
	s1 =	stileid.u32;
	s3 =	simm.s32 $0x0  }
0x4: {  	s4 =	srdreg.scid;
	s14 =	simm.s32 $0x9000;
	s15 =	simm.s32 $0x3  }
0x5: {  	s16 =	simm.s32 $0x2800;
	s17 =	simm.s32 $0x80;
	s18 =	simm.s32 $0x5000  }
0x6: {  	s19 =	simm.s32 $0x7000;
	s20 =	simm.s32 $0x1;
	s21 =	simm.s32 $0x2  }
0x7: {  	s22 =	simm.s32 $0x2780;
	s23 =	simm.s32 $0x4F00;
	s6 =	smul.u32 $0x2800, s1  }
0x8: {  	s24 =	simm.s32 $0x4F80;
	s7 =	sand.u32 $0x1, s4;
	s8 =	smul.u32 $0x9E00, s1  }
0x9: {  	[smem:$0x7FF] =	sst s3;
	s10 =	smul.u32 $0x27800, s1;
	p0 =	seq.s32 s7, $0x0  }
0xa: {  	s29 =	smul.u32 $0x9E000, s7;
	_ =	strace $0x80000050;
	s7 =	ssub.s32 $0x2, s7  }
0xb: {  	s4 =	sadd.s32 $0x28000, s6;
	s30 =	sshrl.u32 s10, $0x2;
	s31 =	sshrl.u32 s7, $0x1  }
0xc: {  	s4 =	smov.u32 @p0 s6;
	s6 =	sadd.s32 s8, s29;
	s13 =	ssub.s32 s7, s31  }
0xd: {  	s9 =	sshrl.u32 s4, $0x3;
	s4 =	sadd.s32 $0x4E00, s5;
	s6 =	sshrl.u32 s6, $0x3  }
0xe: {  	s13 =	smax.u32 s13, $0x1;
	s11 =	sadd.s32 s9, s5;
	s9 =	sadd.s32 s30, s2  }
0xf: {  	s12 =	sadd.s32 s6, s5;
	s5 =	sadd.s32 s8, s2;
	s6 =	sadd.s32 $0x2000, s9  }
0x10: {  	s7 =	sadd.s32 $0x4000, s9;
	s8 =	sadd.s32 $0x6000, s9;
	s9 =	sadd.s32 $0x8000, s9  }
0x11: {  	v0 =	vimm.f32 $0.0e+00;
	s10 =	sadd.s32 $0x23000, s11;
	s11 =	sadd.s32 $0x18A00, s11;
	s12 =	sadd.s32 $0x7C600, s12  }
.LBB2_1:
0x12: {  	s26 =	simm.s32 $0x100;
	s25 =	simm.s32 $0x0  }
.LBB2_2:
0x13: {  	p0 =	sne.s32 s26, $0x7F00;
	[tilespmem:s25+$0x9030] =	vst v0;
	s28 =	smov.u32 s26;
	s26 =	sadd.s32 $0x100, s26  }
.Ltmp0:
0x14: {  	[tilespmem:s25+$0x9020] =	vst v0;
	(pc) =	sbr.rel @p0 .LBB2_2-.Ltmp0, $3  }
0x15: {  	[tilespmem:s25+$0x9000] =	vst v0  }
0x16: {  	[tilespmem:s25+$0x9010] =	vst v0;
	_ =	sdelay $0x1  }
0x17: {  	s25 =	sshra.s32 s28, $0x2  }
0x18: {  	[tilespmem:s25+$0x9030] =	vst v0  }
0x19: {  	[tilespmem:s25+$0x9020] =	vst v0  }
0x1a: {  	[tilespmem:s25+$0x9000] =	vst v0  }
0x1b: {  	[tilespmem:s25+$0x9010] =	vst v0  }
0x1c: {  	[spmem:s5] =	stream.linear.scatter [tilespmem:s14], [sflag:$0x3], $0x2000, $0x38;
	[tilespmem:$0x14E00] =	vst v63  }
0x1d: {  	_ =	swait.ge [sflag:s15], $0x2000  }
0x1e: {  	[sflag:s15] =	ssyncset.done $0x0  }
0x1f: {  	[sflag:s15] =	ssyncadd.s32 $0xFFFFE000  }
0x20: {  	[spmem:s6] =	stream.linear.scatter [tilespmem:s14], [sflag:$0x3], $0x2000, $0x38;
	[tilespmem:$0x14E00] =	vst v63  }
0x21: {  	_ =	swait.ge [sflag:s15], $0x2000  }
0x22: {  	[sflag:s15] =	ssyncset.done $0x0  }
0x23: {  	[sflag:s15] =	ssyncadd.s32 $0xFFFFE000  }
0x24: {  	[spmem:s7] =	stream.linear.scatter [tilespmem:s14], [sflag:$0x3], $0x2000, $0x38;
	[tilespmem:$0x14E00] =	vst v63  }
0x25: {  	_ =	swait.ge [sflag:s15], $0x2000  }
0x26: {  	[sflag:s15] =	ssyncset.done $0x0  }
0x27: {  	[sflag:s15] =	ssyncadd.s32 $0xFFFFE000  }
0x28: {  	[spmem:s8] =	stream.linear.scatter [tilespmem:s14], [sflag:$0x3], $0x2000, $0x38;
	[tilespmem:$0x14E00] =	vst v63  }
0x29: {  	_ =	swait.ge [sflag:s15], $0x2000  }
0x2a: {  	[sflag:s15] =	ssyncset.done $0x0  }
0x2b: {  	[sflag:s15] =	ssyncadd.s32 $0xFFFFE000  }
0x2c: {  	[spmem:s9] =	stream.linear.scatter [tilespmem:s14], [sflag:$0x3], $0x1E00, $0x38;
	[tilespmem:$0x14E00] =	vst v63  }
0x2d: {  	_ =	swait.ge [sflag:s15], $0x1E00  }
0x2e: {  	[sflag:s15] =	ssyncset.done $0x0  }
0x2f: {  	[sflag:s15] =	ssyncadd.s32 $0xFFFFE200  }
0x30: {  	s26 =	simm.s32 $0x0;
	[bflag:$0x0] =	sbarrier.arrive $0xFFFF  }
0x31: {  	[tilespmem:s26], [sflag:$0x3] =	stream.linear.gather [hbm4b:s10+s26], $0x2800, $0x38;
	[tilespmem:$0x14E00] =	vst v63  }
0x32: {  	_ =	swait.ge [sflag:s15], $0x2800  }
0x33: {  	[sflag:s15] =	ssyncset.done $0x0  }
0x34: {  	[sflag:s15] =	ssyncadd.s32 $0xFFFFD800  }
0x35: {  	[tilespmem:s16], [sflag:$0x3] =	stream.linear.gather [hbm4b:s11+s26], $0x2800, $0x38;
	[tilespmem:$0x14E00] =	vst v63  }
0x36: {  	_ =	swait.ge [sflag:s15], $0x2800  }
0x37: {  	[sflag:s15] =	ssyncset.done $0x0  }
0x38: {  	[sflag:s15] =	ssyncadd.s32 $0xFFFFD800  }
0x39: {  	[tilespmem:s18], [sflag:$0x1] =	stream.indirect.gather [hbm4b:s4+s17], $0x40, s26, s17, $0xb8;
	[tilespmem:$0x14E00] =	vst v63  }
0x3a: {  	s28 =	simm.s32 $0x80  }
0x3b: {  	[tilespmem:s19], [sflag:$0x2] =	stream.indirect.gather [hbm4b:s4+s17], $0x40, s28, s17, $0xb8;
	[tilespmem:$0x14E00] =	vst v63  }
0x3c: {  	_ =	swait.ge [sflag:s20], $0x2000  }
0x3d: {  	[sflag:s20] =	ssyncset.done $0x0  }
0x3e: {  	s29 =	simm.s32 $0x2800;
	[sflag:s20] =	ssyncadd.s32 $0xFFFFE000  }
0x3f: {  	[spmem:s2] =	stream.indirect.scatter.add.f32 [tilespmem:s18], [sflag:$0x3], $0x40, s29, s17, $0xb8;
	[tilespmem:$0x14E00] =	vst v63  }
0x40: {  	_ =	swait.ge [sflag:s15], $0x2000  }
0x41: {  	[sflag:s15] =	ssyncset.done $0x0  }
0x42: {  	s30 =	simm.s32 $0x100;
	[sflag:s15] =	ssyncadd.s32 $0xFFFFE000  }
0x43: {  	[tilespmem:s18], [sflag:$0x1] =	stream.indirect.gather [hbm4b:s4+s17], $0x40, s30, s17, $0xb8;
	[tilespmem:$0x14E00] =	vst v63  }
0x44: {  	_ =	swait.ge [sflag:s21], $0x2000  }
0x45: {  	[sflag:s21] =	ssyncset.done $0x0  }
0x46: {  	s31 =	simm.s32 $0x2880;
	[sflag:s21] =	ssyncadd.s32 $0xFFFFE000  }
0x47: {  	[spmem:s2] =	stream.indirect.scatter.add.f32 [tilespmem:s19], [sflag:$0x3], $0x40, s31, s17, $0xb8;
	[tilespmem:$0x14E00] =	vst v63  }
0x48: {  	_ =	swait.ge [sflag:s15], $0x2000  }
0x49: {  	s25 =	simm.s32 $0x100;
	s26 =	simm.s32 $0x800;
	[sflag:s15] =	ssyncset.done $0x0  }
.LBB2_4:
0x4a: {  	s28 =	sadd.s32 $0x80, s25  }
0x4b: {  	[sflag:s15] =	ssyncadd.s32 $0xFFFFE000;
	s29 =	smov.u32 s26;
	s30 =	sadd.s32 $0x400, s26  }
0x4c: {  	[tilespmem:s19], [sflag:$0x2] =	stream.indirect.gather [hbm4b:s4+s17], $0x40, s28, s17, $0xb8;
	[tilespmem:$0x14E00] =	vst v63  }
0x4d: {  	p0 =	sne.s32 s26, $0x9800;
	_ =	swait.ge [sflag:s20], $0x2000  }
0x4e: {  	[sflag:s20] =	ssyncset.done $0x0  }
0x4f: {  	s26 =	sadd.s32 $0x2800, s25;
	[sflag:s20] =	ssyncadd.s32 $0xFFFFE000  }
0x50: {  	[spmem:s2] =	stream.indirect.scatter.add.f32 [tilespmem:s18], [sflag:$0x3], $0x40, s26, s17, $0xb8;
	[tilespmem:$0x14E00] =	vst v63  }
0x51: {  	_ =	swait.ge [sflag:s15], $0x2000  }
0x52: {  	[sflag:s15] =	ssyncset.done $0x0  }
0x53: {  	s26 =	sadd.s32 $0x100, s25;
	[sflag:s15] =	ssyncadd.s32 $0xFFFFE000  }
0x54: {  	[tilespmem:s18], [sflag:$0x1] =	stream.indirect.gather [hbm4b:s4+s17], $0x40, s26, s17, $0xb8;
	[tilespmem:$0x14E00] =	vst v63  }
0x55: {  	_ =	swait.ge [sflag:s21], $0x2000  }
.Ltmp1:
0x56: {  	[sflag:s21] =	ssyncset.done $0x0;
	(pc) =	sbr.rel @p0 .LBB2_4-.Ltmp1, $4  }
0x57: {  	s25 =	sadd.s32 $0x2880, s25;
	[sflag:s21] =	ssyncadd.s32 $0xFFFFE000  }
0x58: {  	[spmem:s2] =	stream.indirect.scatter.add.f32 [tilespmem:s19], [sflag:$0x3], $0x40, s25, s17, $0xb8;
	[tilespmem:$0x14E00] =	vst v63  }
0x59: {  	_ =	swait.ge [sflag:s15], $0x2000  }
0x5a: {  	s26 =	smov.u32 s30;
	s25 =	sshra.s32 s29, $0x2;
	[sflag:s15] =	ssyncset.done $0x0  }
0x5b: {  	s26 =	sadd.s32 $0x80, s25;
	[sflag:s15] =	ssyncadd.s32 $0xFFFFE000  }
0x5c: {  	[tilespmem:s19], [sflag:$0x2] =	stream.indirect.gather [hbm4b:s4+s17], $0x40, s26, s17, $0xb8;
	[tilespmem:$0x14E00] =	vst v63  }
0x5d: {  	_ =	swait.ge [sflag:s20], $0x2000  }
0x5e: {  	[sflag:s20] =	ssyncset.done $0x0  }
0x5f: {  	s31 =	sadd.s32 $0x2800, s25;
	[sflag:s20] =	ssyncadd.s32 $0xFFFFE000  }
0x60: {  	[spmem:s2] =	stream.indirect.scatter.add.f32 [tilespmem:s18], [sflag:$0x3], $0x40, s31, s17, $0xb8;
	[tilespmem:$0x14E00] =	vst v63  }
0x61: {  	_ =	swait.ge [sflag:s15], $0x2000  }
0x62: {  	[sflag:s15] =	ssyncset.done $0x0  }
0x63: {  	s28 =	sadd.s32 $0x100, s25;
	[sflag:s15] =	ssyncadd.s32 $0xFFFFE000  }
0x64: {  	[tilespmem:s18], [sflag:$0x1] =	stream.indirect.gather [hbm4b:s4+s17], $0x40, s28, s17, $0xb8;
	[tilespmem:$0x14E00] =	vst v63  }
0x65: {  	_ =	swait.ge [sflag:s21], $0x2000  }
0x66: {  	[sflag:s21] =	ssyncset.done $0x0  }
0x67: {  	s29 =	sadd.s32 $0x2880, s25;
	[sflag:s21] =	ssyncadd.s32 $0xFFFFE000  }
0x68: {  	[spmem:s2] =	stream.indirect.scatter.add.f32 [tilespmem:s19], [sflag:$0x3], $0x40, s29, s17, $0xb8;
	[tilespmem:$0x14E00] =	vst v63  }
0x69: {  	_ =	swait.ge [sflag:s15], $0x2000  }
0x6a: {  	[sflag:s15] =	ssyncset.done $0x0  }
0x6b: {  	[sflag:s15] =	ssyncadd.s32 $0xFFFFE000  }
0x6c: {  	[tilespmem:s19], [sflag:$0x2] =	stream.indirect.gather [hbm4b:s4+s17], $0x40, s22, s17, $0xb8;
	[tilespmem:$0x14E00] =	vst v63  }
0x6d: {  	_ =	swait.ge [sflag:s20], $0x2000  }
0x6e: {  	[sflag:s20] =	ssyncset.done $0x0  }
0x6f: {  	[sflag:s20] =	ssyncadd.s32 $0xFFFFE000  }
0x70: {  	[spmem:s2] =	stream.indirect.scatter.add.f32 [tilespmem:s18], [sflag:$0x3], $0x40, s23, s17, $0xb8;
	[tilespmem:$0x14E00] =	vst v63  }
0x71: {  	_ =	swait.ge [sflag:s15], $0x2000  }
0x72: {  	[sflag:s15] =	ssyncset.done $0x0  }
0x73: {  	[sflag:s15] =	ssyncadd.s32 $0xFFFFE000  }
0x74: {  	[tilespmem:s18], [sflag:$0x1] =	stream.indirect.gather [hbm4b:s4+s17], $0x40, s22, s17, $0xb8;
	[tilespmem:$0x14E00] =	vst v63  }
0x75: {  	_ =	swait.ge [sflag:s21], $0x2000  }
0x76: {  	[sflag:s21] =	ssyncset.done $0x0  }
0x77: {  	[sflag:s21] =	ssyncadd.s32 $0xFFFFE000  }
0x78: {  	[spmem:s2] =	stream.indirect.scatter.add.f32 [tilespmem:s19], [sflag:$0x3], $0x40, s24, s17, $0xb8;
	[tilespmem:$0x14E00] =	vst v63  }
0x79: {  	_ =	swait.ge [sflag:s15], $0x2000  }
0x7a: {  	[sflag:s15] =	ssyncset.done $0x0  }
0x7b: {  	[sflag:s15] =	ssyncadd.s32 $0xFFFFE000  }
0x7c: {  	_ =	swait.ge [sflag:s20], $0x2000  }
0x7d: {  	s30 =	sshll.u32 s1, $0x6;
	s3 =	sadd.s32 $0x1, s3;
	[sflag:s20] =	ssyncset.done $0x0  }
0x7e: {  	s25 =	sor.u32 $0x1C03, s30;
	p0 =	sne.s32 s3, s13;
	[sflag:s20] =	ssyncadd.s32 $0xFFFFE000  }
.Ltmp2:
0x7f: {  	s31 =	sshrl.u32 s5, $0x3;
	[bflag:$0x0] =	sbarrier.arrive $0xFFFF;
	(pc) =	sbr.rel @p0 .LBB2_1-.Ltmp2, $4  }
0x80: {  	[hbm:s12], [sflag:s25] =	dma.local [spmem:s31], $0x13C0  }
0x81: {  	_ =	swait.ge [sflag:s15], $0x13C0  }
0x82: {  	[sflag:s15] =	ssyncset.done $0x0  }
0x83: {  	[sflag:s15] =	ssyncadd.s32 $0xFFFFEC40  }
0x84: {  	_ =	sfence.sel $0x180000  }
0x85: {  	[bflag:$0x0] =	sbarrier.arrive $0xFFFF  }
0x86: {  	p0 =	sne.s32 s1, $0x0;
	_ =	strace $0x90000050  }
0x87: {  	s0 =	sadd.s32 @!p0 $0x100000, s0;
	[bflag:$0x2] =	sbarrier.arrive $0xFFFF  }
0x88: {  	[sflag:s0] =	ssyncadd.tile.s32 @!p0 $0x1;
	_ =	shalt  }
.Lfunc_end2:
_tile_overlayer_lowered:
.L_overlay_start_2:
0x89: {  	(tag) =	ssettag $0x2  }
0x8a: {  	s0 =	rddreg [dreg:$0x0];
	s2 =	stileid.u32  }
0x8b: {  	s1 =	rddreg [dreg:$0x1];
	p0 =	sne.s32 s2, $0x0  }
0x8c: {  	s3 =	rddreg [dreg:$0x2];
	[bflag:$0x3] =	sbarrier.arrive $0xFFFF;
	s2 =	simm.s32 @!p0 $0x1C03  }
0x8d: {  	[timem:s3], [sflag:s2] =	dma.local @!p0 [hbm:s0], s1  }
0x8e: {  	s0 =	simm.s32 @!p0 $0x3  }
0x8f: {  	_ =	swait.ge @!p0 [sflag:s0], s1  }
0x90: {  	s1 =	ssub.s32 @!p0 $0x0, s1;
	[sflag:s0] =	ssyncset.done @!p0 $0x0  }
0x91: {  	[sflag:s0] =	ssyncadd.s32 @!p0 s1  }
0x92: {  	[bflag:$0x3] =	sbarrier.arrive $0xFFFF  }
0x93: {  	_ =	shalt  }

// kernel: kernel.26.cloned.1.call-start
scs
__scs_entry_jumppad:
0x0: {  	(pc) =	sbr.rel $0x88, $3  }
0x1: {  	(tag) =	ssettag $0x0;
	lr =	simm.s32 $0x1  }
0x2: {  	[smem:$0x3F91] =	sst lr;
	_ =	strace $0xD0000000  }
0x3: {  	_ = 	snop  }
0x4: {  	_ = 	snop  }
0x5: {  	_ = 	snop  }
0x6: {  	_ = 	snop  }
0x7: {  	_ = 	snop  }
__scs_overlays_trampoline_lowered:
0x8: {  	[smem:$0x3FA0] =	sst s0  }
0x9: {  	[smem:$0x3FA1] =	sst s1  }
0xa: {  	[smem:$0x3FA2] =	sst s2  }
0xb: {  	[smem:$0x3FA3] =	sst s3  }
0xc: {  	[smem:$0x3FA4] =	sst s4  }
0xd: {  	[smem:$0x3FA5] =	sst s5  }
0xe: {  	[smem:$0x3FA6] =	sst s6  }
0xf: {  	[smem:$0x3FA7] =	sst s7  }
0x10: {  	[smem:$0x3FA8] =	sst s8  }
0x11: {  	[smem:$0x3FA9] =	sst s9;
	s0 =	simm.s32 @!p0 $0x0  }
0x12: {  	s1 =	sld [smem:$0x3F8F];
	s0 =	simm.s32 @p0 $0x1  }
0x13: {  	[smem:$0x3FAA] =	sst s0;
	s0 =	simm.s32 @!p1 $0x0  }
0x14: {  	s2 =	sld [smem:$0x3F8E];
	s0 =	simm.s32 @p1 $0x1  }
0x15: {  	[smem:$0x3FAB] =	sst s0;
	s0 =	simm.s32 @!p2 $0x0  }
0x16: {  	s3 =	sld [smem:$0x3FDB];
	s0 =	simm.s32 @p2 $0x1  }
0x17: {  	s4 =	simm.s32 $0x1BF5;
	[smem:$0x3FAD] =	sst s0  }
0x18: {  	s0 =	sld [smem:$0x3F90];
	_ =	swait.ge [sflag:s4], $0x0  }
0x19: {  	s7 =	sld [smem:$0x3F91]  }
0x1a: {  	s8 =	sadd.s32 $0xFFFFE003, lr  }
0x1b: {  	s9 =	sadd.s32 $0xFFFFFEF7, lr;
	s5 =	simm.s32 $0xFFFFFFFF;
	p2 =	slt.u32 s8, $0xFFFFF086  }
0x1c: {  	p1 =	slt.u32 s9, $0xF7A;
	s5 =	simm.s32 @!p2 $0x0  }
0x1d: {  	s5 =	simm.s32 @p1 $0x1;
	p0 =	seq.s32 s7, s2  }
0x1e: {  	s7 =	smul.u32 @!p0 $0xF7A, s2;
	p2 =	seq.s32 @!p0 s5, $0x0  }
0x1f: {  	s9 =	smul.u32 $0xF7A, s1;
	s8 =	simm.s32 @!p0 $0x1BF5;
	p2 =	por !p2, p0  }
0x20: {  	[sflag:s8] =	ssyncset.s32 @!p0 $0xFFFFF086;
	s6 =	sadd.s32 @!p0 s3, s7;
	s7 =	simm.s32 @!p0 $0x108  }
0x21: {  	s3 =	sadd.s32 s3, s9;
	s6 =	sadd.s32 @!p0 $0x88, s6;
	s7 =	simm.s32 @p2 $0x1082  }
0x22: {  	[simem:s7], [sflag:s8] =	dma.local @!p0 [hbm:s6], $0xF7A  }
0x23: {  	s9 =	sor.u32 $0xD0000000, s2;
	s6 =	simm.s32 $0x108;
	_ =	swait.ge @!p0 [sflag:s8], $0x0  }
0x24: {  	s3 =	sadd.s32 $0x88, s3;
	s6 =	simm.s32 @!p1 $0x1082;
	[sflag:s4] =	ssyncset.s32 $0xFFFFF086  }
0x25: {  	[simem:s6], [sflag:s4] =	dma.local [hbm:s3], $0xF7A  }
0x26: {  	[smem:$0x3F91] =	sst s1;
	(tag) =	ssettag s2;
	_ =	strace s9  }
0x27: {  	s1 =	sld [smem:$0x3FA1]  }
0x28: {  	s2 =	sld [smem:$0x3FA2]  }
0x29: {  	s4 =	sld [smem:$0x3FA4]  }
0x2a: {  	p0 =	seq.s32 s5, $0x0;
	s5 =	sld [smem:$0x3FA5]  }
0x2b: {  	s6 =	sld [smem:$0x3FA6]  }
0x2c: {  	s7 =	sld [smem:$0x3FA7]  }
0x2d: {  	s3 =	simm.s32 $0x108;
	s8 =	sld [smem:$0x3FA8]  }
0x2e: {  	s3 =	simm.s32 @!p0 $0x1082;
	s9 =	sld [smem:$0x3FA9]  }
0x2f: {  	lr =	sadd.s32 s0, s3;
	s0 =	sld [smem:$0x3FA0]  }
0x30: {  	s3 =	sld [smem:$0x3FA3]  }
0x31: {  	[smem:$0x3FAC] =	sst s10  }
0x32: {  	s10 =	sld [smem:$0x3FAA];
	_ =	sdelay $0x3  }
0x33: {  	p0 =	seq.s32 s10, $0x1;
	s10 =	sld [smem:$0x3FAC];
	_ =	sdelay $0x3  }
0x34: {  	[smem:$0x3FAC] =	sst s10  }
0x35: {  	s10 =	sld [smem:$0x3FAB];
	_ =	sdelay $0x3  }
0x36: {  	p1 =	seq.s32 s10, $0x1;
	s10 =	sld [smem:$0x3FAC];
	_ =	sdelay $0x3  }
0x37: {  	[smem:$0x3FAC] =	sst s10  }
0x38: {  	s10 =	sld [smem:$0x3FAD]  }
0x39: {  	_ = 	snop;
	(pc) =	sbr.ind lr, $3  }
0x3a: {  	_ = 	snop  }
0x3b: {  	_ = 	snop  }
0x3c: {  	p2 =	seq.s32 s10, $0x1;
	s10 =	sld [smem:$0x3FAC]  }
0x3d: {  	_ =	shalt  }
0x3e: {  	_ =	shalt  }
0x3f: {  	_ =	shalt  }
0x40: {  	_ =	shalt  }
0x41: {  	_ =	shalt  }
0x42: {  	_ =	shalt  }
0x43: {  	_ =	shalt  }
0x44: {  	_ =	shalt  }
0x45: {  	_ =	shalt  }
0x46: {  	_ =	shalt  }
0x47: {  	_ =	shalt  }
0x48: {  	_ =	shalt  }
0x49: {  	_ =	shalt  }
0x4a: {  	_ =	shalt  }
0x4b: {  	_ =	shalt  }
0x4c: {  	_ =	shalt  }
0x4d: {  	_ =	shalt  }
0x4e: {  	_ =	shalt  }
0x4f: {  	_ =	shalt  }
0x50: {  	_ =	shalt  }
0x51: {  	_ =	shalt  }
0x52: {  	_ =	shalt  }
0x53: {  	_ =	shalt  }
0x54: {  	_ =	shalt  }
0x55: {  	_ =	shalt  }
0x56: {  	_ =	shalt  }
0x57: {  	_ =	shalt  }
0x58: {  	_ =	shalt  }
0x59: {  	_ =	shalt  }
0x5a: {  	_ =	shalt  }
0x5b: {  	_ =	shalt  }
0x5c: {  	_ =	shalt  }
0x5d: {  	_ =	shalt  }
0x5e: {  	_ =	shalt  }
0x5f: {  	_ =	shalt  }
0x60: {  	_ =	shalt  }
0x61: {  	_ =	shalt  }
0x62: {  	_ =	shalt  }
0x63: {  	_ =	shalt  }
0x64: {  	_ =	shalt  }
0x65: {  	_ =	shalt  }
0x66: {  	_ =	shalt  }
0x67: {  	_ =	shalt  }
0x68: {  	_ =	shalt  }
0x69: {  	_ =	shalt  }
0x6a: {  	_ =	shalt  }
0x6b: {  	_ =	shalt  }
0x6c: {  	_ =	shalt  }
0x6d: {  	_ =	shalt  }
0x6e: {  	_ =	shalt  }
0x6f: {  	_ =	shalt  }
0x70: {  	_ =	shalt  }
0x71: {  	_ =	shalt  }
0x72: {  	_ =	shalt  }
0x73: {  	_ =	shalt  }
0x74: {  	_ =	shalt  }
0x75: {  	_ =	shalt  }
0x76: {  	_ =	shalt  }
0x77: {  	_ =	shalt  }
0x78: {  	_ =	shalt  }
0x79: {  	_ =	shalt  }
0x7a: {  	_ =	shalt  }
0x7b: {  	_ =	shalt  }
0x7c: {  	_ =	shalt  }
0x7d: {  	_ =	shalt  }
0x7e: {  	_ =	shalt  }
0x7f: {  	_ =	shalt  }
0x80: {  	_ =	shalt  }
0x81: {  	_ =	shalt  }
0x82: {  	_ =	shalt  }
0x83: {  	_ =	shalt  }
0x84: {  	_ =	shalt  }
0x85: {  	_ =	shalt  }
0x86: {  	_ =	shalt  }
0x87: {  	_ =	shalt  }
.Lfunc_end0:
.L_simem_size_0:
called_computation.4_lowered:
.L_overlay_start_0:
0x88: {  	s2 =	sld [smem:$0x3FD9]  }
0x89: {  	s3 =	sld [smem:$0x3FFE];
	_ =	sdelay $0x1  }
0x8a: {  	s1 =	srdreg.scid  }
0x8b: {  	s0 =	sand.u32 $0x1, s1  }
0x8c: {  	s16 =	sshll.u32 s0, $0xA;
	s2 =	sadd.s32 s3, s2  }
0x8d: {  	s2 =	sadd.s32 s2, s16  }
0x8e: {  	[smem:$0x3FB8] =	sst s2  }
0x8f: {  	_ = 	snop  }
0x90: {  	(tm) =	ssettm $0x1  }
0x91: {  	s17 =	sld [smem:$0x3FFB];
	_ =	sdelay $0x3  }
0x92: {  	_ =	strace s17  }
0x93: {  	s2 =	sld [smem:$0x3FFC];
	_ =	sdelay $0x3  }
0x94: {  	_ =	strace s2  }
0x95: {  	s2 =	sld [smem:$0x3FFD];
	_ =	sdelay $0x3  }
0x96: {  	_ =	strace s2  }
0x97: {  	_ =	strace $0x8FFFFFFF  }
0x98: {  	s18 =	sld [smem:$0x3FDB];
	_ =	sdelay $0x1  }
0x99: {  	s19 =	simm.s32 $_scs_section_size  }
0x9a: {  	s4 =	simm.s32 $_size__tile_overlayer_lowered;
	s5 =	simm.s32 $_tile_overlayer_lowered  }
0x9b: {  	s22 =	simm.s32 $0x1BFF;
	s21 =	sshll.u32 s5, $0x1;
	s2 =	sadd.s32 s19, s18  }
0x9c: {  	s6 =	simm.s32 $0x0;
	s20 =	sshll.u32 s4, $0x1;
	s4 =	sadd.s32 s21, s2  }
0x9d: {  	[timem:s6], [sflag:s22] =	dma.local [hbm:s4], s20  }
0x9e: {  	_ =	swait.ge [sflag:s22], s20  }
0x9f: {  	s3 =	ssub.s32 $0x0, s20;
	[sflag:s22] =	ssyncset.done $0x0  }
0xa0: {  	[sflag:s22] =	ssyncadd.s32 s3;
	_ =	sdelay $0x1  }
0xa1: {  	s23 =	simm.s32 $0x1B8B  }
0xa2: {  	_ =	swait.ge [sflag:s23], $0x1  }
0xa3: {  	[sflag:s23] =	ssyncset.done $0x0  }
0xa4: {  	s25 =	simm.s32 $0x1B8E;
	s24 =	sld [smem:$0x3FFE];
	[sflag:s23] =	ssyncadd.s32 $0xFFFFFFFF  }
0xa5: {  	s26 =	simm.s32 $execute0_lowered;
	[smem:$0x3FD2] =	sst s25  }
0xa6: {  	s4 =	sshll.u32 s26, $0x1;
	_ =	strace $0x80000052;
	[dreg:$0x1] =	wrdreg $0xFFFFFFFF  }
0xa7: {  	s28 =	simm.s32 $_size_execute0_lowered;
	s2 =	sadd.s32 s2, s4;
	[dreg:$0x0] =	wrdreg $0x0  }
0xa8: {  	s4 =	sshll.u32 s28, $0x1;
	[dreg:$0x2] =	wrdreg s2  }
0xa9: {  	[dreg:$0x3] =	wrdreg s4  }
0xaa: {  	[dreg:$0x4] =	wrdreg $0xC0  }
0xab: {  	_ =	task [dreg:s6], $0x5FFFF  }
0xac: {  	[dreg:$0x1] =	wrdreg $0xFFFFFFFF  }
0xad: {  	[dreg:$0x0] =	wrdreg $0x60  }
0xae: {  	[dreg:$0x2] =	wrdreg s24  }
0xaf: {  	[dreg:$0x3] =	wrdreg $0x9  }
0xb0: {  	_ =	task.clear_ibuf [dreg:s6], $0x4FFFF;
	_ =	strace $0x90000052  }
0xb1: {  	s29 =	simm.s32 $0x9;
	_ =	strace $0x80000054  }
0xb2: {  	_ =	swait.ge [sflag:s29], $0x1  }
0xb3: {  	[sflag:s29] =	ssyncadd.s32 $0xFFFFFFFF  }
0xb4: {  	_ =	strace $0x90000054  }
0xb5: {  	_ =	sfence  }
0xb6: {  	s30 =	sld [smem:$0x0];
	_ =	sdelay $0x2  }
0xb7: {  	s31 =	sshll.u32 s1, $0xD;
	s1 =	sshrl.u32 s1, $0x2  }
0xb8: {  	s3 =	sand.u32 $0x4000, s31;
	s1 =	sadd.s32 s1, s30  }
0xb9: {  	s0 =	sor.u32 s3, s0;
	s1 =	sshll.u32 s1, $0x11  }
0xba: {  	s0 =	sor.u32 s1, s0  }
0xbb: {  	s0 =	sadd.s32 $0x8F2B, s0  }
0xbc: {  	[sflag:s0] =	ssyncadd.remote.s32 $0x1  }
0xbd: {  	_ =	sfence.sel $0xFFFF  }
0xbe: {  	[dreg:$0x0] =	wrdreg $0xFFFFFFFF;
	(pc) =	sbr.abs _section_cstart, $3  }
0xbf: {  	[dreg:$0x1] =	wrdreg $0xFFFFFFFF  }
0xc0: {  	_ =	task.clear_ibuf [dreg:s6], $0x2FFFF;
	_ =	strace $0x9FFFFFFF  }
0xc1: {  	(tm) =	ssettm $0x7FFFFFFF  }
tec
execute0_lowered:
.L_overlay_start_1:
0x0: {  	(tag) =	ssettag $0x1  }
0x1: {  	s0 =	rddreg [dreg:$0x0];
	s1 =	simm.s32 $0x0;
	s2 =	srdreg.scid  }
0x2: {  	s6 =	stileid.u32;
	s12 =	simm.s32 $0x9;
	s16 =	simm.s32 $0x80  }
0x3: {  	s17 =	simm.s32 $0x5000;
	s18 =	simm.s32 $0x9000;
	s19 =	simm.s32 $0xD000  }
0x4: {  	s20 =	simm.s32 $0x11000;
	s22 =	simm.s32 $0xB000;
	s28 =	simm.s32 $0x3  }
0x5: {  	s29 =	simm.s32 $0x4;
	s30 =	simm.s32 $0x15000;
	s31 =	simm.s32 $0x5  }
0x6: {  	[smem:$0x7FF] =	sst s1;
	s2 =	sand.u32 $0x1, s2;
	s3 =	sadd.s32 $0x4E00, s0  }
0x7: {  	s4 =	sadd.s32 $0x2D600, s0;
	s7 =	sadd.s32 $0x23000, s0;
	s5 =	sshll.u32 s2, $0x4  }
0x8: {  	s9 =	sadd.s32 $0x18A00, s0;
	s2 =	ssub.s32 $0x2, s2;
	s6 =	sor.u32 s6, s5  }
0x9: {  	_ =	strace $0x80000053;
	s10 =	sshrl.u32 s2, $0x1;
	s8 =	smul.u32 $0x1400, s6  }
0xa: {  	s5 =	sadd.s32 $0x41200, s0;
	s11 =	smul.u32 $0x280, s6;
	s23 =	ssub.s32 s2, s10  }
0xb: {  	s6 =	smul.u32 $0x28, s6;
	s0 =	smax.u32 s23, $0x1;
	s23 =	simm.s32 $0xF000  }
0xc: {  	s24 =	sshrl.u32 s8, $0x3;
	s25 =	sadd.s32 s7, s11;
	[dreg:$0x6] =	wrdreg s0  }
0xd: {  	s26 =	sadd.s32 s9, s11;
	s0 =	simm.s32 $0x6;
	[dreg:$0x2] =	wrdreg s25  }
0xe: {  	s2 =	sadd.s32 $0x4E20, s24;
	[dreg:$0x3] =	wrdreg s26;
	s24 =	simm.s32 $0x13000  }
0xf: {  	s25 =	simm.s32 $0x1;
	s26 =	simm.s32 $0x2;
	s7 =	sadd.s32 s7, s2  }
0x10: {  	s2 =	sadd.s32 s9, s2;
	s9 =	simm.s32 $0x0;
	[dreg:$0x4] =	wrdreg s7  }
0x11: {  	[dreg:$0x5] =	wrdreg s2;
	s2 =	simm.s32 $0x7;
	s7 =	simm.s32 $0x8  }
.LBB2_1:
0x12: {  	[dreg:$0x7] =	wrdreg s9  }
0x13: {  	s8 =	rddreg [dreg:$0x2]  }
0x14: {  	[tilespmem:s1], [sflag:$0x9] =	stream.linear.gather [hbm4b:s8+s1], $0x1400, $0x38;
	[tilespmem:$0x19000] =	vst v63  }
0x15: {  	_ =	swait.ge [sflag:s12], $0x1400  }
0x16: {  	[sflag:s12] =	ssyncset.done $0x0  }
0x17: {  	s14 =	simm.s32 $0x1400;
	s13 =	rddreg [dreg:$0x3];
	[sflag:s12] =	ssyncadd.s32 $0xFFFFEC00  }
0x18: {  	[tilespmem:s14], [sflag:$0x9] =	stream.linear.gather [hbm4b:s13+s1], $0x1400, $0x38;
	[tilespmem:$0x19000] =	vst v63  }
0x19: {  	_ =	swait.ge [sflag:s12], $0x1400  }
0x1a: {  	[sflag:s12] =	ssyncset.done $0x0  }
0x1b: {  	s10 =	simm.s32 $0x2800;
	s15 =	rddreg [dreg:$0x4];
	[sflag:s12] =	ssyncadd.s32 $0xFFFFEC00  }
0x1c: {  	[tilespmem:s10], [sflag:$0x9] =	stream.linear.gather [hbm4b:s15+s1], $0x1400, $0x38;
	[tilespmem:$0x19000] =	vst v63  }
0x1d: {  	_ =	swait.ge [sflag:s12], $0x1400  }
0x1e: {  	[sflag:s12] =	ssyncset.done $0x0  }
0x1f: {  	s11 =	simm.s32 $0x3C00;
	s21 =	rddreg [dreg:$0x5];
	[sflag:s12] =	ssyncadd.s32 $0xFFFFEC00  }
0x20: {  	[tilespmem:s11], [sflag:$0x9] =	stream.linear.gather [hbm4b:s21+s1], $0x1400, $0x38;
	[tilespmem:$0x19000] =	vst v63  }
0x21: {  	_ =	swait.ge [sflag:s12], $0x1400  }
0x22: {  	[sflag:s12] =	ssyncset.done $0x0  }
0x23: {  	[sflag:s12] =	ssyncadd.s32 $0xFFFFEC00  }
0x24: {  	[tilespmem:s17], [sflag:$0x1] =	stream.indirect.gather [hbm4b:s3+s16], $0x40, s1, s16, $0xb8;
	[tilespmem:$0x19000] =	vst v63  }
0x25: {  	_ = 	snop  }
0x26: {  	[tilespmem:s18], [sflag:$0x2] =	stream.indirect.gather [hbm4b:s4+s16], $0x40, s14, s16, $0xb8;
	[tilespmem:$0x19000] =	vst v63  }
0x27: {  	_ = 	snop  }
0x28: {  	[tilespmem:s19], [sflag:$0x3] =	stream.indirect.gather [hbm4b:s3+s16], $0x40, s10, s16, $0xb8;
	[tilespmem:$0x19000] =	vst v63  }
0x29: {  	s14 =	simm.s32 $0x0  }
0x2a: {  	[tilespmem:s20], [sflag:$0x4] =	stream.indirect.gather [hbm4b:s4+s16], $0x40, s11, s16, $0xb8;
	[tilespmem:$0x19000] =	vst v63  }
.LBB2_2:
0x2b: {  	s8 =	sshllo.u32 s14, $0x1  }
0x2c: {  	s10 =	simm.s32 $0x7000;
	s9 =	sshll.u32 s8, $0x7  }
0x2d: {  	[tilespmem:s10], [sflag:$0x5] =	stream.indirect.gather [hbm4b:s3+s16], $0x40, s9, s16, $0xb8;
	[tilespmem:$0x19000] =	vst v63  }
0x2e: {  	s15 =	sadd.s32 $0x1400, s9  }
0x2f: {  	[tilespmem:s22], [sflag:$0x6] =	stream.indirect.gather [hbm4b:s4+s16], $0x40, s15, s16, $0xb8;
	[tilespmem:$0x19000] =	vst v63  }
0x30: {  	s21 =	sadd.s32 $0x2800, s9  }
0x31: {  	[tilespmem:s23], [sflag:$0x7] =	stream.indirect.gather [hbm4b:s3+s16], $0x40, s21, s16, $0xb8;
	[tilespmem:$0x19000] =	vst v63  }
0x32: {  	s9 =	sadd.s32 $0x3C00, s9  }
0x33: {  	[tilespmem:s24], [sflag:$0x8] =	stream.indirect.gather [hbm4b:s4+s16], $0x40, s9, s16, $0xb8;
	[tilespmem:$0x19000] =	vst v63  }
0x34: {  	_ =	swait.ge [sflag:s25], $0x2000  }
0x35: {  	[sflag:s25] =	ssyncset.done $0x0  }
0x36: {  	[sflag:s25] =	ssyncadd.s32 $0xFFFFE000  }
0x37: {  	_ =	swait.ge [sflag:s26], $0x2000  }
0x38: {  	[sflag:s26] =	ssyncset.done $0x0  }
0x39: {  	[sflag:s26] =	ssyncadd.s32 $0xFFFFE000  }
0x3a: {  	_ =	swait.ge [sflag:s28], $0x2000  }
0x3b: {  	[sflag:s28] =	ssyncset.done $0x0  }
0x3c: {  	[sflag:s28] =	ssyncadd.s32 $0xFFFFE000  }
0x3d: {  	_ =	swait.ge [sflag:s29], $0x2000  }
0x3e: {  	[sflag:s29] =	ssyncset.done $0x0  }
0x3f: {  	s9 =	simm.s32 $0x0;
	[sflag:s29] =	ssyncadd.s32 $0xFFFFE000  }
0x40: {  	v0 =	vld [tilespmem:s9+$0x5000]  }
0x41: {  	v1 =	vld [tilespmem:s9+$0x9000];
	_ =	sdelay $0x4  }
0x42: {  	v0 =	vadd.f32 v1, v0  }
0x43: {  	s15 =	simm.s32 $0x15040  }
0x44: {  	[tilespmem:s15+$0xFFFFFFC0] =	vst v0  }
0x45: {  	v0 =	vld [tilespmem:s9+$0xD000]  }
0x46: {  	v58 =	vld [tilespmem:s9+$0x11000];
	_ =	sdelay $0x4  }
0x47: {  	v0 =	vadd.f32 v58, v0;
	_ =	sdelay $0x1  }
0x48: {  	[tilespmem:s15+$0x0] =	vst v0  }
0x49: {  	v0 =	vld [tilespmem:s9+$0x5010]  }
0x4a: {  	v59 =	vld [tilespmem:s9+$0x9010];
	_ =	sdelay $0x4  }
0x4b: {  	v0 =	vadd.f32 v59, v0;
	_ =	sdelay $0x1  }
0x4c: {  	[tilespmem:s15+$0xFFFFFFD0] =	vst v0  }
0x4d: {  	v0 =	vld [tilespmem:s9+$0xD010]  }
0x4e: {  	v60 =	vld [tilespmem:s9+$0x11010];
	_ =	sdelay $0x4  }
0x4f: {  	v0 =	vadd.f32 v60, v0;
	_ =	sdelay $0x1  }
0x50: {  	[tilespmem:s15+$0x10] =	vst v0  }
0x51: {  	v0 =	vld [tilespmem:s9+$0x5020]  }
0x52: {  	v61 =	vld [tilespmem:s9+$0x9020];
	_ =	sdelay $0x4  }
0x53: {  	v0 =	vadd.f32 v61, v0;
	_ =	sdelay $0x1  }
0x54: {  	[tilespmem:s15+$0xFFFFFFE0] =	vst v0  }
0x55: {  	v0 =	vld [tilespmem:s9+$0xD020]  }
0x56: {  	v62 =	vld [tilespmem:s9+$0x11020];
	_ =	sdelay $0x4  }
0x57: {  	v0 =	vadd.f32 v62, v0;
	_ =	sdelay $0x1  }
0x58: {  	[tilespmem:s15+$0x20] =	vst v0  }
0x59: {  	v0 =	vld [tilespmem:s9+$0x5030]  }
0x5a: {  	v63 =	vld [tilespmem:s9+$0x9030];
	_ =	sdelay $0x4  }
0x5b: {  	v0 =	vadd.f32 v63, v0;
	_ =	sdelay $0x1  }
0x5c: {  	s13 =	simm.s32 $0x100;
	s11 =	simm.s32 $0x15040;
	s10 =	sshll.u32 s14, $0x1;
	[tilespmem:s15+$0xFFFFFFF0] =	vst v0  }
.LBB2_3:
0x5d: {  	p0 =	sne.s32 s13, $0x7F00  }
0x5e: {  	v0 =	vld [tilespmem:s9+$0xD030];
	s15 =	sadd.s32 $0x80, s15;
	s21 =	smov.u32 s13;
	s13 =	sadd.s32 $0x100, s13  }
0x5f: {  	v1 =	vld [tilespmem:s9+$0x11030];
	_ =	sdelay $0x4  }
0x60: {  	v0 =	vadd.f32 v1, v0;
	_ =	sdelay $0x1  }
0x61: {  	s9 =	sshra.s32 s21, $0x2;
	[tilespmem:s11+$0x30] =	vst v0;
	s11 =	smov.u32 s15  }
0x62: {  	v0 =	vld [tilespmem:s9+$0x5000]  }
0x63: {  	v1 =	vld [tilespmem:s9+$0x9000];
	_ =	sdelay $0x4  }
0x64: {  	v0 =	vadd.f32 v1, v0;
	_ =	sdelay $0x1  }
0x65: {  	[tilespmem:s15+$0xFFFFFFC0] =	vst v0  }
0x66: {  	v0 =	vld [tilespmem:s9+$0xD000]  }
0x67: {  	v1 =	vld [tilespmem:s9+$0x11000];
	_ =	sdelay $0x4  }
0x68: {  	v0 =	vadd.f32 v1, v0;
	_ =	sdelay $0x1  }
0x69: {  	[tilespmem:s15+$0x0] =	vst v0  }
0x6a: {  	v0 =	vld [tilespmem:s9+$0x5010]  }
0x6b: {  	v1 =	vld [tilespmem:s9+$0x9010];
	_ =	sdelay $0x4  }
0x6c: {  	v0 =	vadd.f32 v1, v0;
	_ =	sdelay $0x1  }
0x6d: {  	[tilespmem:s15+$0xFFFFFFD0] =	vst v0  }
0x6e: {  	v0 =	vld [tilespmem:s9+$0xD010]  }
0x6f: {  	v1 =	vld [tilespmem:s9+$0x11010];
	_ =	sdelay $0x4  }
0x70: {  	v0 =	vadd.f32 v1, v0;
	_ =	sdelay $0x1  }
0x71: {  	[tilespmem:s15+$0x10] =	vst v0  }
0x72: {  	v0 =	vld [tilespmem:s9+$0x5020]  }
0x73: {  	v1 =	vld [tilespmem:s9+$0x9020];
	_ =	sdelay $0x4  }
0x74: {  	v0 =	vadd.f32 v1, v0;
	_ =	sdelay $0x1  }
0x75: {  	[tilespmem:s15+$0xFFFFFFE0] =	vst v0  }
0x76: {  	v0 =	vld [tilespmem:s9+$0xD020]  }
0x77: {  	v1 =	vld [tilespmem:s9+$0x11020];
	_ =	sdelay $0x4  }
0x78: {  	v0 =	vadd.f32 v1, v0;
	_ =	sdelay $0x1  }
0x79: {  	[tilespmem:s15+$0x20] =	vst v0  }
0x7a: {  	v0 =	vld [tilespmem:s9+$0x5030]  }
0x7b: {  	v1 =	vld [tilespmem:s9+$0x9030];
	_ =	sdelay $0x2  }
.Ltmp0:
0x7c: {  	(pc) =	sbr.rel @p0 .LBB2_3-.Ltmp0, $3  }
0x7d: {  	_ = 	snop  }
0x7e: {  	v0 =	vadd.f32 v1, v0;
	_ =	sdelay $0x1  }
0x7f: {  	[tilespmem:s15+$0xFFFFFFF0] =	vst v0  }
0x80: {  	v0 =	vld [tilespmem:s9+$0xD030]  }
0x81: {  	v1 =	vld [tilespmem:s9+$0x11030];
	_ =	sdelay $0x4  }
0x82: {  	s15 =	sadd.s32 s6, s10;
	v0 =	vadd.f32 v1, v0  }
0x83: {  	s9 =	sshll.u32 s15, $0xB  }
0x84: {  	s21 =	simm.s32 $0x0;
	s9 =	sadd.s32 s5, s9;
	[tilespmem:s11+$0x30] =	vst v0  }
0x85: {  	[hbm4b:s9+s21] =	stream.linear.scatter [tilespmem:s30], [sflag:$0x9], $0x4000, $0x38;
	[tilespmem:$0x19000] =	vst v63  }
0x86: {  	s11 =	smin.u32 s10, $0x25;
	_ =	swait.ge [sflag:s12], $0x4000  }
0x87: {  	s9 =	sshll.u32 s11, $0x7;
	[sflag:s12] =	ssyncset.done $0x0  }
0x88: {  	s13 =	sadd.s32 $0x100, s9;
	[sflag:s12] =	ssyncadd.s32 $0xFFFFC000  }
0x89: {  	[tilespmem:s17], [sflag:$0x1] =	stream.indirect.gather [hbm4b:s3+s16], $0x40, s13, s16, $0xb8;
	[tilespmem:$0x19000] =	vst v63  }
0x8a: {  	s15 =	sadd.s32 $0x1500, s9  }
0x8b: {  	[tilespmem:s18], [sflag:$0x2] =	stream.indirect.gather [hbm4b:s4+s16], $0x40, s15, s16, $0xb8;
	[tilespmem:$0x19000] =	vst v63  }
0x8c: {  	s21 =	sadd.s32 $0x2900, s9  }
0x8d: {  	[tilespmem:s19], [sflag:$0x3] =	stream.indirect.gather [hbm4b:s3+s16], $0x40, s21, s16, $0xb8;
	[tilespmem:$0x19000] =	vst v63  }
0x8e: {  	s9 =	sadd.s32 $0x3D00, s9  }
0x8f: {  	[tilespmem:s20], [sflag:$0x4] =	stream.indirect.gather [hbm4b:s4+s16], $0x40, s9, s16, $0xb8;
	[tilespmem:$0x19000] =	vst v63  }
0x90: {  	_ =	swait.ge [sflag:s31], $0x2000  }
0x91: {  	[sflag:s31] =	ssyncset.done $0x0  }
0x92: {  	[sflag:s31] =	ssyncadd.s32 $0xFFFFE000  }
0x93: {  	_ =	swait.ge [sflag:s0], $0x2000  }
0x94: {  	[sflag:s0] =	ssyncset.done $0x0  }
0x95: {  	[sflag:s0] =	ssyncadd.s32 $0xFFFFE000  }
0x96: {  	_ =	swait.ge [sflag:s2], $0x2000  }
0x97: {  	[sflag:s2] =	ssyncset.done $0x0  }
0x98: {  	[sflag:s2] =	ssyncadd.s32 $0xFFFFE000  }
0x99: {  	_ =	swait.ge [sflag:s7], $0x2000  }
0x9a: {  	[sflag:s7] =	ssyncset.done $0x0  }
0x9b: {  	s9 =	simm.s32 $0x0;
	[sflag:s7] =	ssyncadd.s32 $0xFFFFE000  }
0x9c: {  	v56 =	vld [tilespmem:s9+$0x7000]  }
0x9d: {  	v57 =	vld [tilespmem:s9+$0xB000];
	_ =	sdelay $0x4  }
0x9e: {  	v0 =	vadd.f32 v57, v56  }
0x9f: {  	s15 =	simm.s32 $0x15040  }
0xa0: {  	[tilespmem:s15+$0xFFFFFFC0] =	vst v0  }
0xa1: {  	v0 =	vld [tilespmem:s9+$0xF000]  }
0xa2: {  	v58 =	vld [tilespmem:s9+$0x13000];
	_ =	sdelay $0x4  }
0xa3: {  	v0 =	vadd.f32 v58, v0;
	_ =	sdelay $0x1  }
0xa4: {  	[tilespmem:s15+$0x0] =	vst v0  }
0xa5: {  	v0 =	vld [tilespmem:s9+$0x7010]  }
0xa6: {  	v59 =	vld [tilespmem:s9+$0xB010];
	_ =	sdelay $0x4  }
0xa7: {  	v0 =	vadd.f32 v59, v0;
	_ =	sdelay $0x1  }
0xa8: {  	[tilespmem:s15+$0xFFFFFFD0] =	vst v0  }
0xa9: {  	v0 =	vld [tilespmem:s9+$0xF010]  }
0xaa: {  	v60 =	vld [tilespmem:s9+$0x13010];
	_ =	sdelay $0x4  }
0xab: {  	v0 =	vadd.f32 v60, v0;
	_ =	sdelay $0x1  }
0xac: {  	[tilespmem:s15+$0x10] =	vst v0  }
0xad: {  	v0 =	vld [tilespmem:s9+$0x7020]  }
0xae: {  	v61 =	vld [tilespmem:s9+$0xB020];
	_ =	sdelay $0x4  }
0xaf: {  	v0 =	vadd.f32 v61, v0;
	_ =	sdelay $0x1  }
0xb0: {  	[tilespmem:s15+$0xFFFFFFE0] =	vst v0  }
0xb1: {  	v0 =	vld [tilespmem:s9+$0xF020]  }
0xb2: {  	v62 =	vld [tilespmem:s9+$0x13020];
	_ =	sdelay $0x4  }
0xb3: {  	v0 =	vadd.f32 v62, v0;
	_ =	sdelay $0x1  }
0xb4: {  	[tilespmem:s15+$0x20] =	vst v0  }
0xb5: {  	v0 =	vld [tilespmem:s9+$0x7030]  }
0xb6: {  	v63 =	vld [tilespmem:s9+$0xB030];
	_ =	sdelay $0x4  }
0xb7: {  	v0 =	vadd.f32 v63, v0;
	_ =	sdelay $0x1  }
0xb8: {  	s10 =	simm.s32 $0x15040;
	s11 =	simm.s32 $0x100;
	[tilespmem:s15+$0xFFFFFFF0] =	vst v0  }
.LBB2_5:
0xb9: {  	p0 =	sne.s32 s11, $0x7F00  }
0xba: {  	v0 =	vld [tilespmem:s9+$0xF030];
	s15 =	sadd.s32 $0x80, s15;
	s13 =	smov.u32 s11;
	s11 =	sadd.s32 $0x100, s11  }
0xbb: {  	v1 =	vld [tilespmem:s9+$0x13030];
	_ =	sdelay $0x4  }
0xbc: {  	v0 =	vadd.f32 v1, v0;
	_ =	sdelay $0x1  }
0xbd: {  	s9 =	sshra.s32 s13, $0x2;
	[tilespmem:s10+$0x30] =	vst v0;
	s10 =	smov.u32 s15  }
0xbe: {  	v0 =	vld [tilespmem:s9+$0x7000]  }
0xbf: {  	v1 =	vld [tilespmem:s9+$0xB000];
	_ =	sdelay $0x4  }
0xc0: {  	v0 =	vadd.f32 v1, v0;
	_ =	sdelay $0x1  }
0xc1: {  	[tilespmem:s15+$0xFFFFFFC0] =	vst v0  }
0xc2: {  	v0 =	vld [tilespmem:s9+$0xF000]  }
0xc3: {  	v1 =	vld [tilespmem:s9+$0x13000];
	_ =	sdelay $0x4  }
0xc4: {  	v0 =	vadd.f32 v1, v0;
	_ =	sdelay $0x1  }
0xc5: {  	[tilespmem:s15+$0x0] =	vst v0  }
0xc6: {  	v0 =	vld [tilespmem:s9+$0x7010]  }
0xc7: {  	v1 =	vld [tilespmem:s9+$0xB010];
	_ =	sdelay $0x4  }
0xc8: {  	v0 =	vadd.f32 v1, v0;
	_ =	sdelay $0x1  }
0xc9: {  	[tilespmem:s15+$0xFFFFFFD0] =	vst v0  }
0xca: {  	v0 =	vld [tilespmem:s9+$0xF010]  }
0xcb: {  	v1 =	vld [tilespmem:s9+$0x13010];
	_ =	sdelay $0x4  }
0xcc: {  	v0 =	vadd.f32 v1, v0;
	_ =	sdelay $0x1  }
0xcd: {  	[tilespmem:s15+$0x10] =	vst v0  }
0xce: {  	v0 =	vld [tilespmem:s9+$0x7020]  }
0xcf: {  	v1 =	vld [tilespmem:s9+$0xB020];
	_ =	sdelay $0x4  }
0xd0: {  	v0 =	vadd.f32 v1, v0;
	_ =	sdelay $0x1  }
0xd1: {  	[tilespmem:s15+$0xFFFFFFE0] =	vst v0  }
0xd2: {  	v0 =	vld [tilespmem:s9+$0xF020]  }
0xd3: {  	v1 =	vld [tilespmem:s9+$0x13020];
	_ =	sdelay $0x4  }
0xd4: {  	v0 =	vadd.f32 v1, v0;
	_ =	sdelay $0x1  }
0xd5: {  	[tilespmem:s15+$0x20] =	vst v0  }
0xd6: {  	v0 =	vld [tilespmem:s9+$0x7030]  }
0xd7: {  	v1 =	vld [tilespmem:s9+$0xB030];
	_ =	sdelay $0x2  }
.Ltmp1:
0xd8: {  	(pc) =	sbr.rel @p0 .LBB2_5-.Ltmp1, $3  }
0xd9: {  	_ = 	snop  }
0xda: {  	v0 =	vadd.f32 v1, v0;
	_ =	sdelay $0x1  }
0xdb: {  	[tilespmem:s15+$0xFFFFFFF0] =	vst v0  }
0xdc: {  	v0 =	vld [tilespmem:s9+$0xF030]  }
0xdd: {  	v1 =	vld [tilespmem:s9+$0x13030];
	_ =	sdelay $0x3  }
0xde: {  	s8 =	sadd.s32 s6, s8  }
0xdf: {  	s14 =	sadd.s32 $0x1, s14;
	s8 =	sshll.u32 s8, $0xB;
	v0 =	vadd.f32 v1, v0  }
0xe0: {  	p0 =	sne.s32 s14, $0x14;
	s8 =	sand.u32 $0x1FFFF800, s8  }
.Ltmp2:
0xe1: {  	s8 =	sadd.s32 s5, s8;
	[tilespmem:s10+$0x30] =	vst v0;
	(pc) =	sbr.rel @p0 .LBB2_2-.Ltmp2, $4  }
0xe2: {  	[hbm4b:s8+s1] =	stream.linear.scatter [tilespmem:s30], [sflag:$0x9], $0x4000, $0x38;
	[tilespmem:$0x19000] =	vst v63  }
0xe3: {  	_ =	swait.ge [sflag:s12], $0x4000  }
0xe4: {  	[sflag:s12] =	ssyncset.done $0x0  }
0xe5: {  	[sflag:s12] =	ssyncadd.s32 $0xFFFFC000  }
0xe6: {  	_ =	swait.ge [sflag:s25], $0x2000  }
0xe7: {  	[sflag:s25] =	ssyncset.done $0x0  }
0xe8: {  	[sflag:s25] =	ssyncadd.s32 $0xFFFFE000  }
0xe9: {  	_ =	swait.ge [sflag:s26], $0x2000  }
0xea: {  	[sflag:s26] =	ssyncset.done $0x0  }
0xeb: {  	[sflag:s26] =	ssyncadd.s32 $0xFFFFE000  }
0xec: {  	_ =	swait.ge [sflag:s28], $0x2000  }
0xed: {  	[sflag:s28] =	ssyncset.done $0x0  }
0xee: {  	[sflag:s28] =	ssyncadd.s32 $0xFFFFE000  }
0xef: {  	_ =	swait.ge [sflag:s29], $0x2000  }
0xf0: {  	s9 =	rddreg [dreg:$0x7]  }
0xf1: {  	s8 =	rddreg [dreg:$0x6];
	s9 =	sadd.s32 $0x1, s9  }
0xf2: {  	p0 =	sne.s32 s9, s8  }
.Ltmp3:
0xf3: {  	_ = 	snop;
	(pc) =	sbr.rel @p0 .LBB2_1-.Ltmp3, $3  }
0xf4: {  	_ =	sdelay $0x1  }
0xf5: {  	[sflag:s29] =	ssyncset.done $0x0  }
0xf6: {  	[sflag:s29] =	ssyncadd.s32 $0xFFFFE000  }
0xf7: {  	_ =	sfence.sel $0x180000  }
0xf8: {  	[bflag:$0x0] =	sbarrier.arrive $0xFFFF  }
0xf9: {  	_ =	strace $0x90000053  }
0xfa: {  	s0 =	stileid.u32;
	[bflag:$0x2] =	sbarrier.arrive $0xFFFF  }
0xfb: {  	p0 =	sne.s32 s0, $0x0;
	s0 =	rddreg [dreg:$0x1]  }
0xfc: {  	s0 =	sadd.s32 @!p0 $0x100000, s0  }
0xfd: {  	[sflag:s0] =	ssyncadd.tile.s32 @!p0 $0x1;
	_ =	shalt  }
.Lfunc_end2:
_tile_overlayer_lowered:
.L_overlay_start_2:
0xfe: {  	(tag) =	ssettag $0x2  }
0xff: {  	s0 =	rddreg [dreg:$0x0];
	s2 =	stileid.u32  }
0x100: {  	s1 =	rddreg [dreg:$0x1];
	p0 =	sne.s32 s2, $0x0  }
0x101: {  	s3 =	rddreg [dreg:$0x2];
	[bflag:$0x3] =	sbarrier.arrive $0xFFFF;
	s2 =	simm.s32 @!p0 $0x1C09  }
0x102: {  	[timem:s3], [sflag:s2] =	dma.local @!p0 [hbm:s0], s1  }
0x103: {  	s0 =	simm.s32 @!p0 $0x9  }
0x104: {  	_ =	swait.ge @!p0 [sflag:s0], s1  }
0x105: {  	s1 =	ssub.s32 @!p0 $0x0, s1;
	[sflag:s0] =	ssyncset.done @!p0 $0x0  }
0x106: {  	[sflag:s0] =	ssyncadd.s32 @!p0 s1  }
0x107: {  	[bflag:$0x3] =	sbarrier.arrive $0xFFFF  }
0x108: {  	_ =	shalt  }

</sc_bundles>
